<compile_context>
chip_gen: v7x
topology: tpu7x:2x2x1
jax: 0.10.2.dev20260603
libtpu: 0.0.44.dev20260713+nightly
codegen_flags: <defaults>
</compile_context>

<pallas_src>
import functools

import jax
import jax.numpy as jnp
from jax import lax
from jax.experimental import pallas as pl
from jax.experimental.pallas import tpu as pltpu
from jax.experimental.pallas import tpu_sc as plsc

_N_THETA = 16
_N_BINS = 128
_LANES = 16


def kernel(descriptor, r_array_q, theta_array_q, sum_points):
    B, N, NB = descriptor.shape
    R = B * N
    NW = 32
    G = _LANES
    rows_per_w = R // NW
    groups_per_w = rows_per_w // G
    n_iters = groups_per_w // 2
    m_main = N - G

    r2 = r_array_q.reshape(R, N)
    t2 = theta_array_q.reshape(R, N)
    d2 = descriptor.reshape(R, NB)

    inv = 1.0 / sum_points.astype(jnp.float32)
    inv_w = jnp.repeat(inv, NW // B)
    inv_splat = jnp.broadcast_to(inv_w[:, None], (NW, _LANES))

    mesh = plsc.VectorSubcoreMesh(core_axis_name="c", subcore_axis_name="s")

    @functools.partial(
        pl.kernel,
        out_type=jax.ShapeDtypeStruct((R, NB), jnp.float32),
        mesh=mesh,
        scratch_types=[
            pltpu.VMEM((G * N,), jnp.int32),
            pltpu.VMEM((G * N,), jnp.int32),
            pltpu.VMEM((G * N,), jnp.int32),
            pltpu.VMEM((G * N,), jnp.int32),
            pltpu.VMEM((NB * G,), jnp.float32),
            pltpu.VMEM((G, NB), jnp.float32),
            pltpu.VMEM((G, NB), jnp.float32),
            pltpu.VMEM((_LANES,), jnp.float32),
            pltpu.SemaphoreType.DMA,
            pltpu.SemaphoreType.DMA,
            pltpu.SemaphoreType.DMA,
            pltpu.SemaphoreType.DMA,
            pltpu.SemaphoreType.DMA,
            pltpu.SemaphoreType.DMA,
        ],
        compiler_params=pltpu.CompilerParams(needs_layout_passes=False),
    )
    def run(d_hbm, r_hbm, t_hbm, inv_hbm, out_hbm,
            rb0, rb1, tb0, tb1, acct, ob0, ob1, invv,
            isem0, isem1, dsem0, dsem1, osem0, osem1):
        wid = lax.axis_index("s") * 2 + lax.axis_index("c")
        pltpu.sync_copy(inv_hbm.at[wid], invv)
        ival = invv[...]
        rb = (rb0, rb1)
        tb = (tb0, tb1)
        ob = (ob0, ob1)
        isem = (isem0, isem1)
        dsem = (dsem0, dsem1)
        osem = (osem0, osem1)
        w_row0 = wid * rows_per_w
        iota = lax.iota(jnp.int32, _LANES)
        base_diag = iota * (N + 1)
        zero16 = jnp.zeros((_LANES,), jnp.float32)

        def fire_in(g, buf):
            row = w_row0 + g * G
            for l in range(G):
                pltpu.async_copy(r_hbm.at[row + l],
                                 rb[buf].at[pl.ds(l * N, N)], isem[buf])
                pltpu.async_copy(t_hbm.at[row + l],
                                 tb[buf].at[pl.ds(l * N, N)], isem[buf])

        def fire_desc(g, buf):
            row = w_row0 + g * G
            pltpu.async_copy(d_hbm.at[pl.ds(row, G)], ob[buf], dsem[buf])

        def wait_in(g, buf):
            row = w_row0 + g * G
            for l in range(G):
                pltpu.make_async_copy(r_hbm.at[row + l],
                                      rb[buf].at[pl.ds(l * N, N)], isem[buf]).wait()
                pltpu.make_async_copy(t_hbm.at[row + l],
                                      tb[buf].at[pl.ds(l * N, N)], isem[buf]).wait()
            pltpu.make_async_copy(d_hbm.at[pl.ds(row, G)], ob[buf], dsem[buf]).wait()

        def fire_out(g, buf):
            row = w_row0 + g * G
            pltpu.async_copy(ob[buf], out_hbm.at[pl.ds(row, G)], osem[buf])

        def wait_out(buf):
            pltpu.make_async_copy(d_hbm.at[pl.ds(0, G)], ob[buf], osem[buf]).wait()

        def scat(rbr, tbr, aflat):
            rv = plsc.load_gather(rbr, [aflat])
            tv = plsc.load_gather(tbr, [aflat])
            sidx = (rv << 8) + (tv << 4) + iota
            plsc.addupdate_scatter(acct, [sidx], ival)

        def compute(buf):
            rbr, tbr, obr = rb[buf], tb[buf], ob[buf]

            @plsc.parallel_loop(0, m_main, 1, unroll=8)
            def col_body(m):
                scat(rbr, tbr, base_diag + m)

            @plsc.parallel_loop(m_main, N, 1)
            def tail_body(m):
                aflat = base_diag + m - jnp.where(iota + m >= N, N, 0)
                scat(rbr, tbr, aflat)

            @plsc.parallel_loop(0, NB, 1)
            def trans_body(s):
                t16 = s & (NB - G)
                d = s & (G - 1)
                bvec = ((iota + d) & (G - 1)) + t16
                v = plsc.load_gather(acct, [(bvec << 4) + iota])
                plsc.addupdate_scatter(obr, [iota, bvec], v)

            @plsc.parallel_loop(0, NB, 1)
            def zero_body(s):
                off = pl.multiple_of(s * G, G)
                acct[pl.ds(off, G)] = zero16

        @plsc.parallel_loop(0, NB, 1)
        def zero_init(s):
            off = pl.multiple_of(s * G, G)
            acct[pl.ds(off, G)] = zero16

        fire_in(0, 0)
        fire_desc(0, 0)

        def step(k, carry):
            g0 = 2 * k
            g1 = g0 + 1
            fire_in(g1, 1)
            wait_in(g0, 0)
            compute(0)

            @pl.when(k >= 1)
            def _():
                wait_out(1)
            fire_desc(g1, 1)
            fire_out(g0, 0)

            @pl.when(k < n_iters - 1)
            def _():
                fire_in(g0 + 2, 0)
            wait_in(g1, 1)
            compute(1)

            @pl.when(k < n_iters - 1)
            def _():
                wait_out(0)
                fire_desc(g0 + 2, 0)
            fire_out(g1, 1)
            return carry

        lax.fori_loop(0, n_iters, step, 0)
        wait_out(0)
        wait_out(1)

    return run(d2, r2, t2, inv_splat).reshape(B, N, NB)

# --- scband reference (transcript-rebuilt; emitter-appended) ---
"""Pipeline reference for scband-get-count-14620068675752 (READ-ONLY COPY).

The authoritative reference and input builder live on the scoring server;
editing this copy changes nothing except your own understanding.
"""

import jax, jax.numpy as jnp
import numpy as np

N_THETA = 16
N_BINS = 128


def setup_inputs(seed: int = 0) -> dict:
    key = jax.random.key(seed)
    k1, k2 = jax.random.split(key)
    B, N = 8, 1024
    descriptor = jnp.zeros((B, N, N_BINS), dtype=jnp.float32)
    r_array_q = jax.random.randint(k1, (B, N, N), 0, 8, dtype=jnp.int32)
    theta_array_q = jax.random.randint(k2, (B, N, N), 0, N_THETA, dtype=jnp.int32)
    sum_points = jnp.ones((B,), dtype=jnp.int32)
    return {
        "descriptor": descriptor,
        "r_array_q": r_array_q,
        "theta_array_q": theta_array_q,
        "sum_points": sum_points,
    }


def reference(descriptor, r_array_q, theta_array_q, sum_points):
    # Faithful reinterpretation of count_get_cuda.forward: a shape-context style
    # histogram. For every anchor point i in batch b, count how many other
    # points j fall into each quantized (r, theta) log-polar bin, accumulating
    # the counts into `descriptor` (the CUDA kernel writes in-place into
    # descriptor), normalized by sum_points.
    B, N, _ = r_array_q.shape
    bins = r_array_q * N_THETA + theta_array_q  # (B, N, N) in [0, N_BINS)
    b_idx = jnp.arange(B, dtype=jnp.int32)[:, None, None]
    i_idx = jnp.arange(N, dtype=jnp.int32)[None, :, None]
    counts = jnp.zeros((B, N, N_BINS), dtype=jnp.float32).at[b_idx, i_idx, bins].add(1.0)
    norm = sum_points.astype(jnp.float32)[:, None, None]
    out = descriptor + counts / norm
    return out

if __name__ == "__main__":
    import jax
    _d = setup_inputs()
    print(jax.jit(kernel)(*tuple(_d.values())))

</pallas_src>

<mosaic_0001>
#map = affine_map<(d0, d1) -> (0, 0)>
module attributes {stable_mosaic.version = 14 : i64} {
  func.func @run(%arg0: i32, %arg1: i32, %arg2: memref<8192x128xf32, #tpu.memory_space<hbm>>, %arg3: memref<8192x1024xi32, #tpu.memory_space<hbm>>, %arg4: memref<8192x1024xi32, #tpu.memory_space<hbm>>, %arg5: memref<32x16xf32, #tpu.memory_space<hbm>>, %arg6: memref<8192x128xf32, #tpu.memory_space<hbm>>, %arg7: memref<16384xi32, #tpu.memory_space<vmem>>, %arg8: memref<16384xi32, #tpu.memory_space<vmem>>, %arg9: memref<16384xi32, #tpu.memory_space<vmem>>, %arg10: memref<16384xi32, #tpu.memory_space<vmem>>, %arg11: memref<2048xf32, #tpu.memory_space<vmem>>, %arg12: memref<16x128xf32, #tpu.memory_space<vmem>>, %arg13: memref<16x128xf32, #tpu.memory_space<vmem>>, %arg14: memref<16xf32, #tpu.memory_space<vmem>>, %arg15: memref<!tpu.dma_semaphore, #tpu.memory_space<semaphore_mem>>, %arg16: memref<!tpu.dma_semaphore, #tpu.memory_space<semaphore_mem>>, %arg17: memref<!tpu.dma_semaphore, #tpu.memory_space<semaphore_mem>>, %arg18: memref<!tpu.dma_semaphore, #tpu.memory_space<semaphore_mem>>, %arg19: memref<!tpu.dma_semaphore, #tpu.memory_space<semaphore_mem>>, %arg20: memref<!tpu.dma_semaphore, #tpu.memory_space<semaphore_mem>>) attributes {dimension_semantics = [#tpu.dimension_semantics<core_parallel>, #tpu.dimension_semantics<subcore_parallel>], iteration_bounds = array<i64: 2, 16>, scalar_prefetch = 0 : i64, scratch_operands = 14 : i64, tpu.core_type = #tpu.core_type<sc_vector_subcore>, window_params = [{transform_indices = #map}, {transform_indices = #map}, {transform_indices = #map}, {transform_indices = #map}, {transform_indices = #map}]} {
    %mul3A = arith.constant 2 : i32
    %mul3A_0 = arith.muli %arg1, %mul3A : i32
    %add3A = arith.addi %mul3A_0, %arg0 : i32
    "tpu.region"() ({
      %run_scoped3A = tpu.sem_alloc : memref<!tpu.dma_semaphore, #tpu.memory_space<semaphore_mem>>
      %dma_start3A_417 = arith.constant 0 : i32
      %dma_start3A_418 = tpu.memref_slice %arg5[%add3A, %dma_start3A_417] : memref<32x16xf32, #tpu.memory_space<hbm>> -> memref<1x16xf32, #tpu.memory_space<hbm>>
      %dma_start3A_419 = tpu.memref_squeeze %dma_start3A_418 : memref<1x16xf32, #tpu.memory_space<hbm>> -> memref<16xf32, #tpu.memory_space<hbm>>
      %dma_start3A_420 = arith.constant 0 : i32
      %dma_start3A_421 = tpu.memref_slice %arg5[%add3A, %dma_start3A_420] : memref<32x16xf32, #tpu.memory_space<hbm>> -> memref<1x16xf32, #tpu.memory_space<hbm>>
      %dma_start3A_422 = tpu.memref_squeeze %dma_start3A_421 : memref<1x16xf32, #tpu.memory_space<hbm>> -> memref<16xf32, #tpu.memory_space<hbm>>
      tpu.enqueue_dma source(%dma_start3A_422 : memref<16xf32, #tpu.memory_space<hbm>>) target(%arg14 : memref<16xf32, #tpu.memory_space<vmem>>) target_semaphore(%run_scoped3A : memref<!tpu.dma_semaphore, #tpu.memory_space<semaphore_mem>>)
      %dma_wait3A_423 = arith.constant 0 : i32
      %dma_wait3A_424 = tpu.memref_slice %arg5[%add3A, %dma_wait3A_423] : memref<32x16xf32, #tpu.memory_space<hbm>> -> memref<1x16xf32, #tpu.memory_space<hbm>>
      %dma_wait3A_425 = tpu.memref_squeeze %dma_wait3A_424 : memref<1x16xf32, #tpu.memory_space<hbm>> -> memref<16xf32, #tpu.memory_space<hbm>>
      %dma_wait3A_426 = arith.constant 0 : i32
      %dma_wait3A_427 = tpu.memref_slice %arg5[%add3A, %dma_wait3A_426] : memref<32x16xf32, #tpu.memory_space<hbm>> -> memref<1x16xf32, #tpu.memory_space<hbm>>
      %dma_wait3A_428 = tpu.memref_squeeze %dma_wait3A_427 : memref<1x16xf32, #tpu.memory_space<hbm>> -> memref<16xf32, #tpu.memory_space<hbm>>
      tpu.wait_dma2 semaphore(%run_scoped3A : memref<!tpu.dma_semaphore, #tpu.memory_space<semaphore_mem>>) src(%dma_wait3A_428 : memref<16xf32, #tpu.memory_space<hbm>>) dst(%arg14 : memref<16xf32, #tpu.memory_space<vmem>>)
      tpu.yield
    }) : () -> ()
    %get3A = arith.constant 0 : index
    %get3A_1 = tpu.vector_load %arg14[%get3A] {strides = array<i32>} : memref<16xf32, #tpu.memory_space<vmem>>, vector<16xf32>,
    %mul3A_2 = arith.constant 256 : i32
    %mul3A_3 = arith.muli %add3A, %mul3A_2 : i32
    %iota3A = tpu.iota {dimensions = array<i32: 0>} : vector<16xi32>
    %mul3A_4 = arith.constant 1025 : i32
    %mul3A_5 = vector.broadcast %mul3A_4 : i32 to vector<16xi32>
    %mul3A_6 = arith.muli %iota3A, %mul3A_5 : vector<16xi32>
    %broadcast_in_dim3A = arith.constant 0.000000e+00 : f32
    %broadcast_in_dim3A_7 = vector.broadcast %broadcast_in_dim3A : f32 to vector<16xf32>
    %parallel_loop3A = arith.constant 0 : i32
    %parallel_loop3A_8 = arith.constant 128 : i32
    %parallel_loop3A_9 = arith.constant 1 : i32
    scf.for %parallel_loop3A_417 = %parallel_loop3A to %parallel_loop3A_8 step %parallel_loop3A_9  : i32 {
      %parallel_loop3A_418 = arith.constant 16 : i32
      %parallel_loop3A_419 = arith.muli %parallel_loop3A_417, %parallel_loop3A_418 : i32
      %parallel_loop3A_420 = tpu.assume_multiple %parallel_loop3A_419, 16 : i32
      %parallel_loop3A_421 = arith.index_cast %parallel_loop3A_420 : i32 to index
      %parallel_loop3A_422 = tpu.vector_load %arg11[%parallel_loop3A_421] {strides = array<i32>} : memref<2048xf32, #tpu.memory_space<vmem>>, vector<16xf32>,
      tpu.vector_store %arg11[%parallel_loop3A_421], %broadcast_in_dim3A_7 {strides = array<i32>} : memref<2048xf32, #tpu.memory_space<vmem>>, vector<16xf32>,
    } {sc.loop_unroll_factor = 1 : i64, sc.parallel_access}
    %add3A_10 = arith.constant 0 : i32
    %add3A_11 = arith.addi %mul3A_3, %add3A_10 : i32
    %add3A_12 = arith.constant 0 : i32
    %add3A_13 = arith.addi %add3A_11, %add3A_12 : i32
    %dma_start3A = arith.constant 0 : i32
    %dma_start3A_14 = tpu.memref_slice %arg7[%dma_start3A] : memref<16384xi32, #tpu.memory_space<vmem>> -> memref<1024xi32, #tpu.memory_space<vmem>>
    %dma_start3A_15 = arith.constant 0 : i32
    %dma_start3A_16 = tpu.memref_slice %arg3[%add3A_13, %dma_start3A_15] : memref<8192x1024xi32, #tpu.memory_space<hbm>> -> memref<1x1024xi32, #tpu.memory_space<hbm>>
    %dma_start3A_17 = tpu.memref_squeeze %dma_start3A_16 : memref<1x1024xi32, #tpu.memory_space<hbm>> -> memref<1024xi32, #tpu.memory_space<hbm>>
    %dma_start3A_18 = arith.constant 0 : i32
    %dma_start3A_19 = tpu.memref_slice %arg7[%dma_start3A_18] : memref<16384xi32, #tpu.memory_space<vmem>> -> memref<1024xi32, #tpu.memory_space<vmem>>
    %dma_start3A_20 = arith.constant 0 : i32
    %dma_start3A_21 = tpu.memref_slice %arg3[%add3A_13, %dma_start3A_20] : memref<8192x1024xi32, #tpu.memory_space<hbm>> -> memref<1x1024xi32, #tpu.memory_space<hbm>>
    %dma_start3A_22 = tpu.memref_squeeze %dma_start3A_21 : memref<1x1024xi32, #tpu.memory_space<hbm>> -> memref<1024xi32, #tpu.memory_space<hbm>>
    tpu.enqueue_dma source(%dma_start3A_22 : memref<1024xi32, #tpu.memory_space<hbm>>) target(%dma_start3A_19 : memref<1024xi32, #tpu.memory_space<vmem>>) target_semaphore(%arg15 : memref<!tpu.dma_semaphore, #tpu.memory_space<semaphore_mem>>)
    %add3A_23 = arith.constant 0 : i32
    %add3A_24 = arith.addi %add3A_11, %add3A_23 : i32
    %dma_start3A_25 = arith.constant 0 : i32
    %dma_start3A_26 = tpu.memref_slice %arg9[%dma_start3A_25] : memref<16384xi32, #tpu.memory_space<vmem>> -> memref<1024xi32, #tpu.memory_space<vmem>>
    %dma_start3A_27 = arith.constant 0 : i32
    %dma_start3A_28 = tpu.memref_slice %arg4[%add3A_24, %dma_start3A_27] : memref<8192x1024xi32, #tpu.memory_space<hbm>> -> memref<1x1024xi32, #tpu.memory_space<hbm>>
    %dma_start3A_29 = tpu.memref_squeeze %dma_start3A_28 : memref<1x1024xi32, #tpu.memory_space<hbm>> -> memref<1024xi32, #tpu.memory_space<hbm>>
    %dma_start3A_30 = arith.constant 0 : i32
    %dma_start3A_31 = tpu.memref_slice %arg9[%dma_start3A_30] : memref<16384xi32, #tpu.memory_space<vmem>> -> memref<1024xi32, #tpu.memory_space<vmem>>
    %dma_start3A_32 = arith.constant 0 : i32
    %dma_start3A_33 = tpu.memref_slice %arg4[%add3A_24, %dma_start3A_32] : memref<8192x1024xi32, #tpu.memory_space<hbm>> -> memref<1x1024xi32, #tpu.memory_space<hbm>>
    %dma_start3A_34 = tpu.memref_squeeze %dma_start3A_33 : memref<1x1024xi32, #tpu.memory_space<hbm>> -> memref<1024xi32, #tpu.memory_space<hbm>>
    tpu.enqueue_dma source(%dma_start3A_34 : memref<1024xi32, #tpu.memory_space<hbm>>) target(%dma_start3A_31 : memref<1024xi32, #tpu.memory_space<vmem>>) target_semaphore(%arg15 : memref<!tpu.dma_semaphore, #tpu.memory_space<semaphore_mem>>)
    %add3A_35 = arith.constant 1 : i32
    %add3A_36 = arith.addi %add3A_11, %add3A_35 : i32
    %dma_start3A_37 = arith.constant 1024 : i32
    %dma_start3A_38 = tpu.memref_slice %arg7[%dma_start3A_37] : memref<16384xi32, #tpu.memory_space<vmem>> -> memref<1024xi32, #tpu.memory_space<vmem>>
    %dma_start3A_39 = arith.constant 0 : i32
    %dma_start3A_40 = tpu.memref_slice %arg3[%add3A_36, %dma_start3A_39] : memref<8192x1024xi32, #tpu.memory_space<hbm>> -> memref<1x1024xi32, #tpu.memory_space<hbm>>
    %dma_start3A_41 = tpu.memref_squeeze %dma_start3A_40 : memref<1x1024xi32, #tpu.memory_space<hbm>> -> memref<1024xi32, #tpu.memory_space<hbm>>
    %dma_start3A_42 = arith.constant 1024 : i32
    %dma_start3A_43 = tpu.memref_slice %arg7[%dma_start3A_42] : memref<16384xi32, #tpu.memory_space<vmem>> -> memref<1024xi32, #tpu.memory_space<vmem>>
    %dma_start3A_44 = arith.constant 0 : i32
    %dma_start3A_45 = tpu.memref_slice %arg3[%add3A_36, %dma_start3A_44] : memref<8192x1024xi32, #tpu.memory_space<hbm>> -> memref<1x1024xi32, #tpu.memory_space<hbm>>
    %dma_start3A_46 = tpu.memref_squeeze %dma_start3A_45 : memref<1x1024xi32, #tpu.memory_space<hbm>> -> memref<1024xi32, #tpu.memory_space<hbm>>
    tpu.enqueue_dma source(%dma_start3A_46 : memref<1024xi32, #tpu.memory_space<hbm>>) target(%dma_start3A_43 : memref<1024xi32, #tpu.memory_space<vmem>>) target_semaphore(%arg15 : memref<!tpu.dma_semaphore, #tpu.memory_space<semaphore_mem>>)
    %add3A_47 = arith.constant 1 : i32
    %add3A_48 = arith.addi %add3A_11, %add3A_47 : i32
    %dma_start3A_49 = arith.constant 1024 : i32
    %dma_start3A_50 = tpu.memref_slice %arg9[%dma_start3A_49] : memref<16384xi32, #tpu.memory_space<vmem>> -> memref<1024xi32, #tpu.memory_space<vmem>>
    %dma_start3A_51 = arith.constant 0 : i32
    %dma_start3A_52 = tpu.memref_slice %arg4[%add3A_48, %dma_start3A_51] : memref<8192x1024xi32, #tpu.memory_space<hbm>> -> memref<1x1024xi32, #tpu.memory_space<hbm>>
    %dma_start3A_53 = tpu.memref_squeeze %dma_start3A_52 : memref<1x1024xi32, #tpu.memory_space<hbm>> -> memref<1024xi32, #tpu.memory_space<hbm>>
    %dma_start3A_54 = arith.constant 1024 : i32
    %dma_start3A_55 = tpu.memref_slice %arg9[%dma_start3A_54] : memref<16384xi32, #tpu.memory_space<vmem>> -> memref<1024xi32, #tpu.memory_space<vmem>>
    %dma_start3A_56 = arith.constant 0 : i32
    %dma_start3A_57 = tpu.memref_slice %arg4[%add3A_48, %dma_start3A_56] : memref<8192x1024xi32, #tpu.memory_space<hbm>> -> memref<1x1024xi32, #tpu.memory_space<hbm>>
    %dma_start3A_58 = tpu.memref_squeeze %dma_start3A_57 : memref<1x1024xi32, #tpu.memory_space<hbm>> -> memref<1024xi32, #tpu.memory_space<hbm>>
    tpu.enqueue_dma source(%dma_start3A_58 : memref<1024xi32, #tpu.memory_space<hbm>>) target(%dma_start3A_55 : memref<1024xi32, #tpu.memory_space<vmem>>) target_semaphore(%arg15 : memref<!tpu.dma_semaphore, #tpu.memory_space<semaphore_mem>>)
    %add3A_59 = arith.constant 2 : i32
    %add3A_60 = arith.addi %add3A_11, %add3A_59 : i32
    %dma_start3A_61 = arith.constant 2048 : i32
    %dma_start3A_62 = tpu.memref_slice %arg7[%dma_start3A_61] : memref<16384xi32, #tpu.memory_space<vmem>> -> memref<1024xi32, #tpu.memory_space<vmem>>
    %dma_start3A_63 = arith.constant 0 : i32
    %dma_start3A_64 = tpu.memref_slice %arg3[%add3A_60, %dma_start3A_63] : memref<8192x1024xi32, #tpu.memory_space<hbm>> -> memref<1x1024xi32, #tpu.memory_space<hbm>>
    %dma_start3A_65 = tpu.memref_squeeze %dma_start3A_64 : memref<1x1024xi32, #tpu.memory_space<hbm>> -> memref<1024xi32, #tpu.memory_space<hbm>>
    %dma_start3A_66 = arith.constant 2048 : i32
    %dma_start3A_67 = tpu.memref_slice %arg7[%dma_start3A_66] : memref<16384xi32, #tpu.memory_space<vmem>> -> memref<1024xi32, #tpu.memory_space<vmem>>
    %dma_start3A_68 = arith.constant 0 : i32
    %dma_start3A_69 = tpu.memref_slice %arg3[%add3A_60, %dma_start3A_68] : memref<8192x1024xi32, #tpu.memory_space<hbm>> -> memref<1x1024xi32, #tpu.memory_space<hbm>>
    %dma_start3A_70 = tpu.memref_squeeze %dma_start3A_69 : memref<1x1024xi32, #tpu.memory_space<hbm>> -> memref<1024xi32, #tpu.memory_space<hbm>>
    tpu.enqueue_dma source(%dma_start3A_70 : memref<1024xi32, #tpu.memory_space<hbm>>) target(%dma_start3A_67 : memref<1024xi32, #tpu.memory_space<vmem>>) target_semaphore(%arg15 : memref<!tpu.dma_semaphore, #tpu.memory_space<semaphore_mem>>)
    %add3A_71 = arith.constant 2 : i32
    %add3A_72 = arith.addi %add3A_11, %add3A_71 : i32
    %dma_start3A_73 = arith.constant 2048 : i32
    %dma_start3A_74 = tpu.memref_slice %arg9[%dma_start3A_73] : memref<16384xi32, #tpu.memory_space<vmem>> -> memref<1024xi32, #tpu.memory_space<vmem>>
    %dma_start3A_75 = arith.constant 0 : i32
    %dma_start3A_76 = tpu.memref_slice %arg4[%add3A_72, %dma_start3A_75] : memref<8192x1024xi32, #tpu.memory_space<hbm>> -> memref<1x1024xi32, #tpu.memory_space<hbm>>
    %dma_start3A_77 = tpu.memref_squeeze %dma_start3A_76 : memref<1x1024xi32, #tpu.memory_space<hbm>> -> memref<1024xi32, #tpu.memory_space<hbm>>
    %dma_start3A_78 = arith.constant 2048 : i32
    %dma_start3A_79 = tpu.memref_slice %arg9[%dma_start3A_78] : memref<16384xi32, #tpu.memory_space<vmem>> -> memref<1024xi32, #tpu.memory_space<vmem>>
    %dma_start3A_80 = arith.constant 0 : i32
    %dma_start3A_81 = tpu.memref_slice %arg4[%add3A_72, %dma_start3A_80] : memref<8192x1024xi32, #tpu.memory_space<hbm>> -> memref<1x1024xi32, #tpu.memory_space<hbm>>
    %dma_start3A_82 = tpu.memref_squeeze %dma_start3A_81 : memref<1x1024xi32, #tpu.memory_space<hbm>> -> memref<1024xi32, #tpu.memory_space<hbm>>
    tpu.enqueue_dma source(%dma_start3A_82 : memref<1024xi32, #tpu.memory_space<hbm>>) target(%dma_start3A_79 : memref<1024xi32, #tpu.memory_space<vmem>>) target_semaphore(%arg15 : memref<!tpu.dma_semaphore, #tpu.memory_space<semaphore_mem>>)
    %add3A_83 = arith.constant 3 : i32
    %add3A_84 = arith.addi %add3A_11, %add3A_83 : i32
    %dma_start3A_85 = arith.constant 3072 : i32
    %dma_start3A_86 = tpu.memref_slice %arg7[%dma_start3A_85] : memref<16384xi32, #tpu.memory_space<vmem>> -> memref<1024xi32, #tpu.memory_space<vmem>>
    %dma_start3A_87 = arith.constant 0 : i32
    %dma_start3A_88 = tpu.memref_slice %arg3[%add3A_84, %dma_start3A_87] : memref<8192x1024xi32, #tpu.memory_space<hbm>> -> memref<1x1024xi32, #tpu.memory_space<hbm>>
    %dma_start3A_89 = tpu.memref_squeeze %dma_start3A_88 : memref<1x1024xi32, #tpu.memory_space<hbm>> -> memref<1024xi32, #tpu.memory_space<hbm>>
    %dma_start3A_90 = arith.constant 3072 : i32
    %dma_start3A_91 = tpu.memref_slice %arg7[%dma_start3A_90] : memref<16384xi32, #tpu.memory_space<vmem>> -> memref<1024xi32, #tpu.memory_space<vmem>>
    %dma_start3A_92 = arith.constant 0 : i32
    %dma_start3A_93 = tpu.memref_slice %arg3[%add3A_84, %dma_start3A_92] : memref<8192x1024xi32, #tpu.memory_space<hbm>> -> memref<1x1024xi32, #tpu.memory_space<hbm>>
    %dma_start3A_94 = tpu.memref_squeeze %dma_start3A_93 : memref<1x1024xi32, #tpu.memory_space<hbm>> -> memref<1024xi32, #tpu.memory_space<hbm>>
    tpu.enqueue_dma source(%dma_start3A_94 : memref<1024xi32, #tpu.memory_space<hbm>>) target(%dma_start3A_91 : memref<1024xi32, #tpu.memory_space<vmem>>) target_semaphore(%arg15 : memref<!tpu.dma_semaphore, #tpu.memory_space<semaphore_mem>>)
    %add3A_95 = arith.constant 3 : i32
    %add3A_96 = arith.addi %add3A_11, %add3A_95 : i32
    %dma_start3A_97 = arith.constant 3072 : i32
    %dma_start3A_98 = tpu.memref_slice %arg9[%dma_start3A_97] : memref<16384xi32, #tpu.memory_space<vmem>> -> memref<1024xi32, #tpu.memory_space<vmem>>
    %dma_start3A_99 = arith.constant 0 : i32
    %dma_start3A_100 = tpu.memref_slice %arg4[%add3A_96, %dma_start3A_99] : memref<8192x1024xi32, #tpu.memory_space<hbm>> -> memref<1x1024xi32, #tpu.memory_space<hbm>>
    %dma_start3A_101 = tpu.memref_squeeze %dma_start3A_100 : memref<1x1024xi32, #tpu.memory_space<hbm>> -> memref<1024xi32, #tpu.memory_space<hbm>>
    %dma_start3A_102 = arith.constant 3072 : i32
    %dma_start3A_103 = tpu.memref_slice %arg9[%dma_start3A_102] : memref<16384xi32, #tpu.memory_space<vmem>> -> memref<1024xi32, #tpu.memory_space<vmem>>
    %dma_start3A_104 = arith.constant 0 : i32
    %dma_start3A_105 = tpu.memref_slice %arg4[%add3A_96, %dma_start3A_104] : memref<8192x1024xi32, #tpu.memory_space<hbm>> -> memref<1x1024xi32, #tpu.memory_space<hbm>>
    %dma_start3A_106 = tpu.memref_squeeze %dma_start3A_105 : memref<1x1024xi32, #tpu.memory_space<hbm>> -> memref<1024xi32, #tpu.memory_space<hbm>>
    tpu.enqueue_dma source(%dma_start3A_106 : memref<1024xi32, #tpu.memory_space<hbm>>) target(%dma_start3A_103 : memref<1024xi32, #tpu.memory_space<vmem>>) target_semaphore(%arg15 : memref<!tpu.dma_semaphore, #tpu.memory_space<semaphore_mem>>)
    %add3A_107 = arith.constant 4 : i32
    %add3A_108 = arith.addi %add3A_11, %add3A_107 : i32
    %dma_start3A_109 = arith.constant 4096 : i32
    %dma_start3A_110 = tpu.memref_slice %arg7[%dma_start3A_109] : memref<16384xi32, #tpu.memory_space<vmem>> -> memref<1024xi32, #tpu.memory_space<vmem>>
    %dma_start3A_111 = arith.constant 0 : i32
    %dma_start3A_112 = tpu.memref_slice %arg3[%add3A_108, %dma_start3A_111] : memref<8192x1024xi32, #tpu.memory_space<hbm>> -> memref<1x1024xi32, #tpu.memory_space<hbm>>
    %dma_start3A_113 = tpu.memref_squeeze %dma_start3A_112 : memref<1x1024xi32, #tpu.memory_space<hbm>> -> memref<1024xi32, #tpu.memory_space<hbm>>
    %dma_start3A_114 = arith.constant 4096 : i32
    %dma_start3A_115 = tpu.memref_slice %arg7[%dma_start3A_114] : memref<16384xi32, #tpu.memory_space<vmem>> -> memref<1024xi32, #tpu.memory_space<vmem>>
    %dma_start3A_116 = arith.constant 0 : i32
    %dma_start3A_117 = tpu.memref_slice %arg3[%add3A_108, %dma_start3A_116] : memref<8192x1024xi32, #tpu.memory_space<hbm>> -> memref<1x1024xi32, #tpu.memory_space<hbm>>
    %dma_start3A_118 = tpu.memref_squeeze %dma_start3A_117 : memref<1x1024xi32, #tpu.memory_space<hbm>> -> memref<1024xi32, #tpu.memory_space<hbm>>
    tpu.enqueue_dma source(%dma_start3A_118 : memref<1024xi32, #tpu.memory_space<hbm>>) target(%dma_start3A_115 : memref<1024xi32, #tpu.memory_space<vmem>>) target_semaphore(%arg15 : memref<!tpu.dma_semaphore, #tpu.memory_space<semaphore_mem>>)
    %add3A_119 = arith.constant 4 : i32
    %add3A_120 = arith.addi %add3A_11, %add3A_119 : i32
    %dma_start3A_121 = arith.constant 4096 : i32
    %dma_start3A_122 = tpu.memref_slice %arg9[%dma_start3A_121] : memref<16384xi32, #tpu.memory_space<vmem>> -> memref<1024xi32, #tpu.memory_space<vmem>>
    %dma_start3A_123 = arith.constant 0 : i32
    %dma_start3A_124 = tpu.memref_slice %arg4[%add3A_120, %dma_start3A_123] : memref<8192x1024xi32, #tpu.memory_space<hbm>> -> memref<1x1024xi32, #tpu.memory_space<hbm>>
    %dma_start3A_125 = tpu.memref_squeeze %dma_start3A_124 : memref<1x1024xi32, #tpu.memory_space<hbm>> -> memref<1024xi32, #tpu.memory_space<hbm>>
    %dma_start3A_126 = arith.constant 4096 : i32
    %dma_start3A_127 = tpu.memref_slice %arg9[%dma_start3A_126] : memref<16384xi32, #tpu.memory_space<vmem>> -> memref<1024xi32, #tpu.memory_space<vmem>>
    %dma_start3A_128 = arith.constant 0 : i32
    %dma_start3A_129 = tpu.memref_slice %arg4[%add3A_120, %dma_start3A_128] : memref<8192x1024xi32, #tpu.memory_space<hbm>> -> memref<1x1024xi32, #tpu.memory_space<hbm>>
    %dma_start3A_130 = tpu.memref_squeeze %dma_start3A_129 : memref<1x1024xi32, #tpu.memory_space<hbm>> -> memref<1024xi32, #tpu.memory_space<hbm>>
    tpu.enqueue_dma source(%dma_start3A_130 : memref<1024xi32, #tpu.memory_space<hbm>>) target(%dma_start3A_127 : memref<1024xi32, #tpu.memory_space<vmem>>) target_semaphore(%arg15 : memref<!tpu.dma_semaphore, #tpu.memory_space<semaphore_mem>>)
    %add3A_131 = arith.constant 5 : i32
    %add3A_132 = arith.addi %add3A_11, %add3A_131 : i32
    %dma_start3A_133 = arith.constant 5120 : i32
    %dma_start3A_134 = tpu.memref_slice %arg7[%dma_start3A_133] : memref<16384xi32, #tpu.memory_space<vmem>> -> memref<1024xi32, #tpu.memory_space<vmem>>
    %dma_start3A_135 = arith.constant 0 : i32
    %dma_start3A_136 = tpu.memref_slice %arg3[%add3A_132, %dma_start3A_135] : memref<8192x1024xi32, #tpu.memory_space<hbm>> -> memref<1x1024xi32, #tpu.memory_space<hbm>>
    %dma_start3A_137 = tpu.memref_squeeze %dma_start3A_136 : memref<1x1024xi32, #tpu.memory_space<hbm>> -> memref<1024xi32, #tpu.memory_space<hbm>>
    %dma_start3A_138 = arith.constant 5120 : i32
    %dma_start3A_139 = tpu.memref_slice %arg7[%dma_start3A_138] : memref<16384xi32, #tpu.memory_space<vmem>> -> memref<1024xi32, #tpu.memory_space<vmem>>
    %dma_start3A_140 = arith.constant 0 : i32
    %dma_start3A_141 = tpu.memref_slice %arg3[%add3A_132, %dma_start3A_140] : memref<8192x1024xi32, #tpu.memory_space<hbm>> -> memref<1x1024xi32, #tpu.memory_space<hbm>>
    %dma_start3A_142 = tpu.memref_squeeze %dma_start3A_141 : memref<1x1024xi32, #tpu.memory_space<hbm>> -> memref<1024xi32, #tpu.memory_space<hbm>>
    tpu.enqueue_dma source(%dma_start3A_142 : memref<1024xi32, #tpu.memory_space<hbm>>) target(%dma_start3A_139 : memref<1024xi32, #tpu.memory_space<vmem>>) target_semaphore(%arg15 : memref<!tpu.dma_semaphore, #tpu.memory_space<semaphore_mem>>)
    %add3A_143 = arith.constant 5 : i32
    %add3A_144 = arith.addi %add3A_11, %add3A_143 : i32
    %dma_start3A_145 = arith.constant 5120 : i32
    %dma_start3A_146 = tpu.memref_slice %arg9[%dma_start3A_145] : memref<16384xi32, #tpu.memory_space<vmem>> -> memref<1024xi32, #tpu.memory_space<vmem>>
    %dma_start3A_147 = arith.constant 0 : i32
    %dma_start3A_148 = tpu.memref_slice %arg4[%add3A_144, %dma_start3A_147] : memref<8192x1024xi32, #tpu.memory_space<hbm>> -> memref<1x1024xi32, #tpu.memory_space<hbm>>
    %dma_start3A_149 = tpu.memref_squeeze %dma_start3A_148 : memref<1x1024xi32, #tpu.memory_space<hbm>> -> memref<1024xi32, #tpu.memory_space<hbm>>
    %dma_start3A_150 = arith.constant 5120 : i32
    %dma_start3A_151 = tpu.memref_slice %arg9[%dma_start3A_150] : memref<16384xi32, #tpu.memory_space<vmem>> -> memref<1024xi32, #tpu.memory_space<vmem>>
    %dma_start3A_152 = arith.constant 0 : i32
    %dma_start3A_153 = tpu.memref_slice %arg4[%add3A_144, %dma_start3A_152] : memref<8192x1024xi32, #tpu.memory_space<hbm>> -> memref<1x1024xi32, #tpu.memory_space<hbm>>
    %dma_start3A_154 = tpu.memref_squeeze %dma_start3A_153 : memref<1x1024xi32, #tpu.memory_space<hbm>> -> memref<1024xi32, #tpu.memory_space<hbm>>
    tpu.enqueue_dma source(%dma_start3A_154 : memref<1024xi32, #tpu.memory_space<hbm>>) target(%dma_start3A_151 : memref<1024xi32, #tpu.memory_space<vmem>>) target_semaphore(%arg15 : memref<!tpu.dma_semaphore, #tpu.memory_space<semaphore_mem>>)
    %add3A_155 = arith.constant 6 : i32
    %add3A_156 = arith.addi %add3A_11, %add3A_155 : i32
    %dma_start3A_157 = arith.constant 6144 : i32
    %dma_start3A_158 = tpu.memref_slice %arg7[%dma_start3A_157] : memref<16384xi32, #tpu.memory_space<vmem>> -> memref<1024xi32, #tpu.memory_space<vmem>>
    %dma_start3A_159 = arith.constant 0 : i32
    %dma_start3A_160 = tpu.memref_slice %arg3[%add3A_156, %dma_start3A_159] : memref<8192x1024xi32, #tpu.memory_space<hbm>> -> memref<1x1024xi32, #tpu.memory_space<hbm>>
    %dma_start3A_161 = tpu.memref_squeeze %dma_start3A_160 : memref<1x1024xi32, #tpu.memory_space<hbm>> -> memref<1024xi32, #tpu.memory_space<hbm>>
    %dma_start3A_162 = arith.constant 6144 : i32
    %dma_start3A_163 = tpu.memref_slice %arg7[%dma_start3A_162] : memref<16384xi32, #tpu.memory_space<vmem>> -> memref<1024xi32, #tpu.memory_space<vmem>>
    %dma_start3A_164 = arith.constant 0 : i32
    %dma_start3A_165 = tpu.memref_slice %arg3[%add3A_156, %dma_start3A_164] : memref<8192x1024xi32, #tpu.memory_space<hbm>> -> memref<1x1024xi32, #tpu.memory_space<hbm>>
    %dma_start3A_166 = tpu.memref_squeeze %dma_start3A_165 : memref<1x1024xi32, #tpu.memory_space<hbm>> -> memref<1024xi32, #tpu.memory_space<hbm>>
    tpu.enqueue_dma source(%dma_start3A_166 : memref<1024xi32, #tpu.memory_space<hbm>>) target(%dma_start3A_163 : memref<1024xi32, #tpu.memory_space<vmem>>) target_semaphore(%arg15 : memref<!tpu.dma_semaphore, #tpu.memory_space<semaphore_mem>>)
    %add3A_167 = arith.constant 6 : i32
    %add3A_168 = arith.addi %add3A_11, %add3A_167 : i32
    %dma_start3A_169 = arith.constant 6144 : i32
    %dma_start3A_170 = tpu.memref_slice %arg9[%dma_start3A_169] : memref<16384xi32, #tpu.memory_space<vmem>> -> memref<1024xi32, #tpu.memory_space<vmem>>
    %dma_start3A_171 = arith.constant 0 : i32
    %dma_start3A_172 = tpu.memref_slice %arg4[%add3A_168, %dma_start3A_171] : memref<8192x1024xi32, #tpu.memory_space<hbm>> -> memref<1x1024xi32, #tpu.memory_space<hbm>>
    %dma_start3A_173 = tpu.memref_squeeze %dma_start3A_172 : memref<1x1024xi32, #tpu.memory_space<hbm>> -> memref<1024xi32, #tpu.memory_space<hbm>>
    %dma_start3A_174 = arith.constant 6144 : i32
    %dma_start3A_175 = tpu.memref_slice %arg9[%dma_start3A_174] : memref<16384xi32, #tpu.memory_space<vmem>> -> memref<1024xi32, #tpu.memory_space<vmem>>
    %dma_start3A_176 = arith.constant 0 : i32
    %dma_start3A_177 = tpu.memref_slice %arg4[%add3A_168, %dma_start3A_176] : memref<8192x1024xi32, #tpu.memory_space<hbm>> -> memref<1x1024xi32, #tpu.memory_space<hbm>>
    %dma_start3A_178 = tpu.memref_squeeze %dma_start3A_177 : memref<1x1024xi32, #tpu.memory_space<hbm>> -> memref<1024xi32, #tpu.memory_space<hbm>>
    tpu.enqueue_dma source(%dma_start3A_178 : memref<1024xi32, #tpu.memory_space<hbm>>) target(%dma_start3A_175 : memref<1024xi32, #tpu.memory_space<vmem>>) target_semaphore(%arg15 : memref<!tpu.dma_semaphore, #tpu.memory_space<semaphore_mem>>)
    %add3A_179 = arith.constant 7 : i32
    %add3A_180 = arith.addi %add3A_11, %add3A_179 : i32
    %dma_start3A_181 = arith.constant 7168 : i32
    %dma_start3A_182 = tpu.memref_slice %arg7[%dma_start3A_181] : memref<16384xi32, #tpu.memory_space<vmem>> -> memref<1024xi32, #tpu.memory_space<vmem>>
    %dma_start3A_183 = arith.constant 0 : i32
    %dma_start3A_184 = tpu.memref_slice %arg3[%add3A_180, %dma_start3A_183] : memref<8192x1024xi32, #tpu.memory_space<hbm>> -> memref<1x1024xi32, #tpu.memory_space<hbm>>
    %dma_start3A_185 = tpu.memref_squeeze %dma_start3A_184 : memref<1x1024xi32, #tpu.memory_space<hbm>> -> memref<1024xi32, #tpu.memory_space<hbm>>
    %dma_start3A_186 = arith.constant 7168 : i32
    %dma_start3A_187 = tpu.memref_slice %arg7[%dma_start3A_186] : memref<16384xi32, #tpu.memory_space<vmem>> -> memref<1024xi32, #tpu.memory_space<vmem>>
    %dma_start3A_188 = arith.constant 0 : i32
    %dma_start3A_189 = tpu.memref_slice %arg3[%add3A_180, %dma_start3A_188] : memref<8192x1024xi32, #tpu.memory_space<hbm>> -> memref<1x1024xi32, #tpu.memory_space<hbm>>
    %dma_start3A_190 = tpu.memref_squeeze %dma_start3A_189 : memref<1x1024xi32, #tpu.memory_space<hbm>> -> memref<1024xi32, #tpu.memory_space<hbm>>
    tpu.enqueue_dma source(%dma_start3A_190 : memref<1024xi32, #tpu.memory_space<hbm>>) target(%dma_start3A_187 : memref<1024xi32, #tpu.memory_space<vmem>>) target_semaphore(%arg15 : memref<!tpu.dma_semaphore, #tpu.memory_space<semaphore_mem>>)
    %add3A_191 = arith.constant 7 : i32
    %add3A_192 = arith.addi %add3A_11, %add3A_191 : i32
    %dma_start3A_193 = arith.constant 7168 : i32
    %dma_start3A_194 = tpu.memref_slice %arg9[%dma_start3A_193] : memref<16384xi32, #tpu.memory_space<vmem>> -> memref<1024xi32, #tpu.memory_space<vmem>>
    %dma_start3A_195 = arith.constant 0 : i32
    %dma_start3A_196 = tpu.memref_slice %arg4[%add3A_192, %dma_start3A_195] : memref<8192x1024xi32, #tpu.memory_space<hbm>> -> memref<1x1024xi32, #tpu.memory_space<hbm>>
    %dma_start3A_197 = tpu.memref_squeeze %dma_start3A_196 : memref<1x1024xi32, #tpu.memory_space<hbm>> -> memref<1024xi32, #tpu.memory_space<hbm>>
    %dma_start3A_198 = arith.constant 7168 : i32
    %dma_start3A_199 = tpu.memref_slice %arg9[%dma_start3A_198] : memref<16384xi32, #tpu.memory_space<vmem>> -> memref<1024xi32, #tpu.memory_space<vmem>>
    %dma_start3A_200 = arith.constant 0 : i32
    %dma_start3A_201 = tpu.memref_slice %arg4[%add3A_192, %dma_start3A_200] : memref<8192x1024xi32, #tpu.memory_space<hbm>> -> memref<1x1024xi32, #tpu.memory_space<hbm>>
    %dma_start3A_202 = tpu.memref_squeeze %dma_start3A_201 : memref<1x1024xi32, #tpu.memory_space<hbm>> -> memref<1024xi32, #tpu.memory_space<hbm>>
    tpu.enqueue_dma source(%dma_start3A_202 : memref<1024xi32, #tpu.memory_space<hbm>>) target(%dma_start3A_199 : memref<1024xi32, #tpu.memory_space<vmem>>) target_semaphore(%arg15 : memref<!tpu.dma_semaphore, #tpu.memory_space<semaphore_mem>>)
    %add3A_203 = arith.constant 8 : i32
    %add3A_204 = arith.addi %add3A_11, %add3A_203 : i32
    %dma_start3A_205 = arith.constant 8192 : i32
    %dma_start3A_206 = tpu.memref_slice %arg7[%dma_start3A_205] : memref<16384xi32, #tpu.memory_space<vmem>> -> memref<1024xi32, #tpu.memory_space<vmem>>
    %dma_start3A_207 = arith.constant 0 : i32
    %dma_start3A_208 = tpu.memref_slice %arg3[%add3A_204, %dma_start3A_207] : memref<8192x1024xi32, #tpu.memory_space<hbm>> -> memref<1x1024xi32, #tpu.memory_space<hbm>>
    %dma_start3A_209 = tpu.memref_squeeze %dma_start3A_208 : memref<1x1024xi32, #tpu.memory_space<hbm>> -> memref<1024xi32, #tpu.memory_space<hbm>>
    %dma_start3A_210 = arith.constant 8192 : i32
    %dma_start3A_211 = tpu.memref_slice %arg7[%dma_start3A_210] : memref<16384xi32, #tpu.memory_space<vmem>> -> memref<1024xi32, #tpu.memory_space<vmem>>
    %dma_start3A_212 = arith.constant 0 : i32
    %dma_start3A_213 = tpu.memref_slice %arg3[%add3A_204, %dma_start3A_212] : memref<8192x1024xi32, #tpu.memory_space<hbm>> -> memref<1x1024xi32, #tpu.memory_space<hbm>>
    %dma_start3A_214 = tpu.memref_squeeze %dma_start3A_213 : memref<1x1024xi32, #tpu.memory_space<hbm>> -> memref<1024xi32, #tpu.memory_space<hbm>>
    tpu.enqueue_dma source(%dma_start3A_214 : memref<1024xi32, #tpu.memory_space<hbm>>) target(%dma_start3A_211 : memref<1024xi32, #tpu.memory_space<vmem>>) target_semaphore(%arg15 : memref<!tpu.dma_semaphore, #tpu.memory_space<semaphore_mem>>)
    %add3A_215 = arith.constant 8 : i32
    %add3A_216 = arith.addi %add3A_11, %add3A_215 : i32
    %dma_start3A_217 = arith.constant 8192 : i32
    %dma_start3A_218 = tpu.memref_slice %arg9[%dma_start3A_217] : memref<16384xi32, #tpu.memory_space<vmem>> -> memref<1024xi32, #tpu.memory_space<vmem>>
    %dma_start3A_219 = arith.constant 0 : i32
    %dma_start3A_220 = tpu.memref_slice %arg4[%add3A_216, %dma_start3A_219] : memref<8192x1024xi32, #tpu.memory_space<hbm>> -> memref<1x1024xi32, #tpu.memory_space<hbm>>
    %dma_start3A_221 = tpu.memref_squeeze %dma_start3A_220 : memref<1x1024xi32, #tpu.memory_space<hbm>> -> memref<1024xi32, #tpu.memory_space<hbm>>
    %dma_start3A_222 = arith.constant 8192 : i32
    %dma_start3A_223 = tpu.memref_slice %arg9[%dma_start3A_222] : memref<16384xi32, #tpu.memory_space<vmem>> -> memref<1024xi32, #tpu.memory_space<vmem>>
    %dma_start3A_224 = arith.constant 0 : i32
    %dma_start3A_225 = tpu.memref_slice %arg4[%add3A_216, %dma_start3A_224] : memref<8192x1024xi32, #tpu.memory_space<hbm>> -> memref<1x1024xi32, #tpu.memory_space<hbm>>
    %dma_start3A_226 = tpu.memref_squeeze %dma_start3A_225 : memref<1x1024xi32, #tpu.memory_space<hbm>> -> memref<1024xi32, #tpu.memory_space<hbm>>
    tpu.enqueue_dma source(%dma_start3A_226 : memref<1024xi32, #tpu.memory_space<hbm>>) target(%dma_start3A_223 : memref<1024xi32, #tpu.memory_space<vmem>>) target_semaphore(%arg15 : memref<!tpu.dma_semaphore, #tpu.memory_space<semaphore_mem>>)
    %add3A_227 = arith.constant 9 : i32
    %add3A_228 = arith.addi %add3A_11, %add3A_227 : i32
    %dma_start3A_229 = arith.constant 9216 : i32
    %dma_start3A_230 = tpu.memref_slice %arg7[%dma_start3A_229] : memref<16384xi32, #tpu.memory_space<vmem>> -> memref<1024xi32, #tpu.memory_space<vmem>>
    %dma_start3A_231 = arith.constant 0 : i32
    %dma_start3A_232 = tpu.memref_slice %arg3[%add3A_228, %dma_start3A_231] : memref<8192x1024xi32, #tpu.memory_space<hbm>> -> memref<1x1024xi32, #tpu.memory_space<hbm>>
    %dma_start3A_233 = tpu.memref_squeeze %dma_start3A_232 : memref<1x1024xi32, #tpu.memory_space<hbm>> -> memref<1024xi32, #tpu.memory_space<hbm>>
    %dma_start3A_234 = arith.constant 9216 : i32
    %dma_start3A_235 = tpu.memref_slice %arg7[%dma_start3A_234] : memref<16384xi32, #tpu.memory_space<vmem>> -> memref<1024xi32, #tpu.memory_space<vmem>>
    %dma_start3A_236 = arith.constant 0 : i32
    %dma_start3A_237 = tpu.memref_slice %arg3[%add3A_228, %dma_start3A_236] : memref<8192x1024xi32, #tpu.memory_space<hbm>> -> memref<1x1024xi32, #tpu.memory_space<hbm>>
    %dma_start3A_238 = tpu.memref_squeeze %dma_start3A_237 : memref<1x1024xi32, #tpu.memory_space<hbm>> -> memref<1024xi32, #tpu.memory_space<hbm>>
    tpu.enqueue_dma source(%dma_start3A_238 : memref<1024xi32, #tpu.memory_space<hbm>>) target(%dma_start3A_235 : memref<1024xi32, #tpu.memory_space<vmem>>) target_semaphore(%arg15 : memref<!tpu.dma_semaphore, #tpu.memory_space<semaphore_mem>>)
    %add3A_239 = arith.constant 9 : i32
    %add3A_240 = arith.addi %add3A_11, %add3A_239 : i32
    %dma_start3A_241 = arith.constant 9216 : i32
    %dma_start3A_242 = tpu.memref_slice %arg9[%dma_start3A_241] : memref<16384xi32, #tpu.memory_space<vmem>> -> memref<1024xi32, #tpu.memory_space<vmem>>
    %dma_start3A_243 = arith.constant 0 : i32
    %dma_start3A_244 = tpu.memref_slice %arg4[%add3A_240, %dma_start3A_243] : memref<8192x1024xi32, #tpu.memory_space<hbm>> -> memref<1x1024xi32, #tpu.memory_space<hbm>>
    %dma_start3A_245 = tpu.memref_squeeze %dma_start3A_244 : memref<1x1024xi32, #tpu.memory_space<hbm>> -> memref<1024xi32, #tpu.memory_space<hbm>>
    %dma_start3A_246 = arith.constant 9216 : i32
    %dma_start3A_247 = tpu.memref_slice %arg9[%dma_start3A_246] : memref<16384xi32, #tpu.memory_space<vmem>> -> memref<1024xi32, #tpu.memory_space<vmem>>
    %dma_start3A_248 = arith.constant 0 : i32
    %dma_start3A_249 = tpu.memref_slice %arg4[%add3A_240, %dma_start3A_248] : memref<8192x1024xi32, #tpu.memory_space<hbm>> -> memref<1x1024xi32, #tpu.memory_space<hbm>>
    %dma_start3A_250 = tpu.memref_squeeze %dma_start3A_249 : memref<1x1024xi32, #tpu.memory_space<hbm>> -> memref<1024xi32, #tpu.memory_space<hbm>>
    tpu.enqueue_dma source(%dma_start3A_250 : memref<1024xi32, #tpu.memory_space<hbm>>) target(%dma_start3A_247 : memref<1024xi32, #tpu.memory_space<vmem>>) target_semaphore(%arg15 : memref<!tpu.dma_semaphore, #tpu.memory_space<semaphore_mem>>)
    %add3A_251 = arith.constant 10 : i32
    %add3A_252 = arith.addi %add3A_11, %add3A_251 : i32
    %dma_start3A_253 = arith.constant 10240 : i32
    %dma_start3A_254 = tpu.memref_slice %arg7[%dma_start3A_253] : memref<16384xi32, #tpu.memory_space<vmem>> -> memref<1024xi32, #tpu.memory_space<vmem>>
    %dma_start3A_255 = arith.constant 0 : i32
    %dma_start3A_256 = tpu.memref_slice %arg3[%add3A_252, %dma_start3A_255] : memref<8192x1024xi32, #tpu.memory_space<hbm>> -> memref<1x1024xi32, #tpu.memory_space<hbm>>
    %dma_start3A_257 = tpu.memref_squeeze %dma_start3A_256 : memref<1x1024xi32, #tpu.memory_space<hbm>> -> memref<1024xi32, #tpu.memory_space<hbm>>
    %dma_start3A_258 = arith.constant 10240 : i32
    %dma_start3A_259 = tpu.memref_slice %arg7[%dma_start3A_258] : memref<16384xi32, #tpu.memory_space<vmem>> -> memref<1024xi32, #tpu.memory_space<vmem>>
    %dma_start3A_260 = arith.constant 0 : i32
    %dma_start3A_261 = tpu.memref_slice %arg3[%add3A_252, %dma_start3A_260] : memref<8192x1024xi32, #tpu.memory_space<hbm>> -> memref<1x1024xi32, #tpu.memory_space<hbm>>
    %dma_start3A_262 = tpu.memref_squeeze %dma_start3A_261 : memref<1x1024xi32, #tpu.memory_space<hbm>> -> memref<1024xi32, #tpu.memory_space<hbm>>
    tpu.enqueue_dma source(%dma_start3A_262 : memref<1024xi32, #tpu.memory_space<hbm>>) target(%dma_start3A_259 : memref<1024xi32, #tpu.memory_space<vmem>>) target_semaphore(%arg15 : memref<!tpu.dma_semaphore, #tpu.memory_space<semaphore_mem>>)
    %add3A_263 = arith.constant 10 : i32
    %add3A_264 = arith.addi %add3A_11, %add3A_263 : i32
    %dma_start3A_265 = arith.constant 10240 : i32
    %dma_start3A_266 = tpu.memref_slice %arg9[%dma_start3A_265] : memref<16384xi32, #tpu.memory_space<vmem>> -> memref<1024xi32, #tpu.memory_space<vmem>>
    %dma_start3A_267 = arith.constant 0 : i32
    %dma_start3A_268 = tpu.memref_slice %arg4[%add3A_264, %dma_start3A_267] : memref<8192x1024xi32, #tpu.memory_space<hbm>> -> memref<1x1024xi32, #tpu.memory_space<hbm>>
    %dma_start3A_269 = tpu.memref_squeeze %dma_start3A_268 : memref<1x1024xi32, #tpu.memory_space<hbm>> -> memref<1024xi32, #tpu.memory_space<hbm>>
    %dma_start3A_270 = arith.constant 10240 : i32
    %dma_start3A_271 = tpu.memref_slice %arg9[%dma_start3A_270] : memref<16384xi32, #tpu.memory_space<vmem>> -> memref<1024xi32, #tpu.memory_space<vmem>>
    %dma_start3A_272 = arith.constant 0 : i32
    %dma_start3A_273 = tpu.memref_slice %arg4[%add3A_264, %dma_start3A_272] : memref<8192x1024xi32, #tpu.memory_space<hbm>> -> memref<1x1024xi32, #tpu.memory_space<hbm>>
    %dma_start3A_274 = tpu.memref_squeeze %dma_start3A_273 : memref<1x1024xi32, #tpu.memory_space<hbm>> -> memref<1024xi32, #tpu.memory_space<hbm>>
    tpu.enqueue_dma source(%dma_start3A_274 : memref<1024xi32, #tpu.memory_space<hbm>>) target(%dma_start3A_271 : memref<1024xi32, #tpu.memory_space<vmem>>) target_semaphore(%arg15 : memref<!tpu.dma_semaphore, #tpu.memory_space<semaphore_mem>>)
    %add3A_275 = arith.constant 11 : i32
    %add3A_276 = arith.addi %add3A_11, %add3A_275 : i32
    %dma_start3A_277 = arith.constant 11264 : i32
    %dma_start3A_278 = tpu.memref_slice %arg7[%dma_start3A_277] : memref<16384xi32, #tpu.memory_space<vmem>> -> memref<1024xi32, #tpu.memory_space<vmem>>
    %dma_start3A_279 = arith.constant 0 : i32
    %dma_start3A_280 = tpu.memref_slice %arg3[%add3A_276, %dma_start3A_279] : memref<8192x1024xi32, #tpu.memory_space<hbm>> -> memref<1x1024xi32, #tpu.memory_space<hbm>>
    %dma_start3A_281 = tpu.memref_squeeze %dma_start3A_280 : memref<1x1024xi32, #tpu.memory_space<hbm>> -> memref<1024xi32, #tpu.memory_space<hbm>>
    %dma_start3A_282 = arith.constant 11264 : i32
    %dma_start3A_283 = tpu.memref_slice %arg7[%dma_start3A_282] : memref<16384xi32, #tpu.memory_space<vmem>> -> memref<1024xi32, #tpu.memory_space<vmem>>
    %dma_start3A_284 = arith.constant 0 : i32
    %dma_start3A_285 = tpu.memref_slice %arg3[%add3A_276, %dma_start3A_284] : memref<8192x1024xi32, #tpu.memory_space<hbm>> -> memref<1x1024xi32, #tpu.memory_space<hbm>>
    %dma_start3A_286 = tpu.memref_squeeze %dma_start3A_285 : memref<1x1024xi32, #tpu.memory_space<hbm>> -> memref<1024xi32, #tpu.memory_space<hbm>>
    tpu.enqueue_dma source(%dma_start3A_286 : memref<1024xi32, #tpu.memory_space<hbm>>) target(%dma_start3A_283 : memref<1024xi32, #tpu.memory_space<vmem>>) target_semaphore(%arg15 : memref<!tpu.dma_semaphore, #tpu.memory_space<semaphore_mem>>)
    %add3A_287 = arith.constant 11 : i32
    %add3A_288 = arith.addi %add3A_11, %add3A_287 : i32
    %dma_start3A_289 = arith.constant 11264 : i32
    %dma_start3A_290 = tpu.memref_slice %arg9[%dma_start3A_289] : memref<16384xi32, #tpu.memory_space<vmem>> -> memref<1024xi32, #tpu.memory_space<vmem>>
    %dma_start3A_291 = arith.constant 0 : i32
    %dma_start3A_292 = tpu.memref_slice %arg4[%add3A_288, %dma_start3A_291] : memref<8192x1024xi32, #tpu.memory_space<hbm>> -> memref<1x1024xi32, #tpu.memory_space<hbm>>
    %dma_start3A_293 = tpu.memref_squeeze %dma_start3A_292 : memref<1x1024xi32, #tpu.memory_space<hbm>> -> memref<1024xi32, #tpu.memory_space<hbm>>
    %dma_start3A_294 = arith.constant 11264 : i32
    %dma_start3A_295 = tpu.memref_slice %arg9[%dma_start3A_294] : memref<16384xi32, #tpu.memory_space<vmem>> -> memref<1024xi32, #tpu.memory_space<vmem>>
    %dma_start3A_296 = arith.constant 0 : i32
    %dma_start3A_297 = tpu.memref_slice %arg4[%add3A_288, %dma_start3A_296] : memref<8192x1024xi32, #tpu.memory_space<hbm>> -> memref<1x1024xi32, #tpu.memory_space<hbm>>
    %dma_start3A_298 = tpu.memref_squeeze %dma_start3A_297 : memref<1x1024xi32, #tpu.memory_space<hbm>> -> memref<1024xi32, #tpu.memory_space<hbm>>
    tpu.enqueue_dma source(%dma_start3A_298 : memref<1024xi32, #tpu.memory_space<hbm>>) target(%dma_start3A_295 : memref<1024xi32, #tpu.memory_space<vmem>>) target_semaphore(%arg15 : memref<!tpu.dma_semaphore, #tpu.memory_space<semaphore_mem>>)
    %add3A_299 = arith.constant 12 : i32
    %add3A_300 = arith.addi %add3A_11, %add3A_299 : i32
    %dma_start3A_301 = arith.constant 12288 : i32
    %dma_start3A_302 = tpu.memref_slice %arg7[%dma_start3A_301] : memref<16384xi32, #tpu.memory_space<vmem>> -> memref<1024xi32, #tpu.memory_space<vmem>>
    %dma_start3A_303 = arith.constant 0 : i32
    %dma_start3A_304 = tpu.memref_slice %arg3[%add3A_300, %dma_start3A_303] : memref<8192x1024xi32, #tpu.memory_space<hbm>> -> memref<1x1024xi32, #tpu.memory_space<hbm>>
    %dma_start3A_305 = tpu.memref_squeeze %dma_start3A_304 : memref<1x1024xi32, #tpu.memory_space<hbm>> -> memref<1024xi32, #tpu.memory_space<hbm>>
    %dma_start3A_306 = arith.constant 12288 : i32
    %dma_start3A_307 = tpu.memref_slice %arg7[%dma_start3A_306] : memref<16384xi32, #tpu.memory_space<vmem>> -> memref<1024xi32, #tpu.memory_space<vmem>>
    %dma_start3A_308 = arith.constant 0 : i32
    %dma_start3A_309 = tpu.memref_slice %arg3[%add3A_300, %dma_start3A_308] : memref<8192x1024xi32, #tpu.memory_space<hbm>> -> memref<1x1024xi32, #tpu.memory_space<hbm>>
    %dma_start3A_310 = tpu.memref_squeeze %dma_start3A_309 : memref<1x1024xi32, #tpu.memory_space<hbm>> -> memref<1024xi32, #tpu.memory_space<hbm>>
    tpu.enqueue_dma source(%dma_start3A_310 : memref<1024xi32, #tpu.memory_space<hbm>>) target(%dma_start3A_307 : memref<1024xi32, #tpu.memory_space<vmem>>) target_semaphore(%arg15 : memref<!tpu.dma_semaphore, #tpu.memory_space<semaphore_mem>>)
    %add3A_311 = arith.constant 12 : i32
    %add3A_312 = arith.addi %add3A_11, %add3A_311 : i32
    %dma_start3A_313 = arith.constant 12288 : i32
    %dma_start3A_314 = tpu.memref_slice %arg9[%dma_start3A_313] : memref<16384xi32, #tpu.memory_space<vmem>> -> memref<1024xi32, #tpu.memory_space<vmem>>
    %dma_start3A_315 = arith.constant 0 : i32
    %dma_start3A_316 = tpu.memref_slice %arg4[%add3A_312, %dma_start3A_315] : memref<8192x1024xi32, #tpu.memory_space<hbm>> -> memref<1x1024xi32, #tpu.memory_space<hbm>>
    %dma_start3A_317 = tpu.memref_squeeze %dma_start3A_316 : memref<1x1024xi32, #tpu.memory_space<hbm>> -> memref<1024xi32, #tpu.memory_space<hbm>>
    %dma_start3A_318 = arith.constant 12288 : i32
    %dma_start3A_319 = tpu.memref_slice %arg9[%dma_start3A_318] : memref<16384xi32, #tpu.memory_space<vmem>> -> memref<1024xi32, #tpu.memory_space<vmem>>
    %dma_start3A_320 = arith.constant 0 : i32
    %dma_start3A_321 = tpu.memref_slice %arg4[%add3A_312, %dma_start3A_320] : memref<8192x1024xi32, #tpu.memory_space<hbm>> -> memref<1x1024xi32, #tpu.memory_space<hbm>>
    %dma_start3A_322 = tpu.memref_squeeze %dma_start3A_321 : memref<1x1024xi32, #tpu.memory_space<hbm>> -> memref<1024xi32, #tpu.memory_space<hbm>>
    tpu.enqueue_dma source(%dma_start3A_322 : memref<1024xi32, #tpu.memory_space<hbm>>) target(%dma_start3A_319 : memref<1024xi32, #tpu.memory_space<vmem>>) target_semaphore(%arg15 : memref<!tpu.dma_semaphore, #tpu.memory_space<semaphore_mem>>)
    %add3A_323 = arith.constant 13 : i32
    %add3A_324 = arith.addi %add3A_11, %add3A_323 : i32
    %dma_start3A_325 = arith.constant 13312 : i32
    %dma_start3A_326 = tpu.memref_slice %arg7[%dma_start3A_325] : memref<16384xi32, #tpu.memory_space<vmem>> -> memref<1024xi32, #tpu.memory_space<vmem>>
    %dma_start3A_327 = arith.constant 0 : i32
    %dma_start3A_328 = tpu.memref_slice %arg3[%add3A_324, %dma_start3A_327] : memref<8192x1024xi32, #tpu.memory_space<hbm>> -> memref<1x1024xi32, #tpu.memory_space<hbm>>
    %dma_start3A_329 = tpu.memref_squeeze %dma_start3A_328 : memref<1x1024xi32, #tpu.memory_space<hbm>> -> memref<1024xi32, #tpu.memory_space<hbm>>
    %dma_start3A_330 = arith.constant 13312 : i32
    %dma_start3A_331 = tpu.memref_slice %arg7[%dma_start3A_330] : memref<16384xi32, #tpu.memory_space<vmem>> -> memref<1024xi32, #tpu.memory_space<vmem>>
    %dma_start3A_332 = arith.constant 0 : i32
    %dma_start3A_333 = tpu.memref_slice %arg3[%add3A_324, %dma_start3A_332] : memref<8192x1024xi32, #tpu.memory_space<hbm>> -> memref<1x1024xi32, #tpu.memory_space<hbm>>
    %dma_start3A_334 = tpu.memref_squeeze %dma_start3A_333 : memref<1x1024xi32, #tpu.memory_space<hbm>> -> memref<1024xi32, #tpu.memory_space<hbm>>
    tpu.enqueue_dma source(%dma_start3A_334 : memref<1024xi32, #tpu.memory_space<hbm>>) target(%dma_start3A_331 : memref<1024xi32, #tpu.memory_space<vmem>>) target_semaphore(%arg15 : memref<!tpu.dma_semaphore, #tpu.memory_space<semaphore_mem>>)
    %add3A_335 = arith.constant 13 : i32
    %add3A_336 = arith.addi %add3A_11, %add3A_335 : i32
    %dma_start3A_337 = arith.constant 13312 : i32
    %dma_start3A_338 = tpu.memref_slice %arg9[%dma_start3A_337] : memref<16384xi32, #tpu.memory_space<vmem>> -> memref<1024xi32, #tpu.memory_space<vmem>>
    %dma_start3A_339 = arith.constant 0 : i32
    %dma_start3A_340 = tpu.memref_slice %arg4[%add3A_336, %dma_start3A_339] : memref<8192x1024xi32, #tpu.memory_space<hbm>> -> memref<1x1024xi32, #tpu.memory_space<hbm>>
    %dma_start3A_341 = tpu.memref_squeeze %dma_start3A_340 : memref<1x1024xi32, #tpu.memory_space<hbm>> -> memref<1024xi32, #tpu.memory_space<hbm>>
    %dma_start3A_342 = arith.constant 13312 : i32
    %dma_start3A_343 = tpu.memref_slice %arg9[%dma_start3A_342] : memref<16384xi32, #tpu.memory_space<vmem>> -> memref<1024xi32, #tpu.memory_space<vmem>>
    %dma_start3A_344 = arith.constant 0 : i32
    %dma_start3A_345 = tpu.memref_slice %arg4[%add3A_336, %dma_start3A_344] : memref<8192x1024xi32, #tpu.memory_space<hbm>> -> memref<1x1024xi32, #tpu.memory_space<hbm>>
    %dma_start3A_346 = tpu.memref_squeeze %dma_start3A_345 : memref<1x1024xi32, #tpu.memory_space<hbm>> -> memref<1024xi32, #tpu.memory_space<hbm>>
    tpu.enqueue_dma source(%dma_start3A_346 : memref<1024xi32, #tpu.memory_space<hbm>>) target(%dma_start3A_343 : memref<1024xi32, #tpu.memory_space<vmem>>) target_semaphore(%arg15 : memref<!tpu.dma_semaphore, #tpu.memory_space<semaphore_mem>>)
    %add3A_347 = arith.constant 14 : i32
    %add3A_348 = arith.addi %add3A_11, %add3A_347 : i32
    %dma_start3A_349 = arith.constant 14336 : i32
    %dma_start3A_350 = tpu.memref_slice %arg7[%dma_start3A_349] : memref<16384xi32, #tpu.memory_space<vmem>> -> memref<1024xi32, #tpu.memory_space<vmem>>
    %dma_start3A_351 = arith.constant 0 : i32
    %dma_start3A_352 = tpu.memref_slice %arg3[%add3A_348, %dma_start3A_351] : memref<8192x1024xi32, #tpu.memory_space<hbm>> -> memref<1x1024xi32, #tpu.memory_space<hbm>>
    %dma_start3A_353 = tpu.memref_squeeze %dma_start3A_352 : memref<1x1024xi32, #tpu.memory_space<hbm>> -> memref<1024xi32, #tpu.memory_space<hbm>>
    %dma_start3A_354 = arith.constant 14336 : i32
    %dma_start3A_355 = tpu.memref_slice %arg7[%dma_start3A_354] : memref<16384xi32, #tpu.memory_space<vmem>> -> memref<1024xi32, #tpu.memory_space<vmem>>
    %dma_start3A_356 = arith.constant 0 : i32
    %dma_start3A_357 = tpu.memref_slice %arg3[%add3A_348, %dma_start3A_356] : memref<8192x1024xi32, #tpu.memory_space<hbm>> -> memref<1x1024xi32, #tpu.memory_space<hbm>>
    %dma_start3A_358 = tpu.memref_squeeze %dma_start3A_357 : memref<1x1024xi32, #tpu.memory_space<hbm>> -> memref<1024xi32, #tpu.memory_space<hbm>>
    tpu.enqueue_dma source(%dma_start3A_358 : memref<1024xi32, #tpu.memory_space<hbm>>) target(%dma_start3A_355 : memref<1024xi32, #tpu.memory_space<vmem>>) target_semaphore(%arg15 : memref<!tpu.dma_semaphore, #tpu.memory_space<semaphore_mem>>)
    %add3A_359 = arith.constant 14 : i32
    %add3A_360 = arith.addi %add3A_11, %add3A_359 : i32
    %dma_start3A_361 = arith.constant 14336 : i32
    %dma_start3A_362 = tpu.memref_slice %arg9[%dma_start3A_361] : memref<16384xi32, #tpu.memory_space<vmem>> -> memref<1024xi32, #tpu.memory_space<vmem>>
    %dma_start3A_363 = arith.constant 0 : i32
    %dma_start3A_364 = tpu.memref_slice %arg4[%add3A_360, %dma_start3A_363] : memref<8192x1024xi32, #tpu.memory_space<hbm>> -> memref<1x1024xi32, #tpu.memory_space<hbm>>
    %dma_start3A_365 = tpu.memref_squeeze %dma_start3A_364 : memref<1x1024xi32, #tpu.memory_space<hbm>> -> memref<1024xi32, #tpu.memory_space<hbm>>
    %dma_start3A_366 = arith.constant 14336 : i32
    %dma_start3A_367 = tpu.memref_slice %arg9[%dma_start3A_366] : memref<16384xi32, #tpu.memory_space<vmem>> -> memref<1024xi32, #tpu.memory_space<vmem>>
    %dma_start3A_368 = arith.constant 0 : i32
    %dma_start3A_369 = tpu.memref_slice %arg4[%add3A_360, %dma_start3A_368] : memref<8192x1024xi32, #tpu.memory_space<hbm>> -> memref<1x1024xi32, #tpu.memory_space<hbm>>
    %dma_start3A_370 = tpu.memref_squeeze %dma_start3A_369 : memref<1x1024xi32, #tpu.memory_space<hbm>> -> memref<1024xi32, #tpu.memory_space<hbm>>
    tpu.enqueue_dma source(%dma_start3A_370 : memref<1024xi32, #tpu.memory_space<hbm>>) target(%dma_start3A_367 : memref<1024xi32, #tpu.memory_space<vmem>>) target_semaphore(%arg15 : memref<!tpu.dma_semaphore, #tpu.memory_space<semaphore_mem>>)
    %add3A_371 = arith.constant 15 : i32
    %add3A_372 = arith.addi %add3A_11, %add3A_371 : i32
    %dma_start3A_373 = arith.constant 15360 : i32
    %dma_start3A_374 = tpu.memref_slice %arg7[%dma_start3A_373] : memref<16384xi32, #tpu.memory_space<vmem>> -> memref<1024xi32, #tpu.memory_space<vmem>>
    %dma_start3A_375 = arith.constant 0 : i32
    %dma_start3A_376 = tpu.memref_slice %arg3[%add3A_372, %dma_start3A_375] : memref<8192x1024xi32, #tpu.memory_space<hbm>> -> memref<1x1024xi32, #tpu.memory_space<hbm>>
    %dma_start3A_377 = tpu.memref_squeeze %dma_start3A_376 : memref<1x1024xi32, #tpu.memory_space<hbm>> -> memref<1024xi32, #tpu.memory_space<hbm>>
    %dma_start3A_378 = arith.constant 15360 : i32
    %dma_start3A_379 = tpu.memref_slice %arg7[%dma_start3A_378] : memref<16384xi32, #tpu.memory_space<vmem>> -> memref<1024xi32, #tpu.memory_space<vmem>>
    %dma_start3A_380 = arith.constant 0 : i32
    %dma_start3A_381 = tpu.memref_slice %arg3[%add3A_372, %dma_start3A_380] : memref<8192x1024xi32, #tpu.memory_space<hbm>> -> memref<1x1024xi32, #tpu.memory_space<hbm>>
    %dma_start3A_382 = tpu.memref_squeeze %dma_start3A_381 : memref<1x1024xi32, #tpu.memory_space<hbm>> -> memref<1024xi32, #tpu.memory_space<hbm>>
    tpu.enqueue_dma source(%dma_start3A_382 : memref<1024xi32, #tpu.memory_space<hbm>>) target(%dma_start3A_379 : memref<1024xi32, #tpu.memory_space<vmem>>) target_semaphore(%arg15 : memref<!tpu.dma_semaphore, #tpu.memory_space<semaphore_mem>>)
    %add3A_383 = arith.constant 15 : i32
    %add3A_384 = arith.addi %add3A_11, %add3A_383 : i32
    %dma_start3A_385 = arith.constant 15360 : i32
    %dma_start3A_386 = tpu.memref_slice %arg9[%dma_start3A_385] : memref<16384xi32, #tpu.memory_space<vmem>> -> memref<1024xi32, #tpu.memory_space<vmem>>
    %dma_start3A_387 = arith.constant 0 : i32
    %dma_start3A_388 = tpu.memref_slice %arg4[%add3A_384, %dma_start3A_387] : memref<8192x1024xi32, #tpu.memory_space<hbm>> -> memref<1x1024xi32, #tpu.memory_space<hbm>>
    %dma_start3A_389 = tpu.memref_squeeze %dma_start3A_388 : memref<1x1024xi32, #tpu.memory_space<hbm>> -> memref<1024xi32, #tpu.memory_space<hbm>>
    %dma_start3A_390 = arith.constant 15360 : i32
    %dma_start3A_391 = tpu.memref_slice %arg9[%dma_start3A_390] : memref<16384xi32, #tpu.memory_space<vmem>> -> memref<1024xi32, #tpu.memory_space<vmem>>
    %dma_start3A_392 = arith.constant 0 : i32
    %dma_start3A_393 = tpu.memref_slice %arg4[%add3A_384, %dma_start3A_392] : memref<8192x1024xi32, #tpu.memory_space<hbm>> -> memref<1x1024xi32, #tpu.memory_space<hbm>>
    %dma_start3A_394 = tpu.memref_squeeze %dma_start3A_393 : memref<1x1024xi32, #tpu.memory_space<hbm>> -> memref<1024xi32, #tpu.memory_space<hbm>>
    tpu.enqueue_dma source(%dma_start3A_394 : memref<1024xi32, #tpu.memory_space<hbm>>) target(%dma_start3A_391 : memref<1024xi32, #tpu.memory_space<vmem>>) target_semaphore(%arg15 : memref<!tpu.dma_semaphore, #tpu.memory_space<semaphore_mem>>)
    %add3A_395 = arith.constant 0 : i32
    %add3A_396 = arith.addi %mul3A_3, %add3A_395 : i32
    %dma_start3A_397 = arith.constant 0 : i32
    %dma_start3A_398 = tpu.memref_slice %arg2[%add3A_396, %dma_start3A_397] : memref<8192x128xf32, #tpu.memory_space<hbm>> -> memref<16x128xf32, #tpu.memory_space<hbm>>
    %dma_start3A_399 = arith.constant 0 : i32
    %dma_start3A_400 = tpu.memref_slice %arg2[%add3A_396, %dma_start3A_399] : memref<8192x128xf32, #tpu.memory_space<hbm>> -> memref<16x128xf32, #tpu.memory_space<hbm>>
    tpu.enqueue_dma source(%dma_start3A_400 : memref<16x128xf32, #tpu.memory_space<hbm>>) target(%arg12 : memref<16x128xf32, #tpu.memory_space<vmem>>) target_semaphore(%arg17 : memref<!tpu.dma_semaphore, #tpu.memory_space<semaphore_mem>>)
    %scan3A = arith.constant 0 : i32
    %scan3A_401 = arith.constant 0 : i32
    %scan3A_402 = arith.constant 8 : i32
    %scan3A_403 = arith.addi %scan3A_401, %scan3A_402 : i32
    %scan3A_404 = arith.constant 1 : i32
    scf.for %scan3A_417 = %scan3A_401 to %scan3A_403 step %scan3A_404  : i32 {
      %mul3A_418 = arith.constant 2 : i32
      %mul3A_419 = arith.muli %mul3A_418, %scan3A_417 : i32
      %add3A_420 = arith.constant 1 : i32
      %add3A_421 = arith.addi %mul3A_419, %add3A_420 : i32
      %mul3A_422 = arith.constant 16 : i32
      %mul3A_423 = arith.muli %add3A_421, %mul3A_422 : i32
      %add3A_424 = arith.addi %mul3A_3, %mul3A_423 : i32
      %add3A_425 = arith.constant 0 : i32
      %add3A_426 = arith.addi %add3A_424, %add3A_425 : i32
      %dma_start3A_427 = arith.constant 0 : i32
      %dma_start3A_428 = tpu.memref_slice %arg8[%dma_start3A_427] : memref<16384xi32, #tpu.memory_space<vmem>> -> memref<1024xi32, #tpu.memory_space<vmem>>
      %dma_start3A_429 = arith.constant 0 : i32
      %dma_start3A_430 = tpu.memref_slice %arg3[%add3A_426, %dma_start3A_429] : memref<8192x1024xi32, #tpu.memory_space<hbm>> -> memref<1x1024xi32, #tpu.memory_space<hbm>>
      %dma_start3A_431 = tpu.memref_squeeze %dma_start3A_430 : memref<1x1024xi32, #tpu.memory_space<hbm>> -> memref<1024xi32, #tpu.memory_space<hbm>>
      %dma_start3A_432 = arith.constant 0 : i32
      %dma_start3A_433 = tpu.memref_slice %arg8[%dma_start3A_432] : memref<16384xi32, #tpu.memory_space<vmem>> -> memref<1024xi32, #tpu.memory_space<vmem>>
      %dma_start3A_434 = arith.constant 0 : i32
      %dma_start3A_435 = tpu.memref_slice %arg3[%add3A_426, %dma_start3A_434] : memref<8192x1024xi32, #tpu.memory_space<hbm>> -> memref<1x1024xi32, #tpu.memory_space<hbm>>
      %dma_start3A_436 = tpu.memref_squeeze %dma_start3A_435 : memref<1x1024xi32, #tpu.memory_space<hbm>> -> memref<1024xi32, #tpu.memory_space<hbm>>
      tpu.enqueue_dma source(%dma_start3A_436 : memref<1024xi32, #tpu.memory_space<hbm>>) target(%dma_start3A_433 : memref<1024xi32, #tpu.memory_space<vmem>>) target_semaphore(%arg16 : memref<!tpu.dma_semaphore, #tpu.memory_space<semaphore_mem>>)
      %add3A_437 = arith.constant 0 : i32
      %add3A_438 = arith.addi %add3A_424, %add3A_437 : i32
      %dma_start3A_439 = arith.constant 0 : i32
      %dma_start3A_440 = tpu.memref_slice %arg10[%dma_start3A_439] : memref<16384xi32, #tpu.memory_space<vmem>> -> memref<1024xi32, #tpu.memory_space<vmem>>
      %dma_start3A_441 = arith.constant 0 : i32
      %dma_start3A_442 = tpu.memref_slice %arg4[%add3A_438, %dma_start3A_441] : memref<8192x1024xi32, #tpu.memory_space<hbm>> -> memref<1x1024xi32, #tpu.memory_space<hbm>>
      %dma_start3A_443 = tpu.memref_squeeze %dma_start3A_442 : memref<1x1024xi32, #tpu.memory_space<hbm>> -> memref<1024xi32, #tpu.memory_space<hbm>>
      %dma_start3A_444 = arith.constant 0 : i32
      %dma_start3A_445 = tpu.memref_slice %arg10[%dma_start3A_444] : memref<16384xi32, #tpu.memory_space<vmem>> -> memref<1024xi32, #tpu.memory_space<vmem>>
      %dma_start3A_446 = arith.constant 0 : i32
      %dma_start3A_447 = tpu.memref_slice %arg4[%add3A_438, %dma_start3A_446] : memref<8192x1024xi32, #tpu.memory_space<hbm>> -> memref<1x1024xi32, #tpu.memory_space<hbm>>
      %dma_start3A_448 = tpu.memref_squeeze %dma_start3A_447 : memref<1x1024xi32, #tpu.memory_space<hbm>> -> memref<1024xi32, #tpu.memory_space<hbm>>
      tpu.enqueue_dma source(%dma_start3A_448 : memref<1024xi32, #tpu.memory_space<hbm>>) target(%dma_start3A_445 : memref<1024xi32, #tpu.memory_space<vmem>>) target_semaphore(%arg16 : memref<!tpu.dma_semaphore, #tpu.memory_space<semaphore_mem>>)
      %add3A_449 = arith.constant 1 : i32
      %add3A_450 = arith.addi %add3A_424, %add3A_449 : i32
      %dma_start3A_451 = arith.constant 1024 : i32
      %dma_start3A_452 = tpu.memref_slice %arg8[%dma_start3A_451] : memref<16384xi32, #tpu.memory_space<vmem>> -> memref<1024xi32, #tpu.memory_space<vmem>>
      %dma_start3A_453 = arith.constant 0 : i32
      %dma_start3A_454 = tpu.memref_slice %arg3[%add3A_450, %dma_start3A_453] : memref<8192x1024xi32, #tpu.memory_space<hbm>> -> memref<1x1024xi32, #tpu.memory_space<hbm>>
      %dma_start3A_455 = tpu.memref_squeeze %dma_start3A_454 : memref<1x1024xi32, #tpu.memory_space<hbm>> -> memref<1024xi32, #tpu.memory_space<hbm>>
      %dma_start3A_456 = arith.constant 1024 : i32
      %dma_start3A_457 = tpu.memref_slice %arg8[%dma_start3A_456] : memref<16384xi32, #tpu.memory_space<vmem>> -> memref<1024xi32, #tpu.memory_space<vmem>>
      %dma_start3A_458 = arith.constant 0 : i32
      %dma_start3A_459 = tpu.memref_slice %arg3[%add3A_450, %dma_start3A_458] : memref<8192x1024xi32, #tpu.memory_space<hbm>> -> memref<1x1024xi32, #tpu.memory_space<hbm>>
      %dma_start3A_460 = tpu.memref_squeeze %dma_start3A_459 : memref<1x1024xi32, #tpu.memory_space<hbm>> -> memref<1024xi32, #tpu.memory_space<hbm>>
      tpu.enqueue_dma source(%dma_start3A_460 : memref<1024xi32, #tpu.memory_space<hbm>>) target(%dma_start3A_457 : memref<1024xi32, #tpu.memory_space<vmem>>) target_semaphore(%arg16 : memref<!tpu.dma_semaphore, #tpu.memory_space<semaphore_mem>>)
      %add3A_461 = arith.constant 1 : i32
      %add3A_462 = arith.addi %add3A_424, %add3A_461 : i32
      %dma_start3A_463 = arith.constant 1024 : i32
      %dma_start3A_464 = tpu.memref_slice %arg10[%dma_start3A_463] : memref<16384xi32, #tpu.memory_space<vmem>> -> memref<1024xi32, #tpu.memory_space<vmem>>
      %dma_start3A_465 = arith.constant 0 : i32
      %dma_start3A_466 = tpu.memref_slice %arg4[%add3A_462, %dma_start3A_465] : memref<8192x1024xi32, #tpu.memory_space<hbm>> -> memref<1x1024xi32, #tpu.memory_space<hbm>>
      %dma_start3A_467 = tpu.memref_squeeze %dma_start3A_466 : memref<1x1024xi32, #tpu.memory_space<hbm>> -> memref<1024xi32, #tpu.memory_space<hbm>>
      %dma_start3A_468 = arith.constant 1024 : i32
      %dma_start3A_469 = tpu.memref_slice %arg10[%dma_start3A_468] : memref<16384xi32, #tpu.memory_space<vmem>> -> memref<1024xi32, #tpu.memory_space<vmem>>
      %dma_start3A_470 = arith.constant 0 : i32
      %dma_start3A_471 = tpu.memref_slice %arg4[%add3A_462, %dma_start3A_470] : memref<8192x1024xi32, #tpu.memory_space<hbm>> -> memref<1x1024xi32, #tpu.memory_space<hbm>>
      %dma_start3A_472 = tpu.memref_squeeze %dma_start3A_471 : memref<1x1024xi32, #tpu.memory_space<hbm>> -> memref<1024xi32, #tpu.memory_space<hbm>>
      tpu.enqueue_dma source(%dma_start3A_472 : memref<1024xi32, #tpu.memory_space<hbm>>) target(%dma_start3A_469 : memref<1024xi32, #tpu.memory_space<vmem>>) target_semaphore(%arg16 : memref<!tpu.dma_semaphore, #tpu.memory_space<semaphore_mem>>)
      %add3A_473 = arith.constant 2 : i32
      %add3A_474 = arith.addi %add3A_424, %add3A_473 : i32
      %dma_start3A_475 = arith.constant 2048 : i32
      %dma_start3A_476 = tpu.memref_slice %arg8[%dma_start3A_475] : memref<16384xi32, #tpu.memory_space<vmem>> -> memref<1024xi32, #tpu.memory_space<vmem>>
      %dma_start3A_477 = arith.constant 0 : i32
      %dma_start3A_478 = tpu.memref_slice %arg3[%add3A_474, %dma_start3A_477] : memref<8192x1024xi32, #tpu.memory_space<hbm>> -> memref<1x1024xi32, #tpu.memory_space<hbm>>
      %dma_start3A_479 = tpu.memref_squeeze %dma_start3A_478 : memref<1x1024xi32, #tpu.memory_space<hbm>> -> memref<1024xi32, #tpu.memory_space<hbm>>
      %dma_start3A_480 = arith.constant 2048 : i32
      %dma_start3A_481 = tpu.memref_slice %arg8[%dma_start3A_480] : memref<16384xi32, #tpu.memory_space<vmem>> -> memref<1024xi32, #tpu.memory_space<vmem>>
      %dma_start3A_482 = arith.constant 0 : i32
      %dma_start3A_483 = tpu.memref_slice %arg3[%add3A_474, %dma_start3A_482] : memref<8192x1024xi32, #tpu.memory_space<hbm>> -> memref<1x1024xi32, #tpu.memory_space<hbm>>
      %dma_start3A_484 = tpu.memref_squeeze %dma_start3A_483 : memref<1x1024xi32, #tpu.memory_space<hbm>> -> memref<1024xi32, #tpu.memory_space<hbm>>
      tpu.enqueue_dma source(%dma_start3A_484 : memref<1024xi32, #tpu.memory_space<hbm>>) target(%dma_start3A_481 : memref<1024xi32, #tpu.memory_space<vmem>>) target_semaphore(%arg16 : memref<!tpu.dma_semaphore, #tpu.memory_space<semaphore_mem>>)
      %add3A_485 = arith.constant 2 : i32
      %add3A_486 = arith.addi %add3A_424, %add3A_485 : i32
      %dma_start3A_487 = arith.constant 2048 : i32
      %dma_start3A_488 = tpu.memref_slice %arg10[%dma_start3A_487] : memref<16384xi32, #tpu.memory_space<vmem>> -> memref<1024xi32, #tpu.memory_space<vmem>>
      %dma_start3A_489 = arith.constant 0 : i32
      %dma_start3A_490 = tpu.memref_slice %arg4[%add3A_486, %dma_start3A_489] : memref<8192x1024xi32, #tpu.memory_space<hbm>> -> memref<1x1024xi32, #tpu.memory_space<hbm>>
      %dma_start3A_491 = tpu.memref_squeeze %dma_start3A_490 : memref<1x1024xi32, #tpu.memory_space<hbm>> -> memref<1024xi32, #tpu.memory_space<hbm>>
      %dma_start3A_492 = arith.constant 2048 : i32
      %dma_start3A_493 = tpu.memref_slice %arg10[%dma_start3A_492] : memref<16384xi32, #tpu.memory_space<vmem>> -> memref<1024xi32, #tpu.memory_space<vmem>>
      %dma_start3A_494 = arith.constant 0 : i32
      %dma_start3A_495 = tpu.memref_slice %arg4[%add3A_486, %dma_start3A_494] : memref<8192x1024xi32, #tpu.memory_space<hbm>> -> memref<1x1024xi32, #tpu.memory_space<hbm>>
      %dma_start3A_496 = tpu.memref_squeeze %dma_start3A_495 : memref<1x1024xi32, #tpu.memory_space<hbm>> -> memref<1024xi32, #tpu.memory_space<hbm>>
      tpu.enqueue_dma source(%dma_start3A_496 : memref<1024xi32, #tpu.memory_space<hbm>>) target(%dma_start3A_493 : memref<1024xi32, #tpu.memory_space<vmem>>) target_semaphore(%arg16 : memref<!tpu.dma_semaphore, #tpu.memory_space<semaphore_mem>>)
      %add3A_497 = arith.constant 3 : i32
      %add3A_498 = arith.addi %add3A_424, %add3A_497 : i32
      %dma_start3A_499 = arith.constant 3072 : i32
      %dma_start3A_500 = tpu.memref_slice %arg8[%dma_start3A_499] : memref<16384xi32, #tpu.memory_space<vmem>> -> memref<1024xi32, #tpu.memory_space<vmem>>
      %dma_start3A_501 = arith.constant 0 : i32
      %dma_start3A_502 = tpu.memref_slice %arg3[%add3A_498, %dma_start3A_501] : memref<8192x1024xi32, #tpu.memory_space<hbm>> -> memref<1x1024xi32, #tpu.memory_space<hbm>>
      %dma_start3A_503 = tpu.memref_squeeze %dma_start3A_502 : memref<1x1024xi32, #tpu.memory_space<hbm>> -> memref<1024xi32, #tpu.memory_space<hbm>>
      %dma_start3A_504 = arith.constant 3072 : i32
      %dma_start3A_505 = tpu.memref_slice %arg8[%dma_start3A_504] : memref<16384xi32, #tpu.memory_space<vmem>> -> memref<1024xi32, #tpu.memory_space<vmem>>
      %dma_start3A_506 = arith.constant 0 : i32
      %dma_start3A_507 = tpu.memref_slice %arg3[%add3A_498, %dma_start3A_506] : memref<8192x1024xi32, #tpu.memory_space<hbm>> -> memref<1x1024xi32, #tpu.memory_space<hbm>>
      %dma_start3A_508 = tpu.memref_squeeze %dma_start3A_507 : memref<1x1024xi32, #tpu.memory_space<hbm>> -> memref<1024xi32, #tpu.memory_space<hbm>>
      tpu.enqueue_dma source(%dma_start3A_508 : memref<1024xi32, #tpu.memory_space<hbm>>) target(%dma_start3A_505 : memref<1024xi32, #tpu.memory_space<vmem>>) target_semaphore(%arg16 : memref<!tpu.dma_semaphore, #tpu.memory_space<semaphore_mem>>)
      %add3A_509 = arith.constant 3 : i32
      %add3A_510 = arith.addi %add3A_424, %add3A_509 : i32
      %dma_start3A_511 = arith.constant 3072 : i32
      %dma_start3A_512 = tpu.memref_slice %arg10[%dma_start3A_511] : memref<16384xi32, #tpu.memory_space<vmem>> -> memref<1024xi32, #tpu.memory_space<vmem>>
      %dma_start3A_513 = arith.constant 0 : i32
      %dma_start3A_514 = tpu.memref_slice %arg4[%add3A_510, %dma_start3A_513] : memref<8192x1024xi32, #tpu.memory_space<hbm>> -> memref<1x1024xi32, #tpu.memory_space<hbm>>
      %dma_start3A_515 = tpu.memref_squeeze %dma_start3A_514 : memref<1x1024xi32, #tpu.memory_space<hbm>> -> memref<1024xi32, #tpu.memory_space<hbm>>
      %dma_start3A_516 = arith.constant 3072 : i32
      %dma_start3A_517 = tpu.memref_slice %arg10[%dma_start3A_516] : memref<16384xi32, #tpu.memory_space<vmem>> -> memref<1024xi32, #tpu.memory_space<vmem>>
      %dma_start3A_518 = arith.constant 0 : i32
      %dma_start3A_519 = tpu.memref_slice %arg4[%add3A_510, %dma_start3A_518] : memref<8192x1024xi32, #tpu.memory_space<hbm>> -> memref<1x1024xi32, #tpu.memory_space<hbm>>
      %dma_start3A_520 = tpu.memref_squeeze %dma_start3A_519 : memref<1x1024xi32, #tpu.memory_space<hbm>> -> memref<1024xi32, #tpu.memory_space<hbm>>
      tpu.enqueue_dma source(%dma_start3A_520 : memref<1024xi32, #tpu.memory_space<hbm>>) target(%dma_start3A_517 : memref<1024xi32, #tpu.memory_space<vmem>>) target_semaphore(%arg16 : memref<!tpu.dma_semaphore, #tpu.memory_space<semaphore_mem>>)
      %add3A_521 = arith.constant 4 : i32
      %add3A_522 = arith.addi %add3A_424, %add3A_521 : i32
      %dma_start3A_523 = arith.constant 4096 : i32
      %dma_start3A_524 = tpu.memref_slice %arg8[%dma_start3A_523] : memref<16384xi32, #tpu.memory_space<vmem>> -> memref<1024xi32, #tpu.memory_space<vmem>>
      %dma_start3A_525 = arith.constant 0 : i32
      %dma_start3A_526 = tpu.memref_slice %arg3[%add3A_522, %dma_start3A_525] : memref<8192x1024xi32, #tpu.memory_space<hbm>> -> memref<1x1024xi32, #tpu.memory_space<hbm>>
      %dma_start3A_527 = tpu.memref_squeeze %dma_start3A_526 : memref<1x1024xi32, #tpu.memory_space<hbm>> -> memref<1024xi32, #tpu.memory_space<hbm>>
      %dma_start3A_528 = arith.constant 4096 : i32
      %dma_start3A_529 = tpu.memref_slice %arg8[%dma_start3A_528] : memref<16384xi32, #tpu.memory_space<vmem>> -> memref<1024xi32, #tpu.memory_space<vmem>>
      %dma_start3A_530 = arith.constant 0 : i32
      %dma_start3A_531 = tpu.memref_slice %arg3[%add3A_522, %dma_start3A_530] : memref<8192x1024xi32, #tpu.memory_space<hbm>> -> memref<1x1024xi32, #tpu.memory_space<hbm>>
      %dma_start3A_532 = tpu.memref_squeeze %dma_start3A_531 : memref<1x1024xi32, #tpu.memory_space<hbm>> -> memref<1024xi32, #tpu.memory_space<hbm>>
      tpu.enqueue_dma source(%dma_start3A_532 : memref<1024xi32, #tpu.memory_space<hbm>>) target(%dma_start3A_529 : memref<1024xi32, #tpu.memory_space<vmem>>) target_semaphore(%arg16 : memref<!tpu.dma_semaphore, #tpu.memory_space<semaphore_mem>>)
      %add3A_533 = arith.constant 4 : i32
      %add3A_534 = arith.addi %add3A_424, %add3A_533 : i32
      %dma_start3A_535 = arith.constant 4096 : i32
      %dma_start3A_536 = tpu.memref_slice %arg10[%dma_start3A_535] : memref<16384xi32, #tpu.memory_space<vmem>> -> memref<1024xi32, #tpu.memory_space<vmem>>
      %dma_start3A_537 = arith.constant 0 : i32
      %dma_start3A_538 = tpu.memref_slice %arg4[%add3A_534, %dma_start3A_537] : memref<8192x1024xi32, #tpu.memory_space<hbm>> -> memref<1x1024xi32, #tpu.memory_space<hbm>>
      %dma_start3A_539 = tpu.memref_squeeze %dma_start3A_538 : memref<1x1024xi32, #tpu.memory_space<hbm>> -> memref<1024xi32, #tpu.memory_space<hbm>>
      %dma_start3A_540 = arith.constant 4096 : i32
      %dma_start3A_541 = tpu.memref_slice %arg10[%dma_start3A_540] : memref<16384xi32, #tpu.memory_space<vmem>> -> memref<1024xi32, #tpu.memory_space<vmem>>
      %dma_start3A_542 = arith.constant 0 : i32
      %dma_start3A_543 = tpu.memref_slice %arg4[%add3A_534, %dma_start3A_542] : memref<8192x1024xi32, #tpu.memory_space<hbm>> -> memref<1x1024xi32, #tpu.memory_space<hbm>>
      %dma_start3A_544 = tpu.memref_squeeze %dma_start3A_543 : memref<1x1024xi32, #tpu.memory_space<hbm>> -> memref<1024xi32, #tpu.memory_space<hbm>>
      tpu.enqueue_dma source(%dma_start3A_544 : memref<1024xi32, #tpu.memory_space<hbm>>) target(%dma_start3A_541 : memref<1024xi32, #tpu.memory_space<vmem>>) target_semaphore(%arg16 : memref<!tpu.dma_semaphore, #tpu.memory_space<semaphore_mem>>)
      %add3A_545 = arith.constant 5 : i32
      %add3A_546 = arith.addi %add3A_424, %add3A_545 : i32
      %dma_start3A_547 = arith.constant 5120 : i32
      %dma_start3A_548 = tpu.memref_slice %arg8[%dma_start3A_547] : memref<16384xi32, #tpu.memory_space<vmem>> -> memref<1024xi32, #tpu.memory_space<vmem>>
      %dma_start3A_549 = arith.constant 0 : i32
      %dma_start3A_550 = tpu.memref_slice %arg3[%add3A_546, %dma_start3A_549] : memref<8192x1024xi32, #tpu.memory_space<hbm>> -> memref<1x1024xi32, #tpu.memory_space<hbm>>
      %dma_start3A_551 = tpu.memref_squeeze %dma_start3A_550 : memref<1x1024xi32, #tpu.memory_space<hbm>> -> memref<1024xi32, #tpu.memory_space<hbm>>
      %dma_start3A_552 = arith.constant 5120 : i32
      %dma_start3A_553 = tpu.memref_slice %arg8[%dma_start3A_552] : memref<16384xi32, #tpu.memory_space<vmem>> -> memref<1024xi32, #tpu.memory_space<vmem>>
      %dma_start3A_554 = arith.constant 0 : i32
      %dma_start3A_555 = tpu.memref_slice %arg3[%add3A_546, %dma_start3A_554] : memref<8192x1024xi32, #tpu.memory_space<hbm>> -> memref<1x1024xi32, #tpu.memory_space<hbm>>
      %dma_start3A_556 = tpu.memref_squeeze %dma_start3A_555 : memref<1x1024xi32, #tpu.memory_space<hbm>> -> memref<1024xi32, #tpu.memory_space<hbm>>
      tpu.enqueue_dma source(%dma_start3A_556 : memref<1024xi32, #tpu.memory_space<hbm>>) target(%dma_start3A_553 : memref<1024xi32, #tpu.memory_space<vmem>>) target_semaphore(%arg16 : memref<!tpu.dma_semaphore, #tpu.memory_space<semaphore_mem>>)
      %add3A_557 = arith.constant 5 : i32
      %add3A_558 = arith.addi %add3A_424, %add3A_557 : i32
      %dma_start3A_559 = arith.constant 5120 : i32
      %dma_start3A_560 = tpu.memref_slice %arg10[%dma_start3A_559] : memref<16384xi32, #tpu.memory_space<vmem>> -> memref<1024xi32, #tpu.memory_space<vmem>>
      %dma_start3A_561 = arith.constant 0 : i32
      %dma_start3A_562 = tpu.memref_slice %arg4[%add3A_558, %dma_start3A_561] : memref<8192x1024xi32, #tpu.memory_space<hbm>> -> memref<1x1024xi32, #tpu.memory_space<hbm>>
      %dma_start3A_563 = tpu.memref_squeeze %dma_start3A_562 : memref<1x1024xi32, #tpu.memory_space<hbm>> -> memref<1024xi32, #tpu.memory_space<hbm>>
      %dma_start3A_564 = arith.constant 5120 : i32
      %dma_start3A_565 = tpu.memref_slice %arg10[%dma_start3A_564] : memref<16384xi32, #tpu.memory_space<vmem>> -> memref<1024xi32, #tpu.memory_space<vmem>>
      %dma_start3A_566 = arith.constant 0 : i32
      %dma_start3A_567 = tpu.memref_slice %arg4[%add3A_558, %dma_start3A_566] : memref<8192x1024xi32, #tpu.memory_space<hbm>> -> memref<1x1024xi32, #tpu.memory_space<hbm>>
      %dma_start3A_568 = tpu.memref_squeeze %dma_start3A_567 : memref<1x1024xi32, #tpu.memory_space<hbm>> -> memref<1024xi32, #tpu.memory_space<hbm>>
      tpu.enqueue_dma source(%dma_start3A_568 : memref<1024xi32, #tpu.memory_space<hbm>>) target(%dma_start3A_565 : memref<1024xi32, #tpu.memory_space<vmem>>) target_semaphore(%arg16 : memref<!tpu.dma_semaphore, #tpu.memory_space<semaphore_mem>>)
      %add3A_569 = arith.constant 6 : i32
      %add3A_570 = arith.addi %add3A_424, %add3A_569 : i32
      %dma_start3A_571 = arith.constant 6144 : i32
      %dma_start3A_572 = tpu.memref_slice %arg8[%dma_start3A_571] : memref<16384xi32, #tpu.memory_space<vmem>> -> memref<1024xi32, #tpu.memory_space<vmem>>
      %dma_start3A_573 = arith.constant 0 : i32
      %dma_start3A_574 = tpu.memref_slice %arg3[%add3A_570, %dma_start3A_573] : memref<8192x1024xi32, #tpu.memory_space<hbm>> -> memref<1x1024xi32, #tpu.memory_space<hbm>>
      %dma_start3A_575 = tpu.memref_squeeze %dma_start3A_574 : memref<1x1024xi32, #tpu.memory_space<hbm>> -> memref<1024xi32, #tpu.memory_space<hbm>>
      %dma_start3A_576 = arith.constant 6144 : i32
      %dma_start3A_577 = tpu.memref_slice %arg8[%dma_start3A_576] : memref<16384xi32, #tpu.memory_space<vmem>> -> memref<1024xi32, #tpu.memory_space<vmem>>
      %dma_start3A_578 = arith.constant 0 : i32
      %dma_start3A_579 = tpu.memref_slice %arg3[%add3A_570, %dma_start3A_578] : memref<8192x1024xi32, #tpu.memory_space<hbm>> -> memref<1x1024xi32, #tpu.memory_space<hbm>>
      %dma_start3A_580 = tpu.memref_squeeze %dma_start3A_579 : memref<1x1024xi32, #tpu.memory_space<hbm>> -> memref<1024xi32, #tpu.memory_space<hbm>>
      tpu.enqueue_dma source(%dma_start3A_580 : memref<1024xi32, #tpu.memory_space<hbm>>) target(%dma_start3A_577 : memref<1024xi32, #tpu.memory_space<vmem>>) target_semaphore(%arg16 : memref<!tpu.dma_semaphore, #tpu.memory_space<semaphore_mem>>)
      %add3A_581 = arith.constant 6 : i32
      %add3A_582 = arith.addi %add3A_424, %add3A_581 : i32
      %dma_start3A_583 = arith.constant 6144 : i32
      %dma_start3A_584 = tpu.memref_slice %arg10[%dma_start3A_583] : memref<16384xi32, #tpu.memory_space<vmem>> -> memref<1024xi32, #tpu.memory_space<vmem>>
      %dma_start3A_585 = arith.constant 0 : i32
      %dma_start3A_586 = tpu.memref_slice %arg4[%add3A_582, %dma_start3A_585] : memref<8192x1024xi32, #tpu.memory_space<hbm>> -> memref<1x1024xi32, #tpu.memory_space<hbm>>
      %dma_start3A_587 = tpu.memref_squeeze %dma_start3A_586 : memref<1x1024xi32, #tpu.memory_space<hbm>> -> memref<1024xi32, #tpu.memory_space<hbm>>
      %dma_start3A_588 = arith.constant 6144 : i32
      %dma_start3A_589 = tpu.memref_slice %arg10[%dma_start3A_588] : memref<16384xi32, #tpu.memory_space<vmem>> -> memref<1024xi32, #tpu.memory_space<vmem>>
      %dma_start3A_590 = arith.constant 0 : i32
      %dma_start3A_591 = tpu.memref_slice %arg4[%add3A_582, %dma_start3A_590] : memref<8192x1024xi32, #tpu.memory_space<hbm>> -> memref<1x1024xi32, #tpu.memory_space<hbm>>
      %dma_start3A_592 = tpu.memref_squeeze %dma_start3A_591 : memref<1x1024xi32, #tpu.memory_space<hbm>> -> memref<1024xi32, #tpu.memory_space<hbm>>
      tpu.enqueue_dma source(%dma_start3A_592 : memref<1024xi32, #tpu.memory_space<hbm>>) target(%dma_start3A_589 : memref<1024xi32, #tpu.memory_space<vmem>>) target_semaphore(%arg16 : memref<!tpu.dma_semaphore, #tpu.memory_space<semaphore_mem>>)
      %add3A_593 = arith.constant 7 : i32
      %add3A_594 = arith.addi %add3A_424, %add3A_593 : i32
      %dma_start3A_595 = arith.constant 7168 : i32
      %dma_start3A_596 = tpu.memref_slice %arg8[%dma_start3A_595] : memref<16384xi32, #tpu.memory_space<vmem>> -> memref<1024xi32, #tpu.memory_space<vmem>>
      %dma_start3A_597 = arith.constant 0 : i32
      %dma_start3A_598 = tpu.memref_slice %arg3[%add3A_594, %dma_start3A_597] : memref<8192x1024xi32, #tpu.memory_space<hbm>> -> memref<1x1024xi32, #tpu.memory_space<hbm>>
      %dma_start3A_599 = tpu.memref_squeeze %dma_start3A_598 : memref<1x1024xi32, #tpu.memory_space<hbm>> -> memref<1024xi32, #tpu.memory_space<hbm>>
      %dma_start3A_600 = arith.constant 7168 : i32
      %dma_start3A_601 = tpu.memref_slice %arg8[%dma_start3A_600] : memref<16384xi32, #tpu.memory_space<vmem>> -> memref<1024xi32, #tpu.memory_space<vmem>>
      %dma_start3A_602 = arith.constant 0 : i32
      %dma_start3A_603 = tpu.memref_slice %arg3[%add3A_594, %dma_start3A_602] : memref<8192x1024xi32, #tpu.memory_space<hbm>> -> memref<1x1024xi32, #tpu.memory_space<hbm>>
      %dma_start3A_604 = tpu.memref_squeeze %dma_start3A_603 : memref<1x1024xi32, #tpu.memory_space<hbm>> -> memref<1024xi32, #tpu.memory_space<hbm>>
      tpu.enqueue_dma source(%dma_start3A_604 : memref<1024xi32, #tpu.memory_space<hbm>>) target(%dma_start3A_601 : memref<1024xi32, #tpu.memory_space<vmem>>) target_semaphore(%arg16 : memref<!tpu.dma_semaphore, #tpu.memory_space<semaphore_mem>>)
      %add3A_605 = arith.constant 7 : i32
      %add3A_606 = arith.addi %add3A_424, %add3A_605 : i32
      %dma_start3A_607 = arith.constant 7168 : i32
      %dma_start3A_608 = tpu.memref_slice %arg10[%dma_start3A_607] : memref<16384xi32, #tpu.memory_space<vmem>> -> memref<1024xi32, #tpu.memory_space<vmem>>
      %dma_start3A_609 = arith.constant 0 : i32
      %dma_start3A_610 = tpu.memref_slice %arg4[%add3A_606, %dma_start3A_609] : memref<8192x1024xi32, #tpu.memory_space<hbm>> -> memref<1x1024xi32, #tpu.memory_space<hbm>>
      %dma_start3A_611 = tpu.memref_squeeze %dma_start3A_610 : memref<1x1024xi32, #tpu.memory_space<hbm>> -> memref<1024xi32, #tpu.memory_space<hbm>>
      %dma_start3A_612 = arith.constant 7168 : i32
      %dma_start3A_613 = tpu.memref_slice %arg10[%dma_start3A_612] : memref<16384xi32, #tpu.memory_space<vmem>> -> memref<1024xi32, #tpu.memory_space<vmem>>
      %dma_start3A_614 = arith.constant 0 : i32
      %dma_start3A_615 = tpu.memref_slice %arg4[%add3A_606, %dma_start3A_614] : memref<8192x1024xi32, #tpu.memory_space<hbm>> -> memref<1x1024xi32, #tpu.memory_space<hbm>>
      %dma_start3A_616 = tpu.memref_squeeze %dma_start3A_615 : memref<1x1024xi32, #tpu.memory_space<hbm>> -> memref<1024xi32, #tpu.memory_space<hbm>>
      tpu.enqueue_dma source(%dma_start3A_616 : memref<1024xi32, #tpu.memory_space<hbm>>) target(%dma_start3A_613 : memref<1024xi32, #tpu.memory_space<vmem>>) target_semaphore(%arg16 : memref<!tpu.dma_semaphore, #tpu.memory_space<semaphore_mem>>)
      %add3A_617 = arith.constant 8 : i32
      %add3A_618 = arith.addi %add3A_424, %add3A_617 : i32
      %dma_start3A_619 = arith.constant 8192 : i32
      %dma_start3A_620 = tpu.memref_slice %arg8[%dma_start3A_619] : memref<16384xi32, #tpu.memory_space<vmem>> -> memref<1024xi32, #tpu.memory_space<vmem>>
      %dma_start3A_621 = arith.constant 0 : i32
      %dma_start3A_622 = tpu.memref_slice %arg3[%add3A_618, %dma_start3A_621] : memref<8192x1024xi32, #tpu.memory_space<hbm>> -> memref<1x1024xi32, #tpu.memory_space<hbm>>
      %dma_start3A_623 = tpu.memref_squeeze %dma_start3A_622 : memref<1x1024xi32, #tpu.memory_space<hbm>> -> memref<1024xi32, #tpu.memory_space<hbm>>
      %dma_start3A_624 = arith.constant 8192 : i32
      %dma_start3A_625 = tpu.memref_slice %arg8[%dma_start3A_624] : memref<16384xi32, #tpu.memory_space<vmem>> -> memref<1024xi32, #tpu.memory_space<vmem>>
      %dma_start3A_626 = arith.constant 0 : i32
      %dma_start3A_627 = tpu.memref_slice %arg3[%add3A_618, %dma_start3A_626] : memref<8192x1024xi32, #tpu.memory_space<hbm>> -> memref<1x1024xi32, #tpu.memory_space<hbm>>
      %dma_start3A_628 = tpu.memref_squeeze %dma_start3A_627 : memref<1x1024xi32, #tpu.memory_space<hbm>> -> memref<1024xi32, #tpu.memory_space<hbm>>
      tpu.enqueue_dma source(%dma_start3A_628 : memref<1024xi32, #tpu.memory_space<hbm>>) target(%dma_start3A_625 : memref<1024xi32, #tpu.memory_space<vmem>>) target_semaphore(%arg16 : memref<!tpu.dma_semaphore, #tpu.memory_space<semaphore_mem>>)
      %add3A_629 = arith.constant 8 : i32
      %add3A_630 = arith.addi %add3A_424, %add3A_629 : i32
      %dma_start3A_631 = arith.constant 8192 : i32
      %dma_start3A_632 = tpu.memref_slice %arg10[%dma_start3A_631] : memref<16384xi32, #tpu.memory_space<vmem>> -> memref<1024xi32, #tpu.memory_space<vmem>>
      %dma_start3A_633 = arith.constant 0 : i32
      %dma_start3A_634 = tpu.memref_slice %arg4[%add3A_630, %dma_start3A_633] : memref<8192x1024xi32, #tpu.memory_space<hbm>> -> memref<1x1024xi32, #tpu.memory_space<hbm>>
      %dma_start3A_635 = tpu.memref_squeeze %dma_start3A_634 : memref<1x1024xi32, #tpu.memory_space<hbm>> -> memref<1024xi32, #tpu.memory_space<hbm>>
      %dma_start3A_636 = arith.constant 8192 : i32
      %dma_start3A_637 = tpu.memref_slice %arg10[%dma_start3A_636] : memref<16384xi32, #tpu.memory_space<vmem>> -> memref<1024xi32, #tpu.memory_space<vmem>>
      %dma_start3A_638 = arith.constant 0 : i32
      %dma_start3A_639 = tpu.memref_slice %arg4[%add3A_630, %dma_start3A_638] : memref<8192x1024xi32, #tpu.memory_space<hbm>> -> memref<1x1024xi32, #tpu.memory_space<hbm>>
      %dma_start3A_640 = tpu.memref_squeeze %dma_start3A_639 : memref<1x1024xi32, #tpu.memory_space<hbm>> -> memref<1024xi32, #tpu.memory_space<hbm>>
      tpu.enqueue_dma source(%dma_start3A_640 : memref<1024xi32, #tpu.memory_space<hbm>>) target(%dma_start3A_637 : memref<1024xi32, #tpu.memory_space<vmem>>) target_semaphore(%arg16 : memref<!tpu.dma_semaphore, #tpu.memory_space<semaphore_mem>>)
      %add3A_641 = arith.constant 9 : i32
      %add3A_642 = arith.addi %add3A_424, %add3A_641 : i32
      %dma_start3A_643 = arith.constant 9216 : i32
      %dma_start3A_644 = tpu.memref_slice %arg8[%dma_start3A_643] : memref<16384xi32, #tpu.memory_space<vmem>> -> memref<1024xi32, #tpu.memory_space<vmem>>
      %dma_start3A_645 = arith.constant 0 : i32
      %dma_start3A_646 = tpu.memref_slice %arg3[%add3A_642, %dma_start3A_645] : memref<8192x1024xi32, #tpu.memory_space<hbm>> -> memref<1x1024xi32, #tpu.memory_space<hbm>>
      %dma_start3A_647 = tpu.memref_squeeze %dma_start3A_646 : memref<1x1024xi32, #tpu.memory_space<hbm>> -> memref<1024xi32, #tpu.memory_space<hbm>>
      %dma_start3A_648 = arith.constant 9216 : i32
      %dma_start3A_649 = tpu.memref_slice %arg8[%dma_start3A_648] : memref<16384xi32, #tpu.memory_space<vmem>> -> memref<1024xi32, #tpu.memory_space<vmem>>
      %dma_start3A_650 = arith.constant 0 : i32
      %dma_start3A_651 = tpu.memref_slice %arg3[%add3A_642, %dma_start3A_650] : memref<8192x1024xi32, #tpu.memory_space<hbm>> -> memref<1x1024xi32, #tpu.memory_space<hbm>>
      %dma_start3A_652 = tpu.memref_squeeze %dma_start3A_651 : memref<1x1024xi32, #tpu.memory_space<hbm>> -> memref<1024xi32, #tpu.memory_space<hbm>>
      tpu.enqueue_dma source(%dma_start3A_652 : memref<1024xi32, #tpu.memory_space<hbm>>) target(%dma_start3A_649 : memref<1024xi32, #tpu.memory_space<vmem>>) target_semaphore(%arg16 : memref<!tpu.dma_semaphore, #tpu.memory_space<semaphore_mem>>)
      %add3A_653 = arith.constant 9 : i32
      %add3A_654 = arith.addi %add3A_424, %add3A_653 : i32
      %dma_start3A_655 = arith.constant 9216 : i32
      %dma_start3A_656 = tpu.memref_slice %arg10[%dma_start3A_655] : memref<16384xi32, #tpu.memory_space<vmem>> -> memref<1024xi32, #tpu.memory_space<vmem>>
      %dma_start3A_657 = arith.constant 0 : i32
      %dma_start3A_658 = tpu.memref_slice %arg4[%add3A_654, %dma_start3A_657] : memref<8192x1024xi32, #tpu.memory_space<hbm>> -> memref<1x1024xi32, #tpu.memory_space<hbm>>
      %dma_start3A_659 = tpu.memref_squeeze %dma_start3A_658 : memref<1x1024xi32, #tpu.memory_space<hbm>> -> memref<1024xi32, #tpu.memory_space<hbm>>
      %dma_start3A_660 = arith.constant 9216 : i32
      %dma_start3A_661 = tpu.memref_slice %arg10[%dma_start3A_660] : memref<16384xi32, #tpu.memory_space<vmem>> -> memref<1024xi32, #tpu.memory_space<vmem>>
      %dma_start3A_662 = arith.constant 0 : i32
      %dma_start3A_663 = tpu.memref_slice %arg4[%add3A_654, %dma_start3A_662] : memref<8192x1024xi32, #tpu.memory_space<hbm>> -> memref<1x1024xi32, #tpu.memory_space<hbm>>
      %dma_start3A_664 = tpu.memref_squeeze %dma_start3A_663 : memref<1x1024xi32, #tpu.memory_space<hbm>> -> memref<1024xi32, #tpu.memory_space<hbm>>
      tpu.enqueue_dma source(%dma_start3A_664 : memref<1024xi32, #tpu.memory_space<hbm>>) target(%dma_start3A_661 : memref<1024xi32, #tpu.memory_space<vmem>>) target_semaphore(%arg16 : memref<!tpu.dma_semaphore, #tpu.memory_space<semaphore_mem>>)
      %add3A_665 = arith.constant 10 : i32
      %add3A_666 = arith.addi %add3A_424, %add3A_665 : i32
      %dma_start3A_667 = arith.constant 10240 : i32
      %dma_start3A_668 = tpu.memref_slice %arg8[%dma_start3A_667] : memref<16384xi32, #tpu.memory_space<vmem>> -> memref<1024xi32, #tpu.memory_space<vmem>>
      %dma_start3A_669 = arith.constant 0 : i32
      %dma_start3A_670 = tpu.memref_slice %arg3[%add3A_666, %dma_start3A_669] : memref<8192x1024xi32, #tpu.memory_space<hbm>> -> memref<1x1024xi32, #tpu.memory_space<hbm>>
      %dma_start3A_671 = tpu.memref_squeeze %dma_start3A_670 : memref<1x1024xi32, #tpu.memory_space<hbm>> -> memref<1024xi32, #tpu.memory_space<hbm>>
      %dma_start3A_672 = arith.constant 10240 : i32
      %dma_start3A_673 = tpu.memref_slice %arg8[%dma_start3A_672] : memref<16384xi32, #tpu.memory_space<vmem>> -> memref<1024xi32, #tpu.memory_space<vmem>>
      %dma_start3A_674 = arith.constant 0 : i32
      %dma_start3A_675 = tpu.memref_slice %arg3[%add3A_666, %dma_start3A_674] : memref<8192x1024xi32, #tpu.memory_space<hbm>> -> memref<1x1024xi32, #tpu.memory_space<hbm>>
      %dma_start3A_676 = tpu.memref_squeeze %dma_start3A_675 : memref<1x1024xi32, #tpu.memory_space<hbm>> -> memref<1024xi32, #tpu.memory_space<hbm>>
      tpu.enqueue_dma source(%dma_start3A_676 : memref<1024xi32, #tpu.memory_space<hbm>>) target(%dma_start3A_673 : memref<1024xi32, #tpu.memory_space<vmem>>) target_semaphore(%arg16 : memref<!tpu.dma_semaphore, #tpu.memory_space<semaphore_mem>>)
      %add3A_677 = arith.constant 10 : i32
      %add3A_678 = arith.addi %add3A_424, %add3A_677 : i32
      %dma_start3A_679 = arith.constant 10240 : i32
      %dma_start3A_680 = tpu.memref_slice %arg10[%dma_start3A_679] : memref<16384xi32, #tpu.memory_space<vmem>> -> memref<1024xi32, #tpu.memory_space<vmem>>
      %dma_start3A_681 = arith.constant 0 : i32
      %dma_start3A_682 = tpu.memref_slice %arg4[%add3A_678, %dma_start3A_681] : memref<8192x1024xi32, #tpu.memory_space<hbm>> -> memref<1x1024xi32, #tpu.memory_space<hbm>>
      %dma_start3A_683 = tpu.memref_squeeze %dma_start3A_682 : memref<1x1024xi32, #tpu.memory_space<hbm>> -> memref<1024xi32, #tpu.memory_space<hbm>>
      %dma_start3A_684 = arith.constant 10240 : i32
      %dma_start3A_685 = tpu.memref_slice %arg10[%dma_start3A_684] : memref<16384xi32, #tpu.memory_space<vmem>> -> memref<1024xi32, #tpu.memory_space<vmem>>
      %dma_start3A_686 = arith.constant 0 : i32
      %dma_start3A_687 = tpu.memref_slice %arg4[%add3A_678, %dma_start3A_686] : memref<8192x1024xi32, #tpu.memory_space<hbm>> -> memref<1x1024xi32, #tpu.memory_space<hbm>>
      %dma_start3A_688 = tpu.memref_squeeze %dma_start3A_687 : memref<1x1024xi32, #tpu.memory_space<hbm>> -> memref<1024xi32, #tpu.memory_space<hbm>>
      tpu.enqueue_dma source(%dma_start3A_688 : memref<1024xi32, #tpu.memory_space<hbm>>) target(%dma_start3A_685 : memref<1024xi32, #tpu.memory_space<vmem>>) target_semaphore(%arg16 : memref<!tpu.dma_semaphore, #tpu.memory_space<semaphore_mem>>)
      %add3A_689 = arith.constant 11 : i32
      %add3A_690 = arith.addi %add3A_424, %add3A_689 : i32
      %dma_start3A_691 = arith.constant 11264 : i32
      %dma_start3A_692 = tpu.memref_slice %arg8[%dma_start3A_691] : memref<16384xi32, #tpu.memory_space<vmem>> -> memref<1024xi32, #tpu.memory_space<vmem>>
      %dma_start3A_693 = arith.constant 0 : i32
      %dma_start3A_694 = tpu.memref_slice %arg3[%add3A_690, %dma_start3A_693] : memref<8192x1024xi32, #tpu.memory_space<hbm>> -> memref<1x1024xi32, #tpu.memory_space<hbm>>
      %dma_start3A_695 = tpu.memref_squeeze %dma_start3A_694 : memref<1x1024xi32, #tpu.memory_space<hbm>> -> memref<1024xi32, #tpu.memory_space<hbm>>
      %dma_start3A_696 = arith.constant 11264 : i32
      %dma_start3A_697 = tpu.memref_slice %arg8[%dma_start3A_696] : memref<16384xi32, #tpu.memory_space<vmem>> -> memref<1024xi32, #tpu.memory_space<vmem>>
      %dma_start3A_698 = arith.constant 0 : i32
      %dma_start3A_699 = tpu.memref_slice %arg3[%add3A_690, %dma_start3A_698] : memref<8192x1024xi32, #tpu.memory_space<hbm>> -> memref<1x1024xi32, #tpu.memory_space<hbm>>
      %dma_start3A_700 = tpu.memref_squeeze %dma_start3A_699 : memref<1x1024xi32, #tpu.memory_space<hbm>> -> memref<1024xi32, #tpu.memory_space<hbm>>
      tpu.enqueue_dma source(%dma_start3A_700 : memref<1024xi32, #tpu.memory_space<hbm>>) target(%dma_start3A_697 : memref<1024xi32, #tpu.memory_space<vmem>>) target_semaphore(%arg16 : memref<!tpu.dma_semaphore, #tpu.memory_space<semaphore_mem>>)
      %add3A_701 = arith.constant 11 : i32
      %add3A_702 = arith.addi %add3A_424, %add3A_701 : i32
      %dma_start3A_703 = arith.constant 11264 : i32
      %dma_start3A_704 = tpu.memref_slice %arg10[%dma_start3A_703] : memref<16384xi32, #tpu.memory_space<vmem>> -> memref<1024xi32, #tpu.memory_space<vmem>>
      %dma_start3A_705 = arith.constant 0 : i32
      %dma_start3A_706 = tpu.memref_slice %arg4[%add3A_702, %dma_start3A_705] : memref<8192x1024xi32, #tpu.memory_space<hbm>> -> memref<1x1024xi32, #tpu.memory_space<hbm>>
      %dma_start3A_707 = tpu.memref_squeeze %dma_start3A_706 : memref<1x1024xi32, #tpu.memory_space<hbm>> -> memref<1024xi32, #tpu.memory_space<hbm>>
      %dma_start3A_708 = arith.constant 11264 : i32
      %dma_start3A_709 = tpu.memref_slice %arg10[%dma_start3A_708] : memref<16384xi32, #tpu.memory_space<vmem>> -> memref<1024xi32, #tpu.memory_space<vmem>>
      %dma_start3A_710 = arith.constant 0 : i32
      %dma_start3A_711 = tpu.memref_slice %arg4[%add3A_702, %dma_start3A_710] : memref<8192x1024xi32, #tpu.memory_space<hbm>> -> memref<1x1024xi32, #tpu.memory_space<hbm>>
      %dma_start3A_712 = tpu.memref_squeeze %dma_start3A_711 : memref<1x1024xi32, #tpu.memory_space<hbm>> -> memref<1024xi32, #tpu.memory_space<hbm>>
      tpu.enqueue_dma source(%dma_start3A_712 : memref<1024xi32, #tpu.memory_space<hbm>>) target(%dma_start3A_709 : memref<1024xi32, #tpu.memory_space<vmem>>) target_semaphore(%arg16 : memref<!tpu.dma_semaphore, #tpu.memory_space<semaphore_mem>>)
      %add3A_713 = arith.constant 12 : i32
      %add3A_714 = arith.addi %add3A_424, %add3A_713 : i32
      %dma_start3A_715 = arith.constant 12288 : i32
      %dma_start3A_716 = tpu.memref_slice %arg8[%dma_start3A_715] : memref<16384xi32, #tpu.memory_space<vmem>> -> memref<1024xi32, #tpu.memory_space<vmem>>
      %dma_start3A_717 = arith.constant 0 : i32
      %dma_start3A_718 = tpu.memref_slice %arg3[%add3A_714, %dma_start3A_717] : memref<8192x1024xi32, #tpu.memory_space<hbm>> -> memref<1x1024xi32, #tpu.memory_space<hbm>>
      %dma_start3A_719 = tpu.memref_squeeze %dma_start3A_718 : memref<1x1024xi32, #tpu.memory_space<hbm>> -> memref<1024xi32, #tpu.memory_space<hbm>>
      %dma_start3A_720 = arith.constant 12288 : i32
      %dma_start3A_721 = tpu.memref_slice %arg8[%dma_start3A_720] : memref<16384xi32, #tpu.memory_space<vmem>> -> memref<1024xi32, #tpu.memory_space<vmem>>
      %dma_start3A_722 = arith.constant 0 : i32
      %dma_start3A_723 = tpu.memref_slice %arg3[%add3A_714, %dma_start3A_722] : memref<8192x1024xi32, #tpu.memory_space<hbm>> -> memref<1x1024xi32, #tpu.memory_space<hbm>>
      %dma_start3A_724 = tpu.memref_squeeze %dma_start3A_723 : memref<1x1024xi32, #tpu.memory_space<hbm>> -> memref<1024xi32, #tpu.memory_space<hbm>>
      tpu.enqueue_dma source(%dma_start3A_724 : memref<1024xi32, #tpu.memory_space<hbm>>) target(%dma_start3A_721 : memref<1024xi32, #tpu.memory_space<vmem>>) target_semaphore(%arg16 : memref<!tpu.dma_semaphore, #tpu.memory_space<semaphore_mem>>)
      %add3A_725 = arith.constant 12 : i32
      %add3A_726 = arith.addi %add3A_424, %add3A_725 : i32
      %dma_start3A_727 = arith.constant 12288 : i32
      %dma_start3A_728 = tpu.memref_slice %arg10[%dma_start3A_727] : memref<16384xi32, #tpu.memory_space<vmem>> -> memref<1024xi32, #tpu.memory_space<vmem>>
      %dma_start3A_729 = arith.constant 0 : i32
      %dma_start3A_730 = tpu.memref_slice %arg4[%add3A_726, %dma_start3A_729] : memref<8192x1024xi32, #tpu.memory_space<hbm>> -> memref<1x1024xi32, #tpu.memory_space<hbm>>
      %dma_start3A_731 = tpu.memref_squeeze %dma_start3A_730 : memref<1x1024xi32, #tpu.memory_space<hbm>> -> memref<1024xi32, #tpu.memory_space<hbm>>
      %dma_start3A_732 = arith.constant 12288 : i32
      %dma_start3A_733 = tpu.memref_slice %arg10[%dma_start3A_732] : memref<16384xi32, #tpu.memory_space<vmem>> -> memref<1024xi32, #tpu.memory_space<vmem>>
      %dma_start3A_734 = arith.constant 0 : i32
      %dma_start3A_735 = tpu.memref_slice %arg4[%add3A_726, %dma_start3A_734] : memref<8192x1024xi32, #tpu.memory_space<hbm>> -> memref<1x1024xi32, #tpu.memory_space<hbm>>
      %dma_start3A_736 = tpu.memref_squeeze %dma_start3A_735 : memref<1x1024xi32, #tpu.memory_space<hbm>> -> memref<1024xi32, #tpu.memory_space<hbm>>
      tpu.enqueue_dma source(%dma_start3A_736 : memref<1024xi32, #tpu.memory_space<hbm>>) target(%dma_start3A_733 : memref<1024xi32, #tpu.memory_space<vmem>>) target_semaphore(%arg16 : memref<!tpu.dma_semaphore, #tpu.memory_space<semaphore_mem>>)
      %add3A_737 = arith.constant 13 : i32
      %add3A_738 = arith.addi %add3A_424, %add3A_737 : i32
      %dma_start3A_739 = arith.constant 13312 : i32
      %dma_start3A_740 = tpu.memref_slice %arg8[%dma_start3A_739] : memref<16384xi32, #tpu.memory_space<vmem>> -> memref<1024xi32, #tpu.memory_space<vmem>>
      %dma_start3A_741 = arith.constant 0 : i32
      %dma_start3A_742 = tpu.memref_slice %arg3[%add3A_738, %dma_start3A_741] : memref<8192x1024xi32, #tpu.memory_space<hbm>> -> memref<1x1024xi32, #tpu.memory_space<hbm>>
      %dma_start3A_743 = tpu.memref_squeeze %dma_start3A_742 : memref<1x1024xi32, #tpu.memory_space<hbm>> -> memref<1024xi32, #tpu.memory_space<hbm>>
      %dma_start3A_744 = arith.constant 13312 : i32
      %dma_start3A_745 = tpu.memref_slice %arg8[%dma_start3A_744] : memref<16384xi32, #tpu.memory_space<vmem>> -> memref<1024xi32, #tpu.memory_space<vmem>>
      %dma_start3A_746 = arith.constant 0 : i32
      %dma_start3A_747 = tpu.memref_slice %arg3[%add3A_738, %dma_start3A_746] : memref<8192x1024xi32, #tpu.memory_space<hbm>> -> memref<1x1024xi32, #tpu.memory_space<hbm>>
      %dma_start3A_748 = tpu.memref_squeeze %dma_start3A_747 : memref<1x1024xi32, #tpu.memory_space<hbm>> -> memref<1024xi32, #tpu.memory_space<hbm>>
      tpu.enqueue_dma source(%dma_start3A_748 : memref<1024xi32, #tpu.memory_space<hbm>>) target(%dma_start3A_745 : memref<1024xi32, #tpu.memory_space<vmem>>) target_semaphore(%arg16 : memref<!tpu.dma_semaphore, #tpu.memory_space<semaphore_mem>>)
      %add3A_749 = arith.constant 13 : i32
      %add3A_750 = arith.addi %add3A_424, %add3A_749 : i32
      %dma_start3A_751 = arith.constant 13312 : i32
      %dma_start3A_752 = tpu.memref_slice %arg10[%dma_start3A_751] : memref<16384xi32, #tpu.memory_space<vmem>> -> memref<1024xi32, #tpu.memory_space<vmem>>
      %dma_start3A_753 = arith.constant 0 : i32
      %dma_start3A_754 = tpu.memref_slice %arg4[%add3A_750, %dma_start3A_753] : memref<8192x1024xi32, #tpu.memory_space<hbm>> -> memref<1x1024xi32, #tpu.memory_space<hbm>>
      %dma_start3A_755 = tpu.memref_squeeze %dma_start3A_754 : memref<1x1024xi32, #tpu.memory_space<hbm>> -> memref<1024xi32, #tpu.memory_space<hbm>>
      %dma_start3A_756 = arith.constant 13312 : i32
      %dma_start3A_757 = tpu.memref_slice %arg10[%dma_start3A_756] : memref<16384xi32, #tpu.memory_space<vmem>> -> memref<1024xi32, #tpu.memory_space<vmem>>
      %dma_start3A_758 = arith.constant 0 : i32
      %dma_start3A_759 = tpu.memref_slice %arg4[%add3A_750, %dma_start3A_758] : memref<8192x1024xi32, #tpu.memory_space<hbm>> -> memref<1x1024xi32, #tpu.memory_space<hbm>>
      %dma_start3A_760 = tpu.memref_squeeze %dma_start3A_759 : memref<1x1024xi32, #tpu.memory_space<hbm>> -> memref<1024xi32, #tpu.memory_space<hbm>>
      tpu.enqueue_dma source(%dma_start3A_760 : memref<1024xi32, #tpu.memory_space<hbm>>) target(%dma_start3A_757 : memref<1024xi32, #tpu.memory_space<vmem>>) target_semaphore(%arg16 : memref<!tpu.dma_semaphore, #tpu.memory_space<semaphore_mem>>)
      %add3A_761 = arith.constant 14 : i32
      %add3A_762 = arith.addi %add3A_424, %add3A_761 : i32
      %dma_start3A_763 = arith.constant 14336 : i32
      %dma_start3A_764 = tpu.memref_slice %arg8[%dma_start3A_763] : memref<16384xi32, #tpu.memory_space<vmem>> -> memref<1024xi32, #tpu.memory_space<vmem>>
      %dma_start3A_765 = arith.constant 0 : i32
      %dma_start3A_766 = tpu.memref_slice %arg3[%add3A_762, %dma_start3A_765] : memref<8192x1024xi32, #tpu.memory_space<hbm>> -> memref<1x1024xi32, #tpu.memory_space<hbm>>
      %dma_start3A_767 = tpu.memref_squeeze %dma_start3A_766 : memref<1x1024xi32, #tpu.memory_space<hbm>> -> memref<1024xi32, #tpu.memory_space<hbm>>
      %dma_start3A_768 = arith.constant 14336 : i32
      %dma_start3A_769 = tpu.memref_slice %arg8[%dma_start3A_768] : memref<16384xi32, #tpu.memory_space<vmem>> -> memref<1024xi32, #tpu.memory_space<vmem>>
      %dma_start3A_770 = arith.constant 0 : i32
      %dma_start3A_771 = tpu.memref_slice %arg3[%add3A_762, %dma_start3A_770] : memref<8192x1024xi32, #tpu.memory_space<hbm>> -> memref<1x1024xi32, #tpu.memory_space<hbm>>
      %dma_start3A_772 = tpu.memref_squeeze %dma_start3A_771 : memref<1x1024xi32, #tpu.memory_space<hbm>> -> memref<1024xi32, #tpu.memory_space<hbm>>
      tpu.enqueue_dma source(%dma_start3A_772 : memref<1024xi32, #tpu.memory_space<hbm>>) target(%dma_start3A_769 : memref<1024xi32, #tpu.memory_space<vmem>>) target_semaphore(%arg16 : memref<!tpu.dma_semaphore, #tpu.memory_space<semaphore_mem>>)
      %add3A_773 = arith.constant 14 : i32
      %add3A_774 = arith.addi %add3A_424, %add3A_773 : i32
      %dma_start3A_775 = arith.constant 14336 : i32
      %dma_start3A_776 = tpu.memref_slice %arg10[%dma_start3A_775] : memref<16384xi32, #tpu.memory_space<vmem>> -> memref<1024xi32, #tpu.memory_space<vmem>>
      %dma_start3A_777 = arith.constant 0 : i32
      %dma_start3A_778 = tpu.memref_slice %arg4[%add3A_774, %dma_start3A_777] : memref<8192x1024xi32, #tpu.memory_space<hbm>> -> memref<1x1024xi32, #tpu.memory_space<hbm>>
      %dma_start3A_779 = tpu.memref_squeeze %dma_start3A_778 : memref<1x1024xi32, #tpu.memory_space<hbm>> -> memref<1024xi32, #tpu.memory_space<hbm>>
      %dma_start3A_780 = arith.constant 14336 : i32
      %dma_start3A_781 = tpu.memref_slice %arg10[%dma_start3A_780] : memref<16384xi32, #tpu.memory_space<vmem>> -> memref<1024xi32, #tpu.memory_space<vmem>>
      %dma_start3A_782 = arith.constant 0 : i32
      %dma_start3A_783 = tpu.memref_slice %arg4[%add3A_774, %dma_start3A_782] : memref<8192x1024xi32, #tpu.memory_space<hbm>> -> memref<1x1024xi32, #tpu.memory_space<hbm>>
      %dma_start3A_784 = tpu.memref_squeeze %dma_start3A_783 : memref<1x1024xi32, #tpu.memory_space<hbm>> -> memref<1024xi32, #tpu.memory_space<hbm>>
      tpu.enqueue_dma source(%dma_start3A_784 : memref<1024xi32, #tpu.memory_space<hbm>>) target(%dma_start3A_781 : memref<1024xi32, #tpu.memory_space<vmem>>) target_semaphore(%arg16 : memref<!tpu.dma_semaphore, #tpu.memory_space<semaphore_mem>>)
      %add3A_785 = arith.constant 15 : i32
      %add3A_786 = arith.addi %add3A_424, %add3A_785 : i32
      %dma_start3A_787 = arith.constant 15360 : i32
      %dma_start3A_788 = tpu.memref_slice %arg8[%dma_start3A_787] : memref<16384xi32, #tpu.memory_space<vmem>> -> memref<1024xi32, #tpu.memory_space<vmem>>
      %dma_start3A_789 = arith.constant 0 : i32
      %dma_start3A_790 = tpu.memref_slice %arg3[%add3A_786, %dma_start3A_789] : memref<8192x1024xi32, #tpu.memory_space<hbm>> -> memref<1x1024xi32, #tpu.memory_space<hbm>>
      %dma_start3A_791 = tpu.memref_squeeze %dma_start3A_790 : memref<1x1024xi32, #tpu.memory_space<hbm>> -> memref<1024xi32, #tpu.memory_space<hbm>>
      %dma_start3A_792 = arith.constant 15360 : i32
      %dma_start3A_793 = tpu.memref_slice %arg8[%dma_start3A_792] : memref<16384xi32, #tpu.memory_space<vmem>> -> memref<1024xi32, #tpu.memory_space<vmem>>
      %dma_start3A_794 = arith.constant 0 : i32
      %dma_start3A_795 = tpu.memref_slice %arg3[%add3A_786, %dma_start3A_794] : memref<8192x1024xi32, #tpu.memory_space<hbm>> -> memref<1x1024xi32, #tpu.memory_space<hbm>>
      %dma_start3A_796 = tpu.memref_squeeze %dma_start3A_795 : memref<1x1024xi32, #tpu.memory_space<hbm>> -> memref<1024xi32, #tpu.memory_space<hbm>>
      tpu.enqueue_dma source(%dma_start3A_796 : memref<1024xi32, #tpu.memory_space<hbm>>) target(%dma_start3A_793 : memref<1024xi32, #tpu.memory_space<vmem>>) target_semaphore(%arg16 : memref<!tpu.dma_semaphore, #tpu.memory_space<semaphore_mem>>)
      %add3A_797 = arith.constant 15 : i32
      %add3A_798 = arith.addi %add3A_424, %add3A_797 : i32
      %dma_start3A_799 = arith.constant 15360 : i32
      %dma_start3A_800 = tpu.memref_slice %arg10[%dma_start3A_799] : memref<16384xi32, #tpu.memory_space<vmem>> -> memref<1024xi32, #tpu.memory_space<vmem>>
      %dma_start3A_801 = arith.constant 0 : i32
      %dma_start3A_802 = tpu.memref_slice %arg4[%add3A_798, %dma_start3A_801] : memref<8192x1024xi32, #tpu.memory_space<hbm>> -> memref<1x1024xi32, #tpu.memory_space<hbm>>
      %dma_start3A_803 = tpu.memref_squeeze %dma_start3A_802 : memref<1x1024xi32, #tpu.memory_space<hbm>> -> memref<1024xi32, #tpu.memory_space<hbm>>
      %dma_start3A_804 = arith.constant 15360 : i32
      %dma_start3A_805 = tpu.memref_slice %arg10[%dma_start3A_804] : memref<16384xi32, #tpu.memory_space<vmem>> -> memref<1024xi32, #tpu.memory_space<vmem>>
      %dma_start3A_806 = arith.constant 0 : i32
      %dma_start3A_807 = tpu.memref_slice %arg4[%add3A_798, %dma_start3A_806] : memref<8192x1024xi32, #tpu.memory_space<hbm>> -> memref<1x1024xi32, #tpu.memory_space<hbm>>
      %dma_start3A_808 = tpu.memref_squeeze %dma_start3A_807 : memref<1x1024xi32, #tpu.memory_space<hbm>> -> memref<1024xi32, #tpu.memory_space<hbm>>
      tpu.enqueue_dma source(%dma_start3A_808 : memref<1024xi32, #tpu.memory_space<hbm>>) target(%dma_start3A_805 : memref<1024xi32, #tpu.memory_space<vmem>>) target_semaphore(%arg16 : memref<!tpu.dma_semaphore, #tpu.memory_space<semaphore_mem>>)
      %mul3A_809 = arith.constant 16 : i32
      %mul3A_810 = arith.muli %mul3A_419, %mul3A_809 : i32
      %add3A_811 = arith.addi %mul3A_3, %mul3A_810 : i32
      %add3A_812 = arith.constant 0 : i32
      %add3A_813 = arith.addi %add3A_811, %add3A_812 : i32
      %dma_wait3A_814 = arith.constant 0 : i32
      %dma_wait3A_815 = tpu.memref_slice %arg7[%dma_wait3A_814] : memref<16384xi32, #tpu.memory_space<vmem>> -> memref<1024xi32, #tpu.memory_space<vmem>>
      %dma_wait3A_816 = arith.constant 0 : i32
      %dma_wait3A_817 = tpu.memref_slice %arg3[%add3A_813, %dma_wait3A_816] : memref<8192x1024xi32, #tpu.memory_space<hbm>> -> memref<1x1024xi32, #tpu.memory_space<hbm>>
      %dma_wait3A_818 = tpu.memref_squeeze %dma_wait3A_817 : memref<1x1024xi32, #tpu.memory_space<hbm>> -> memref<1024xi32, #tpu.memory_space<hbm>>
      %dma_wait3A_819 = arith.constant 0 : i32
      %dma_wait3A_820 = tpu.memref_slice %arg7[%dma_wait3A_819] : memref<16384xi32, #tpu.memory_space<vmem>> -> memref<1024xi32, #tpu.memory_space<vmem>>
      %dma_wait3A_821 = arith.constant 0 : i32
      %dma_wait3A_822 = tpu.memref_slice %arg3[%add3A_813, %dma_wait3A_821] : memref<8192x1024xi32, #tpu.memory_space<hbm>> -> memref<1x1024xi32, #tpu.memory_space<hbm>>
      %dma_wait3A_823 = tpu.memref_squeeze %dma_wait3A_822 : memref<1x1024xi32, #tpu.memory_space<hbm>> -> memref<1024xi32, #tpu.memory_space<hbm>>
      tpu.wait_dma2 semaphore(%arg15 : memref<!tpu.dma_semaphore, #tpu.memory_space<semaphore_mem>>) src(%dma_wait3A_823 : memref<1024xi32, #tpu.memory_space<hbm>>) dst(%dma_wait3A_820 : memref<1024xi32, #tpu.memory_space<vmem>>)
      %add3A_824 = arith.constant 0 : i32
      %add3A_825 = arith.addi %add3A_811, %add3A_824 : i32
      %dma_wait3A_826 = arith.constant 0 : i32
      %dma_wait3A_827 = tpu.memref_slice %arg9[%dma_wait3A_826] : memref<16384xi32, #tpu.memory_space<vmem>> -> memref<1024xi32, #tpu.memory_space<vmem>>
      %dma_wait3A_828 = arith.constant 0 : i32
      %dma_wait3A_829 = tpu.memref_slice %arg4[%add3A_825, %dma_wait3A_828] : memref<8192x1024xi32, #tpu.memory_space<hbm>> -> memref<1x1024xi32, #tpu.memory_space<hbm>>
      %dma_wait3A_830 = tpu.memref_squeeze %dma_wait3A_829 : memref<1x1024xi32, #tpu.memory_space<hbm>> -> memref<1024xi32, #tpu.memory_space<hbm>>
      %dma_wait3A_831 = arith.constant 0 : i32
      %dma_wait3A_832 = tpu.memref_slice %arg9[%dma_wait3A_831] : memref<16384xi32, #tpu.memory_space<vmem>> -> memref<1024xi32, #tpu.memory_space<vmem>>
      %dma_wait3A_833 = arith.constant 0 : i32
      %dma_wait3A_834 = tpu.memref_slice %arg4[%add3A_825, %dma_wait3A_833] : memref<8192x1024xi32, #tpu.memory_space<hbm>> -> memref<1x1024xi32, #tpu.memory_space<hbm>>
      %dma_wait3A_835 = tpu.memref_squeeze %dma_wait3A_834 : memref<1x1024xi32, #tpu.memory_space<hbm>> -> memref<1024xi32, #tpu.memory_space<hbm>>
      tpu.wait_dma2 semaphore(%arg15 : memref<!tpu.dma_semaphore, #tpu.memory_space<semaphore_mem>>) src(%dma_wait3A_835 : memref<1024xi32, #tpu.memory_space<hbm>>) dst(%dma_wait3A_832 : memref<1024xi32, #tpu.memory_space<vmem>>)
      %add3A_836 = arith.constant 1 : i32
      %add3A_837 = arith.addi %add3A_811, %add3A_836 : i32
      %dma_wait3A_838 = arith.constant 1024 : i32
      %dma_wait3A_839 = tpu.memref_slice %arg7[%dma_wait3A_838] : memref<16384xi32, #tpu.memory_space<vmem>> -> memref<1024xi32, #tpu.memory_space<vmem>>
      %dma_wait3A_840 = arith.constant 0 : i32
      %dma_wait3A_841 = tpu.memref_slice %arg3[%add3A_837, %dma_wait3A_840] : memref<8192x1024xi32, #tpu.memory_space<hbm>> -> memref<1x1024xi32, #tpu.memory_space<hbm>>
      %dma_wait3A_842 = tpu.memref_squeeze %dma_wait3A_841 : memref<1x1024xi32, #tpu.memory_space<hbm>> -> memref<1024xi32, #tpu.memory_space<hbm>>
      %dma_wait3A_843 = arith.constant 1024 : i32
      %dma_wait3A_844 = tpu.memref_slice %arg7[%dma_wait3A_843] : memref<16384xi32, #tpu.memory_space<vmem>> -> memref<1024xi32, #tpu.memory_space<vmem>>
      %dma_wait3A_845 = arith.constant 0 : i32
      %dma_wait3A_846 = tpu.memref_slice %arg3[%add3A_837, %dma_wait3A_845] : memref<8192x1024xi32, #tpu.memory_space<hbm>> -> memref<1x1024xi32, #tpu.memory_space<hbm>>
      %dma_wait3A_847 = tpu.memref_squeeze %dma_wait3A_846 : memref<1x1024xi32, #tpu.memory_space<hbm>> -> memref<1024xi32, #tpu.memory_space<hbm>>
      tpu.wait_dma2 semaphore(%arg15 : memref<!tpu.dma_semaphore, #tpu.memory_space<semaphore_mem>>) src(%dma_wait3A_847 : memref<1024xi32, #tpu.memory_space<hbm>>) dst(%dma_wait3A_844 : memref<1024xi32, #tpu.memory_space<vmem>>)
      %add3A_848 = arith.constant 1 : i32
      %add3A_849 = arith.addi %add3A_811, %add3A_848 : i32
      %dma_wait3A_850 = arith.constant 1024 : i32
      %dma_wait3A_851 = tpu.memref_slice %arg9[%dma_wait3A_850] : memref<16384xi32, #tpu.memory_space<vmem>> -> memref<1024xi32, #tpu.memory_space<vmem>>
      %dma_wait3A_852 = arith.constant 0 : i32
      %dma_wait3A_853 = tpu.memref_slice %arg4[%add3A_849, %dma_wait3A_852] : memref<8192x1024xi32, #tpu.memory_space<hbm>> -> memref<1x1024xi32, #tpu.memory_space<hbm>>
      %dma_wait3A_854 = tpu.memref_squeeze %dma_wait3A_853 : memref<1x1024xi32, #tpu.memory_space<hbm>> -> memref<1024xi32, #tpu.memory_space<hbm>>
      %dma_wait3A_855 = arith.constant 1024 : i32
      %dma_wait3A_856 = tpu.memref_slice %arg9[%dma_wait3A_855] : memref<16384xi32, #tpu.memory_space<vmem>> -> memref<1024xi32, #tpu.memory_space<vmem>>
      %dma_wait3A_857 = arith.constant 0 : i32
      %dma_wait3A_858 = tpu.memref_slice %arg4[%add3A_849, %dma_wait3A_857] : memref<8192x1024xi32, #tpu.memory_space<hbm>> -> memref<1x1024xi32, #tpu.memory_space<hbm>>
      %dma_wait3A_859 = tpu.memref_squeeze %dma_wait3A_858 : memref<1x1024xi32, #tpu.memory_space<hbm>> -> memref<1024xi32, #tpu.memory_space<hbm>>
      tpu.wait_dma2 semaphore(%arg15 : memref<!tpu.dma_semaphore, #tpu.memory_space<semaphore_mem>>) src(%dma_wait3A_859 : memref<1024xi32, #tpu.memory_space<hbm>>) dst(%dma_wait3A_856 : memref<1024xi32, #tpu.memory_space<vmem>>)
      %add3A_860 = arith.constant 2 : i32
      %add3A_861 = arith.addi %add3A_811, %add3A_860 : i32
      %dma_wait3A_862 = arith.constant 2048 : i32
      %dma_wait3A_863 = tpu.memref_slice %arg7[%dma_wait3A_862] : memref<16384xi32, #tpu.memory_space<vmem>> -> memref<1024xi32, #tpu.memory_space<vmem>>
      %dma_wait3A_864 = arith.constant 0 : i32
      %dma_wait3A_865 = tpu.memref_slice %arg3[%add3A_861, %dma_wait3A_864] : memref<8192x1024xi32, #tpu.memory_space<hbm>> -> memref<1x1024xi32, #tpu.memory_space<hbm>>
      %dma_wait3A_866 = tpu.memref_squeeze %dma_wait3A_865 : memref<1x1024xi32, #tpu.memory_space<hbm>> -> memref<1024xi32, #tpu.memory_space<hbm>>
      %dma_wait3A_867 = arith.constant 2048 : i32
      %dma_wait3A_868 = tpu.memref_slice %arg7[%dma_wait3A_867] : memref<16384xi32, #tpu.memory_space<vmem>> -> memref<1024xi32, #tpu.memory_space<vmem>>
      %dma_wait3A_869 = arith.constant 0 : i32
      %dma_wait3A_870 = tpu.memref_slice %arg3[%add3A_861, %dma_wait3A_869] : memref<8192x1024xi32, #tpu.memory_space<hbm>> -> memref<1x1024xi32, #tpu.memory_space<hbm>>
      %dma_wait3A_871 = tpu.memref_squeeze %dma_wait3A_870 : memref<1x1024xi32, #tpu.memory_space<hbm>> -> memref<1024xi32, #tpu.memory_space<hbm>>
      tpu.wait_dma2 semaphore(%arg15 : memref<!tpu.dma_semaphore, #tpu.memory_space<semaphore_mem>>) src(%dma_wait3A_871 : memref<1024xi32, #tpu.memory_space<hbm>>) dst(%dma_wait3A_868 : memref<1024xi32, #tpu.memory_space<vmem>>)
      %add3A_872 = arith.constant 2 : i32
      %add3A_873 = arith.addi %add3A_811, %add3A_872 : i32
      %dma_wait3A_874 = arith.constant 2048 : i32
      %dma_wait3A_875 = tpu.memref_slice %arg9[%dma_wait3A_874] : memref<16384xi32, #tpu.memory_space<vmem>> -> memref<1024xi32, #tpu.memory_space<vmem>>
      %dma_wait3A_876 = arith.constant 0 : i32
      %dma_wait3A_877 = tpu.memref_slice %arg4[%add3A_873, %dma_wait3A_876] : memref<8192x1024xi32, #tpu.memory_space<hbm>> -> memref<1x1024xi32, #tpu.memory_space<hbm>>
      %dma_wait3A_878 = tpu.memref_squeeze %dma_wait3A_877 : memref<1x1024xi32, #tpu.memory_space<hbm>> -> memref<1024xi32, #tpu.memory_space<hbm>>
      %dma_wait3A_879 = arith.constant 2048 : i32
      %dma_wait3A_880 = tpu.memref_slice %arg9[%dma_wait3A_879] : memref<16384xi32, #tpu.memory_space<vmem>> -> memref<1024xi32, #tpu.memory_space<vmem>>
      %dma_wait3A_881 = arith.constant 0 : i32
      %dma_wait3A_882 = tpu.memref_slice %arg4[%add3A_873, %dma_wait3A_881] : memref<8192x1024xi32, #tpu.memory_space<hbm>> -> memref<1x1024xi32, #tpu.memory_space<hbm>>
      %dma_wait3A_883 = tpu.memref_squeeze %dma_wait3A_882 : memref<1x1024xi32, #tpu.memory_space<hbm>> -> memref<1024xi32, #tpu.memory_space<hbm>>
      tpu.wait_dma2 semaphore(%arg15 : memref<!tpu.dma_semaphore, #tpu.memory_space<semaphore_mem>>) src(%dma_wait3A_883 : memref<1024xi32, #tpu.memory_space<hbm>>) dst(%dma_wait3A_880 : memref<1024xi32, #tpu.memory_space<vmem>>)
      %add3A_884 = arith.constant 3 : i32
      %add3A_885 = arith.addi %add3A_811, %add3A_884 : i32
      %dma_wait3A_886 = arith.constant 3072 : i32
      %dma_wait3A_887 = tpu.memref_slice %arg7[%dma_wait3A_886] : memref<16384xi32, #tpu.memory_space<vmem>> -> memref<1024xi32, #tpu.memory_space<vmem>>
      %dma_wait3A_888 = arith.constant 0 : i32
      %dma_wait3A_889 = tpu.memref_slice %arg3[%add3A_885, %dma_wait3A_888] : memref<8192x1024xi32, #tpu.memory_space<hbm>> -> memref<1x1024xi32, #tpu.memory_space<hbm>>
      %dma_wait3A_890 = tpu.memref_squeeze %dma_wait3A_889 : memref<1x1024xi32, #tpu.memory_space<hbm>> -> memref<1024xi32, #tpu.memory_space<hbm>>
      %dma_wait3A_891 = arith.constant 3072 : i32
      %dma_wait3A_892 = tpu.memref_slice %arg7[%dma_wait3A_891] : memref<16384xi32, #tpu.memory_space<vmem>> -> memref<1024xi32, #tpu.memory_space<vmem>>
      %dma_wait3A_893 = arith.constant 0 : i32
      %dma_wait3A_894 = tpu.memref_slice %arg3[%add3A_885, %dma_wait3A_893] : memref<8192x1024xi32, #tpu.memory_space<hbm>> -> memref<1x1024xi32, #tpu.memory_space<hbm>>
      %dma_wait3A_895 = tpu.memref_squeeze %dma_wait3A_894 : memref<1x1024xi32, #tpu.memory_space<hbm>> -> memref<1024xi32, #tpu.memory_space<hbm>>
      tpu.wait_dma2 semaphore(%arg15 : memref<!tpu.dma_semaphore, #tpu.memory_space<semaphore_mem>>) src(%dma_wait3A_895 : memref<1024xi32, #tpu.memory_space<hbm>>) dst(%dma_wait3A_892 : memref<1024xi32, #tpu.memory_space<vmem>>)
      %add3A_896 = arith.constant 3 : i32
      %add3A_897 = arith.addi %add3A_811, %add3A_896 : i32
      %dma_wait3A_898 = arith.constant 3072 : i32
      %dma_wait3A_899 = tpu.memref_slice %arg9[%dma_wait3A_898] : memref<16384xi32, #tpu.memory_space<vmem>> -> memref<1024xi32, #tpu.memory_space<vmem>>
      %dma_wait3A_900 = arith.constant 0 : i32
      %dma_wait3A_901 = tpu.memref_slice %arg4[%add3A_897, %dma_wait3A_900] : memref<8192x1024xi32, #tpu.memory_space<hbm>> -> memref<1x1024xi32, #tpu.memory_space<hbm>>
      %dma_wait3A_902 = tpu.memref_squeeze %dma_wait3A_901 : memref<1x1024xi32, #tpu.memory_space<hbm>> -> memref<1024xi32, #tpu.memory_space<hbm>>
      %dma_wait3A_903 = arith.constant 3072 : i32
      %dma_wait3A_904 = tpu.memref_slice %arg9[%dma_wait3A_903] : memref<16384xi32, #tpu.memory_space<vmem>> -> memref<1024xi32, #tpu.memory_space<vmem>>
      %dma_wait3A_905 = arith.constant 0 : i32
      %dma_wait3A_906 = tpu.memref_slice %arg4[%add3A_897, %dma_wait3A_905] : memref<8192x1024xi32, #tpu.memory_space<hbm>> -> memref<1x1024xi32, #tpu.memory_space<hbm>>
      %dma_wait3A_907 = tpu.memref_squeeze %dma_wait3A_906 : memref<1x1024xi32, #tpu.memory_space<hbm>> -> memref<1024xi32, #tpu.memory_space<hbm>>
      tpu.wait_dma2 semaphore(%arg15 : memref<!tpu.dma_semaphore, #tpu.memory_space<semaphore_mem>>) src(%dma_wait3A_907 : memref<1024xi32, #tpu.memory_space<hbm>>) dst(%dma_wait3A_904 : memref<1024xi32, #tpu.memory_space<vmem>>)
      %add3A_908 = arith.constant 4 : i32
      %add3A_909 = arith.addi %add3A_811, %add3A_908 : i32
      %dma_wait3A_910 = arith.constant 4096 : i32
      %dma_wait3A_911 = tpu.memref_slice %arg7[%dma_wait3A_910] : memref<16384xi32, #tpu.memory_space<vmem>> -> memref<1024xi32, #tpu.memory_space<vmem>>
      %dma_wait3A_912 = arith.constant 0 : i32
      %dma_wait3A_913 = tpu.memref_slice %arg3[%add3A_909, %dma_wait3A_912] : memref<8192x1024xi32, #tpu.memory_space<hbm>> -> memref<1x1024xi32, #tpu.memory_space<hbm>>
      %dma_wait3A_914 = tpu.memref_squeeze %dma_wait3A_913 : memref<1x1024xi32, #tpu.memory_space<hbm>> -> memref<1024xi32, #tpu.memory_space<hbm>>
      %dma_wait3A_915 = arith.constant 4096 : i32
      %dma_wait3A_916 = tpu.memref_slice %arg7[%dma_wait3A_915] : memref<16384xi32, #tpu.memory_space<vmem>> -> memref<1024xi32, #tpu.memory_space<vmem>>
      %dma_wait3A_917 = arith.constant 0 : i32
      %dma_wait3A_918 = tpu.memref_slice %arg3[%add3A_909, %dma_wait3A_917] : memref<8192x1024xi32, #tpu.memory_space<hbm>> -> memref<1x1024xi32, #tpu.memory_space<hbm>>
      %dma_wait3A_919 = tpu.memref_squeeze %dma_wait3A_918 : memref<1x1024xi32, #tpu.memory_space<hbm>> -> memref<1024xi32, #tpu.memory_space<hbm>>
      tpu.wait_dma2 semaphore(%arg15 : memref<!tpu.dma_semaphore, #tpu.memory_space<semaphore_mem>>) src(%dma_wait3A_919 : memref<1024xi32, #tpu.memory_space<hbm>>) dst(%dma_wait3A_916 : memref<1024xi32, #tpu.memory_space<vmem>>)
      %add3A_920 = arith.constant 4 : i32
      %add3A_921 = arith.addi %add3A_811, %add3A_920 : i32
      %dma_wait3A_922 = arith.constant 4096 : i32
      %dma_wait3A_923 = tpu.memref_slice %arg9[%dma_wait3A_922] : memref<16384xi32, #tpu.memory_space<vmem>> -> memref<1024xi32, #tpu.memory_space<vmem>>
      %dma_wait3A_924 = arith.constant 0 : i32
      %dma_wait3A_925 = tpu.memref_slice %arg4[%add3A_921, %dma_wait3A_924] : memref<8192x1024xi32, #tpu.memory_space<hbm>> -> memref<1x1024xi32, #tpu.memory_space<hbm>>
      %dma_wait3A_926 = tpu.memref_squeeze %dma_wait3A_925 : memref<1x1024xi32, #tpu.memory_space<hbm>> -> memref<1024xi32, #tpu.memory_space<hbm>>
      %dma_wait3A_927 = arith.constant 4096 : i32
      %dma_wait3A_928 = tpu.memref_slice %arg9[%dma_wait3A_927] : memref<16384xi32, #tpu.memory_space<vmem>> -> memref<1024xi32, #tpu.memory_space<vmem>>
      %dma_wait3A_929 = arith.constant 0 : i32
      %dma_wait3A_930 = tpu.memref_slice %arg4[%add3A_921, %dma_wait3A_929] : memref<8192x1024xi32, #tpu.memory_space<hbm>> -> memref<1x1024xi32, #tpu.memory_space<hbm>>
      %dma_wait3A_931 = tpu.memref_squeeze %dma_wait3A_930 : memref<1x1024xi32, #tpu.memory_space<hbm>> -> memref<1024xi32, #tpu.memory_space<hbm>>
      tpu.wait_dma2 semaphore(%arg15 : memref<!tpu.dma_semaphore, #tpu.memory_space<semaphore_mem>>) src(%dma_wait3A_931 : memref<1024xi32, #tpu.memory_space<hbm>>) dst(%dma_wait3A_928 : memref<1024xi32, #tpu.memory_space<vmem>>)
      %add3A_932 = arith.constant 5 : i32
      %add3A_933 = arith.addi %add3A_811, %add3A_932 : i32
      %dma_wait3A_934 = arith.constant 5120 : i32
      %dma_wait3A_935 = tpu.memref_slice %arg7[%dma_wait3A_934] : memref<16384xi32, #tpu.memory_space<vmem>> -> memref<1024xi32, #tpu.memory_space<vmem>>
      %dma_wait3A_936 = arith.constant 0 : i32
      %dma_wait3A_937 = tpu.memref_slice %arg3[%add3A_933, %dma_wait3A_936] : memref<8192x1024xi32, #tpu.memory_space<hbm>> -> memref<1x1024xi32, #tpu.memory_space<hbm>>
      %dma_wait3A_938 = tpu.memref_squeeze %dma_wait3A_937 : memref<1x1024xi32, #tpu.memory_space<hbm>> -> memref<1024xi32, #tpu.memory_space<hbm>>
      %dma_wait3A_939 = arith.constant 5120 : i32
      %dma_wait3A_940 = tpu.memref_slice %arg7[%dma_wait3A_939] : memref<16384xi32, #tpu.memory_space<vmem>> -> memref<1024xi32, #tpu.memory_space<vmem>>
      %dma_wait3A_941 = arith.constant 0 : i32
      %dma_wait3A_942 = tpu.memref_slice %arg3[%add3A_933, %dma_wait3A_941] : memref<8192x1024xi32, #tpu.memory_space<hbm>> -> memref<1x1024xi32, #tpu.memory_space<hbm>>
      %dma_wait3A_943 = tpu.memref_squeeze %dma_wait3A_942 : memref<1x1024xi32, #tpu.memory_space<hbm>> -> memref<1024xi32, #tpu.memory_space<hbm>>
      tpu.wait_dma2 semaphore(%arg15 : memref<!tpu.dma_semaphore, #tpu.memory_space<semaphore_mem>>) src(%dma_wait3A_943 : memref<1024xi32, #tpu.memory_space<hbm>>) dst(%dma_wait3A_940 : memref<1024xi32, #tpu.memory_space<vmem>>)
      %add3A_944 = arith.constant 5 : i32
      %add3A_945 = arith.addi %add3A_811, %add3A_944 : i32
      %dma_wait3A_946 = arith.constant 5120 : i32
      %dma_wait3A_947 = tpu.memref_slice %arg9[%dma_wait3A_946] : memref<16384xi32, #tpu.memory_space<vmem>> -> memref<1024xi32, #tpu.memory_space<vmem>>
      %dma_wait3A_948 = arith.constant 0 : i32
      %dma_wait3A_949 = tpu.memref_slice %arg4[%add3A_945, %dma_wait3A_948] : memref<8192x1024xi32, #tpu.memory_space<hbm>> -> memref<1x1024xi32, #tpu.memory_space<hbm>>
      %dma_wait3A_950 = tpu.memref_squeeze %dma_wait3A_949 : memref<1x1024xi32, #tpu.memory_space<hbm>> -> memref<1024xi32, #tpu.memory_space<hbm>>
      %dma_wait3A_951 = arith.constant 5120 : i32
      %dma_wait3A_952 = tpu.memref_slice %arg9[%dma_wait3A_951] : memref<16384xi32, #tpu.memory_space<vmem>> -> memref<1024xi32, #tpu.memory_space<vmem>>
      %dma_wait3A_953 = arith.constant 0 : i32
      %dma_wait3A_954 = tpu.memref_slice %arg4[%add3A_945, %dma_wait3A_953] : memref<8192x1024xi32, #tpu.memory_space<hbm>> -> memref<1x1024xi32, #tpu.memory_space<hbm>>
      %dma_wait3A_955 = tpu.memref_squeeze %dma_wait3A_954 : memref<1x1024xi32, #tpu.memory_space<hbm>> -> memref<1024xi32, #tpu.memory_space<hbm>>
      tpu.wait_dma2 semaphore(%arg15 : memref<!tpu.dma_semaphore, #tpu.memory_space<semaphore_mem>>) src(%dma_wait3A_955 : memref<1024xi32, #tpu.memory_space<hbm>>) dst(%dma_wait3A_952 : memref<1024xi32, #tpu.memory_space<vmem>>)
      %add3A_956 = arith.constant 6 : i32
      %add3A_957 = arith.addi %add3A_811, %add3A_956 : i32
      %dma_wait3A_958 = arith.constant 6144 : i32
      %dma_wait3A_959 = tpu.memref_slice %arg7[%dma_wait3A_958] : memref<16384xi32, #tpu.memory_space<vmem>> -> memref<1024xi32, #tpu.memory_space<vmem>>
      %dma_wait3A_960 = arith.constant 0 : i32
      %dma_wait3A_961 = tpu.memref_slice %arg3[%add3A_957, %dma_wait3A_960] : memref<8192x1024xi32, #tpu.memory_space<hbm>> -> memref<1x1024xi32, #tpu.memory_space<hbm>>
      %dma_wait3A_962 = tpu.memref_squeeze %dma_wait3A_961 : memref<1x1024xi32, #tpu.memory_space<hbm>> -> memref<1024xi32, #tpu.memory_space<hbm>>
      %dma_wait3A_963 = arith.constant 6144 : i32
      %dma_wait3A_964 = tpu.memref_slice %arg7[%dma_wait3A_963] : memref<16384xi32, #tpu.memory_space<vmem>> -> memref<1024xi32, #tpu.memory_space<vmem>>
      %dma_wait3A_965 = arith.constant 0 : i32
      %dma_wait3A_966 = tpu.memref_slice %arg3[%add3A_957, %dma_wait3A_965] : memref<8192x1024xi32, #tpu.memory_space<hbm>> -> memref<1x1024xi32, #tpu.memory_space<hbm>>
      %dma_wait3A_967 = tpu.memref_squeeze %dma_wait3A_966 : memref<1x1024xi32, #tpu.memory_space<hbm>> -> memref<1024xi32, #tpu.memory_space<hbm>>
      tpu.wait_dma2 semaphore(%arg15 : memref<!tpu.dma_semaphore, #tpu.memory_space<semaphore_mem>>) src(%dma_wait3A_967 : memref<1024xi32, #tpu.memory_space<hbm>>) dst(%dma_wait3A_964 : memref<1024xi32, #tpu.memory_space<vmem>>)
      %add3A_968 = arith.constant 6 : i32
      %add3A_969 = arith.addi %add3A_811, %add3A_968 : i32
      %dma_wait3A_970 = arith.constant 6144 : i32
      %dma_wait3A_971 = tpu.memref_slice %arg9[%dma_wait3A_970] : memref<16384xi32, #tpu.memory_space<vmem>> -> memref<1024xi32, #tpu.memory_space<vmem>>
      %dma_wait3A_972 = arith.constant 0 : i32
      %dma_wait3A_973 = tpu.memref_slice %arg4[%add3A_969, %dma_wait3A_972] : memref<8192x1024xi32, #tpu.memory_space<hbm>> -> memref<1x1024xi32, #tpu.memory_space<hbm>>
      %dma_wait3A_974 = tpu.memref_squeeze %dma_wait3A_973 : memref<1x1024xi32, #tpu.memory_space<hbm>> -> memref<1024xi32, #tpu.memory_space<hbm>>
      %dma_wait3A_975 = arith.constant 6144 : i32
      %dma_wait3A_976 = tpu.memref_slice %arg9[%dma_wait3A_975] : memref<16384xi32, #tpu.memory_space<vmem>> -> memref<1024xi32, #tpu.memory_space<vmem>>
      %dma_wait3A_977 = arith.constant 0 : i32
      %dma_wait3A_978 = tpu.memref_slice %arg4[%add3A_969, %dma_wait3A_977] : memref<8192x1024xi32, #tpu.memory_space<hbm>> -> memref<1x1024xi32, #tpu.memory_space<hbm>>
      %dma_wait3A_979 = tpu.memref_squeeze %dma_wait3A_978 : memref<1x1024xi32, #tpu.memory_space<hbm>> -> memref<1024xi32, #tpu.memory_space<hbm>>
      tpu.wait_dma2 semaphore(%arg15 : memref<!tpu.dma_semaphore, #tpu.memory_space<semaphore_mem>>) src(%dma_wait3A_979 : memref<1024xi32, #tpu.memory_space<hbm>>) dst(%dma_wait3A_976 : memref<1024xi32, #tpu.memory_space<vmem>>)
      %add3A_980 = arith.constant 7 : i32
      %add3A_981 = arith.addi %add3A_811, %add3A_980 : i32
      %dma_wait3A_982 = arith.constant 7168 : i32
      %dma_wait3A_983 = tpu.memref_slice %arg7[%dma_wait3A_982] : memref<16384xi32, #tpu.memory_space<vmem>> -> memref<1024xi32, #tpu.memory_space<vmem>>
      %dma_wait3A_984 = arith.constant 0 : i32
      %dma_wait3A_985 = tpu.memref_slice %arg3[%add3A_981, %dma_wait3A_984] : memref<8192x1024xi32, #tpu.memory_space<hbm>> -> memref<1x1024xi32, #tpu.memory_space<hbm>>
      %dma_wait3A_986 = tpu.memref_squeeze %dma_wait3A_985 : memref<1x1024xi32, #tpu.memory_space<hbm>> -> memref<1024xi32, #tpu.memory_space<hbm>>
      %dma_wait3A_987 = arith.constant 7168 : i32
      %dma_wait3A_988 = tpu.memref_slice %arg7[%dma_wait3A_987] : memref<16384xi32, #tpu.memory_space<vmem>> -> memref<1024xi32, #tpu.memory_space<vmem>>
      %dma_wait3A_989 = arith.constant 0 : i32
      %dma_wait3A_990 = tpu.memref_slice %arg3[%add3A_981, %dma_wait3A_989] : memref<8192x1024xi32, #tpu.memory_space<hbm>> -> memref<1x1024xi32, #tpu.memory_space<hbm>>
      %dma_wait3A_991 = tpu.memref_squeeze %dma_wait3A_990 : memref<1x1024xi32, #tpu.memory_space<hbm>> -> memref<1024xi32, #tpu.memory_space<hbm>>
      tpu.wait_dma2 semaphore(%arg15 : memref<!tpu.dma_semaphore, #tpu.memory_space<semaphore_mem>>) src(%dma_wait3A_991 : memref<1024xi32, #tpu.memory_space<hbm>>) dst(%dma_wait3A_988 : memref<1024xi32, #tpu.memory_space<vmem>>)
      %add3A_992 = arith.constant 7 : i32
      %add3A_993 = arith.addi %add3A_811, %add3A_992 : i32
      %dma_wait3A_994 = arith.constant 7168 : i32
      %dma_wait3A_995 = tpu.memref_slice %arg9[%dma_wait3A_994] : memref<16384xi32, #tpu.memory_space<vmem>> -> memref<1024xi32, #tpu.memory_space<vmem>>
      %dma_wait3A_996 = arith.constant 0 : i32
      %dma_wait3A_997 = tpu.memref_slice %arg4[%add3A_993, %dma_wait3A_996] : memref<8192x1024xi32, #tpu.memory_space<hbm>> -> memref<1x1024xi32, #tpu.memory_space<hbm>>
      %dma_wait3A_998 = tpu.memref_squeeze %dma_wait3A_997 : memref<1x1024xi32, #tpu.memory_space<hbm>> -> memref<1024xi32, #tpu.memory_space<hbm>>
      %dma_wait3A_999 = arith.constant 7168 : i32
      %dma_wait3A_1000 = tpu.memref_slice %arg9[%dma_wait3A_999] : memref<16384xi32, #tpu.memory_space<vmem>> -> memref<1024xi32, #tpu.memory_space<vmem>>
      %dma_wait3A_1001 = arith.constant 0 : i32
      %dma_wait3A_1002 = tpu.memref_slice %arg4[%add3A_993, %dma_wait3A_1001] : memref<8192x1024xi32, #tpu.memory_space<hbm>> -> memref<1x1024xi32, #tpu.memory_space<hbm>>
      %dma_wait3A_1003 = tpu.memref_squeeze %dma_wait3A_1002 : memref<1x1024xi32, #tpu.memory_space<hbm>> -> memref<1024xi32, #tpu.memory_space<hbm>>
      tpu.wait_dma2 semaphore(%arg15 : memref<!tpu.dma_semaphore, #tpu.memory_space<semaphore_mem>>) src(%dma_wait3A_1003 : memref<1024xi32, #tpu.memory_space<hbm>>) dst(%dma_wait3A_1000 : memref<1024xi32, #tpu.memory_space<vmem>>)
      %add3A_1004 = arith.constant 8 : i32
      %add3A_1005 = arith.addi %add3A_811, %add3A_1004 : i32
      %dma_wait3A_1006 = arith.constant 8192 : i32
      %dma_wait3A_1007 = tpu.memref_slice %arg7[%dma_wait3A_1006] : memref<16384xi32, #tpu.memory_space<vmem>> -> memref<1024xi32, #tpu.memory_space<vmem>>
      %dma_wait3A_1008 = arith.constant 0 : i32
      %dma_wait3A_1009 = tpu.memref_slice %arg3[%add3A_1005, %dma_wait3A_1008] : memref<8192x1024xi32, #tpu.memory_space<hbm>> -> memref<1x1024xi32, #tpu.memory_space<hbm>>
      %dma_wait3A_1010 = tpu.memref_squeeze %dma_wait3A_1009 : memref<1x1024xi32, #tpu.memory_space<hbm>> -> memref<1024xi32, #tpu.memory_space<hbm>>
      %dma_wait3A_1011 = arith.constant 8192 : i32
      %dma_wait3A_1012 = tpu.memref_slice %arg7[%dma_wait3A_1011] : memref<16384xi32, #tpu.memory_space<vmem>> -> memref<1024xi32, #tpu.memory_space<vmem>>
      %dma_wait3A_1013 = arith.constant 0 : i32
      %dma_wait3A_1014 = tpu.memref_slice %arg3[%add3A_1005, %dma_wait3A_1013] : memref<8192x1024xi32, #tpu.memory_space<hbm>> -> memref<1x1024xi32, #tpu.memory_space<hbm>>
      %dma_wait3A_1015 = tpu.memref_squeeze %dma_wait3A_1014 : memref<1x1024xi32, #tpu.memory_space<hbm>> -> memref<1024xi32, #tpu.memory_space<hbm>>
      tpu.wait_dma2 semaphore(%arg15 : memref<!tpu.dma_semaphore, #tpu.memory_space<semaphore_mem>>) src(%dma_wait3A_1015 : memref<1024xi32, #tpu.memory_space<hbm>>) dst(%dma_wait3A_1012 : memref<1024xi32, #tpu.memory_space<vmem>>)
      %add3A_1016 = arith.constant 8 : i32
      %add3A_1017 = arith.addi %add3A_811, %add3A_1016 : i32
      %dma_wait3A_1018 = arith.constant 8192 : i32
      %dma_wait3A_1019 = tpu.memref_slice %arg9[%dma_wait3A_1018] : memref<16384xi32, #tpu.memory_space<vmem>> -> memref<1024xi32, #tpu.memory_space<vmem>>
      %dma_wait3A_1020 = arith.constant 0 : i32
      %dma_wait3A_1021 = tpu.memref_slice %arg4[%add3A_1017, %dma_wait3A_1020] : memref<8192x1024xi32, #tpu.memory_space<hbm>> -> memref<1x1024xi32, #tpu.memory_space<hbm>>
      %dma_wait3A_1022 = tpu.memref_squeeze %dma_wait3A_1021 : memref<1x1024xi32, #tpu.memory_space<hbm>> -> memref<1024xi32, #tpu.memory_space<hbm>>
      %dma_wait3A_1023 = arith.constant 8192 : i32
      %dma_wait3A_1024 = tpu.memref_slice %arg9[%dma_wait3A_1023] : memref<16384xi32, #tpu.memory_space<vmem>> -> memref<1024xi32, #tpu.memory_space<vmem>>
      %dma_wait3A_1025 = arith.constant 0 : i32
      %dma_wait3A_1026 = tpu.memref_slice %arg4[%add3A_1017, %dma_wait3A_1025] : memref<8192x1024xi32, #tpu.memory_space<hbm>> -> memref<1x1024xi32, #tpu.memory_space<hbm>>
      %dma_wait3A_1027 = tpu.memref_squeeze %dma_wait3A_1026 : memref<1x1024xi32, #tpu.memory_space<hbm>> -> memref<1024xi32, #tpu.memory_space<hbm>>
      tpu.wait_dma2 semaphore(%arg15 : memref<!tpu.dma_semaphore, #tpu.memory_space<semaphore_mem>>) src(%dma_wait3A_1027 : memref<1024xi32, #tpu.memory_space<hbm>>) dst(%dma_wait3A_1024 : memref<1024xi32, #tpu.memory_space<vmem>>)
      %add3A_1028 = arith.constant 9 : i32
      %add3A_1029 = arith.addi %add3A_811, %add3A_1028 : i32
      %dma_wait3A_1030 = arith.constant 9216 : i32
      %dma_wait3A_1031 = tpu.memref_slice %arg7[%dma_wait3A_1030] : memref<16384xi32, #tpu.memory_space<vmem>> -> memref<1024xi32, #tpu.memory_space<vmem>>
      %dma_wait3A_1032 = arith.constant 0 : i32
      %dma_wait3A_1033 = tpu.memref_slice %arg3[%add3A_1029, %dma_wait3A_1032] : memref<8192x1024xi32, #tpu.memory_space<hbm>> -> memref<1x1024xi32, #tpu.memory_space<hbm>>
      %dma_wait3A_1034 = tpu.memref_squeeze %dma_wait3A_1033 : memref<1x1024xi32, #tpu.memory_space<hbm>> -> memref<1024xi32, #tpu.memory_space<hbm>>
      %dma_wait3A_1035 = arith.constant 9216 : i32
      %dma_wait3A_1036 = tpu.memref_slice %arg7[%dma_wait3A_1035] : memref<16384xi32, #tpu.memory_space<vmem>> -> memref<1024xi32, #tpu.memory_space<vmem>>
      %dma_wait3A_1037 = arith.constant 0 : i32
      %dma_wait3A_1038 = tpu.memref_slice %arg3[%add3A_1029, %dma_wait3A_1037] : memref<8192x1024xi32, #tpu.memory_space<hbm>> -> memref<1x1024xi32, #tpu.memory_space<hbm>>
      %dma_wait3A_1039 = tpu.memref_squeeze %dma_wait3A_1038 : memref<1x1024xi32, #tpu.memory_space<hbm>> -> memref<1024xi32, #tpu.memory_space<hbm>>
      tpu.wait_dma2 semaphore(%arg15 : memref<!tpu.dma_semaphore, #tpu.memory_space<semaphore_mem>>) src(%dma_wait3A_1039 : memref<1024xi32, #tpu.memory_space<hbm>>) dst(%dma_wait3A_1036 : memref<1024xi32, #tpu.memory_space<vmem>>)
      %add3A_1040 = arith.constant 9 : i32
      %add3A_1041 = arith.addi %add3A_811, %add3A_1040 : i32
      %dma_wait3A_1042 = arith.constant 9216 : i32
      %dma_wait3A_1043 = tpu.memref_slice %arg9[%dma_wait3A_1042] : memref<16384xi32, #tpu.memory_space<vmem>> -> memref<1024xi32, #tpu.memory_space<vmem>>
      %dma_wait3A_1044 = arith.constant 0 : i32
      %dma_wait3A_1045 = tpu.memref_slice %arg4[%add3A_1041, %dma_wait3A_1044] : memref<8192x1024xi32, #tpu.memory_space<hbm>> -> memref<1x1024xi32, #tpu.memory_space<hbm>>
      %dma_wait3A_1046 = tpu.memref_squeeze %dma_wait3A_1045 : memref<1x1024xi32, #tpu.memory_space<hbm>> -> memref<1024xi32, #tpu.memory_space<hbm>>
      %dma_wait3A_1047 = arith.constant 9216 : i32
      %dma_wait3A_1048 = tpu.memref_slice %arg9[%dma_wait3A_1047] : memref<16384xi32, #tpu.memory_space<vmem>> -> memref<1024xi32, #tpu.memory_space<vmem>>
      %dma_wait3A_1049 = arith.constant 0 : i32
      %dma_wait3A_1050 = tpu.memref_slice %arg4[%add3A_1041, %dma_wait3A_1049] : memref<8192x1024xi32, #tpu.memory_space<hbm>> -> memref<1x1024xi32, #tpu.memory_space<hbm>>
      %dma_wait3A_1051 = tpu.memref_squeeze %dma_wait3A_1050 : memref<1x1024xi32, #tpu.memory_space<hbm>> -> memref<1024xi32, #tpu.memory_space<hbm>>
      tpu.wait_dma2 semaphore(%arg15 : memref<!tpu.dma_semaphore, #tpu.memory_space<semaphore_mem>>) src(%dma_wait3A_1051 : memref<1024xi32, #tpu.memory_space<hbm>>) dst(%dma_wait3A_1048 : memref<1024xi32, #tpu.memory_space<vmem>>)
      %add3A_1052 = arith.constant 10 : i32
      %add3A_1053 = arith.addi %add3A_811, %add3A_1052 : i32
      %dma_wait3A_1054 = arith.constant 10240 : i32
      %dma_wait3A_1055 = tpu.memref_slice %arg7[%dma_wait3A_1054] : memref<16384xi32, #tpu.memory_space<vmem>> -> memref<1024xi32, #tpu.memory_space<vmem>>
      %dma_wait3A_1056 = arith.constant 0 : i32
      %dma_wait3A_1057 = tpu.memref_slice %arg3[%add3A_1053, %dma_wait3A_1056] : memref<8192x1024xi32, #tpu.memory_space<hbm>> -> memref<1x1024xi32, #tpu.memory_space<hbm>>
      %dma_wait3A_1058 = tpu.memref_squeeze %dma_wait3A_1057 : memref<1x1024xi32, #tpu.memory_space<hbm>> -> memref<1024xi32, #tpu.memory_space<hbm>>
      %dma_wait3A_1059 = arith.constant 10240 : i32
      %dma_wait3A_1060 = tpu.memref_slice %arg7[%dma_wait3A_1059] : memref<16384xi32, #tpu.memory_space<vmem>> -> memref<1024xi32, #tpu.memory_space<vmem>>
      %dma_wait3A_1061 = arith.constant 0 : i32
      %dma_wait3A_1062 = tpu.memref_slice %arg3[%add3A_1053, %dma_wait3A_1061] : memref<8192x1024xi32, #tpu.memory_space<hbm>> -> memref<1x1024xi32, #tpu.memory_space<hbm>>
      %dma_wait3A_1063 = tpu.memref_squeeze %dma_wait3A_1062 : memref<1x1024xi32, #tpu.memory_space<hbm>> -> memref<1024xi32, #tpu.memory_space<hbm>>
      tpu.wait_dma2 semaphore(%arg15 : memref<!tpu.dma_semaphore, #tpu.memory_space<semaphore_mem>>) src(%dma_wait3A_1063 : memref<1024xi32, #tpu.memory_space<hbm>>) dst(%dma_wait3A_1060 : memref<1024xi32, #tpu.memory_space<vmem>>)
      %add3A_1064 = arith.constant 10 : i32
      %add3A_1065 = arith.addi %add3A_811, %add3A_1064 : i32
      %dma_wait3A_1066 = arith.constant 10240 : i32
      %dma_wait3A_1067 = tpu.memref_slice %arg9[%dma_wait3A_1066] : memref<16384xi32, #tpu.memory_space<vmem>> -> memref<1024xi32, #tpu.memory_space<vmem>>
      %dma_wait3A_1068 = arith.constant 0 : i32
      %dma_wait3A_1069 = tpu.memref_slice %arg4[%add3A_1065, %dma_wait3A_1068] : memref<8192x1024xi32, #tpu.memory_space<hbm>> -> memref<1x1024xi32, #tpu.memory_space<hbm>>
      %dma_wait3A_1070 = tpu.memref_squeeze %dma_wait3A_1069 : memref<1x1024xi32, #tpu.memory_space<hbm>> -> memref<1024xi32, #tpu.memory_space<hbm>>
      %dma_wait3A_1071 = arith.constant 10240 : i32
      %dma_wait3A_1072 = tpu.memref_slice %arg9[%dma_wait3A_1071] : memref<16384xi32, #tpu.memory_space<vmem>> -> memref<1024xi32, #tpu.memory_space<vmem>>
      %dma_wait3A_1073 = arith.constant 0 : i32
      %dma_wait3A_1074 = tpu.memref_slice %arg4[%add3A_1065, %dma_wait3A_1073] : memref<8192x1024xi32, #tpu.memory_space<hbm>> -> memref<1x1024xi32, #tpu.memory_space<hbm>>
      %dma_wait3A_1075 = tpu.memref_squeeze %dma_wait3A_1074 : memref<1x1024xi32, #tpu.memory_space<hbm>> -> memref<1024xi32, #tpu.memory_space<hbm>>
      tpu.wait_dma2 semaphore(%arg15 : memref<!tpu.dma_semaphore, #tpu.memory_space<semaphore_mem>>) src(%dma_wait3A_1075 : memref<1024xi32, #tpu.memory_space<hbm>>) dst(%dma_wait3A_1072 : memref<1024xi32, #tpu.memory_space<vmem>>)
      %add3A_1076 = arith.constant 11 : i32
      %add3A_1077 = arith.addi %add3A_811, %add3A_1076 : i32
      %dma_wait3A_1078 = arith.constant 11264 : i32
      %dma_wait3A_1079 = tpu.memref_slice %arg7[%dma_wait3A_1078] : memref<16384xi32, #tpu.memory_space<vmem>> -> memref<1024xi32, #tpu.memory_space<vmem>>
      %dma_wait3A_1080 = arith.constant 0 : i32
      %dma_wait3A_1081 = tpu.memref_slice %arg3[%add3A_1077, %dma_wait3A_1080] : memref<8192x1024xi32, #tpu.memory_space<hbm>> -> memref<1x1024xi32, #tpu.memory_space<hbm>>
      %dma_wait3A_1082 = tpu.memref_squeeze %dma_wait3A_1081 : memref<1x1024xi32, #tpu.memory_space<hbm>> -> memref<1024xi32, #tpu.memory_space<hbm>>
      %dma_wait3A_1083 = arith.constant 11264 : i32
      %dma_wait3A_1084 = tpu.memref_slice %arg7[%dma_wait3A_1083] : memref<16384xi32, #tpu.memory_space<vmem>> -> memref<1024xi32, #tpu.memory_space<vmem>>
      %dma_wait3A_1085 = arith.constant 0 : i32
      %dma_wait3A_1086 = tpu.memref_slice %arg3[%add3A_1077, %dma_wait3A_1085] : memref<8192x1024xi32, #tpu.memory_space<hbm>> -> memref<1x1024xi32, #tpu.memory_space<hbm>>
      %dma_wait3A_1087 = tpu.memref_squeeze %dma_wait3A_1086 : memref<1x1024xi32, #tpu.memory_space<hbm>> -> memref<1024xi32, #tpu.memory_space<hbm>>
      tpu.wait_dma2 semaphore(%arg15 : memref<!tpu.dma_semaphore, #tpu.memory_space<semaphore_mem>>) src(%dma_wait3A_1087 : memref<1024xi32, #tpu.memory_space<hbm>>) dst(%dma_wait3A_1084 : memref<1024xi32, #tpu.memory_space<vmem>>)
      %add3A_1088 = arith.constant 11 : i32
      %add3A_1089 = arith.addi %add3A_811, %add3A_1088 : i32
      %dma_wait3A_1090 = arith.constant 11264 : i32
      %dma_wait3A_1091 = tpu.memref_slice %arg9[%dma_wait3A_1090] : memref<16384xi32, #tpu.memory_space<vmem>> -> memref<1024xi32, #tpu.memory_space<vmem>>
      %dma_wait3A_1092 = arith.constant 0 : i32
      %dma_wait3A_1093 = tpu.memref_slice %arg4[%add3A_1089, %dma_wait3A_1092] : memref<8192x1024xi32, #tpu.memory_space<hbm>> -> memref<1x1024xi32, #tpu.memory_space<hbm>>
      %dma_wait3A_1094 = tpu.memref_squeeze %dma_wait3A_1093 : memref<1x1024xi32, #tpu.memory_space<hbm>> -> memref<1024xi32, #tpu.memory_space<hbm>>
      %dma_wait3A_1095 = arith.constant 11264 : i32
      %dma_wait3A_1096 = tpu.memref_slice %arg9[%dma_wait3A_1095] : memref<16384xi32, #tpu.memory_space<vmem>> -> memref<1024xi32, #tpu.memory_space<vmem>>
      %dma_wait3A_1097 = arith.constant 0 : i32
      %dma_wait3A_1098 = tpu.memref_slice %arg4[%add3A_1089, %dma_wait3A_1097] : memref<8192x1024xi32, #tpu.memory_space<hbm>> -> memref<1x1024xi32, #tpu.memory_space<hbm>>
      %dma_wait3A_1099 = tpu.memref_squeeze %dma_wait3A_1098 : memref<1x1024xi32, #tpu.memory_space<hbm>> -> memref<1024xi32, #tpu.memory_space<hbm>>
      tpu.wait_dma2 semaphore(%arg15 : memref<!tpu.dma_semaphore, #tpu.memory_space<semaphore_mem>>) src(%dma_wait3A_1099 : memref<1024xi32, #tpu.memory_space<hbm>>) dst(%dma_wait3A_1096 : memref<1024xi32, #tpu.memory_space<vmem>>)
      %add3A_1100 = arith.constant 12 : i32
      %add3A_1101 = arith.addi %add3A_811, %add3A_1100 : i32
      %dma_wait3A_1102 = arith.constant 12288 : i32
      %dma_wait3A_1103 = tpu.memref_slice %arg7[%dma_wait3A_1102] : memref<16384xi32, #tpu.memory_space<vmem>> -> memref<1024xi32, #tpu.memory_space<vmem>>
      %dma_wait3A_1104 = arith.constant 0 : i32
      %dma_wait3A_1105 = tpu.memref_slice %arg3[%add3A_1101, %dma_wait3A_1104] : memref<8192x1024xi32, #tpu.memory_space<hbm>> -> memref<1x1024xi32, #tpu.memory_space<hbm>>
      %dma_wait3A_1106 = tpu.memref_squeeze %dma_wait3A_1105 : memref<1x1024xi32, #tpu.memory_space<hbm>> -> memref<1024xi32, #tpu.memory_space<hbm>>
      %dma_wait3A_1107 = arith.constant 12288 : i32
      %dma_wait3A_1108 = tpu.memref_slice %arg7[%dma_wait3A_1107] : memref<16384xi32, #tpu.memory_space<vmem>> -> memref<1024xi32, #tpu.memory_space<vmem>>
      %dma_wait3A_1109 = arith.constant 0 : i32
      %dma_wait3A_1110 = tpu.memref_slice %arg3[%add3A_1101, %dma_wait3A_1109] : memref<8192x1024xi32, #tpu.memory_space<hbm>> -> memref<1x1024xi32, #tpu.memory_space<hbm>>
      %dma_wait3A_1111 = tpu.memref_squeeze %dma_wait3A_1110 : memref<1x1024xi32, #tpu.memory_space<hbm>> -> memref<1024xi32, #tpu.memory_space<hbm>>
      tpu.wait_dma2 semaphore(%arg15 : memref<!tpu.dma_semaphore, #tpu.memory_space<semaphore_mem>>) src(%dma_wait3A_1111 : memref<1024xi32, #tpu.memory_space<hbm>>) dst(%dma_wait3A_1108 : memref<1024xi32, #tpu.memory_space<vmem>>)
      %add3A_1112 = arith.constant 12 : i32
      %add3A_1113 = arith.addi %add3A_811, %add3A_1112 : i32
      %dma_wait3A_1114 = arith.constant 12288 : i32
      %dma_wait3A_1115 = tpu.memref_slice %arg9[%dma_wait3A_1114] : memref<16384xi32, #tpu.memory_space<vmem>> -> memref<1024xi32, #tpu.memory_space<vmem>>
      %dma_wait3A_1116 = arith.constant 0 : i32
      %dma_wait3A_1117 = tpu.memref_slice %arg4[%add3A_1113, %dma_wait3A_1116] : memref<8192x1024xi32, #tpu.memory_space<hbm>> -> memref<1x1024xi32, #tpu.memory_space<hbm>>
      %dma_wait3A_1118 = tpu.memref_squeeze %dma_wait3A_1117 : memref<1x1024xi32, #tpu.memory_space<hbm>> -> memref<1024xi32, #tpu.memory_space<hbm>>
      %dma_wait3A_1119 = arith.constant 12288 : i32
      %dma_wait3A_1120 = tpu.memref_slice %arg9[%dma_wait3A_1119] : memref<16384xi32, #tpu.memory_space<vmem>> -> memref<1024xi32, #tpu.memory_space<vmem>>
      %dma_wait3A_1121 = arith.constant 0 : i32
      %dma_wait3A_1122 = tpu.memref_slice %arg4[%add3A_1113, %dma_wait3A_1121] : memref<8192x1024xi32, #tpu.memory_space<hbm>> -> memref<1x1024xi32, #tpu.memory_space<hbm>>
      %dma_wait3A_1123 = tpu.memref_squeeze %dma_wait3A_1122 : memref<1x1024xi32, #tpu.memory_space<hbm>> -> memref<1024xi32, #tpu.memory_space<hbm>>
      tpu.wait_dma2 semaphore(%arg15 : memref<!tpu.dma_semaphore, #tpu.memory_space<semaphore_mem>>) src(%dma_wait3A_1123 : memref<1024xi32, #tpu.memory_space<hbm>>) dst(%dma_wait3A_1120 : memref<1024xi32, #tpu.memory_space<vmem>>)
      %add3A_1124 = arith.constant 13 : i32
      %add3A_1125 = arith.addi %add3A_811, %add3A_1124 : i32
      %dma_wait3A_1126 = arith.constant 13312 : i32
      %dma_wait3A_1127 = tpu.memref_slice %arg7[%dma_wait3A_1126] : memref<16384xi32, #tpu.memory_space<vmem>> -> memref<1024xi32, #tpu.memory_space<vmem>>
      %dma_wait3A_1128 = arith.constant 0 : i32
      %dma_wait3A_1129 = tpu.memref_slice %arg3[%add3A_1125, %dma_wait3A_1128] : memref<8192x1024xi32, #tpu.memory_space<hbm>> -> memref<1x1024xi32, #tpu.memory_space<hbm>>
      %dma_wait3A_1130 = tpu.memref_squeeze %dma_wait3A_1129 : memref<1x1024xi32, #tpu.memory_space<hbm>> -> memref<1024xi32, #tpu.memory_space<hbm>>
      %dma_wait3A_1131 = arith.constant 13312 : i32
      %dma_wait3A_1132 = tpu.memref_slice %arg7[%dma_wait3A_1131] : memref<16384xi32, #tpu.memory_space<vmem>> -> memref<1024xi32, #tpu.memory_space<vmem>>
      %dma_wait3A_1133 = arith.constant 0 : i32
      %dma_wait3A_1134 = tpu.memref_slice %arg3[%add3A_1125, %dma_wait3A_1133] : memref<8192x1024xi32, #tpu.memory_space<hbm>> -> memref<1x1024xi32, #tpu.memory_space<hbm>>
      %dma_wait3A_1135 = tpu.memref_squeeze %dma_wait3A_1134 : memref<1x1024xi32, #tpu.memory_space<hbm>> -> memref<1024xi32, #tpu.memory_space<hbm>>
      tpu.wait_dma2 semaphore(%arg15 : memref<!tpu.dma_semaphore, #tpu.memory_space<semaphore_mem>>) src(%dma_wait3A_1135 : memref<1024xi32, #tpu.memory_space<hbm>>) dst(%dma_wait3A_1132 : memref<1024xi32, #tpu.memory_space<vmem>>)
      %add3A_1136 = arith.constant 13 : i32
      %add3A_1137 = arith.addi %add3A_811, %add3A_1136 : i32
      %dma_wait3A_1138 = arith.constant 13312 : i32
      %dma_wait3A_1139 = tpu.memref_slice %arg9[%dma_wait3A_1138] : memref<16384xi32, #tpu.memory_space<vmem>> -> memref<1024xi32, #tpu.memory_space<vmem>>
      %dma_wait3A_1140 = arith.constant 0 : i32
      %dma_wait3A_1141 = tpu.memref_slice %arg4[%add3A_1137, %dma_wait3A_1140] : memref<8192x1024xi32, #tpu.memory_space<hbm>> -> memref<1x1024xi32, #tpu.memory_space<hbm>>
      %dma_wait3A_1142 = tpu.memref_squeeze %dma_wait3A_1141 : memref<1x1024xi32, #tpu.memory_space<hbm>> -> memref<1024xi32, #tpu.memory_space<hbm>>
      %dma_wait3A_1143 = arith.constant 13312 : i32
      %dma_wait3A_1144 = tpu.memref_slice %arg9[%dma_wait3A_1143] : memref<16384xi32, #tpu.memory_space<vmem>> -> memref<1024xi32, #tpu.memory_space<vmem>>
      %dma_wait3A_1145 = arith.constant 0 : i32
      %dma_wait3A_1146 = tpu.memref_slice %arg4[%add3A_1137, %dma_wait3A_1145] : memref<8192x1024xi32, #tpu.memory_space<hbm>> -> memref<1x1024xi32, #tpu.memory_space<hbm>>
      %dma_wait3A_1147 = tpu.memref_squeeze %dma_wait3A_1146 : memref<1x1024xi32, #tpu.memory_space<hbm>> -> memref<1024xi32, #tpu.memory_space<hbm>>
      tpu.wait_dma2 semaphore(%arg15 : memref<!tpu.dma_semaphore, #tpu.memory_space<semaphore_mem>>) src(%dma_wait3A_1147 : memref<1024xi32, #tpu.memory_space<hbm>>) dst(%dma_wait3A_1144 : memref<1024xi32, #tpu.memory_space<vmem>>)
      %add3A_1148 = arith.constant 14 : i32
      %add3A_1149 = arith.addi %add3A_811, %add3A_1148 : i32
      %dma_wait3A_1150 = arith.constant 14336 : i32
      %dma_wait3A_1151 = tpu.memref_slice %arg7[%dma_wait3A_1150] : memref<16384xi32, #tpu.memory_space<vmem>> -> memref<1024xi32, #tpu.memory_space<vmem>>
      %dma_wait3A_1152 = arith.constant 0 : i32
      %dma_wait3A_1153 = tpu.memref_slice %arg3[%add3A_1149, %dma_wait3A_1152] : memref<8192x1024xi32, #tpu.memory_space<hbm>> -> memref<1x1024xi32, #tpu.memory_space<hbm>>
      %dma_wait3A_1154 = tpu.memref_squeeze %dma_wait3A_1153 : memref<1x1024xi32, #tpu.memory_space<hbm>> -> memref<1024xi32, #tpu.memory_space<hbm>>
      %dma_wait3A_1155 = arith.constant 14336 : i32
      %dma_wait3A_1156 = tpu.memref_slice %arg7[%dma_wait3A_1155] : memref<16384xi32, #tpu.memory_space<vmem>> -> memref<1024xi32, #tpu.memory_space<vmem>>
      %dma_wait3A_1157 = arith.constant 0 : i32
      %dma_wait3A_1158 = tpu.memref_slice %arg3[%add3A_1149, %dma_wait3A_1157] : memref<8192x1024xi32, #tpu.memory_space<hbm>> -> memref<1x1024xi32, #tpu.memory_space<hbm>>
      %dma_wait3A_1159 = tpu.memref_squeeze %dma_wait3A_1158 : memref<1x1024xi32, #tpu.memory_space<hbm>> -> memref<1024xi32, #tpu.memory_space<hbm>>
      tpu.wait_dma2 semaphore(%arg15 : memref<!tpu.dma_semaphore, #tpu.memory_space<semaphore_mem>>) src(%dma_wait3A_1159 : memref<1024xi32, #tpu.memory_space<hbm>>) dst(%dma_wait3A_1156 : memref<1024xi32, #tpu.memory_space<vmem>>)
      %add3A_1160 = arith.constant 14 : i32
      %add3A_1161 = arith.addi %add3A_811, %add3A_1160 : i32
      %dma_wait3A_1162 = arith.constant 14336 : i32
      %dma_wait3A_1163 = tpu.memref_slice %arg9[%dma_wait3A_1162] : memref<16384xi32, #tpu.memory_space<vmem>> -> memref<1024xi32, #tpu.memory_space<vmem>>
      %dma_wait3A_1164 = arith.constant 0 : i32
      %dma_wait3A_1165 = tpu.memref_slice %arg4[%add3A_1161, %dma_wait3A_1164] : memref<8192x1024xi32, #tpu.memory_space<hbm>> -> memref<1x1024xi32, #tpu.memory_space<hbm>>
      %dma_wait3A_1166 = tpu.memref_squeeze %dma_wait3A_1165 : memref<1x1024xi32, #tpu.memory_space<hbm>> -> memref<1024xi32, #tpu.memory_space<hbm>>
      %dma_wait3A_1167 = arith.constant 14336 : i32
      %dma_wait3A_1168 = tpu.memref_slice %arg9[%dma_wait3A_1167] : memref<16384xi32, #tpu.memory_space<vmem>> -> memref<1024xi32, #tpu.memory_space<vmem>>
      %dma_wait3A_1169 = arith.constant 0 : i32
      %dma_wait3A_1170 = tpu.memref_slice %arg4[%add3A_1161, %dma_wait3A_1169] : memref<8192x1024xi32, #tpu.memory_space<hbm>> -> memref<1x1024xi32, #tpu.memory_space<hbm>>
      %dma_wait3A_1171 = tpu.memref_squeeze %dma_wait3A_1170 : memref<1x1024xi32, #tpu.memory_space<hbm>> -> memref<1024xi32, #tpu.memory_space<hbm>>
      tpu.wait_dma2 semaphore(%arg15 : memref<!tpu.dma_semaphore, #tpu.memory_space<semaphore_mem>>) src(%dma_wait3A_1171 : memref<1024xi32, #tpu.memory_space<hbm>>) dst(%dma_wait3A_1168 : memref<1024xi32, #tpu.memory_space<vmem>>)
      %add3A_1172 = arith.constant 15 : i32
      %add3A_1173 = arith.addi %add3A_811, %add3A_1172 : i32
      %dma_wait3A_1174 = arith.constant 15360 : i32
      %dma_wait3A_1175 = tpu.memref_slice %arg7[%dma_wait3A_1174] : memref<16384xi32, #tpu.memory_space<vmem>> -> memref<1024xi32, #tpu.memory_space<vmem>>
      %dma_wait3A_1176 = arith.constant 0 : i32
      %dma_wait3A_1177 = tpu.memref_slice %arg3[%add3A_1173, %dma_wait3A_1176] : memref<8192x1024xi32, #tpu.memory_space<hbm>> -> memref<1x1024xi32, #tpu.memory_space<hbm>>
      %dma_wait3A_1178 = tpu.memref_squeeze %dma_wait3A_1177 : memref<1x1024xi32, #tpu.memory_space<hbm>> -> memref<1024xi32, #tpu.memory_space<hbm>>
      %dma_wait3A_1179 = arith.constant 15360 : i32
      %dma_wait3A_1180 = tpu.memref_slice %arg7[%dma_wait3A_1179] : memref<16384xi32, #tpu.memory_space<vmem>> -> memref<1024xi32, #tpu.memory_space<vmem>>
      %dma_wait3A_1181 = arith.constant 0 : i32
      %dma_wait3A_1182 = tpu.memref_slice %arg3[%add3A_1173, %dma_wait3A_1181] : memref<8192x1024xi32, #tpu.memory_space<hbm>> -> memref<1x1024xi32, #tpu.memory_space<hbm>>
      %dma_wait3A_1183 = tpu.memref_squeeze %dma_wait3A_1182 : memref<1x1024xi32, #tpu.memory_space<hbm>> -> memref<1024xi32, #tpu.memory_space<hbm>>
      tpu.wait_dma2 semaphore(%arg15 : memref<!tpu.dma_semaphore, #tpu.memory_space<semaphore_mem>>) src(%dma_wait3A_1183 : memref<1024xi32, #tpu.memory_space<hbm>>) dst(%dma_wait3A_1180 : memref<1024xi32, #tpu.memory_space<vmem>>)
      %add3A_1184 = arith.constant 15 : i32
      %add3A_1185 = arith.addi %add3A_811, %add3A_1184 : i32
      %dma_wait3A_1186 = arith.constant 15360 : i32
      %dma_wait3A_1187 = tpu.memref_slice %arg9[%dma_wait3A_1186] : memref<16384xi32, #tpu.memory_space<vmem>> -> memref<1024xi32, #tpu.memory_space<vmem>>
      %dma_wait3A_1188 = arith.constant 0 : i32
      %dma_wait3A_1189 = tpu.memref_slice %arg4[%add3A_1185, %dma_wait3A_1188] : memref<8192x1024xi32, #tpu.memory_space<hbm>> -> memref<1x1024xi32, #tpu.memory_space<hbm>>
      %dma_wait3A_1190 = tpu.memref_squeeze %dma_wait3A_1189 : memref<1x1024xi32, #tpu.memory_space<hbm>> -> memref<1024xi32, #tpu.memory_space<hbm>>
      %dma_wait3A_1191 = arith.constant 15360 : i32
      %dma_wait3A_1192 = tpu.memref_slice %arg9[%dma_wait3A_1191] : memref<16384xi32, #tpu.memory_space<vmem>> -> memref<1024xi32, #tpu.memory_space<vmem>>
      %dma_wait3A_1193 = arith.constant 0 : i32
      %dma_wait3A_1194 = tpu.memref_slice %arg4[%add3A_1185, %dma_wait3A_1193] : memref<8192x1024xi32, #tpu.memory_space<hbm>> -> memref<1x1024xi32, #tpu.memory_space<hbm>>
      %dma_wait3A_1195 = tpu.memref_squeeze %dma_wait3A_1194 : memref<1x1024xi32, #tpu.memory_space<hbm>> -> memref<1024xi32, #tpu.memory_space<hbm>>
      tpu.wait_dma2 semaphore(%arg15 : memref<!tpu.dma_semaphore, #tpu.memory_space<semaphore_mem>>) src(%dma_wait3A_1195 : memref<1024xi32, #tpu.memory_space<hbm>>) dst(%dma_wait3A_1192 : memref<1024xi32, #tpu.memory_space<vmem>>)
      %dma_wait3A_1196 = arith.constant 0 : i32
      %dma_wait3A_1197 = tpu.memref_slice %arg2[%add3A_811, %dma_wait3A_1196] : memref<8192x128xf32, #tpu.memory_space<hbm>> -> memref<16x128xf32, #tpu.memory_space<hbm>>
      %dma_wait3A_1198 = arith.constant 0 : i32
      %dma_wait3A_1199 = tpu.memref_slice %arg2[%add3A_811, %dma_wait3A_1198] : memref<8192x128xf32, #tpu.memory_space<hbm>> -> memref<16x128xf32, #tpu.memory_space<hbm>>
      tpu.wait_dma2 semaphore(%arg17 : memref<!tpu.dma_semaphore, #tpu.memory_space<semaphore_mem>>) src(%dma_wait3A_1199 : memref<16x128xf32, #tpu.memory_space<hbm>>) dst(%arg12 : memref<16x128xf32, #tpu.memory_space<vmem>>)
      %parallel_loop3A_1200 = arith.constant 0 : i32
      %parallel_loop3A_1201 = arith.constant 1008 : i32
      %parallel_loop3A_1202 = arith.constant 1 : i32
      scf.for %parallel_loop3A_1647 = %parallel_loop3A_1200 to %parallel_loop3A_1201 step %parallel_loop3A_1202  : i32 {
        %parallel_loop3A_1648 = vector.broadcast %parallel_loop3A_1647 : i32 to vector<16xi32>
        %parallel_loop3A_1649 = arith.addi %mul3A_6, %parallel_loop3A_1648 : vector<16xi32>
        %parallel_loop3A_1650 = tpu.vector_load_idx %arg7[%parallel_loop3A_1649] : memref<16384xi32, #tpu.memory_space<vmem>>[vector<16xi32>], vector<16xi32>,
        %parallel_loop3A_1651 = tpu.vector_load_idx %arg9[%parallel_loop3A_1649] : memref<16384xi32, #tpu.memory_space<vmem>>[vector<16xi32>], vector<16xi32>,
        %parallel_loop3A_1652 = arith.constant 8 : i32
        %parallel_loop3A_1653 = vector.broadcast %parallel_loop3A_1652 : i32 to vector<16xi32>
        %parallel_loop3A_1654 = arith.shli %parallel_loop3A_1650, %parallel_loop3A_1653 : vector<16xi32>
        %parallel_loop3A_1655 = arith.constant 4 : i32
        %parallel_loop3A_1656 = vector.broadcast %parallel_loop3A_1655 : i32 to vector<16xi32>
        %parallel_loop3A_1657 = arith.shli %parallel_loop3A_1651, %parallel_loop3A_1656 : vector<16xi32>
        %parallel_loop3A_1658 = arith.addi %parallel_loop3A_1654, %parallel_loop3A_1657 : vector<16xi32>
        %parallel_loop3A_1659 = arith.addi %parallel_loop3A_1658, %iota3A : vector<16xi32>
        tpu.vector_store_idx %arg11[%parallel_loop3A_1659], %get3A_1 {add = true} : memref<2048xf32, #tpu.memory_space<vmem>>[vector<16xi32>], vector<16xf32>,
      } {sc.loop_unroll_factor = 8 : i64, sc.parallel_access}
      %parallel_loop3A_1203 = arith.constant 1008 : i32
      %parallel_loop3A_1204 = arith.constant 1024 : i32
      %parallel_loop3A_1205 = arith.constant 1 : i32
      scf.for %parallel_loop3A_1647 = %parallel_loop3A_1203 to %parallel_loop3A_1204 step %parallel_loop3A_1205  : i32 {
        %parallel_loop3A_1648 = vector.broadcast %parallel_loop3A_1647 : i32 to vector<16xi32>
        %parallel_loop3A_1649 = arith.addi %mul3A_6, %parallel_loop3A_1648 : vector<16xi32>
        %parallel_loop3A_1650 = vector.broadcast %parallel_loop3A_1647 : i32 to vector<16xi32>
        %parallel_loop3A_1651 = arith.addi %iota3A, %parallel_loop3A_1650 : vector<16xi32>
        %parallel_loop3A_1652 = arith.constant 1024 : i32
        %parallel_loop3A_1653 = vector.broadcast %parallel_loop3A_1652 : i32 to vector<16xi32>
        %parallel_loop3A_1654 = arith.cmpi sge, %parallel_loop3A_1651, %parallel_loop3A_1653 : vector<16xi32>
        %parallel_loop3A_1655 = arith.constant 1024 : i32
        %parallel_loop3A_1656 = arith.constant 0 : i32
        %parallel_loop3A_1657 = vector.broadcast %parallel_loop3A_1655 : i32 to vector<16xi32>
        %parallel_loop3A_1658 = vector.broadcast %parallel_loop3A_1656 : i32 to vector<16xi32>
        %parallel_loop3A_1659 = arith.select %parallel_loop3A_1654, %parallel_loop3A_1657, %parallel_loop3A_1658 : vector<16xi1>, vector<16xi32>
        %parallel_loop3A_1660 = arith.subi %parallel_loop3A_1649, %parallel_loop3A_1659 : vector<16xi32>
        %parallel_loop3A_1661 = tpu.vector_load_idx %arg7[%parallel_loop3A_1660] : memref<16384xi32, #tpu.memory_space<vmem>>[vector<16xi32>], vector<16xi32>,
        %parallel_loop3A_1662 = tpu.vector_load_idx %arg9[%parallel_loop3A_1660] : memref<16384xi32, #tpu.memory_space<vmem>>[vector<16xi32>], vector<16xi32>,
        %parallel_loop3A_1663 = arith.constant 8 : i32
        %parallel_loop3A_1664 = vector.broadcast %parallel_loop3A_1663 : i32 to vector<16xi32>
        %parallel_loop3A_1665 = arith.shli %parallel_loop3A_1661, %parallel_loop3A_1664 : vector<16xi32>
        %parallel_loop3A_1666 = arith.constant 4 : i32
        %parallel_loop3A_1667 = vector.broadcast %parallel_loop3A_1666 : i32 to vector<16xi32>
        %parallel_loop3A_1668 = arith.shli %parallel_loop3A_1662, %parallel_loop3A_1667 : vector<16xi32>
        %parallel_loop3A_1669 = arith.addi %parallel_loop3A_1665, %parallel_loop3A_1668 : vector<16xi32>
        %parallel_loop3A_1670 = arith.addi %parallel_loop3A_1669, %iota3A : vector<16xi32>
        tpu.vector_store_idx %arg11[%parallel_loop3A_1670], %get3A_1 {add = true} : memref<2048xf32, #tpu.memory_space<vmem>>[vector<16xi32>], vector<16xf32>,
      } {sc.loop_unroll_factor = 1 : i64, sc.parallel_access}
      %parallel_loop3A_1206 = arith.constant 0 : i32
      %parallel_loop3A_1207 = arith.constant 128 : i32
      %parallel_loop3A_1208 = arith.constant 1 : i32
      scf.for %parallel_loop3A_1647 = %parallel_loop3A_1206 to %parallel_loop3A_1207 step %parallel_loop3A_1208  : i32 {
        %parallel_loop3A_1648 = arith.constant 112 : i32
        %parallel_loop3A_1649 = arith.andi %parallel_loop3A_1647, %parallel_loop3A_1648 : i32
        %parallel_loop3A_1650 = arith.constant 15 : i32
        %parallel_loop3A_1651 = arith.andi %parallel_loop3A_1647, %parallel_loop3A_1650 : i32
        %parallel_loop3A_1652 = vector.broadcast %parallel_loop3A_1651 : i32 to vector<16xi32>
        %parallel_loop3A_1653 = arith.addi %iota3A, %parallel_loop3A_1652 : vector<16xi32>
        %parallel_loop3A_1654 = arith.constant 15 : i32
        %parallel_loop3A_1655 = vector.broadcast %parallel_loop3A_1654 : i32 to vector<16xi32>
        %parallel_loop3A_1656 = arith.andi %parallel_loop3A_1653, %parallel_loop3A_1655 : vector<16xi32>
        %parallel_loop3A_1657 = vector.broadcast %parallel_loop3A_1649 : i32 to vector<16xi32>
        %parallel_loop3A_1658 = arith.addi %parallel_loop3A_1656, %parallel_loop3A_1657 : vector<16xi32>
        %parallel_loop3A_1659 = arith.constant 4 : i32
        %parallel_loop3A_1660 = vector.broadcast %parallel_loop3A_1659 : i32 to vector<16xi32>
        %parallel_loop3A_1661 = arith.shli %parallel_loop3A_1658, %parallel_loop3A_1660 : vector<16xi32>
        %parallel_loop3A_1662 = arith.addi %parallel_loop3A_1661, %iota3A : vector<16xi32>
        %parallel_loop3A_1663 = tpu.vector_load_idx %arg11[%parallel_loop3A_1662] : memref<2048xf32, #tpu.memory_space<vmem>>[vector<16xi32>], vector<16xf32>,
        tpu.vector_store_idx %arg12[%iota3A, %parallel_loop3A_1658], %parallel_loop3A_1663 {add = true} : memref<16x128xf32, #tpu.memory_space<vmem>>[vector<16xi32>, vector<16xi32>], vector<16xf32>,
      } {sc.loop_unroll_factor = 1 : i64, sc.parallel_access}
      %parallel_loop3A_1209 = arith.constant 0 : i32
      %parallel_loop3A_1210 = arith.constant 128 : i32
      %parallel_loop3A_1211 = arith.constant 1 : i32
      scf.for %parallel_loop3A_1647 = %parallel_loop3A_1209 to %parallel_loop3A_1210 step %parallel_loop3A_1211  : i32 {
        %parallel_loop3A_1648 = arith.constant 16 : i32
        %parallel_loop3A_1649 = arith.muli %parallel_loop3A_1647, %parallel_loop3A_1648 : i32
        %parallel_loop3A_1650 = tpu.assume_multiple %parallel_loop3A_1649, 16 : i32
        %parallel_loop3A_1651 = arith.index_cast %parallel_loop3A_1650 : i32 to index
        %parallel_loop3A_1652 = tpu.vector_load %arg11[%parallel_loop3A_1651] {strides = array<i32>} : memref<2048xf32, #tpu.memory_space<vmem>>, vector<16xf32>,
        tpu.vector_store %arg11[%parallel_loop3A_1651], %broadcast_in_dim3A_7 {strides = array<i32>} : memref<2048xf32, #tpu.memory_space<vmem>>, vector<16xf32>,
      } {sc.loop_unroll_factor = 1 : i64, sc.parallel_access}
      %ge3A = arith.constant 1 : i32
      %ge3A_1212 = arith.cmpi sge, %scan3A_417, %ge3A : i32
      %convert_element_type3A = arith.extui %ge3A_1212 : i1 to i32
      %cond3A = arith.constant 0 : i32
      %cond3A_1213 = arith.cmpi ne, %convert_element_type3A, %cond3A : i32
      scf.if %cond3A_1213 {
        %dma_wait3A_1647 = arith.constant 0 : i32
        %dma_wait3A_1648 = arith.constant 0 : i32
        %dma_wait3A_1649 = tpu.memref_slice %arg2[%dma_wait3A_1647, %dma_wait3A_1648] : memref<8192x128xf32, #tpu.memory_space<hbm>> -> memref<16x128xf32, #tpu.memory_space<hbm>>
        %dma_wait3A_1650 = arith.constant 0 : i32
        %dma_wait3A_1651 = arith.constant 0 : i32
        %dma_wait3A_1652 = tpu.memref_slice %arg2[%dma_wait3A_1650, %dma_wait3A_1651] : memref<8192x128xf32, #tpu.memory_space<hbm>> -> memref<16x128xf32, #tpu.memory_space<hbm>>
        tpu.wait_dma2 semaphore(%arg20 : memref<!tpu.dma_semaphore, #tpu.memory_space<semaphore_mem>>) src(%dma_wait3A_1652 : memref<16x128xf32, #tpu.memory_space<hbm>>) dst(%arg13 : memref<16x128xf32, #tpu.memory_space<vmem>>)
      } else {
      }
      %mul3A_1214 = arith.constant 16 : i32
      %mul3A_1215 = arith.muli %add3A_421, %mul3A_1214 : i32
      %add3A_1216 = arith.addi %mul3A_3, %mul3A_1215 : i32
      %dma_start3A_1217 = arith.constant 0 : i32
      %dma_start3A_1218 = tpu.memref_slice %arg2[%add3A_1216, %dma_start3A_1217] : memref<8192x128xf32, #tpu.memory_space<hbm>> -> memref<16x128xf32, #tpu.memory_space<hbm>>
      %dma_start3A_1219 = arith.constant 0 : i32
      %dma_start3A_1220 = tpu.memref_slice %arg2[%add3A_1216, %dma_start3A_1219] : memref<8192x128xf32, #tpu.memory_space<hbm>> -> memref<16x128xf32, #tpu.memory_space<hbm>>
      tpu.enqueue_dma source(%dma_start3A_1220 : memref<16x128xf32, #tpu.memory_space<hbm>>) target(%arg13 : memref<16x128xf32, #tpu.memory_space<vmem>>) target_semaphore(%arg18 : memref<!tpu.dma_semaphore, #tpu.memory_space<semaphore_mem>>)
      %mul3A_1221 = arith.constant 16 : i32
      %mul3A_1222 = arith.muli %mul3A_419, %mul3A_1221 : i32
      %add3A_1223 = arith.addi %mul3A_3, %mul3A_1222 : i32
      %dma_start3A_1224 = arith.constant 0 : i32
      %dma_start3A_1225 = tpu.memref_slice %arg6[%add3A_1223, %dma_start3A_1224] : memref<8192x128xf32, #tpu.memory_space<hbm>> -> memref<16x128xf32, #tpu.memory_space<hbm>>
      %dma_start3A_1226 = arith.constant 0 : i32
      %dma_start3A_1227 = tpu.memref_slice %arg6[%add3A_1223, %dma_start3A_1226] : memref<8192x128xf32, #tpu.memory_space<hbm>> -> memref<16x128xf32, #tpu.memory_space<hbm>>
      tpu.enqueue_dma source(%arg12 : memref<16x128xf32, #tpu.memory_space<vmem>>) target(%dma_start3A_1227 : memref<16x128xf32, #tpu.memory_space<hbm>>) target_semaphore(%arg19 : memref<!tpu.dma_semaphore, #tpu.memory_space<semaphore_mem>>)
      %lt3A = arith.constant 7 : i32
      %lt3A_1228 = arith.cmpi slt, %scan3A_417, %lt3A : i32
      %convert_element_type3A_1229 = arith.extui %lt3A_1228 : i1 to i32
      %cond3A_1230 = arith.constant 0 : i32
      %cond3A_1231 = arith.cmpi ne, %convert_element_type3A_1229, %cond3A_1230 : i32
      scf.if %cond3A_1231 {
        %add3A_1647 = arith.constant 2 : i32
        %add3A_1648 = arith.addi %mul3A_419, %add3A_1647 : i32
        %mul3A_1649 = arith.constant 16 : i32
        %mul3A_1650 = arith.muli %add3A_1648, %mul3A_1649 : i32
        %add3A_1651 = arith.addi %mul3A_3, %mul3A_1650 : i32
        %add3A_1652 = arith.constant 0 : i32
        %add3A_1653 = arith.addi %add3A_1651, %add3A_1652 : i32
        %dma_start3A_1654 = arith.constant 0 : i32
        %dma_start3A_1655 = tpu.memref_slice %arg7[%dma_start3A_1654] : memref<16384xi32, #tpu.memory_space<vmem>> -> memref<1024xi32, #tpu.memory_space<vmem>>
        %dma_start3A_1656 = arith.constant 0 : i32
        %dma_start3A_1657 = tpu.memref_slice %arg3[%add3A_1653, %dma_start3A_1656] : memref<8192x1024xi32, #tpu.memory_space<hbm>> -> memref<1x1024xi32, #tpu.memory_space<hbm>>
        %dma_start3A_1658 = tpu.memref_squeeze %dma_start3A_1657 : memref<1x1024xi32, #tpu.memory_space<hbm>> -> memref<1024xi32, #tpu.memory_space<hbm>>
        %dma_start3A_1659 = arith.constant 0 : i32
        %dma_start3A_1660 = tpu.memref_slice %arg7[%dma_start3A_1659] : memref<16384xi32, #tpu.memory_space<vmem>> -> memref<1024xi32, #tpu.memory_space<vmem>>
        %dma_start3A_1661 = arith.constant 0 : i32
        %dma_start3A_1662 = tpu.memref_slice %arg3[%add3A_1653, %dma_start3A_1661] : memref<8192x1024xi32, #tpu.memory_space<hbm>> -> memref<1x1024xi32, #tpu.memory_space<hbm>>
        %dma_start3A_1663 = tpu.memref_squeeze %dma_start3A_1662 : memref<1x1024xi32, #tpu.memory_space<hbm>> -> memref<1024xi32, #tpu.memory_space<hbm>>
        tpu.enqueue_dma source(%dma_start3A_1663 : memref<1024xi32, #tpu.memory_space<hbm>>) target(%dma_start3A_1660 : memref<1024xi32, #tpu.memory_space<vmem>>) target_semaphore(%arg15 : memref<!tpu.dma_semaphore, #tpu.memory_space<semaphore_mem>>)
        %add3A_1664 = arith.constant 0 : i32
        %add3A_1665 = arith.addi %add3A_1651, %add3A_1664 : i32
        %dma_start3A_1666 = arith.constant 0 : i32
        %dma_start3A_1667 = tpu.memref_slice %arg9[%dma_start3A_1666] : memref<16384xi32, #tpu.memory_space<vmem>> -> memref<1024xi32, #tpu.memory_space<vmem>>
        %dma_start3A_1668 = arith.constant 0 : i32
        %dma_start3A_1669 = tpu.memref_slice %arg4[%add3A_1665, %dma_start3A_1668] : memref<8192x1024xi32, #tpu.memory_space<hbm>> -> memref<1x1024xi32, #tpu.memory_space<hbm>>
        %dma_start3A_1670 = tpu.memref_squeeze %dma_start3A_1669 : memref<1x1024xi32, #tpu.memory_space<hbm>> -> memref<1024xi32, #tpu.memory_space<hbm>>
        %dma_start3A_1671 = arith.constant 0 : i32
        %dma_start3A_1672 = tpu.memref_slice %arg9[%dma_start3A_1671] : memref<16384xi32, #tpu.memory_space<vmem>> -> memref<1024xi32, #tpu.memory_space<vmem>>
        %dma_start3A_1673 = arith.constant 0 : i32
        %dma_start3A_1674 = tpu.memref_slice %arg4[%add3A_1665, %dma_start3A_1673] : memref<8192x1024xi32, #tpu.memory_space<hbm>> -> memref<1x1024xi32, #tpu.memory_space<hbm>>
        %dma_start3A_1675 = tpu.memref_squeeze %dma_start3A_1674 : memref<1x1024xi32, #tpu.memory_space<hbm>> -> memref<1024xi32, #tpu.memory_space<hbm>>
        tpu.enqueue_dma source(%dma_start3A_1675 : memref<1024xi32, #tpu.memory_space<hbm>>) target(%dma_start3A_1672 : memref<1024xi32, #tpu.memory_space<vmem>>) target_semaphore(%arg15 : memref<!tpu.dma_semaphore, #tpu.memory_space<semaphore_mem>>)
        %add3A_1676 = arith.constant 1 : i32
        %add3A_1677 = arith.addi %add3A_1651, %add3A_1676 : i32
        %dma_start3A_1678 = arith.constant 1024 : i32
        %dma_start3A_1679 = tpu.memref_slice %arg7[%dma_start3A_1678] : memref<16384xi32, #tpu.memory_space<vmem>> -> memref<1024xi32, #tpu.memory_space<vmem>>
        %dma_start3A_1680 = arith.constant 0 : i32
        %dma_start3A_1681 = tpu.memref_slice %arg3[%add3A_1677, %dma_start3A_1680] : memref<8192x1024xi32, #tpu.memory_space<hbm>> -> memref<1x1024xi32, #tpu.memory_space<hbm>>
        %dma_start3A_1682 = tpu.memref_squeeze %dma_start3A_1681 : memref<1x1024xi32, #tpu.memory_space<hbm>> -> memref<1024xi32, #tpu.memory_space<hbm>>
        %dma_start3A_1683 = arith.constant 1024 : i32
        %dma_start3A_1684 = tpu.memref_slice %arg7[%dma_start3A_1683] : memref<16384xi32, #tpu.memory_space<vmem>> -> memref<1024xi32, #tpu.memory_space<vmem>>
        %dma_start3A_1685 = arith.constant 0 : i32
        %dma_start3A_1686 = tpu.memref_slice %arg3[%add3A_1677, %dma_start3A_1685] : memref<8192x1024xi32, #tpu.memory_space<hbm>> -> memref<1x1024xi32, #tpu.memory_space<hbm>>
        %dma_start3A_1687 = tpu.memref_squeeze %dma_start3A_1686 : memref<1x1024xi32, #tpu.memory_space<hbm>> -> memref<1024xi32, #tpu.memory_space<hbm>>
        tpu.enqueue_dma source(%dma_start3A_1687 : memref<1024xi32, #tpu.memory_space<hbm>>) target(%dma_start3A_1684 : memref<1024xi32, #tpu.memory_space<vmem>>) target_semaphore(%arg15 : memref<!tpu.dma_semaphore, #tpu.memory_space<semaphore_mem>>)
        %add3A_1688 = arith.constant 1 : i32
        %add3A_1689 = arith.addi %add3A_1651, %add3A_1688 : i32
        %dma_start3A_1690 = arith.constant 1024 : i32
        %dma_start3A_1691 = tpu.memref_slice %arg9[%dma_start3A_1690] : memref<16384xi32, #tpu.memory_space<vmem>> -> memref<1024xi32, #tpu.memory_space<vmem>>
        %dma_start3A_1692 = arith.constant 0 : i32
        %dma_start3A_1693 = tpu.memref_slice %arg4[%add3A_1689, %dma_start3A_1692] : memref<8192x1024xi32, #tpu.memory_space<hbm>> -> memref<1x1024xi32, #tpu.memory_space<hbm>>
        %dma_start3A_1694 = tpu.memref_squeeze %dma_start3A_1693 : memref<1x1024xi32, #tpu.memory_space<hbm>> -> memref<1024xi32, #tpu.memory_space<hbm>>
        %dma_start3A_1695 = arith.constant 1024 : i32
        %dma_start3A_1696 = tpu.memref_slice %arg9[%dma_start3A_1695] : memref<16384xi32, #tpu.memory_space<vmem>> -> memref<1024xi32, #tpu.memory_space<vmem>>
        %dma_start3A_1697 = arith.constant 0 : i32
        %dma_start3A_1698 = tpu.memref_slice %arg4[%add3A_1689, %dma_start3A_1697] : memref<8192x1024xi32, #tpu.memory_space<hbm>> -> memref<1x1024xi32, #tpu.memory_space<hbm>>
        %dma_start3A_1699 = tpu.memref_squeeze %dma_start3A_1698 : memref<1x1024xi32, #tpu.memory_space<hbm>> -> memref<1024xi32, #tpu.memory_space<hbm>>
        tpu.enqueue_dma source(%dma_start3A_1699 : memref<1024xi32, #tpu.memory_space<hbm>>) target(%dma_start3A_1696 : memref<1024xi32, #tpu.memory_space<vmem>>) target_semaphore(%arg15 : memref<!tpu.dma_semaphore, #tpu.memory_space<semaphore_mem>>)
        %add3A_1700 = arith.constant 2 : i32
        %add3A_1701 = arith.addi %add3A_1651, %add3A_1700 : i32
        %dma_start3A_1702 = arith.constant 2048 : i32
        %dma_start3A_1703 = tpu.memref_slice %arg7[%dma_start3A_1702] : memref<16384xi32, #tpu.memory_space<vmem>> -> memref<1024xi32, #tpu.memory_space<vmem>>
        %dma_start3A_1704 = arith.constant 0 : i32
        %dma_start3A_1705 = tpu.memref_slice %arg3[%add3A_1701, %dma_start3A_1704] : memref<8192x1024xi32, #tpu.memory_space<hbm>> -> memref<1x1024xi32, #tpu.memory_space<hbm>>
        %dma_start3A_1706 = tpu.memref_squeeze %dma_start3A_1705 : memref<1x1024xi32, #tpu.memory_space<hbm>> -> memref<1024xi32, #tpu.memory_space<hbm>>
        %dma_start3A_1707 = arith.constant 2048 : i32
        %dma_start3A_1708 = tpu.memref_slice %arg7[%dma_start3A_1707] : memref<16384xi32, #tpu.memory_space<vmem>> -> memref<1024xi32, #tpu.memory_space<vmem>>
        %dma_start3A_1709 = arith.constant 0 : i32
        %dma_start3A_1710 = tpu.memref_slice %arg3[%add3A_1701, %dma_start3A_1709] : memref<8192x1024xi32, #tpu.memory_space<hbm>> -> memref<1x1024xi32, #tpu.memory_space<hbm>>
        %dma_start3A_1711 = tpu.memref_squeeze %dma_start3A_1710 : memref<1x1024xi32, #tpu.memory_space<hbm>> -> memref<1024xi32, #tpu.memory_space<hbm>>
        tpu.enqueue_dma source(%dma_start3A_1711 : memref<1024xi32, #tpu.memory_space<hbm>>) target(%dma_start3A_1708 : memref<1024xi32, #tpu.memory_space<vmem>>) target_semaphore(%arg15 : memref<!tpu.dma_semaphore, #tpu.memory_space<semaphore_mem>>)
        %add3A_1712 = arith.constant 2 : i32
        %add3A_1713 = arith.addi %add3A_1651, %add3A_1712 : i32
        %dma_start3A_1714 = arith.constant 2048 : i32
        %dma_start3A_1715 = tpu.memref_slice %arg9[%dma_start3A_1714] : memref<16384xi32, #tpu.memory_space<vmem>> -> memref<1024xi32, #tpu.memory_space<vmem>>
        %dma_start3A_1716 = arith.constant 0 : i32
        %dma_start3A_1717 = tpu.memref_slice %arg4[%add3A_1713, %dma_start3A_1716] : memref<8192x1024xi32, #tpu.memory_space<hbm>> -> memref<1x1024xi32, #tpu.memory_space<hbm>>
        %dma_start3A_1718 = tpu.memref_squeeze %dma_start3A_1717 : memref<1x1024xi32, #tpu.memory_space<hbm>> -> memref<1024xi32, #tpu.memory_space<hbm>>
        %dma_start3A_1719 = arith.constant 2048 : i32
        %dma_start3A_1720 = tpu.memref_slice %arg9[%dma_start3A_1719] : memref<16384xi32, #tpu.memory_space<vmem>> -> memref<1024xi32, #tpu.memory_space<vmem>>
        %dma_start3A_1721 = arith.constant 0 : i32
        %dma_start3A_1722 = tpu.memref_slice %arg4[%add3A_1713, %dma_start3A_1721] : memref<8192x1024xi32, #tpu.memory_space<hbm>> -> memref<1x1024xi32, #tpu.memory_space<hbm>>
        %dma_start3A_1723 = tpu.memref_squeeze %dma_start3A_1722 : memref<1x1024xi32, #tpu.memory_space<hbm>> -> memref<1024xi32, #tpu.memory_space<hbm>>
        tpu.enqueue_dma source(%dma_start3A_1723 : memref<1024xi32, #tpu.memory_space<hbm>>) target(%dma_start3A_1720 : memref<1024xi32, #tpu.memory_space<vmem>>) target_semaphore(%arg15 : memref<!tpu.dma_semaphore, #tpu.memory_space<semaphore_mem>>)
        %add3A_1724 = arith.constant 3 : i32
        %add3A_1725 = arith.addi %add3A_1651, %add3A_1724 : i32
        %dma_start3A_1726 = arith.constant 3072 : i32
        %dma_start3A_1727 = tpu.memref_slice %arg7[%dma_start3A_1726] : memref<16384xi32, #tpu.memory_space<vmem>> -> memref<1024xi32, #tpu.memory_space<vmem>>
        %dma_start3A_1728 = arith.constant 0 : i32
        %dma_start3A_1729 = tpu.memref_slice %arg3[%add3A_1725, %dma_start3A_1728] : memref<8192x1024xi32, #tpu.memory_space<hbm>> -> memref<1x1024xi32, #tpu.memory_space<hbm>>
        %dma_start3A_1730 = tpu.memref_squeeze %dma_start3A_1729 : memref<1x1024xi32, #tpu.memory_space<hbm>> -> memref<1024xi32, #tpu.memory_space<hbm>>
        %dma_start3A_1731 = arith.constant 3072 : i32
        %dma_start3A_1732 = tpu.memref_slice %arg7[%dma_start3A_1731] : memref<16384xi32, #tpu.memory_space<vmem>> -> memref<1024xi32, #tpu.memory_space<vmem>>
        %dma_start3A_1733 = arith.constant 0 : i32
        %dma_start3A_1734 = tpu.memref_slice %arg3[%add3A_1725, %dma_start3A_1733] : memref<8192x1024xi32, #tpu.memory_space<hbm>> -> memref<1x1024xi32, #tpu.memory_space<hbm>>
        %dma_start3A_1735 = tpu.memref_squeeze %dma_start3A_1734 : memref<1x1024xi32, #tpu.memory_space<hbm>> -> memref<1024xi32, #tpu.memory_space<hbm>>
        tpu.enqueue_dma source(%dma_start3A_1735 : memref<1024xi32, #tpu.memory_space<hbm>>) target(%dma_start3A_1732 : memref<1024xi32, #tpu.memory_space<vmem>>) target_semaphore(%arg15 : memref<!tpu.dma_semaphore, #tpu.memory_space<semaphore_mem>>)
        %add3A_1736 = arith.constant 3 : i32
        %add3A_1737 = arith.addi %add3A_1651, %add3A_1736 : i32
        %dma_start3A_1738 = arith.constant 3072 : i32
        %dma_start3A_1739 = tpu.memref_slice %arg9[%dma_start3A_1738] : memref<16384xi32, #tpu.memory_space<vmem>> -> memref<1024xi32, #tpu.memory_space<vmem>>
        %dma_start3A_1740 = arith.constant 0 : i32
        %dma_start3A_1741 = tpu.memref_slice %arg4[%add3A_1737, %dma_start3A_1740] : memref<8192x1024xi32, #tpu.memory_space<hbm>> -> memref<1x1024xi32, #tpu.memory_space<hbm>>
        %dma_start3A_1742 = tpu.memref_squeeze %dma_start3A_1741 : memref<1x1024xi32, #tpu.memory_space<hbm>> -> memref<1024xi32, #tpu.memory_space<hbm>>
        %dma_start3A_1743 = arith.constant 3072 : i32
        %dma_start3A_1744 = tpu.memref_slice %arg9[%dma_start3A_1743] : memref<16384xi32, #tpu.memory_space<vmem>> -> memref<1024xi32, #tpu.memory_space<vmem>>
        %dma_start3A_1745 = arith.constant 0 : i32
        %dma_start3A_1746 = tpu.memref_slice %arg4[%add3A_1737, %dma_start3A_1745] : memref<8192x1024xi32, #tpu.memory_space<hbm>> -> memref<1x1024xi32, #tpu.memory_space<hbm>>
        %dma_start3A_1747 = tpu.memref_squeeze %dma_start3A_1746 : memref<1x1024xi32, #tpu.memory_space<hbm>> -> memref<1024xi32, #tpu.memory_space<hbm>>
        tpu.enqueue_dma source(%dma_start3A_1747 : memref<1024xi32, #tpu.memory_space<hbm>>) target(%dma_start3A_1744 : memref<1024xi32, #tpu.memory_space<vmem>>) target_semaphore(%arg15 : memref<!tpu.dma_semaphore, #tpu.memory_space<semaphore_mem>>)
        %add3A_1748 = arith.constant 4 : i32
        %add3A_1749 = arith.addi %add3A_1651, %add3A_1748 : i32
        %dma_start3A_1750 = arith.constant 4096 : i32
        %dma_start3A_1751 = tpu.memref_slice %arg7[%dma_start3A_1750] : memref<16384xi32, #tpu.memory_space<vmem>> -> memref<1024xi32, #tpu.memory_space<vmem>>
        %dma_start3A_1752 = arith.constant 0 : i32
        %dma_start3A_1753 = tpu.memref_slice %arg3[%add3A_1749, %dma_start3A_1752] : memref<8192x1024xi32, #tpu.memory_space<hbm>> -> memref<1x1024xi32, #tpu.memory_space<hbm>>
        %dma_start3A_1754 = tpu.memref_squeeze %dma_start3A_1753 : memref<1x1024xi32, #tpu.memory_space<hbm>> -> memref<1024xi32, #tpu.memory_space<hbm>>
        %dma_start3A_1755 = arith.constant 4096 : i32
        %dma_start3A_1756 = tpu.memref_slice %arg7[%dma_start3A_1755] : memref<16384xi32, #tpu.memory_space<vmem>> -> memref<1024xi32, #tpu.memory_space<vmem>>
        %dma_start3A_1757 = arith.constant 0 : i32
        %dma_start3A_1758 = tpu.memref_slice %arg3[%add3A_1749, %dma_start3A_1757] : memref<8192x1024xi32, #tpu.memory_space<hbm>> -> memref<1x1024xi32, #tpu.memory_space<hbm>>
        %dma_start3A_1759 = tpu.memref_squeeze %dma_start3A_1758 : memref<1x1024xi32, #tpu.memory_space<hbm>> -> memref<1024xi32, #tpu.memory_space<hbm>>
        tpu.enqueue_dma source(%dma_start3A_1759 : memref<1024xi32, #tpu.memory_space<hbm>>) target(%dma_start3A_1756 : memref<1024xi32, #tpu.memory_space<vmem>>) target_semaphore(%arg15 : memref<!tpu.dma_semaphore, #tpu.memory_space<semaphore_mem>>)
        %add3A_1760 = arith.constant 4 : i32
        %add3A_1761 = arith.addi %add3A_1651, %add3A_1760 : i32
        %dma_start3A_1762 = arith.constant 4096 : i32
        %dma_start3A_1763 = tpu.memref_slice %arg9[%dma_start3A_1762] : memref<16384xi32, #tpu.memory_space<vmem>> -> memref<1024xi32, #tpu.memory_space<vmem>>
        %dma_start3A_1764 = arith.constant 0 : i32
        %dma_start3A_1765 = tpu.memref_slice %arg4[%add3A_1761, %dma_start3A_1764] : memref<8192x1024xi32, #tpu.memory_space<hbm>> -> memref<1x1024xi32, #tpu.memory_space<hbm>>
        %dma_start3A_1766 = tpu.memref_squeeze %dma_start3A_1765 : memref<1x1024xi32, #tpu.memory_space<hbm>> -> memref<1024xi32, #tpu.memory_space<hbm>>
        %dma_start3A_1767 = arith.constant 4096 : i32
        %dma_start3A_1768 = tpu.memref_slice %arg9[%dma_start3A_1767] : memref<16384xi32, #tpu.memory_space<vmem>> -> memref<1024xi32, #tpu.memory_space<vmem>>
        %dma_start3A_1769 = arith.constant 0 : i32
        %dma_start3A_1770 = tpu.memref_slice %arg4[%add3A_1761, %dma_start3A_1769] : memref<8192x1024xi32, #tpu.memory_space<hbm>> -> memref<1x1024xi32, #tpu.memory_space<hbm>>
        %dma_start3A_1771 = tpu.memref_squeeze %dma_start3A_1770 : memref<1x1024xi32, #tpu.memory_space<hbm>> -> memref<1024xi32, #tpu.memory_space<hbm>>
        tpu.enqueue_dma source(%dma_start3A_1771 : memref<1024xi32, #tpu.memory_space<hbm>>) target(%dma_start3A_1768 : memref<1024xi32, #tpu.memory_space<vmem>>) target_semaphore(%arg15 : memref<!tpu.dma_semaphore, #tpu.memory_space<semaphore_mem>>)
        %add3A_1772 = arith.constant 5 : i32
        %add3A_1773 = arith.addi %add3A_1651, %add3A_1772 : i32
        %dma_start3A_1774 = arith.constant 5120 : i32
        %dma_start3A_1775 = tpu.memref_slice %arg7[%dma_start3A_1774] : memref<16384xi32, #tpu.memory_space<vmem>> -> memref<1024xi32, #tpu.memory_space<vmem>>
        %dma_start3A_1776 = arith.constant 0 : i32
        %dma_start3A_1777 = tpu.memref_slice %arg3[%add3A_1773, %dma_start3A_1776] : memref<8192x1024xi32, #tpu.memory_space<hbm>> -> memref<1x1024xi32, #tpu.memory_space<hbm>>
        %dma_start3A_1778 = tpu.memref_squeeze %dma_start3A_1777 : memref<1x1024xi32, #tpu.memory_space<hbm>> -> memref<1024xi32, #tpu.memory_space<hbm>>
        %dma_start3A_1779 = arith.constant 5120 : i32
        %dma_start3A_1780 = tpu.memref_slice %arg7[%dma_start3A_1779] : memref<16384xi32, #tpu.memory_space<vmem>> -> memref<1024xi32, #tpu.memory_space<vmem>>
        %dma_start3A_1781 = arith.constant 0 : i32
        %dma_start3A_1782 = tpu.memref_slice %arg3[%add3A_1773, %dma_start3A_1781] : memref<8192x1024xi32, #tpu.memory_space<hbm>> -> memref<1x1024xi32, #tpu.memory_space<hbm>>
        %dma_start3A_1783 = tpu.memref_squeeze %dma_start3A_1782 : memref<1x1024xi32, #tpu.memory_space<hbm>> -> memref<1024xi32, #tpu.memory_space<hbm>>
        tpu.enqueue_dma source(%dma_start3A_1783 : memref<1024xi32, #tpu.memory_space<hbm>>) target(%dma_start3A_1780 : memref<1024xi32, #tpu.memory_space<vmem>>) target_semaphore(%arg15 : memref<!tpu.dma_semaphore, #tpu.memory_space<semaphore_mem>>)
        %add3A_1784 = arith.constant 5 : i32
        %add3A_1785 = arith.addi %add3A_1651, %add3A_1784 : i32
        %dma_start3A_1786 = arith.constant 5120 : i32
        %dma_start3A_1787 = tpu.memref_slice %arg9[%dma_start3A_1786] : memref<16384xi32, #tpu.memory_space<vmem>> -> memref<1024xi32, #tpu.memory_space<vmem>>
        %dma_start3A_1788 = arith.constant 0 : i32
        %dma_start3A_1789 = tpu.memref_slice %arg4[%add3A_1785, %dma_start3A_1788] : memref<8192x1024xi32, #tpu.memory_space<hbm>> -> memref<1x1024xi32, #tpu.memory_space<hbm>>
        %dma_start3A_1790 = tpu.memref_squeeze %dma_start3A_1789 : memref<1x1024xi32, #tpu.memory_space<hbm>> -> memref<1024xi32, #tpu.memory_space<hbm>>
        %dma_start3A_1791 = arith.constant 5120 : i32
        %dma_start3A_1792 = tpu.memref_slice %arg9[%dma_start3A_1791] : memref<16384xi32, #tpu.memory_space<vmem>> -> memref<1024xi32, #tpu.memory_space<vmem>>
        %dma_start3A_1793 = arith.constant 0 : i32
        %dma_start3A_1794 = tpu.memref_slice %arg4[%add3A_1785, %dma_start3A_1793] : memref<8192x1024xi32, #tpu.memory_space<hbm>> -> memref<1x1024xi32, #tpu.memory_space<hbm>>
        %dma_start3A_1795 = tpu.memref_squeeze %dma_start3A_1794 : memref<1x1024xi32, #tpu.memory_space<hbm>> -> memref<1024xi32, #tpu.memory_space<hbm>>
        tpu.enqueue_dma source(%dma_start3A_1795 : memref<1024xi32, #tpu.memory_space<hbm>>) target(%dma_start3A_1792 : memref<1024xi32, #tpu.memory_space<vmem>>) target_semaphore(%arg15 : memref<!tpu.dma_semaphore, #tpu.memory_space<semaphore_mem>>)
        %add3A_1796 = arith.constant 6 : i32
        %add3A_1797 = arith.addi %add3A_1651, %add3A_1796 : i32
        %dma_start3A_1798 = arith.constant 6144 : i32
        %dma_start3A_1799 = tpu.memref_slice %arg7[%dma_start3A_1798] : memref<16384xi32, #tpu.memory_space<vmem>> -> memref<1024xi32, #tpu.memory_space<vmem>>
        %dma_start3A_1800 = arith.constant 0 : i32
        %dma_start3A_1801 = tpu.memref_slice %arg3[%add3A_1797, %dma_start3A_1800] : memref<8192x1024xi32, #tpu.memory_space<hbm>> -> memref<1x1024xi32, #tpu.memory_space<hbm>>
        %dma_start3A_1802 = tpu.memref_squeeze %dma_start3A_1801 : memref<1x1024xi32, #tpu.memory_space<hbm>> -> memref<1024xi32, #tpu.memory_space<hbm>>
        %dma_start3A_1803 = arith.constant 6144 : i32
        %dma_start3A_1804 = tpu.memref_slice %arg7[%dma_start3A_1803] : memref<16384xi32, #tpu.memory_space<vmem>> -> memref<1024xi32, #tpu.memory_space<vmem>>
        %dma_start3A_1805 = arith.constant 0 : i32
        %dma_start3A_1806 = tpu.memref_slice %arg3[%add3A_1797, %dma_start3A_1805] : memref<8192x1024xi32, #tpu.memory_space<hbm>> -> memref<1x1024xi32, #tpu.memory_space<hbm>>
        %dma_start3A_1807 = tpu.memref_squeeze %dma_start3A_1806 : memref<1x1024xi32, #tpu.memory_space<hbm>> -> memref<1024xi32, #tpu.memory_space<hbm>>
        tpu.enqueue_dma source(%dma_start3A_1807 : memref<1024xi32, #tpu.memory_space<hbm>>) target(%dma_start3A_1804 : memref<1024xi32, #tpu.memory_space<vmem>>) target_semaphore(%arg15 : memref<!tpu.dma_semaphore, #tpu.memory_space<semaphore_mem>>)
        %add3A_1808 = arith.constant 6 : i32
        %add3A_1809 = arith.addi %add3A_1651, %add3A_1808 : i32
        %dma_start3A_1810 = arith.constant 6144 : i32
        %dma_start3A_1811 = tpu.memref_slice %arg9[%dma_start3A_1810] : memref<16384xi32, #tpu.memory_space<vmem>> -> memref<1024xi32, #tpu.memory_space<vmem>>
        %dma_start3A_1812 = arith.constant 0 : i32
        %dma_start3A_1813 = tpu.memref_slice %arg4[%add3A_1809, %dma_start3A_1812] : memref<8192x1024xi32, #tpu.memory_space<hbm>> -> memref<1x1024xi32, #tpu.memory_space<hbm>>
        %dma_start3A_1814 = tpu.memref_squeeze %dma_start3A_1813 : memref<1x1024xi32, #tpu.memory_space<hbm>> -> memref<1024xi32, #tpu.memory_space<hbm>>
        %dma_start3A_1815 = arith.constant 6144 : i32
        %dma_start3A_1816 = tpu.memref_slice %arg9[%dma_start3A_1815] : memref<16384xi32, #tpu.memory_space<vmem>> -> memref<1024xi32, #tpu.memory_space<vmem>>
        %dma_start3A_1817 = arith.constant 0 : i32
        %dma_start3A_1818 = tpu.memref_slice %arg4[%add3A_1809, %dma_start3A_1817] : memref<8192x1024xi32, #tpu.memory_space<hbm>> -> memref<1x1024xi32, #tpu.memory_space<hbm>>
        %dma_start3A_1819 = tpu.memref_squeeze %dma_start3A_1818 : memref<1x1024xi32, #tpu.memory_space<hbm>> -> memref<1024xi32, #tpu.memory_space<hbm>>
        tpu.enqueue_dma source(%dma_start3A_1819 : memref<1024xi32, #tpu.memory_space<hbm>>) target(%dma_start3A_1816 : memref<1024xi32, #tpu.memory_space<vmem>>) target_semaphore(%arg15 : memref<!tpu.dma_semaphore, #tpu.memory_space<semaphore_mem>>)
        %add3A_1820 = arith.constant 7 : i32
        %add3A_1821 = arith.addi %add3A_1651, %add3A_1820 : i32
        %dma_start3A_1822 = arith.constant 7168 : i32
        %dma_start3A_1823 = tpu.memref_slice %arg7[%dma_start3A_1822] : memref<16384xi32, #tpu.memory_space<vmem>> -> memref<1024xi32, #tpu.memory_space<vmem>>
        %dma_start3A_1824 = arith.constant 0 : i32
        %dma_start3A_1825 = tpu.memref_slice %arg3[%add3A_1821, %dma_start3A_1824] : memref<8192x1024xi32, #tpu.memory_space<hbm>> -> memref<1x1024xi32, #tpu.memory_space<hbm>>
        %dma_start3A_1826 = tpu.memref_squeeze %dma_start3A_1825 : memref<1x1024xi32, #tpu.memory_space<hbm>> -> memref<1024xi32, #tpu.memory_space<hbm>>
        %dma_start3A_1827 = arith.constant 7168 : i32
        %dma_start3A_1828 = tpu.memref_slice %arg7[%dma_start3A_1827] : memref<16384xi32, #tpu.memory_space<vmem>> -> memref<1024xi32, #tpu.memory_space<vmem>>
        %dma_start3A_1829 = arith.constant 0 : i32
        %dma_start3A_1830 = tpu.memref_slice %arg3[%add3A_1821, %dma_start3A_1829] : memref<8192x1024xi32, #tpu.memory_space<hbm>> -> memref<1x1024xi32, #tpu.memory_space<hbm>>
        %dma_start3A_1831 = tpu.memref_squeeze %dma_start3A_1830 : memref<1x1024xi32, #tpu.memory_space<hbm>> -> memref<1024xi32, #tpu.memory_space<hbm>>
        tpu.enqueue_dma source(%dma_start3A_1831 : memref<1024xi32, #tpu.memory_space<hbm>>) target(%dma_start3A_1828 : memref<1024xi32, #tpu.memory_space<vmem>>) target_semaphore(%arg15 : memref<!tpu.dma_semaphore, #tpu.memory_space<semaphore_mem>>)
        %add3A_1832 = arith.constant 7 : i32
        %add3A_1833 = arith.addi %add3A_1651, %add3A_1832 : i32
        %dma_start3A_1834 = arith.constant 7168 : i32
        %dma_start3A_1835 = tpu.memref_slice %arg9[%dma_start3A_1834] : memref<16384xi32, #tpu.memory_space<vmem>> -> memref<1024xi32, #tpu.memory_space<vmem>>
        %dma_start3A_1836 = arith.constant 0 : i32
        %dma_start3A_1837 = tpu.memref_slice %arg4[%add3A_1833, %dma_start3A_1836] : memref<8192x1024xi32, #tpu.memory_space<hbm>> -> memref<1x1024xi32, #tpu.memory_space<hbm>>
        %dma_start3A_1838 = tpu.memref_squeeze %dma_start3A_1837 : memref<1x1024xi32, #tpu.memory_space<hbm>> -> memref<1024xi32, #tpu.memory_space<hbm>>
        %dma_start3A_1839 = arith.constant 7168 : i32
        %dma_start3A_1840 = tpu.memref_slice %arg9[%dma_start3A_1839] : memref<16384xi32, #tpu.memory_space<vmem>> -> memref<1024xi32, #tpu.memory_space<vmem>>
        %dma_start3A_1841 = arith.constant 0 : i32
        %dma_start3A_1842 = tpu.memref_slice %arg4[%add3A_1833, %dma_start3A_1841] : memref<8192x1024xi32, #tpu.memory_space<hbm>> -> memref<1x1024xi32, #tpu.memory_space<hbm>>
        %dma_start3A_1843 = tpu.memref_squeeze %dma_start3A_1842 : memref<1x1024xi32, #tpu.memory_space<hbm>> -> memref<1024xi32, #tpu.memory_space<hbm>>
        tpu.enqueue_dma source(%dma_start3A_1843 : memref<1024xi32, #tpu.memory_space<hbm>>) target(%dma_start3A_1840 : memref<1024xi32, #tpu.memory_space<vmem>>) target_semaphore(%arg15 : memref<!tpu.dma_semaphore, #tpu.memory_space<semaphore_mem>>)
        %add3A_1844 = arith.constant 8 : i32
        %add3A_1845 = arith.addi %add3A_1651, %add3A_1844 : i32
        %dma_start3A_1846 = arith.constant 8192 : i32
        %dma_start3A_1847 = tpu.memref_slice %arg7[%dma_start3A_1846] : memref<16384xi32, #tpu.memory_space<vmem>> -> memref<1024xi32, #tpu.memory_space<vmem>>
        %dma_start3A_1848 = arith.constant 0 : i32
        %dma_start3A_1849 = tpu.memref_slice %arg3[%add3A_1845, %dma_start3A_1848] : memref<8192x1024xi32, #tpu.memory_space<hbm>> -> memref<1x1024xi32, #tpu.memory_space<hbm>>
        %dma_start3A_1850 = tpu.memref_squeeze %dma_start3A_1849 : memref<1x1024xi32, #tpu.memory_space<hbm>> -> memref<1024xi32, #tpu.memory_space<hbm>>
        %dma_start3A_1851 = arith.constant 8192 : i32
        %dma_start3A_1852 = tpu.memref_slice %arg7[%dma_start3A_1851] : memref<16384xi32, #tpu.memory_space<vmem>> -> memref<1024xi32, #tpu.memory_space<vmem>>
        %dma_start3A_1853 = arith.constant 0 : i32
        %dma_start3A_1854 = tpu.memref_slice %arg3[%add3A_1845, %dma_start3A_1853] : memref<8192x1024xi32, #tpu.memory_space<hbm>> -> memref<1x1024xi32, #tpu.memory_space<hbm>>
        %dma_start3A_1855 = tpu.memref_squeeze %dma_start3A_1854 : memref<1x1024xi32, #tpu.memory_space<hbm>> -> memref<1024xi32, #tpu.memory_space<hbm>>
        tpu.enqueue_dma source(%dma_start3A_1855 : memref<1024xi32, #tpu.memory_space<hbm>>) target(%dma_start3A_1852 : memref<1024xi32, #tpu.memory_space<vmem>>) target_semaphore(%arg15 : memref<!tpu.dma_semaphore, #tpu.memory_space<semaphore_mem>>)
        %add3A_1856 = arith.constant 8 : i32
        %add3A_1857 = arith.addi %add3A_1651, %add3A_1856 : i32
        %dma_start3A_1858 = arith.constant 8192 : i32
        %dma_start3A_1859 = tpu.memref_slice %arg9[%dma_start3A_1858] : memref<16384xi32, #tpu.memory_space<vmem>> -> memref<1024xi32, #tpu.memory_space<vmem>>
        %dma_start3A_1860 = arith.constant 0 : i32
        %dma_start3A_1861 = tpu.memref_slice %arg4[%add3A_1857, %dma_start3A_1860] : memref<8192x1024xi32, #tpu.memory_space<hbm>> -> memref<1x1024xi32, #tpu.memory_space<hbm>>
        %dma_start3A_1862 = tpu.memref_squeeze %dma_start3A_1861 : memref<1x1024xi32, #tpu.memory_space<hbm>> -> memref<1024xi32, #tpu.memory_space<hbm>>
        %dma_start3A_1863 = arith.constant 8192 : i32
        %dma_start3A_1864 = tpu.memref_slice %arg9[%dma_start3A_1863] : memref<16384xi32, #tpu.memory_space<vmem>> -> memref<1024xi32, #tpu.memory_space<vmem>>
        %dma_start3A_1865 = arith.constant 0 : i32
        %dma_start3A_1866 = tpu.memref_slice %arg4[%add3A_1857, %dma_start3A_1865] : memref<8192x1024xi32, #tpu.memory_space<hbm>> -> memref<1x1024xi32, #tpu.memory_space<hbm>>
        %dma_start3A_1867 = tpu.memref_squeeze %dma_start3A_1866 : memref<1x1024xi32, #tpu.memory_space<hbm>> -> memref<1024xi32, #tpu.memory_space<hbm>>
        tpu.enqueue_dma source(%dma_start3A_1867 : memref<1024xi32, #tpu.memory_space<hbm>>) target(%dma_start3A_1864 : memref<1024xi32, #tpu.memory_space<vmem>>) target_semaphore(%arg15 : memref<!tpu.dma_semaphore, #tpu.memory_space<semaphore_mem>>)
        %add3A_1868 = arith.constant 9 : i32
        %add3A_1869 = arith.addi %add3A_1651, %add3A_1868 : i32
        %dma_start3A_1870 = arith.constant 9216 : i32
        %dma_start3A_1871 = tpu.memref_slice %arg7[%dma_start3A_1870] : memref<16384xi32, #tpu.memory_space<vmem>> -> memref<1024xi32, #tpu.memory_space<vmem>>
        %dma_start3A_1872 = arith.constant 0 : i32
        %dma_start3A_1873 = tpu.memref_slice %arg3[%add3A_1869, %dma_start3A_1872] : memref<8192x1024xi32, #tpu.memory_space<hbm>> -> memref<1x1024xi32, #tpu.memory_space<hbm>>
        %dma_start3A_1874 = tpu.memref_squeeze %dma_start3A_1873 : memref<1x1024xi32, #tpu.memory_space<hbm>> -> memref<1024xi32, #tpu.memory_space<hbm>>
        %dma_start3A_1875 = arith.constant 9216 : i32
        %dma_start3A_1876 = tpu.memref_slice %arg7[%dma_start3A_1875] : memref<16384xi32, #tpu.memory_space<vmem>> -> memref<1024xi32, #tpu.memory_space<vmem>>
        %dma_start3A_1877 = arith.constant 0 : i32
        %dma_start3A_1878 = tpu.memref_slice %arg3[%add3A_1869, %dma_start3A_1877] : memref<8192x1024xi32, #tpu.memory_space<hbm>> -> memref<1x1024xi32, #tpu.memory_space<hbm>>
        %dma_start3A_1879 = tpu.memref_squeeze %dma_start3A_1878 : memref<1x1024xi32, #tpu.memory_space<hbm>> -> memref<1024xi32, #tpu.memory_space<hbm>>
        tpu.enqueue_dma source(%dma_start3A_1879 : memref<1024xi32, #tpu.memory_space<hbm>>) target(%dma_start3A_1876 : memref<1024xi32, #tpu.memory_space<vmem>>) target_semaphore(%arg15 : memref<!tpu.dma_semaphore, #tpu.memory_space<semaphore_mem>>)
        %add3A_1880 = arith.constant 9 : i32
        %add3A_1881 = arith.addi %add3A_1651, %add3A_1880 : i32
        %dma_start3A_1882 = arith.constant 9216 : i32
        %dma_start3A_1883 = tpu.memref_slice %arg9[%dma_start3A_1882] : memref<16384xi32, #tpu.memory_space<vmem>> -> memref<1024xi32, #tpu.memory_space<vmem>>
        %dma_start3A_1884 = arith.constant 0 : i32
        %dma_start3A_1885 = tpu.memref_slice %arg4[%add3A_1881, %dma_start3A_1884] : memref<8192x1024xi32, #tpu.memory_space<hbm>> -> memref<1x1024xi32, #tpu.memory_space<hbm>>
        %dma_start3A_1886 = tpu.memref_squeeze %dma_start3A_1885 : memref<1x1024xi32, #tpu.memory_space<hbm>> -> memref<1024xi32, #tpu.memory_space<hbm>>
        %dma_start3A_1887 = arith.constant 9216 : i32
        %dma_start3A_1888 = tpu.memref_slice %arg9[%dma_start3A_1887] : memref<16384xi32, #tpu.memory_space<vmem>> -> memref<1024xi32, #tpu.memory_space<vmem>>
        %dma_start3A_1889 = arith.constant 0 : i32
        %dma_start3A_1890 = tpu.memref_slice %arg4[%add3A_1881, %dma_start3A_1889] : memref<8192x1024xi32, #tpu.memory_space<hbm>> -> memref<1x1024xi32, #tpu.memory_space<hbm>>
        %dma_start3A_1891 = tpu.memref_squeeze %dma_start3A_1890 : memref<1x1024xi32, #tpu.memory_space<hbm>> -> memref<1024xi32, #tpu.memory_space<hbm>>
        tpu.enqueue_dma source(%dma_start3A_1891 : memref<1024xi32, #tpu.memory_space<hbm>>) target(%dma_start3A_1888 : memref<1024xi32, #tpu.memory_space<vmem>>) target_semaphore(%arg15 : memref<!tpu.dma_semaphore, #tpu.memory_space<semaphore_mem>>)
        %add3A_1892 = arith.constant 10 : i32
        %add3A_1893 = arith.addi %add3A_1651, %add3A_1892 : i32
        %dma_start3A_1894 = arith.constant 10240 : i32
        %dma_start3A_1895 = tpu.memref_slice %arg7[%dma_start3A_1894] : memref<16384xi32, #tpu.memory_space<vmem>> -> memref<1024xi32, #tpu.memory_space<vmem>>
        %dma_start3A_1896 = arith.constant 0 : i32
        %dma_start3A_1897 = tpu.memref_slice %arg3[%add3A_1893, %dma_start3A_1896] : memref<8192x1024xi32, #tpu.memory_space<hbm>> -> memref<1x1024xi32, #tpu.memory_space<hbm>>
        %dma_start3A_1898 = tpu.memref_squeeze %dma_start3A_1897 : memref<1x1024xi32, #tpu.memory_space<hbm>> -> memref<1024xi32, #tpu.memory_space<hbm>>
        %dma_start3A_1899 = arith.constant 10240 : i32
        %dma_start3A_1900 = tpu.memref_slice %arg7[%dma_start3A_1899] : memref<16384xi32, #tpu.memory_space<vmem>> -> memref<1024xi32, #tpu.memory_space<vmem>>
        %dma_start3A_1901 = arith.constant 0 : i32
        %dma_start3A_1902 = tpu.memref_slice %arg3[%add3A_1893, %dma_start3A_1901] : memref<8192x1024xi32, #tpu.memory_space<hbm>> -> memref<1x1024xi32, #tpu.memory_space<hbm>>
        %dma_start3A_1903 = tpu.memref_squeeze %dma_start3A_1902 : memref<1x1024xi32, #tpu.memory_space<hbm>> -> memref<1024xi32, #tpu.memory_space<hbm>>
        tpu.enqueue_dma source(%dma_start3A_1903 : memref<1024xi32, #tpu.memory_space<hbm>>) target(%dma_start3A_1900 : memref<1024xi32, #tpu.memory_space<vmem>>) target_semaphore(%arg15 : memref<!tpu.dma_semaphore, #tpu.memory_space<semaphore_mem>>)
        %add3A_1904 = arith.constant 10 : i32
        %add3A_1905 = arith.addi %add3A_1651, %add3A_1904 : i32
        %dma_start3A_1906 = arith.constant 10240 : i32
        %dma_start3A_1907 = tpu.memref_slice %arg9[%dma_start3A_1906] : memref<16384xi32, #tpu.memory_space<vmem>> -> memref<1024xi32, #tpu.memory_space<vmem>>
        %dma_start3A_1908 = arith.constant 0 : i32
        %dma_start3A_1909 = tpu.memref_slice %arg4[%add3A_1905, %dma_start3A_1908] : memref<8192x1024xi32, #tpu.memory_space<hbm>> -> memref<1x1024xi32, #tpu.memory_space<hbm>>
        %dma_start3A_1910 = tpu.memref_squeeze %dma_start3A_1909 : memref<1x1024xi32, #tpu.memory_space<hbm>> -> memref<1024xi32, #tpu.memory_space<hbm>>
        %dma_start3A_1911 = arith.constant 10240 : i32
        %dma_start3A_1912 = tpu.memref_slice %arg9[%dma_start3A_1911] : memref<16384xi32, #tpu.memory_space<vmem>> -> memref<1024xi32, #tpu.memory_space<vmem>>
        %dma_start3A_1913 = arith.constant 0 : i32
        %dma_start3A_1914 = tpu.memref_slice %arg4[%add3A_1905, %dma_start3A_1913] : memref<8192x1024xi32, #tpu.memory_space<hbm>> -> memref<1x1024xi32, #tpu.memory_space<hbm>>
        %dma_start3A_1915 = tpu.memref_squeeze %dma_start3A_1914 : memref<1x1024xi32, #tpu.memory_space<hbm>> -> memref<1024xi32, #tpu.memory_space<hbm>>
        tpu.enqueue_dma source(%dma_start3A_1915 : memref<1024xi32, #tpu.memory_space<hbm>>) target(%dma_start3A_1912 : memref<1024xi32, #tpu.memory_space<vmem>>) target_semaphore(%arg15 : memref<!tpu.dma_semaphore, #tpu.memory_space<semaphore_mem>>)
        %add3A_1916 = arith.constant 11 : i32
        %add3A_1917 = arith.addi %add3A_1651, %add3A_1916 : i32
        %dma_start3A_1918 = arith.constant 11264 : i32
        %dma_start3A_1919 = tpu.memref_slice %arg7[%dma_start3A_1918] : memref<16384xi32, #tpu.memory_space<vmem>> -> memref<1024xi32, #tpu.memory_space<vmem>>
        %dma_start3A_1920 = arith.constant 0 : i32
        %dma_start3A_1921 = tpu.memref_slice %arg3[%add3A_1917, %dma_start3A_1920] : memref<8192x1024xi32, #tpu.memory_space<hbm>> -> memref<1x1024xi32, #tpu.memory_space<hbm>>
        %dma_start3A_1922 = tpu.memref_squeeze %dma_start3A_1921 : memref<1x1024xi32, #tpu.memory_space<hbm>> -> memref<1024xi32, #tpu.memory_space<hbm>>
        %dma_start3A_1923 = arith.constant 11264 : i32
        %dma_start3A_1924 = tpu.memref_slice %arg7[%dma_start3A_1923] : memref<16384xi32, #tpu.memory_space<vmem>> -> memref<1024xi32, #tpu.memory_space<vmem>>
        %dma_start3A_1925 = arith.constant 0 : i32
        %dma_start3A_1926 = tpu.memref_slice %arg3[%add3A_1917, %dma_start3A_1925] : memref<8192x1024xi32, #tpu.memory_space<hbm>> -> memref<1x1024xi32, #tpu.memory_space<hbm>>
        %dma_start3A_1927 = tpu.memref_squeeze %dma_start3A_1926 : memref<1x1024xi32, #tpu.memory_space<hbm>> -> memref<1024xi32, #tpu.memory_space<hbm>>
        tpu.enqueue_dma source(%dma_start3A_1927 : memref<1024xi32, #tpu.memory_space<hbm>>) target(%dma_start3A_1924 : memref<1024xi32, #tpu.memory_space<vmem>>) target_semaphore(%arg15 : memref<!tpu.dma_semaphore, #tpu.memory_space<semaphore_mem>>)
        %add3A_1928 = arith.constant 11 : i32
        %add3A_1929 = arith.addi %add3A_1651, %add3A_1928 : i32
        %dma_start3A_1930 = arith.constant 11264 : i32
        %dma_start3A_1931 = tpu.memref_slice %arg9[%dma_start3A_1930] : memref<16384xi32, #tpu.memory_space<vmem>> -> memref<1024xi32, #tpu.memory_space<vmem>>
        %dma_start3A_1932 = arith.constant 0 : i32
        %dma_start3A_1933 = tpu.memref_slice %arg4[%add3A_1929, %dma_start3A_1932] : memref<8192x1024xi32, #tpu.memory_space<hbm>> -> memref<1x1024xi32, #tpu.memory_space<hbm>>
        %dma_start3A_1934 = tpu.memref_squeeze %dma_start3A_1933 : memref<1x1024xi32, #tpu.memory_space<hbm>> -> memref<1024xi32, #tpu.memory_space<hbm>>
        %dma_start3A_1935 = arith.constant 11264 : i32
        %dma_start3A_1936 = tpu.memref_slice %arg9[%dma_start3A_1935] : memref<16384xi32, #tpu.memory_space<vmem>> -> memref<1024xi32, #tpu.memory_space<vmem>>
        %dma_start3A_1937 = arith.constant 0 : i32
        %dma_start3A_1938 = tpu.memref_slice %arg4[%add3A_1929, %dma_start3A_1937] : memref<8192x1024xi32, #tpu.memory_space<hbm>> -> memref<1x1024xi32, #tpu.memory_space<hbm>>
        %dma_start3A_1939 = tpu.memref_squeeze %dma_start3A_1938 : memref<1x1024xi32, #tpu.memory_space<hbm>> -> memref<1024xi32, #tpu.memory_space<hbm>>
        tpu.enqueue_dma source(%dma_start3A_1939 : memref<1024xi32, #tpu.memory_space<hbm>>) target(%dma_start3A_1936 : memref<1024xi32, #tpu.memory_space<vmem>>) target_semaphore(%arg15 : memref<!tpu.dma_semaphore, #tpu.memory_space<semaphore_mem>>)
        %add3A_1940 = arith.constant 12 : i32
        %add3A_1941 = arith.addi %add3A_1651, %add3A_1940 : i32
        %dma_start3A_1942 = arith.constant 12288 : i32
        %dma_start3A_1943 = tpu.memref_slice %arg7[%dma_start3A_1942] : memref<16384xi32, #tpu.memory_space<vmem>> -> memref<1024xi32, #tpu.memory_space<vmem>>
        %dma_start3A_1944 = arith.constant 0 : i32
        %dma_start3A_1945 = tpu.memref_slice %arg3[%add3A_1941, %dma_start3A_1944] : memref<8192x1024xi32, #tpu.memory_space<hbm>> -> memref<1x1024xi32, #tpu.memory_space<hbm>>
        %dma_start3A_1946 = tpu.memref_squeeze %dma_start3A_1945 : memref<1x1024xi32, #tpu.memory_space<hbm>> -> memref<1024xi32, #tpu.memory_space<hbm>>
        %dma_start3A_1947 = arith.constant 12288 : i32
        %dma_start3A_1948 = tpu.memref_slice %arg7[%dma_start3A_1947] : memref<16384xi32, #tpu.memory_space<vmem>> -> memref<1024xi32, #tpu.memory_space<vmem>>
        %dma_start3A_1949 = arith.constant 0 : i32
        %dma_start3A_1950 = tpu.memref_slice %arg3[%add3A_1941, %dma_start3A_1949] : memref<8192x1024xi32, #tpu.memory_space<hbm>> -> memref<1x1024xi32, #tpu.memory_space<hbm>>
        %dma_start3A_1951 = tpu.memref_squeeze %dma_start3A_1950 : memref<1x1024xi32, #tpu.memory_space<hbm>> -> memref<1024xi32, #tpu.memory_space<hbm>>
        tpu.enqueue_dma source(%dma_start3A_1951 : memref<1024xi32, #tpu.memory_space<hbm>>) target(%dma_start3A_1948 : memref<1024xi32, #tpu.memory_space<vmem>>) target_semaphore(%arg15 : memref<!tpu.dma_semaphore, #tpu.memory_space<semaphore_mem>>)
        %add3A_1952 = arith.constant 12 : i32
        %add3A_1953 = arith.addi %add3A_1651, %add3A_1952 : i32
        %dma_start3A_1954 = arith.constant 12288 : i32
        %dma_start3A_1955 = tpu.memref_slice %arg9[%dma_start3A_1954] : memref<16384xi32, #tpu.memory_space<vmem>> -> memref<1024xi32, #tpu.memory_space<vmem>>
        %dma_start3A_1956 = arith.constant 0 : i32
        %dma_start3A_1957 = tpu.memref_slice %arg4[%add3A_1953, %dma_start3A_1956] : memref<8192x1024xi32, #tpu.memory_space<hbm>> -> memref<1x1024xi32, #tpu.memory_space<hbm>>
        %dma_start3A_1958 = tpu.memref_squeeze %dma_start3A_1957 : memref<1x1024xi32, #tpu.memory_space<hbm>> -> memref<1024xi32, #tpu.memory_space<hbm>>
        %dma_start3A_1959 = arith.constant 12288 : i32
        %dma_start3A_1960 = tpu.memref_slice %arg9[%dma_start3A_1959] : memref<16384xi32, #tpu.memory_space<vmem>> -> memref<1024xi32, #tpu.memory_space<vmem>>
        %dma_start3A_1961 = arith.constant 0 : i32
        %dma_start3A_1962 = tpu.memref_slice %arg4[%add3A_1953, %dma_start3A_1961] : memref<8192x1024xi32, #tpu.memory_space<hbm>> -> memref<1x1024xi32, #tpu.memory_space<hbm>>
        %dma_start3A_1963 = tpu.memref_squeeze %dma_start3A_1962 : memref<1x1024xi32, #tpu.memory_space<hbm>> -> memref<1024xi32, #tpu.memory_space<hbm>>
        tpu.enqueue_dma source(%dma_start3A_1963 : memref<1024xi32, #tpu.memory_space<hbm>>) target(%dma_start3A_1960 : memref<1024xi32, #tpu.memory_space<vmem>>) target_semaphore(%arg15 : memref<!tpu.dma_semaphore, #tpu.memory_space<semaphore_mem>>)
        %add3A_1964 = arith.constant 13 : i32
        %add3A_1965 = arith.addi %add3A_1651, %add3A_1964 : i32
        %dma_start3A_1966 = arith.constant 13312 : i32
        %dma_start3A_1967 = tpu.memref_slice %arg7[%dma_start3A_1966] : memref<16384xi32, #tpu.memory_space<vmem>> -> memref<1024xi32, #tpu.memory_space<vmem>>
        %dma_start3A_1968 = arith.constant 0 : i32
        %dma_start3A_1969 = tpu.memref_slice %arg3[%add3A_1965, %dma_start3A_1968] : memref<8192x1024xi32, #tpu.memory_space<hbm>> -> memref<1x1024xi32, #tpu.memory_space<hbm>>
        %dma_start3A_1970 = tpu.memref_squeeze %dma_start3A_1969 : memref<1x1024xi32, #tpu.memory_space<hbm>> -> memref<1024xi32, #tpu.memory_space<hbm>>
        %dma_start3A_1971 = arith.constant 13312 : i32
        %dma_start3A_1972 = tpu.memref_slice %arg7[%dma_start3A_1971] : memref<16384xi32, #tpu.memory_space<vmem>> -> memref<1024xi32, #tpu.memory_space<vmem>>
        %dma_start3A_1973 = arith.constant 0 : i32
        %dma_start3A_1974 = tpu.memref_slice %arg3[%add3A_1965, %dma_start3A_1973] : memref<8192x1024xi32, #tpu.memory_space<hbm>> -> memref<1x1024xi32, #tpu.memory_space<hbm>>
        %dma_start3A_1975 = tpu.memref_squeeze %dma_start3A_1974 : memref<1x1024xi32, #tpu.memory_space<hbm>> -> memref<1024xi32, #tpu.memory_space<hbm>>
        tpu.enqueue_dma source(%dma_start3A_1975 : memref<1024xi32, #tpu.memory_space<hbm>>) target(%dma_start3A_1972 : memref<1024xi32, #tpu.memory_space<vmem>>) target_semaphore(%arg15 : memref<!tpu.dma_semaphore, #tpu.memory_space<semaphore_mem>>)
        %add3A_1976 = arith.constant 13 : i32
        %add3A_1977 = arith.addi %add3A_1651, %add3A_1976 : i32
        %dma_start3A_1978 = arith.constant 13312 : i32
        %dma_start3A_1979 = tpu.memref_slice %arg9[%dma_start3A_1978] : memref<16384xi32, #tpu.memory_space<vmem>> -> memref<1024xi32, #tpu.memory_space<vmem>>
        %dma_start3A_1980 = arith.constant 0 : i32
        %dma_start3A_1981 = tpu.memref_slice %arg4[%add3A_1977, %dma_start3A_1980] : memref<8192x1024xi32, #tpu.memory_space<hbm>> -> memref<1x1024xi32, #tpu.memory_space<hbm>>
        %dma_start3A_1982 = tpu.memref_squeeze %dma_start3A_1981 : memref<1x1024xi32, #tpu.memory_space<hbm>> -> memref<1024xi32, #tpu.memory_space<hbm>>
        %dma_start3A_1983 = arith.constant 13312 : i32
        %dma_start3A_1984 = tpu.memref_slice %arg9[%dma_start3A_1983] : memref<16384xi32, #tpu.memory_space<vmem>> -> memref<1024xi32, #tpu.memory_space<vmem>>
        %dma_start3A_1985 = arith.constant 0 : i32
        %dma_start3A_1986 = tpu.memref_slice %arg4[%add3A_1977, %dma_start3A_1985] : memref<8192x1024xi32, #tpu.memory_space<hbm>> -> memref<1x1024xi32, #tpu.memory_space<hbm>>
        %dma_start3A_1987 = tpu.memref_squeeze %dma_start3A_1986 : memref<1x1024xi32, #tpu.memory_space<hbm>> -> memref<1024xi32, #tpu.memory_space<hbm>>
        tpu.enqueue_dma source(%dma_start3A_1987 : memref<1024xi32, #tpu.memory_space<hbm>>) target(%dma_start3A_1984 : memref<1024xi32, #tpu.memory_space<vmem>>) target_semaphore(%arg15 : memref<!tpu.dma_semaphore, #tpu.memory_space<semaphore_mem>>)
        %add3A_1988 = arith.constant 14 : i32
        %add3A_1989 = arith.addi %add3A_1651, %add3A_1988 : i32
        %dma_start3A_1990 = arith.constant 14336 : i32
        %dma_start3A_1991 = tpu.memref_slice %arg7[%dma_start3A_1990] : memref<16384xi32, #tpu.memory_space<vmem>> -> memref<1024xi32, #tpu.memory_space<vmem>>
        %dma_start3A_1992 = arith.constant 0 : i32
        %dma_start3A_1993 = tpu.memref_slice %arg3[%add3A_1989, %dma_start3A_1992] : memref<8192x1024xi32, #tpu.memory_space<hbm>> -> memref<1x1024xi32, #tpu.memory_space<hbm>>
        %dma_start3A_1994 = tpu.memref_squeeze %dma_start3A_1993 : memref<1x1024xi32, #tpu.memory_space<hbm>> -> memref<1024xi32, #tpu.memory_space<hbm>>
        %dma_start3A_1995 = arith.constant 14336 : i32
        %dma_start3A_1996 = tpu.memref_slice %arg7[%dma_start3A_1995] : memref<16384xi32, #tpu.memory_space<vmem>> -> memref<1024xi32, #tpu.memory_space<vmem>>
        %dma_start3A_1997 = arith.constant 0 : i32
        %dma_start3A_1998 = tpu.memref_slice %arg3[%add3A_1989, %dma_start3A_1997] : memref<8192x1024xi32, #tpu.memory_space<hbm>> -> memref<1x1024xi32, #tpu.memory_space<hbm>>
        %dma_start3A_1999 = tpu.memref_squeeze %dma_start3A_1998 : memref<1x1024xi32, #tpu.memory_space<hbm>> -> memref<1024xi32, #tpu.memory_space<hbm>>
        tpu.enqueue_dma source(%dma_start3A_1999 : memref<1024xi32, #tpu.memory_space<hbm>>) target(%dma_start3A_1996 : memref<1024xi32, #tpu.memory_space<vmem>>) target_semaphore(%arg15 : memref<!tpu.dma_semaphore, #tpu.memory_space<semaphore_mem>>)
        %add3A_2000 = arith.constant 14 : i32
        %add3A_2001 = arith.addi %add3A_1651, %add3A_2000 : i32
        %dma_start3A_2002 = arith.constant 14336 : i32
        %dma_start3A_2003 = tpu.memref_slice %arg9[%dma_start3A_2002] : memref<16384xi32, #tpu.memory_space<vmem>> -> memref<1024xi32, #tpu.memory_space<vmem>>
        %dma_start3A_2004 = arith.constant 0 : i32
        %dma_start3A_2005 = tpu.memref_slice %arg4[%add3A_2001, %dma_start3A_2004] : memref<8192x1024xi32, #tpu.memory_space<hbm>> -> memref<1x1024xi32, #tpu.memory_space<hbm>>
        %dma_start3A_2006 = tpu.memref_squeeze %dma_start3A_2005 : memref<1x1024xi32, #tpu.memory_space<hbm>> -> memref<1024xi32, #tpu.memory_space<hbm>>
        %dma_start3A_2007 = arith.constant 14336 : i32
        %dma_start3A_2008 = tpu.memref_slice %arg9[%dma_start3A_2007] : memref<16384xi32, #tpu.memory_space<vmem>> -> memref<1024xi32, #tpu.memory_space<vmem>>
        %dma_start3A_2009 = arith.constant 0 : i32
        %dma_start3A_2010 = tpu.memref_slice %arg4[%add3A_2001, %dma_start3A_2009] : memref<8192x1024xi32, #tpu.memory_space<hbm>> -> memref<1x1024xi32, #tpu.memory_space<hbm>>
        %dma_start3A_2011 = tpu.memref_squeeze %dma_start3A_2010 : memref<1x1024xi32, #tpu.memory_space<hbm>> -> memref<1024xi32, #tpu.memory_space<hbm>>
        tpu.enqueue_dma source(%dma_start3A_2011 : memref<1024xi32, #tpu.memory_space<hbm>>) target(%dma_start3A_2008 : memref<1024xi32, #tpu.memory_space<vmem>>) target_semaphore(%arg15 : memref<!tpu.dma_semaphore, #tpu.memory_space<semaphore_mem>>)
        %add3A_2012 = arith.constant 15 : i32
        %add3A_2013 = arith.addi %add3A_1651, %add3A_2012 : i32
        %dma_start3A_2014 = arith.constant 15360 : i32
        %dma_start3A_2015 = tpu.memref_slice %arg7[%dma_start3A_2014] : memref<16384xi32, #tpu.memory_space<vmem>> -> memref<1024xi32, #tpu.memory_space<vmem>>
        %dma_start3A_2016 = arith.constant 0 : i32
        %dma_start3A_2017 = tpu.memref_slice %arg3[%add3A_2013, %dma_start3A_2016] : memref<8192x1024xi32, #tpu.memory_space<hbm>> -> memref<1x1024xi32, #tpu.memory_space<hbm>>
        %dma_start3A_2018 = tpu.memref_squeeze %dma_start3A_2017 : memref<1x1024xi32, #tpu.memory_space<hbm>> -> memref<1024xi32, #tpu.memory_space<hbm>>
        %dma_start3A_2019 = arith.constant 15360 : i32
        %dma_start3A_2020 = tpu.memref_slice %arg7[%dma_start3A_2019] : memref<16384xi32, #tpu.memory_space<vmem>> -> memref<1024xi32, #tpu.memory_space<vmem>>
        %dma_start3A_2021 = arith.constant 0 : i32
        %dma_start3A_2022 = tpu.memref_slice %arg3[%add3A_2013, %dma_start3A_2021] : memref<8192x1024xi32, #tpu.memory_space<hbm>> -> memref<1x1024xi32, #tpu.memory_space<hbm>>
        %dma_start3A_2023 = tpu.memref_squeeze %dma_start3A_2022 : memref<1x1024xi32, #tpu.memory_space<hbm>> -> memref<1024xi32, #tpu.memory_space<hbm>>
        tpu.enqueue_dma source(%dma_start3A_2023 : memref<1024xi32, #tpu.memory_space<hbm>>) target(%dma_start3A_2020 : memref<1024xi32, #tpu.memory_space<vmem>>) target_semaphore(%arg15 : memref<!tpu.dma_semaphore, #tpu.memory_space<semaphore_mem>>)
        %add3A_2024 = arith.constant 15 : i32
        %add3A_2025 = arith.addi %add3A_1651, %add3A_2024 : i32
        %dma_start3A_2026 = arith.constant 15360 : i32
        %dma_start3A_2027 = tpu.memref_slice %arg9[%dma_start3A_2026] : memref<16384xi32, #tpu.memory_space<vmem>> -> memref<1024xi32, #tpu.memory_space<vmem>>
        %dma_start3A_2028 = arith.constant 0 : i32
        %dma_start3A_2029 = tpu.memref_slice %arg4[%add3A_2025, %dma_start3A_2028] : memref<8192x1024xi32, #tpu.memory_space<hbm>> -> memref<1x1024xi32, #tpu.memory_space<hbm>>
        %dma_start3A_2030 = tpu.memref_squeeze %dma_start3A_2029 : memref<1x1024xi32, #tpu.memory_space<hbm>> -> memref<1024xi32, #tpu.memory_space<hbm>>
        %dma_start3A_2031 = arith.constant 15360 : i32
        %dma_start3A_2032 = tpu.memref_slice %arg9[%dma_start3A_2031] : memref<16384xi32, #tpu.memory_space<vmem>> -> memref<1024xi32, #tpu.memory_space<vmem>>
        %dma_start3A_2033 = arith.constant 0 : i32
        %dma_start3A_2034 = tpu.memref_slice %arg4[%add3A_2025, %dma_start3A_2033] : memref<8192x1024xi32, #tpu.memory_space<hbm>> -> memref<1x1024xi32, #tpu.memory_space<hbm>>
        %dma_start3A_2035 = tpu.memref_squeeze %dma_start3A_2034 : memref<1x1024xi32, #tpu.memory_space<hbm>> -> memref<1024xi32, #tpu.memory_space<hbm>>
        tpu.enqueue_dma source(%dma_start3A_2035 : memref<1024xi32, #tpu.memory_space<hbm>>) target(%dma_start3A_2032 : memref<1024xi32, #tpu.memory_space<vmem>>) target_semaphore(%arg15 : memref<!tpu.dma_semaphore, #tpu.memory_space<semaphore_mem>>)
      } else {
      }
      %mul3A_1232 = arith.constant 16 : i32
      %mul3A_1233 = arith.muli %add3A_421, %mul3A_1232 : i32
      %add3A_1234 = arith.addi %mul3A_3, %mul3A_1233 : i32
      %add3A_1235 = arith.constant 0 : i32
      %add3A_1236 = arith.addi %add3A_1234, %add3A_1235 : i32
      %dma_wait3A_1237 = arith.constant 0 : i32
      %dma_wait3A_1238 = tpu.memref_slice %arg8[%dma_wait3A_1237] : memref<16384xi32, #tpu.memory_space<vmem>> -> memref<1024xi32, #tpu.memory_space<vmem>>
      %dma_wait3A_1239 = arith.constant 0 : i32
      %dma_wait3A_1240 = tpu.memref_slice %arg3[%add3A_1236, %dma_wait3A_1239] : memref<8192x1024xi32, #tpu.memory_space<hbm>> -> memref<1x1024xi32, #tpu.memory_space<hbm>>
      %dma_wait3A_1241 = tpu.memref_squeeze %dma_wait3A_1240 : memref<1x1024xi32, #tpu.memory_space<hbm>> -> memref<1024xi32, #tpu.memory_space<hbm>>
      %dma_wait3A_1242 = arith.constant 0 : i32
      %dma_wait3A_1243 = tpu.memref_slice %arg8[%dma_wait3A_1242] : memref<16384xi32, #tpu.memory_space<vmem>> -> memref<1024xi32, #tpu.memory_space<vmem>>
      %dma_wait3A_1244 = arith.constant 0 : i32
      %dma_wait3A_1245 = tpu.memref_slice %arg3[%add3A_1236, %dma_wait3A_1244] : memref<8192x1024xi32, #tpu.memory_space<hbm>> -> memref<1x1024xi32, #tpu.memory_space<hbm>>
      %dma_wait3A_1246 = tpu.memref_squeeze %dma_wait3A_1245 : memref<1x1024xi32, #tpu.memory_space<hbm>> -> memref<1024xi32, #tpu.memory_space<hbm>>
      tpu.wait_dma2 semaphore(%arg16 : memref<!tpu.dma_semaphore, #tpu.memory_space<semaphore_mem>>) src(%dma_wait3A_1246 : memref<1024xi32, #tpu.memory_space<hbm>>) dst(%dma_wait3A_1243 : memref<1024xi32, #tpu.memory_space<vmem>>)
      %add3A_1247 = arith.constant 0 : i32
      %add3A_1248 = arith.addi %add3A_1234, %add3A_1247 : i32
      %dma_wait3A_1249 = arith.constant 0 : i32
      %dma_wait3A_1250 = tpu.memref_slice %arg10[%dma_wait3A_1249] : memref<16384xi32, #tpu.memory_space<vmem>> -> memref<1024xi32, #tpu.memory_space<vmem>>
      %dma_wait3A_1251 = arith.constant 0 : i32
      %dma_wait3A_1252 = tpu.memref_slice %arg4[%add3A_1248, %dma_wait3A_1251] : memref<8192x1024xi32, #tpu.memory_space<hbm>> -> memref<1x1024xi32, #tpu.memory_space<hbm>>
      %dma_wait3A_1253 = tpu.memref_squeeze %dma_wait3A_1252 : memref<1x1024xi32, #tpu.memory_space<hbm>> -> memref<1024xi32, #tpu.memory_space<hbm>>
      %dma_wait3A_1254 = arith.constant 0 : i32
      %dma_wait3A_1255 = tpu.memref_slice %arg10[%dma_wait3A_1254] : memref<16384xi32, #tpu.memory_space<vmem>> -> memref<1024xi32, #tpu.memory_space<vmem>>
      %dma_wait3A_1256 = arith.constant 0 : i32
      %dma_wait3A_1257 = tpu.memref_slice %arg4[%add3A_1248, %dma_wait3A_1256] : memref<8192x1024xi32, #tpu.memory_space<hbm>> -> memref<1x1024xi32, #tpu.memory_space<hbm>>
      %dma_wait3A_1258 = tpu.memref_squeeze %dma_wait3A_1257 : memref<1x1024xi32, #tpu.memory_space<hbm>> -> memref<1024xi32, #tpu.memory_space<hbm>>
      tpu.wait_dma2 semaphore(%arg16 : memref<!tpu.dma_semaphore, #tpu.memory_space<semaphore_mem>>) src(%dma_wait3A_1258 : memref<1024xi32, #tpu.memory_space<hbm>>) dst(%dma_wait3A_1255 : memref<1024xi32, #tpu.memory_space<vmem>>)
      %add3A_1259 = arith.constant 1 : i32
      %add3A_1260 = arith.addi %add3A_1234, %add3A_1259 : i32
      %dma_wait3A_1261 = arith.constant 1024 : i32
      %dma_wait3A_1262 = tpu.memref_slice %arg8[%dma_wait3A_1261] : memref<16384xi32, #tpu.memory_space<vmem>> -> memref<1024xi32, #tpu.memory_space<vmem>>
      %dma_wait3A_1263 = arith.constant 0 : i32
      %dma_wait3A_1264 = tpu.memref_slice %arg3[%add3A_1260, %dma_wait3A_1263] : memref<8192x1024xi32, #tpu.memory_space<hbm>> -> memref<1x1024xi32, #tpu.memory_space<hbm>>
      %dma_wait3A_1265 = tpu.memref_squeeze %dma_wait3A_1264 : memref<1x1024xi32, #tpu.memory_space<hbm>> -> memref<1024xi32, #tpu.memory_space<hbm>>
      %dma_wait3A_1266 = arith.constant 1024 : i32
      %dma_wait3A_1267 = tpu.memref_slice %arg8[%dma_wait3A_1266] : memref<16384xi32, #tpu.memory_space<vmem>> -> memref<1024xi32, #tpu.memory_space<vmem>>
      %dma_wait3A_1268 = arith.constant 0 : i32
      %dma_wait3A_1269 = tpu.memref_slice %arg3[%add3A_1260, %dma_wait3A_1268] : memref<8192x1024xi32, #tpu.memory_space<hbm>> -> memref<1x1024xi32, #tpu.memory_space<hbm>>
      %dma_wait3A_1270 = tpu.memref_squeeze %dma_wait3A_1269 : memref<1x1024xi32, #tpu.memory_space<hbm>> -> memref<1024xi32, #tpu.memory_space<hbm>>
      tpu.wait_dma2 semaphore(%arg16 : memref<!tpu.dma_semaphore, #tpu.memory_space<semaphore_mem>>) src(%dma_wait3A_1270 : memref<1024xi32, #tpu.memory_space<hbm>>) dst(%dma_wait3A_1267 : memref<1024xi32, #tpu.memory_space<vmem>>)
      %add3A_1271 = arith.constant 1 : i32
      %add3A_1272 = arith.addi %add3A_1234, %add3A_1271 : i32
      %dma_wait3A_1273 = arith.constant 1024 : i32
      %dma_wait3A_1274 = tpu.memref_slice %arg10[%dma_wait3A_1273] : memref<16384xi32, #tpu.memory_space<vmem>> -> memref<1024xi32, #tpu.memory_space<vmem>>
      %dma_wait3A_1275 = arith.constant 0 : i32
      %dma_wait3A_1276 = tpu.memref_slice %arg4[%add3A_1272, %dma_wait3A_1275] : memref<8192x1024xi32, #tpu.memory_space<hbm>> -> memref<1x1024xi32, #tpu.memory_space<hbm>>
      %dma_wait3A_1277 = tpu.memref_squeeze %dma_wait3A_1276 : memref<1x1024xi32, #tpu.memory_space<hbm>> -> memref<1024xi32, #tpu.memory_space<hbm>>
      %dma_wait3A_1278 = arith.constant 1024 : i32
      %dma_wait3A_1279 = tpu.memref_slice %arg10[%dma_wait3A_1278] : memref<16384xi32, #tpu.memory_space<vmem>> -> memref<1024xi32, #tpu.memory_space<vmem>>
      %dma_wait3A_1280 = arith.constant 0 : i32
      %dma_wait3A_1281 = tpu.memref_slice %arg4[%add3A_1272, %dma_wait3A_1280] : memref<8192x1024xi32, #tpu.memory_space<hbm>> -> memref<1x1024xi32, #tpu.memory_space<hbm>>
      %dma_wait3A_1282 = tpu.memref_squeeze %dma_wait3A_1281 : memref<1x1024xi32, #tpu.memory_space<hbm>> -> memref<1024xi32, #tpu.memory_space<hbm>>
      tpu.wait_dma2 semaphore(%arg16 : memref<!tpu.dma_semaphore, #tpu.memory_space<semaphore_mem>>) src(%dma_wait3A_1282 : memref<1024xi32, #tpu.memory_space<hbm>>) dst(%dma_wait3A_1279 : memref<1024xi32, #tpu.memory_space<vmem>>)
      %add3A_1283 = arith.constant 2 : i32
      %add3A_1284 = arith.addi %add3A_1234, %add3A_1283 : i32
      %dma_wait3A_1285 = arith.constant 2048 : i32
      %dma_wait3A_1286 = tpu.memref_slice %arg8[%dma_wait3A_1285] : memref<16384xi32, #tpu.memory_space<vmem>> -> memref<1024xi32, #tpu.memory_space<vmem>>
      %dma_wait3A_1287 = arith.constant 0 : i32
      %dma_wait3A_1288 = tpu.memref_slice %arg3[%add3A_1284, %dma_wait3A_1287] : memref<8192x1024xi32, #tpu.memory_space<hbm>> -> memref<1x1024xi32, #tpu.memory_space<hbm>>
      %dma_wait3A_1289 = tpu.memref_squeeze %dma_wait3A_1288 : memref<1x1024xi32, #tpu.memory_space<hbm>> -> memref<1024xi32, #tpu.memory_space<hbm>>
      %dma_wait3A_1290 = arith.constant 2048 : i32
      %dma_wait3A_1291 = tpu.memref_slice %arg8[%dma_wait3A_1290] : memref<16384xi32, #tpu.memory_space<vmem>> -> memref<1024xi32, #tpu.memory_space<vmem>>
      %dma_wait3A_1292 = arith.constant 0 : i32
      %dma_wait3A_1293 = tpu.memref_slice %arg3[%add3A_1284, %dma_wait3A_1292] : memref<8192x1024xi32, #tpu.memory_space<hbm>> -> memref<1x1024xi32, #tpu.memory_space<hbm>>
      %dma_wait3A_1294 = tpu.memref_squeeze %dma_wait3A_1293 : memref<1x1024xi32, #tpu.memory_space<hbm>> -> memref<1024xi32, #tpu.memory_space<hbm>>
      tpu.wait_dma2 semaphore(%arg16 : memref<!tpu.dma_semaphore, #tpu.memory_space<semaphore_mem>>) src(%dma_wait3A_1294 : memref<1024xi32, #tpu.memory_space<hbm>>) dst(%dma_wait3A_1291 : memref<1024xi32, #tpu.memory_space<vmem>>)
      %add3A_1295 = arith.constant 2 : i32
      %add3A_1296 = arith.addi %add3A_1234, %add3A_1295 : i32
      %dma_wait3A_1297 = arith.constant 2048 : i32
      %dma_wait3A_1298 = tpu.memref_slice %arg10[%dma_wait3A_1297] : memref<16384xi32, #tpu.memory_space<vmem>> -> memref<1024xi32, #tpu.memory_space<vmem>>
      %dma_wait3A_1299 = arith.constant 0 : i32
      %dma_wait3A_1300 = tpu.memref_slice %arg4[%add3A_1296, %dma_wait3A_1299] : memref<8192x1024xi32, #tpu.memory_space<hbm>> -> memref<1x1024xi32, #tpu.memory_space<hbm>>
      %dma_wait3A_1301 = tpu.memref_squeeze %dma_wait3A_1300 : memref<1x1024xi32, #tpu.memory_space<hbm>> -> memref<1024xi32, #tpu.memory_space<hbm>>
      %dma_wait3A_1302 = arith.constant 2048 : i32
      %dma_wait3A_1303 = tpu.memref_slice %arg10[%dma_wait3A_1302] : memref<16384xi32, #tpu.memory_space<vmem>> -> memref<1024xi32, #tpu.memory_space<vmem>>
      %dma_wait3A_1304 = arith.constant 0 : i32
      %dma_wait3A_1305 = tpu.memref_slice %arg4[%add3A_1296, %dma_wait3A_1304] : memref<8192x1024xi32, #tpu.memory_space<hbm>> -> memref<1x1024xi32, #tpu.memory_space<hbm>>
      %dma_wait3A_1306 = tpu.memref_squeeze %dma_wait3A_1305 : memref<1x1024xi32, #tpu.memory_space<hbm>> -> memref<1024xi32, #tpu.memory_space<hbm>>
      tpu.wait_dma2 semaphore(%arg16 : memref<!tpu.dma_semaphore, #tpu.memory_space<semaphore_mem>>) src(%dma_wait3A_1306 : memref<1024xi32, #tpu.memory_space<hbm>>) dst(%dma_wait3A_1303 : memref<1024xi32, #tpu.memory_space<vmem>>)
      %add3A_1307 = arith.constant 3 : i32
      %add3A_1308 = arith.addi %add3A_1234, %add3A_1307 : i32
      %dma_wait3A_1309 = arith.constant 3072 : i32
      %dma_wait3A_1310 = tpu.memref_slice %arg8[%dma_wait3A_1309] : memref<16384xi32, #tpu.memory_space<vmem>> -> memref<1024xi32, #tpu.memory_space<vmem>>
      %dma_wait3A_1311 = arith.constant 0 : i32
      %dma_wait3A_1312 = tpu.memref_slice %arg3[%add3A_1308, %dma_wait3A_1311] : memref<8192x1024xi32, #tpu.memory_space<hbm>> -> memref<1x1024xi32, #tpu.memory_space<hbm>>
      %dma_wait3A_1313 = tpu.memref_squeeze %dma_wait3A_1312 : memref<1x1024xi32, #tpu.memory_space<hbm>> -> memref<1024xi32, #tpu.memory_space<hbm>>
      %dma_wait3A_1314 = arith.constant 3072 : i32
      %dma_wait3A_1315 = tpu.memref_slice %arg8[%dma_wait3A_1314] : memref<16384xi32, #tpu.memory_space<vmem>> -> memref<1024xi32, #tpu.memory_space<vmem>>
      %dma_wait3A_1316 = arith.constant 0 : i32
      %dma_wait3A_1317 = tpu.memref_slice %arg3[%add3A_1308, %dma_wait3A_1316] : memref<8192x1024xi32, #tpu.memory_space<hbm>> -> memref<1x1024xi32, #tpu.memory_space<hbm>>
      %dma_wait3A_1318 = tpu.memref_squeeze %dma_wait3A_1317 : memref<1x1024xi32, #tpu.memory_space<hbm>> -> memref<1024xi32, #tpu.memory_space<hbm>>
      tpu.wait_dma2 semaphore(%arg16 : memref<!tpu.dma_semaphore, #tpu.memory_space<semaphore_mem>>) src(%dma_wait3A_1318 : memref<1024xi32, #tpu.memory_space<hbm>>) dst(%dma_wait3A_1315 : memref<1024xi32, #tpu.memory_space<vmem>>)
      %add3A_1319 = arith.constant 3 : i32
      %add3A_1320 = arith.addi %add3A_1234, %add3A_1319 : i32
      %dma_wait3A_1321 = arith.constant 3072 : i32
      %dma_wait3A_1322 = tpu.memref_slice %arg10[%dma_wait3A_1321] : memref<16384xi32, #tpu.memory_space<vmem>> -> memref<1024xi32, #tpu.memory_space<vmem>>
      %dma_wait3A_1323 = arith.constant 0 : i32
      %dma_wait3A_1324 = tpu.memref_slice %arg4[%add3A_1320, %dma_wait3A_1323] : memref<8192x1024xi32, #tpu.memory_space<hbm>> -> memref<1x1024xi32, #tpu.memory_space<hbm>>
      %dma_wait3A_1325 = tpu.memref_squeeze %dma_wait3A_1324 : memref<1x1024xi32, #tpu.memory_space<hbm>> -> memref<1024xi32, #tpu.memory_space<hbm>>
      %dma_wait3A_1326 = arith.constant 3072 : i32
      %dma_wait3A_1327 = tpu.memref_slice %arg10[%dma_wait3A_1326] : memref<16384xi32, #tpu.memory_space<vmem>> -> memref<1024xi32, #tpu.memory_space<vmem>>
      %dma_wait3A_1328 = arith.constant 0 : i32
      %dma_wait3A_1329 = tpu.memref_slice %arg4[%add3A_1320, %dma_wait3A_1328] : memref<8192x1024xi32, #tpu.memory_space<hbm>> -> memref<1x1024xi32, #tpu.memory_space<hbm>>
      %dma_wait3A_1330 = tpu.memref_squeeze %dma_wait3A_1329 : memref<1x1024xi32, #tpu.memory_space<hbm>> -> memref<1024xi32, #tpu.memory_space<hbm>>
      tpu.wait_dma2 semaphore(%arg16 : memref<!tpu.dma_semaphore, #tpu.memory_space<semaphore_mem>>) src(%dma_wait3A_1330 : memref<1024xi32, #tpu.memory_space<hbm>>) dst(%dma_wait3A_1327 : memref<1024xi32, #tpu.memory_space<vmem>>)
      %add3A_1331 = arith.constant 4 : i32
      %add3A_1332 = arith.addi %add3A_1234, %add3A_1331 : i32
      %dma_wait3A_1333 = arith.constant 4096 : i32
      %dma_wait3A_1334 = tpu.memref_slice %arg8[%dma_wait3A_1333] : memref<16384xi32, #tpu.memory_space<vmem>> -> memref<1024xi32, #tpu.memory_space<vmem>>
      %dma_wait3A_1335 = arith.constant 0 : i32
      %dma_wait3A_1336 = tpu.memref_slice %arg3[%add3A_1332, %dma_wait3A_1335] : memref<8192x1024xi32, #tpu.memory_space<hbm>> -> memref<1x1024xi32, #tpu.memory_space<hbm>>
      %dma_wait3A_1337 = tpu.memref_squeeze %dma_wait3A_1336 : memref<1x1024xi32, #tpu.memory_space<hbm>> -> memref<1024xi32, #tpu.memory_space<hbm>>
      %dma_wait3A_1338 = arith.constant 4096 : i32
      %dma_wait3A_1339 = tpu.memref_slice %arg8[%dma_wait3A_1338] : memref<16384xi32, #tpu.memory_space<vmem>> -> memref<1024xi32, #tpu.memory_space<vmem>>
      %dma_wait3A_1340 = arith.constant 0 : i32
      %dma_wait3A_1341 = tpu.memref_slice %arg3[%add3A_1332, %dma_wait3A_1340] : memref<8192x1024xi32, #tpu.memory_space<hbm>> -> memref<1x1024xi32, #tpu.memory_space<hbm>>
      %dma_wait3A_1342 = tpu.memref_squeeze %dma_wait3A_1341 : memref<1x1024xi32, #tpu.memory_space<hbm>> -> memref<1024xi32, #tpu.memory_space<hbm>>
      tpu.wait_dma2 semaphore(%arg16 : memref<!tpu.dma_semaphore, #tpu.memory_space<semaphore_mem>>) src(%dma_wait3A_1342 : memref<1024xi32, #tpu.memory_space<hbm>>) dst(%dma_wait3A_1339 : memref<1024xi32, #tpu.memory_space<vmem>>)
      %add3A_1343 = arith.constant 4 : i32
      %add3A_1344 = arith.addi %add3A_1234, %add3A_1343 : i32
      %dma_wait3A_1345 = arith.constant 4096 : i32
      %dma_wait3A_1346 = tpu.memref_slice %arg10[%dma_wait3A_1345] : memref<16384xi32, #tpu.memory_space<vmem>> -> memref<1024xi32, #tpu.memory_space<vmem>>
      %dma_wait3A_1347 = arith.constant 0 : i32
      %dma_wait3A_1348 = tpu.memref_slice %arg4[%add3A_1344, %dma_wait3A_1347] : memref<8192x1024xi32, #tpu.memory_space<hbm>> -> memref<1x1024xi32, #tpu.memory_space<hbm>>
      %dma_wait3A_1349 = tpu.memref_squeeze %dma_wait3A_1348 : memref<1x1024xi32, #tpu.memory_space<hbm>> -> memref<1024xi32, #tpu.memory_space<hbm>>
      %dma_wait3A_1350 = arith.constant 4096 : i32
      %dma_wait3A_1351 = tpu.memref_slice %arg10[%dma_wait3A_1350] : memref<16384xi32, #tpu.memory_space<vmem>> -> memref<1024xi32, #tpu.memory_space<vmem>>
      %dma_wait3A_1352 = arith.constant 0 : i32
      %dma_wait3A_1353 = tpu.memref_slice %arg4[%add3A_1344, %dma_wait3A_1352] : memref<8192x1024xi32, #tpu.memory_space<hbm>> -> memref<1x1024xi32, #tpu.memory_space<hbm>>
      %dma_wait3A_1354 = tpu.memref_squeeze %dma_wait3A_1353 : memref<1x1024xi32, #tpu.memory_space<hbm>> -> memref<1024xi32, #tpu.memory_space<hbm>>
      tpu.wait_dma2 semaphore(%arg16 : memref<!tpu.dma_semaphore, #tpu.memory_space<semaphore_mem>>) src(%dma_wait3A_1354 : memref<1024xi32, #tpu.memory_space<hbm>>) dst(%dma_wait3A_1351 : memref<1024xi32, #tpu.memory_space<vmem>>)
      %add3A_1355 = arith.constant 5 : i32
      %add3A_1356 = arith.addi %add3A_1234, %add3A_1355 : i32
      %dma_wait3A_1357 = arith.constant 5120 : i32
      %dma_wait3A_1358 = tpu.memref_slice %arg8[%dma_wait3A_1357] : memref<16384xi32, #tpu.memory_space<vmem>> -> memref<1024xi32, #tpu.memory_space<vmem>>
      %dma_wait3A_1359 = arith.constant 0 : i32
      %dma_wait3A_1360 = tpu.memref_slice %arg3[%add3A_1356, %dma_wait3A_1359] : memref<8192x1024xi32, #tpu.memory_space<hbm>> -> memref<1x1024xi32, #tpu.memory_space<hbm>>
      %dma_wait3A_1361 = tpu.memref_squeeze %dma_wait3A_1360 : memref<1x1024xi32, #tpu.memory_space<hbm>> -> memref<1024xi32, #tpu.memory_space<hbm>>
      %dma_wait3A_1362 = arith.constant 5120 : i32
      %dma_wait3A_1363 = tpu.memref_slice %arg8[%dma_wait3A_1362] : memref<16384xi32, #tpu.memory_space<vmem>> -> memref<1024xi32, #tpu.memory_space<vmem>>
      %dma_wait3A_1364 = arith.constant 0 : i32
      %dma_wait3A_1365 = tpu.memref_slice %arg3[%add3A_1356, %dma_wait3A_1364] : memref<8192x1024xi32, #tpu.memory_space<hbm>> -> memref<1x1024xi32, #tpu.memory_space<hbm>>
      %dma_wait3A_1366 = tpu.memref_squeeze %dma_wait3A_1365 : memref<1x1024xi32, #tpu.memory_space<hbm>> -> memref<1024xi32, #tpu.memory_space<hbm>>
      tpu.wait_dma2 semaphore(%arg16 : memref<!tpu.dma_semaphore, #tpu.memory_space<semaphore_mem>>) src(%dma_wait3A_1366 : memref<1024xi32, #tpu.memory_space<hbm>>) dst(%dma_wait3A_1363 : memref<1024xi32, #tpu.memory_space<vmem>>)
      %add3A_1367 = arith.constant 5 : i32
      %add3A_1368 = arith.addi %add3A_1234, %add3A_1367 : i32
      %dma_wait3A_1369 = arith.constant 5120 : i32
      %dma_wait3A_1370 = tpu.memref_slice %arg10[%dma_wait3A_1369] : memref<16384xi32, #tpu.memory_space<vmem>> -> memref<1024xi32, #tpu.memory_space<vmem>>
      %dma_wait3A_1371 = arith.constant 0 : i32
      %dma_wait3A_1372 = tpu.memref_slice %arg4[%add3A_1368, %dma_wait3A_1371] : memref<8192x1024xi32, #tpu.memory_space<hbm>> -> memref<1x1024xi32, #tpu.memory_space<hbm>>
      %dma_wait3A_1373 = tpu.memref_squeeze %dma_wait3A_1372 : memref<1x1024xi32, #tpu.memory_space<hbm>> -> memref<1024xi32, #tpu.memory_space<hbm>>
      %dma_wait3A_1374 = arith.constant 5120 : i32
      %dma_wait3A_1375 = tpu.memref_slice %arg10[%dma_wait3A_1374] : memref<16384xi32, #tpu.memory_space<vmem>> -> memref<1024xi32, #tpu.memory_space<vmem>>
      %dma_wait3A_1376 = arith.constant 0 : i32
      %dma_wait3A_1377 = tpu.memref_slice %arg4[%add3A_1368, %dma_wait3A_1376] : memref<8192x1024xi32, #tpu.memory_space<hbm>> -> memref<1x1024xi32, #tpu.memory_space<hbm>>
      %dma_wait3A_1378 = tpu.memref_squeeze %dma_wait3A_1377 : memref<1x1024xi32, #tpu.memory_space<hbm>> -> memref<1024xi32, #tpu.memory_space<hbm>>
      tpu.wait_dma2 semaphore(%arg16 : memref<!tpu.dma_semaphore, #tpu.memory_space<semaphore_mem>>) src(%dma_wait3A_1378 : memref<1024xi32, #tpu.memory_space<hbm>>) dst(%dma_wait3A_1375 : memref<1024xi32, #tpu.memory_space<vmem>>)
      %add3A_1379 = arith.constant 6 : i32
      %add3A_1380 = arith.addi %add3A_1234, %add3A_1379 : i32
      %dma_wait3A_1381 = arith.constant 6144 : i32
      %dma_wait3A_1382 = tpu.memref_slice %arg8[%dma_wait3A_1381] : memref<16384xi32, #tpu.memory_space<vmem>> -> memref<1024xi32, #tpu.memory_space<vmem>>
      %dma_wait3A_1383 = arith.constant 0 : i32
      %dma_wait3A_1384 = tpu.memref_slice %arg3[%add3A_1380, %dma_wait3A_1383] : memref<8192x1024xi32, #tpu.memory_space<hbm>> -> memref<1x1024xi32, #tpu.memory_space<hbm>>
      %dma_wait3A_1385 = tpu.memref_squeeze %dma_wait3A_1384 : memref<1x1024xi32, #tpu.memory_space<hbm>> -> memref<1024xi32, #tpu.memory_space<hbm>>
      %dma_wait3A_1386 = arith.constant 6144 : i32
      %dma_wait3A_1387 = tpu.memref_slice %arg8[%dma_wait3A_1386] : memref<16384xi32, #tpu.memory_space<vmem>> -> memref<1024xi32, #tpu.memory_space<vmem>>
      %dma_wait3A_1388 = arith.constant 0 : i32
      %dma_wait3A_1389 = tpu.memref_slice %arg3[%add3A_1380, %dma_wait3A_1388] : memref<8192x1024xi32, #tpu.memory_space<hbm>> -> memref<1x1024xi32, #tpu.memory_space<hbm>>
      %dma_wait3A_1390 = tpu.memref_squeeze %dma_wait3A_1389 : memref<1x1024xi32, #tpu.memory_space<hbm>> -> memref<1024xi32, #tpu.memory_space<hbm>>
      tpu.wait_dma2 semaphore(%arg16 : memref<!tpu.dma_semaphore, #tpu.memory_space<semaphore_mem>>) src(%dma_wait3A_1390 : memref<1024xi32, #tpu.memory_space<hbm>>) dst(%dma_wait3A_1387 : memref<1024xi32, #tpu.memory_space<vmem>>)
      %add3A_1391 = arith.constant 6 : i32
      %add3A_1392 = arith.addi %add3A_1234, %add3A_1391 : i32
      %dma_wait3A_1393 = arith.constant 6144 : i32
      %dma_wait3A_1394 = tpu.memref_slice %arg10[%dma_wait3A_1393] : memref<16384xi32, #tpu.memory_space<vmem>> -> memref<1024xi32, #tpu.memory_space<vmem>>
      %dma_wait3A_1395 = arith.constant 0 : i32
      %dma_wait3A_1396 = tpu.memref_slice %arg4[%add3A_1392, %dma_wait3A_1395] : memref<8192x1024xi32, #tpu.memory_space<hbm>> -> memref<1x1024xi32, #tpu.memory_space<hbm>>
      %dma_wait3A_1397 = tpu.memref_squeeze %dma_wait3A_1396 : memref<1x1024xi32, #tpu.memory_space<hbm>> -> memref<1024xi32, #tpu.memory_space<hbm>>
      %dma_wait3A_1398 = arith.constant 6144 : i32
      %dma_wait3A_1399 = tpu.memref_slice %arg10[%dma_wait3A_1398] : memref<16384xi32, #tpu.memory_space<vmem>> -> memref<1024xi32, #tpu.memory_space<vmem>>
      %dma_wait3A_1400 = arith.constant 0 : i32
      %dma_wait3A_1401 = tpu.memref_slice %arg4[%add3A_1392, %dma_wait3A_1400] : memref<8192x1024xi32, #tpu.memory_space<hbm>> -> memref<1x1024xi32, #tpu.memory_space<hbm>>
      %dma_wait3A_1402 = tpu.memref_squeeze %dma_wait3A_1401 : memref<1x1024xi32, #tpu.memory_space<hbm>> -> memref<1024xi32, #tpu.memory_space<hbm>>
      tpu.wait_dma2 semaphore(%arg16 : memref<!tpu.dma_semaphore, #tpu.memory_space<semaphore_mem>>) src(%dma_wait3A_1402 : memref<1024xi32, #tpu.memory_space<hbm>>) dst(%dma_wait3A_1399 : memref<1024xi32, #tpu.memory_space<vmem>>)
      %add3A_1403 = arith.constant 7 : i32
      %add3A_1404 = arith.addi %add3A_1234, %add3A_1403 : i32
      %dma_wait3A_1405 = arith.constant 7168 : i32
      %dma_wait3A_1406 = tpu.memref_slice %arg8[%dma_wait3A_1405] : memref<16384xi32, #tpu.memory_space<vmem>> -> memref<1024xi32, #tpu.memory_space<vmem>>
      %dma_wait3A_1407 = arith.constant 0 : i32
      %dma_wait3A_1408 = tpu.memref_slice %arg3[%add3A_1404, %dma_wait3A_1407] : memref<8192x1024xi32, #tpu.memory_space<hbm>> -> memref<1x1024xi32, #tpu.memory_space<hbm>>
      %dma_wait3A_1409 = tpu.memref_squeeze %dma_wait3A_1408 : memref<1x1024xi32, #tpu.memory_space<hbm>> -> memref<1024xi32, #tpu.memory_space<hbm>>
      %dma_wait3A_1410 = arith.constant 7168 : i32
      %dma_wait3A_1411 = tpu.memref_slice %arg8[%dma_wait3A_1410] : memref<16384xi32, #tpu.memory_space<vmem>> -> memref<1024xi32, #tpu.memory_space<vmem>>
      %dma_wait3A_1412 = arith.constant 0 : i32
      %dma_wait3A_1413 = tpu.memref_slice %arg3[%add3A_1404, %dma_wait3A_1412] : memref<8192x1024xi32, #tpu.memory_space<hbm>> -> memref<1x1024xi32, #tpu.memory_space<hbm>>
      %dma_wait3A_1414 = tpu.memref_squeeze %dma_wait3A_1413 : memref<1x1024xi32, #tpu.memory_space<hbm>> -> memref<1024xi32, #tpu.memory_space<hbm>>
      tpu.wait_dma2 semaphore(%arg16 : memref<!tpu.dma_semaphore, #tpu.memory_space<semaphore_mem>>) src(%dma_wait3A_1414 : memref<1024xi32, #tpu.memory_space<hbm>>) dst(%dma_wait3A_1411 : memref<1024xi32, #tpu.memory_space<vmem>>)
      %add3A_1415 = arith.constant 7 : i32
      %add3A_1416 = arith.addi %add3A_1234, %add3A_1415 : i32
      %dma_wait3A_1417 = arith.constant 7168 : i32
      %dma_wait3A_1418 = tpu.memref_slice %arg10[%dma_wait3A_1417] : memref<16384xi32, #tpu.memory_space<vmem>> -> memref<1024xi32, #tpu.memory_space<vmem>>
      %dma_wait3A_1419 = arith.constant 0 : i32
      %dma_wait3A_1420 = tpu.memref_slice %arg4[%add3A_1416, %dma_wait3A_1419] : memref<8192x1024xi32, #tpu.memory_space<hbm>> -> memref<1x1024xi32, #tpu.memory_space<hbm>>
      %dma_wait3A_1421 = tpu.memref_squeeze %dma_wait3A_1420 : memref<1x1024xi32, #tpu.memory_space<hbm>> -> memref<1024xi32, #tpu.memory_space<hbm>>
      %dma_wait3A_1422 = arith.constant 7168 : i32
      %dma_wait3A_1423 = tpu.memref_slice %arg10[%dma_wait3A_1422] : memref<16384xi32, #tpu.memory_space<vmem>> -> memref<1024xi32, #tpu.memory_space<vmem>>
      %dma_wait3A_1424 = arith.constant 0 : i32
      %dma_wait3A_1425 = tpu.memref_slice %arg4[%add3A_1416, %dma_wait3A_1424] : memref<8192x1024xi32, #tpu.memory_space<hbm>> -> memref<1x1024xi32, #tpu.memory_space<hbm>>
      %dma_wait3A_1426 = tpu.memref_squeeze %dma_wait3A_1425 : memref<1x1024xi32, #tpu.memory_space<hbm>> -> memref<1024xi32, #tpu.memory_space<hbm>>
      tpu.wait_dma2 semaphore(%arg16 : memref<!tpu.dma_semaphore, #tpu.memory_space<semaphore_mem>>) src(%dma_wait3A_1426 : memref<1024xi32, #tpu.memory_space<hbm>>) dst(%dma_wait3A_1423 : memref<1024xi32, #tpu.memory_space<vmem>>)
      %add3A_1427 = arith.constant 8 : i32
      %add3A_1428 = arith.addi %add3A_1234, %add3A_1427 : i32
      %dma_wait3A_1429 = arith.constant 8192 : i32
      %dma_wait3A_1430 = tpu.memref_slice %arg8[%dma_wait3A_1429] : memref<16384xi32, #tpu.memory_space<vmem>> -> memref<1024xi32, #tpu.memory_space<vmem>>
      %dma_wait3A_1431 = arith.constant 0 : i32
      %dma_wait3A_1432 = tpu.memref_slice %arg3[%add3A_1428, %dma_wait3A_1431] : memref<8192x1024xi32, #tpu.memory_space<hbm>> -> memref<1x1024xi32, #tpu.memory_space<hbm>>
      %dma_wait3A_1433 = tpu.memref_squeeze %dma_wait3A_1432 : memref<1x1024xi32, #tpu.memory_space<hbm>> -> memref<1024xi32, #tpu.memory_space<hbm>>
      %dma_wait3A_1434 = arith.constant 8192 : i32
      %dma_wait3A_1435 = tpu.memref_slice %arg8[%dma_wait3A_1434] : memref<16384xi32, #tpu.memory_space<vmem>> -> memref<1024xi32, #tpu.memory_space<vmem>>
      %dma_wait3A_1436 = arith.constant 0 : i32
      %dma_wait3A_1437 = tpu.memref_slice %arg3[%add3A_1428, %dma_wait3A_1436] : memref<8192x1024xi32, #tpu.memory_space<hbm>> -> memref<1x1024xi32, #tpu.memory_space<hbm>>
      %dma_wait3A_1438 = tpu.memref_squeeze %dma_wait3A_1437 : memref<1x1024xi32, #tpu.memory_space<hbm>> -> memref<1024xi32, #tpu.memory_space<hbm>>
      tpu.wait_dma2 semaphore(%arg16 : memref<!tpu.dma_semaphore, #tpu.memory_space<semaphore_mem>>) src(%dma_wait3A_1438 : memref<1024xi32, #tpu.memory_space<hbm>>) dst(%dma_wait3A_1435 : memref<1024xi32, #tpu.memory_space<vmem>>)
      %add3A_1439 = arith.constant 8 : i32
      %add3A_1440 = arith.addi %add3A_1234, %add3A_1439 : i32
      %dma_wait3A_1441 = arith.constant 8192 : i32
      %dma_wait3A_1442 = tpu.memref_slice %arg10[%dma_wait3A_1441] : memref<16384xi32, #tpu.memory_space<vmem>> -> memref<1024xi32, #tpu.memory_space<vmem>>
      %dma_wait3A_1443 = arith.constant 0 : i32
      %dma_wait3A_1444 = tpu.memref_slice %arg4[%add3A_1440, %dma_wait3A_1443] : memref<8192x1024xi32, #tpu.memory_space<hbm>> -> memref<1x1024xi32, #tpu.memory_space<hbm>>
      %dma_wait3A_1445 = tpu.memref_squeeze %dma_wait3A_1444 : memref<1x1024xi32, #tpu.memory_space<hbm>> -> memref<1024xi32, #tpu.memory_space<hbm>>
      %dma_wait3A_1446 = arith.constant 8192 : i32
      %dma_wait3A_1447 = tpu.memref_slice %arg10[%dma_wait3A_1446] : memref<16384xi32, #tpu.memory_space<vmem>> -> memref<1024xi32, #tpu.memory_space<vmem>>
      %dma_wait3A_1448 = arith.constant 0 : i32
      %dma_wait3A_1449 = tpu.memref_slice %arg4[%add3A_1440, %dma_wait3A_1448] : memref<8192x1024xi32, #tpu.memory_space<hbm>> -> memref<1x1024xi32, #tpu.memory_space<hbm>>
      %dma_wait3A_1450 = tpu.memref_squeeze %dma_wait3A_1449 : memref<1x1024xi32, #tpu.memory_space<hbm>> -> memref<1024xi32, #tpu.memory_space<hbm>>
      tpu.wait_dma2 semaphore(%arg16 : memref<!tpu.dma_semaphore, #tpu.memory_space<semaphore_mem>>) src(%dma_wait3A_1450 : memref<1024xi32, #tpu.memory_space<hbm>>) dst(%dma_wait3A_1447 : memref<1024xi32, #tpu.memory_space<vmem>>)
      %add3A_1451 = arith.constant 9 : i32
      %add3A_1452 = arith.addi %add3A_1234, %add3A_1451 : i32
      %dma_wait3A_1453 = arith.constant 9216 : i32
      %dma_wait3A_1454 = tpu.memref_slice %arg8[%dma_wait3A_1453] : memref<16384xi32, #tpu.memory_space<vmem>> -> memref<1024xi32, #tpu.memory_space<vmem>>
      %dma_wait3A_1455 = arith.constant 0 : i32
      %dma_wait3A_1456 = tpu.memref_slice %arg3[%add3A_1452, %dma_wait3A_1455] : memref<8192x1024xi32, #tpu.memory_space<hbm>> -> memref<1x1024xi32, #tpu.memory_space<hbm>>
      %dma_wait3A_1457 = tpu.memref_squeeze %dma_wait3A_1456 : memref<1x1024xi32, #tpu.memory_space<hbm>> -> memref<1024xi32, #tpu.memory_space<hbm>>
      %dma_wait3A_1458 = arith.constant 9216 : i32
      %dma_wait3A_1459 = tpu.memref_slice %arg8[%dma_wait3A_1458] : memref<16384xi32, #tpu.memory_space<vmem>> -> memref<1024xi32, #tpu.memory_space<vmem>>
      %dma_wait3A_1460 = arith.constant 0 : i32
      %dma_wait3A_1461 = tpu.memref_slice %arg3[%add3A_1452, %dma_wait3A_1460] : memref<8192x1024xi32, #tpu.memory_space<hbm>> -> memref<1x1024xi32, #tpu.memory_space<hbm>>
      %dma_wait3A_1462 = tpu.memref_squeeze %dma_wait3A_1461 : memref<1x1024xi32, #tpu.memory_space<hbm>> -> memref<1024xi32, #tpu.memory_space<hbm>>
      tpu.wait_dma2 semaphore(%arg16 : memref<!tpu.dma_semaphore, #tpu.memory_space<semaphore_mem>>) src(%dma_wait3A_1462 : memref<1024xi32, #tpu.memory_space<hbm>>) dst(%dma_wait3A_1459 : memref<1024xi32, #tpu.memory_space<vmem>>)
      %add3A_1463 = arith.constant 9 : i32
      %add3A_1464 = arith.addi %add3A_1234, %add3A_1463 : i32
      %dma_wait3A_1465 = arith.constant 9216 : i32
      %dma_wait3A_1466 = tpu.memref_slice %arg10[%dma_wait3A_1465] : memref<16384xi32, #tpu.memory_space<vmem>> -> memref<1024xi32, #tpu.memory_space<vmem>>
      %dma_wait3A_1467 = arith.constant 0 : i32
      %dma_wait3A_1468 = tpu.memref_slice %arg4[%add3A_1464, %dma_wait3A_1467] : memref<8192x1024xi32, #tpu.memory_space<hbm>> -> memref<1x1024xi32, #tpu.memory_space<hbm>>
      %dma_wait3A_1469 = tpu.memref_squeeze %dma_wait3A_1468 : memref<1x1024xi32, #tpu.memory_space<hbm>> -> memref<1024xi32, #tpu.memory_space<hbm>>
      %dma_wait3A_1470 = arith.constant 9216 : i32
      %dma_wait3A_1471 = tpu.memref_slice %arg10[%dma_wait3A_1470] : memref<16384xi32, #tpu.memory_space<vmem>> -> memref<1024xi32, #tpu.memory_space<vmem>>
      %dma_wait3A_1472 = arith.constant 0 : i32
      %dma_wait3A_1473 = tpu.memref_slice %arg4[%add3A_1464, %dma_wait3A_1472] : memref<8192x1024xi32, #tpu.memory_space<hbm>> -> memref<1x1024xi32, #tpu.memory_space<hbm>>
      %dma_wait3A_1474 = tpu.memref_squeeze %dma_wait3A_1473 : memref<1x1024xi32, #tpu.memory_space<hbm>> -> memref<1024xi32, #tpu.memory_space<hbm>>
      tpu.wait_dma2 semaphore(%arg16 : memref<!tpu.dma_semaphore, #tpu.memory_space<semaphore_mem>>) src(%dma_wait3A_1474 : memref<1024xi32, #tpu.memory_space<hbm>>) dst(%dma_wait3A_1471 : memref<1024xi32, #tpu.memory_space<vmem>>)
      %add3A_1475 = arith.constant 10 : i32
      %add3A_1476 = arith.addi %add3A_1234, %add3A_1475 : i32
      %dma_wait3A_1477 = arith.constant 10240 : i32
      %dma_wait3A_1478 = tpu.memref_slice %arg8[%dma_wait3A_1477] : memref<16384xi32, #tpu.memory_space<vmem>> -> memref<1024xi32, #tpu.memory_space<vmem>>
      %dma_wait3A_1479 = arith.constant 0 : i32
      %dma_wait3A_1480 = tpu.memref_slice %arg3[%add3A_1476, %dma_wait3A_1479] : memref<8192x1024xi32, #tpu.memory_space<hbm>> -> memref<1x1024xi32, #tpu.memory_space<hbm>>
      %dma_wait3A_1481 = tpu.memref_squeeze %dma_wait3A_1480 : memref<1x1024xi32, #tpu.memory_space<hbm>> -> memref<1024xi32, #tpu.memory_space<hbm>>
      %dma_wait3A_1482 = arith.constant 10240 : i32
      %dma_wait3A_1483 = tpu.memref_slice %arg8[%dma_wait3A_1482] : memref<16384xi32, #tpu.memory_space<vmem>> -> memref<1024xi32, #tpu.memory_space<vmem>>
      %dma_wait3A_1484 = arith.constant 0 : i32
      %dma_wait3A_1485 = tpu.memref_slice %arg3[%add3A_1476, %dma_wait3A_1484] : memref<8192x1024xi32, #tpu.memory_space<hbm>> -> memref<1x1024xi32, #tpu.memory_space<hbm>>
      %dma_wait3A_1486 = tpu.memref_squeeze %dma_wait3A_1485 : memref<1x1024xi32, #tpu.memory_space<hbm>> -> memref<1024xi32, #tpu.memory_space<hbm>>
      tpu.wait_dma2 semaphore(%arg16 : memref<!tpu.dma_semaphore, #tpu.memory_space<semaphore_mem>>) src(%dma_wait3A_1486 : memref<1024xi32, #tpu.memory_space<hbm>>) dst(%dma_wait3A_1483 : memref<1024xi32, #tpu.memory_space<vmem>>)
      %add3A_1487 = arith.constant 10 : i32
      %add3A_1488 = arith.addi %add3A_1234, %add3A_1487 : i32
      %dma_wait3A_1489 = arith.constant 10240 : i32
      %dma_wait3A_1490 = tpu.memref_slice %arg10[%dma_wait3A_1489] : memref<16384xi32, #tpu.memory_space<vmem>> -> memref<1024xi32, #tpu.memory_space<vmem>>
      %dma_wait3A_1491 = arith.constant 0 : i32
      %dma_wait3A_1492 = tpu.memref_slice %arg4[%add3A_1488, %dma_wait3A_1491] : memref<8192x1024xi32, #tpu.memory_space<hbm>> -> memref<1x1024xi32, #tpu.memory_space<hbm>>
      %dma_wait3A_1493 = tpu.memref_squeeze %dma_wait3A_1492 : memref<1x1024xi32, #tpu.memory_space<hbm>> -> memref<1024xi32, #tpu.memory_space<hbm>>
      %dma_wait3A_1494 = arith.constant 10240 : i32
      %dma_wait3A_1495 = tpu.memref_slice %arg10[%dma_wait3A_1494] : memref<16384xi32, #tpu.memory_space<vmem>> -> memref<1024xi32, #tpu.memory_space<vmem>>
      %dma_wait3A_1496 = arith.constant 0 : i32
      %dma_wait3A_1497 = tpu.memref_slice %arg4[%add3A_1488, %dma_wait3A_1496] : memref<8192x1024xi32, #tpu.memory_space<hbm>> -> memref<1x1024xi32, #tpu.memory_space<hbm>>
      %dma_wait3A_1498 = tpu.memref_squeeze %dma_wait3A_1497 : memref<1x1024xi32, #tpu.memory_space<hbm>> -> memref<1024xi32, #tpu.memory_space<hbm>>
      tpu.wait_dma2 semaphore(%arg16 : memref<!tpu.dma_semaphore, #tpu.memory_space<semaphore_mem>>) src(%dma_wait3A_1498 : memref<1024xi32, #tpu.memory_space<hbm>>) dst(%dma_wait3A_1495 : memref<1024xi32, #tpu.memory_space<vmem>>)
      %add3A_1499 = arith.constant 11 : i32
      %add3A_1500 = arith.addi %add3A_1234, %add3A_1499 : i32
      %dma_wait3A_1501 = arith.constant 11264 : i32
      %dma_wait3A_1502 = tpu.memref_slice %arg8[%dma_wait3A_1501] : memref<16384xi32, #tpu.memory_space<vmem>> -> memref<1024xi32, #tpu.memory_space<vmem>>
      %dma_wait3A_1503 = arith.constant 0 : i32
      %dma_wait3A_1504 = tpu.memref_slice %arg3[%add3A_1500, %dma_wait3A_1503] : memref<8192x1024xi32, #tpu.memory_space<hbm>> -> memref<1x1024xi32, #tpu.memory_space<hbm>>
      %dma_wait3A_1505 = tpu.memref_squeeze %dma_wait3A_1504 : memref<1x1024xi32, #tpu.memory_space<hbm>> -> memref<1024xi32, #tpu.memory_space<hbm>>
      %dma_wait3A_1506 = arith.constant 11264 : i32
      %dma_wait3A_1507 = tpu.memref_slice %arg8[%dma_wait3A_1506] : memref<16384xi32, #tpu.memory_space<vmem>> -> memref<1024xi32, #tpu.memory_space<vmem>>
      %dma_wait3A_1508 = arith.constant 0 : i32
      %dma_wait3A_1509 = tpu.memref_slice %arg3[%add3A_1500, %dma_wait3A_1508] : memref<8192x1024xi32, #tpu.memory_space<hbm>> -> memref<1x1024xi32, #tpu.memory_space<hbm>>
      %dma_wait3A_1510 = tpu.memref_squeeze %dma_wait3A_1509 : memref<1x1024xi32, #tpu.memory_space<hbm>> -> memref<1024xi32, #tpu.memory_space<hbm>>
      tpu.wait_dma2 semaphore(%arg16 : memref<!tpu.dma_semaphore, #tpu.memory_space<semaphore_mem>>) src(%dma_wait3A_1510 : memref<1024xi32, #tpu.memory_space<hbm>>) dst(%dma_wait3A_1507 : memref<1024xi32, #tpu.memory_space<vmem>>)
      %add3A_1511 = arith.constant 11 : i32
      %add3A_1512 = arith.addi %add3A_1234, %add3A_1511 : i32
      %dma_wait3A_1513 = arith.constant 11264 : i32
      %dma_wait3A_1514 = tpu.memref_slice %arg10[%dma_wait3A_1513] : memref<16384xi32, #tpu.memory_space<vmem>> -> memref<1024xi32, #tpu.memory_space<vmem>>
      %dma_wait3A_1515 = arith.constant 0 : i32
      %dma_wait3A_1516 = tpu.memref_slice %arg4[%add3A_1512, %dma_wait3A_1515] : memref<8192x1024xi32, #tpu.memory_space<hbm>> -> memref<1x1024xi32, #tpu.memory_space<hbm>>
      %dma_wait3A_1517 = tpu.memref_squeeze %dma_wait3A_1516 : memref<1x1024xi32, #tpu.memory_space<hbm>> -> memref<1024xi32, #tpu.memory_space<hbm>>
      %dma_wait3A_1518 = arith.constant 11264 : i32
      %dma_wait3A_1519 = tpu.memref_slice %arg10[%dma_wait3A_1518] : memref<16384xi32, #tpu.memory_space<vmem>> -> memref<1024xi32, #tpu.memory_space<vmem>>
      %dma_wait3A_1520 = arith.constant 0 : i32
      %dma_wait3A_1521 = tpu.memref_slice %arg4[%add3A_1512, %dma_wait3A_1520] : memref<8192x1024xi32, #tpu.memory_space<hbm>> -> memref<1x1024xi32, #tpu.memory_space<hbm>>
      %dma_wait3A_1522 = tpu.memref_squeeze %dma_wait3A_1521 : memref<1x1024xi32, #tpu.memory_space<hbm>> -> memref<1024xi32, #tpu.memory_space<hbm>>
      tpu.wait_dma2 semaphore(%arg16 : memref<!tpu.dma_semaphore, #tpu.memory_space<semaphore_mem>>) src(%dma_wait3A_1522 : memref<1024xi32, #tpu.memory_space<hbm>>) dst(%dma_wait3A_1519 : memref<1024xi32, #tpu.memory_space<vmem>>)
      %add3A_1523 = arith.constant 12 : i32
      %add3A_1524 = arith.addi %add3A_1234, %add3A_1523 : i32
      %dma_wait3A_1525 = arith.constant 12288 : i32
      %dma_wait3A_1526 = tpu.memref_slice %arg8[%dma_wait3A_1525] : memref<16384xi32, #tpu.memory_space<vmem>> -> memref<1024xi32, #tpu.memory_space<vmem>>
      %dma_wait3A_1527 = arith.constant 0 : i32
      %dma_wait3A_1528 = tpu.memref_slice %arg3[%add3A_1524, %dma_wait3A_1527] : memref<8192x1024xi32, #tpu.memory_space<hbm>> -> memref<1x1024xi32, #tpu.memory_space<hbm>>
      %dma_wait3A_1529 = tpu.memref_squeeze %dma_wait3A_1528 : memref<1x1024xi32, #tpu.memory_space<hbm>> -> memref<1024xi32, #tpu.memory_space<hbm>>
      %dma_wait3A_1530 = arith.constant 12288 : i32
      %dma_wait3A_1531 = tpu.memref_slice %arg8[%dma_wait3A_1530] : memref<16384xi32, #tpu.memory_space<vmem>> -> memref<1024xi32, #tpu.memory_space<vmem>>
      %dma_wait3A_1532 = arith.constant 0 : i32
      %dma_wait3A_1533 = tpu.memref_slice %arg3[%add3A_1524, %dma_wait3A_1532] : memref<8192x1024xi32, #tpu.memory_space<hbm>> -> memref<1x1024xi32, #tpu.memory_space<hbm>>
      %dma_wait3A_1534 = tpu.memref_squeeze %dma_wait3A_1533 : memref<1x1024xi32, #tpu.memory_space<hbm>> -> memref<1024xi32, #tpu.memory_space<hbm>>
      tpu.wait_dma2 semaphore(%arg16 : memref<!tpu.dma_semaphore, #tpu.memory_space<semaphore_mem>>) src(%dma_wait3A_1534 : memref<1024xi32, #tpu.memory_space<hbm>>) dst(%dma_wait3A_1531 : memref<1024xi32, #tpu.memory_space<vmem>>)
      %add3A_1535 = arith.constant 12 : i32
      %add3A_1536 = arith.addi %add3A_1234, %add3A_1535 : i32
      %dma_wait3A_1537 = arith.constant 12288 : i32
      %dma_wait3A_1538 = tpu.memref_slice %arg10[%dma_wait3A_1537] : memref<16384xi32, #tpu.memory_space<vmem>> -> memref<1024xi32, #tpu.memory_space<vmem>>
      %dma_wait3A_1539 = arith.constant 0 : i32
      %dma_wait3A_1540 = tpu.memref_slice %arg4[%add3A_1536, %dma_wait3A_1539] : memref<8192x1024xi32, #tpu.memory_space<hbm>> -> memref<1x1024xi32, #tpu.memory_space<hbm>>
      %dma_wait3A_1541 = tpu.memref_squeeze %dma_wait3A_1540 : memref<1x1024xi32, #tpu.memory_space<hbm>> -> memref<1024xi32, #tpu.memory_space<hbm>>
      %dma_wait3A_1542 = arith.constant 12288 : i32
      %dma_wait3A_1543 = tpu.memref_slice %arg10[%dma_wait3A_1542] : memref<16384xi32, #tpu.memory_space<vmem>> -> memref<1024xi32, #tpu.memory_space<vmem>>
      %dma_wait3A_1544 = arith.constant 0 : i32
      %dma_wait3A_1545 = tpu.memref_slice %arg4[%add3A_1536, %dma_wait3A_1544] : memref<8192x1024xi32, #tpu.memory_space<hbm>> -> memref<1x1024xi32, #tpu.memory_space<hbm>>
      %dma_wait3A_1546 = tpu.memref_squeeze %dma_wait3A_1545 : memref<1x1024xi32, #tpu.memory_space<hbm>> -> memref<1024xi32, #tpu.memory_space<hbm>>
      tpu.wait_dma2 semaphore(%arg16 : memref<!tpu.dma_semaphore, #tpu.memory_space<semaphore_mem>>) src(%dma_wait3A_1546 : memref<1024xi32, #tpu.memory_space<hbm>>) dst(%dma_wait3A_1543 : memref<1024xi32, #tpu.memory_space<vmem>>)
      %add3A_1547 = arith.constant 13 : i32
      %add3A_1548 = arith.addi %add3A_1234, %add3A_1547 : i32
      %dma_wait3A_1549 = arith.constant 13312 : i32
      %dma_wait3A_1550 = tpu.memref_slice %arg8[%dma_wait3A_1549] : memref<16384xi32, #tpu.memory_space<vmem>> -> memref<1024xi32, #tpu.memory_space<vmem>>
      %dma_wait3A_1551 = arith.constant 0 : i32
      %dma_wait3A_1552 = tpu.memref_slice %arg3[%add3A_1548, %dma_wait3A_1551] : memref<8192x1024xi32, #tpu.memory_space<hbm>> -> memref<1x1024xi32, #tpu.memory_space<hbm>>
      %dma_wait3A_1553 = tpu.memref_squeeze %dma_wait3A_1552 : memref<1x1024xi32, #tpu.memory_space<hbm>> -> memref<1024xi32, #tpu.memory_space<hbm>>
      %dma_wait3A_1554 = arith.constant 13312 : i32
      %dma_wait3A_1555 = tpu.memref_slice %arg8[%dma_wait3A_1554] : memref<16384xi32, #tpu.memory_space<vmem>> -> memref<1024xi32, #tpu.memory_space<vmem>>
      %dma_wait3A_1556 = arith.constant 0 : i32
      %dma_wait3A_1557 = tpu.memref_slice %arg3[%add3A_1548, %dma_wait3A_1556] : memref<8192x1024xi32, #tpu.memory_space<hbm>> -> memref<1x1024xi32, #tpu.memory_space<hbm>>
      %dma_wait3A_1558 = tpu.memref_squeeze %dma_wait3A_1557 : memref<1x1024xi32, #tpu.memory_space<hbm>> -> memref<1024xi32, #tpu.memory_space<hbm>>
      tpu.wait_dma2 semaphore(%arg16 : memref<!tpu.dma_semaphore, #tpu.memory_space<semaphore_mem>>) src(%dma_wait3A_1558 : memref<1024xi32, #tpu.memory_space<hbm>>) dst(%dma_wait3A_1555 : memref<1024xi32, #tpu.memory_space<vmem>>)
      %add3A_1559 = arith.constant 13 : i32
      %add3A_1560 = arith.addi %add3A_1234, %add3A_1559 : i32
      %dma_wait3A_1561 = arith.constant 13312 : i32
      %dma_wait3A_1562 = tpu.memref_slice %arg10[%dma_wait3A_1561] : memref<16384xi32, #tpu.memory_space<vmem>> -> memref<1024xi32, #tpu.memory_space<vmem>>
      %dma_wait3A_1563 = arith.constant 0 : i32
      %dma_wait3A_1564 = tpu.memref_slice %arg4[%add3A_1560, %dma_wait3A_1563] : memref<8192x1024xi32, #tpu.memory_space<hbm>> -> memref<1x1024xi32, #tpu.memory_space<hbm>>
      %dma_wait3A_1565 = tpu.memref_squeeze %dma_wait3A_1564 : memref<1x1024xi32, #tpu.memory_space<hbm>> -> memref<1024xi32, #tpu.memory_space<hbm>>
      %dma_wait3A_1566 = arith.constant 13312 : i32
      %dma_wait3A_1567 = tpu.memref_slice %arg10[%dma_wait3A_1566] : memref<16384xi32, #tpu.memory_space<vmem>> -> memref<1024xi32, #tpu.memory_space<vmem>>
      %dma_wait3A_1568 = arith.constant 0 : i32
      %dma_wait3A_1569 = tpu.memref_slice %arg4[%add3A_1560, %dma_wait3A_1568] : memref<8192x1024xi32, #tpu.memory_space<hbm>> -> memref<1x1024xi32, #tpu.memory_space<hbm>>
      %dma_wait3A_1570 = tpu.memref_squeeze %dma_wait3A_1569 : memref<1x1024xi32, #tpu.memory_space<hbm>> -> memref<1024xi32, #tpu.memory_space<hbm>>
      tpu.wait_dma2 semaphore(%arg16 : memref<!tpu.dma_semaphore, #tpu.memory_space<semaphore_mem>>) src(%dma_wait3A_1570 : memref<1024xi32, #tpu.memory_space<hbm>>) dst(%dma_wait3A_1567 : memref<1024xi32, #tpu.memory_space<vmem>>)
      %add3A_1571 = arith.constant 14 : i32
      %add3A_1572 = arith.addi %add3A_1234, %add3A_1571 : i32
      %dma_wait3A_1573 = arith.constant 14336 : i32
      %dma_wait3A_1574 = tpu.memref_slice %arg8[%dma_wait3A_1573] : memref<16384xi32, #tpu.memory_space<vmem>> -> memref<1024xi32, #tpu.memory_space<vmem>>
      %dma_wait3A_1575 = arith.constant 0 : i32
      %dma_wait3A_1576 = tpu.memref_slice %arg3[%add3A_1572, %dma_wait3A_1575] : memref<8192x1024xi32, #tpu.memory_space<hbm>> -> memref<1x1024xi32, #tpu.memory_space<hbm>>
      %dma_wait3A_1577 = tpu.memref_squeeze %dma_wait3A_1576 : memref<1x1024xi32, #tpu.memory_space<hbm>> -> memref<1024xi32, #tpu.memory_space<hbm>>
      %dma_wait3A_1578 = arith.constant 14336 : i32
      %dma_wait3A_1579 = tpu.memref_slice %arg8[%dma_wait3A_1578] : memref<16384xi32, #tpu.memory_space<vmem>> -> memref<1024xi32, #tpu.memory_space<vmem>>
      %dma_wait3A_1580 = arith.constant 0 : i32
      %dma_wait3A_1581 = tpu.memref_slice %arg3[%add3A_1572, %dma_wait3A_1580] : memref<8192x1024xi32, #tpu.memory_space<hbm>> -> memref<1x1024xi32, #tpu.memory_space<hbm>>
      %dma_wait3A_1582 = tpu.memref_squeeze %dma_wait3A_1581 : memref<1x1024xi32, #tpu.memory_space<hbm>> -> memref<1024xi32, #tpu.memory_space<hbm>>
      tpu.wait_dma2 semaphore(%arg16 : memref<!tpu.dma_semaphore, #tpu.memory_space<semaphore_mem>>) src(%dma_wait3A_1582 : memref<1024xi32, #tpu.memory_space<hbm>>) dst(%dma_wait3A_1579 : memref<1024xi32, #tpu.memory_space<vmem>>)
      %add3A_1583 = arith.constant 14 : i32
      %add3A_1584 = arith.addi %add3A_1234, %add3A_1583 : i32
      %dma_wait3A_1585 = arith.constant 14336 : i32
      %dma_wait3A_1586 = tpu.memref_slice %arg10[%dma_wait3A_1585] : memref<16384xi32, #tpu.memory_space<vmem>> -> memref<1024xi32, #tpu.memory_space<vmem>>
      %dma_wait3A_1587 = arith.constant 0 : i32
      %dma_wait3A_1588 = tpu.memref_slice %arg4[%add3A_1584, %dma_wait3A_1587] : memref<8192x1024xi32, #tpu.memory_space<hbm>> -> memref<1x1024xi32, #tpu.memory_space<hbm>>
      %dma_wait3A_1589 = tpu.memref_squeeze %dma_wait3A_1588 : memref<1x1024xi32, #tpu.memory_space<hbm>> -> memref<1024xi32, #tpu.memory_space<hbm>>
      %dma_wait3A_1590 = arith.constant 14336 : i32
      %dma_wait3A_1591 = tpu.memref_slice %arg10[%dma_wait3A_1590] : memref<16384xi32, #tpu.memory_space<vmem>> -> memref<1024xi32, #tpu.memory_space<vmem>>
      %dma_wait3A_1592 = arith.constant 0 : i32
      %dma_wait3A_1593 = tpu.memref_slice %arg4[%add3A_1584, %dma_wait3A_1592] : memref<8192x1024xi32, #tpu.memory_space<hbm>> -> memref<1x1024xi32, #tpu.memory_space<hbm>>
      %dma_wait3A_1594 = tpu.memref_squeeze %dma_wait3A_1593 : memref<1x1024xi32, #tpu.memory_space<hbm>> -> memref<1024xi32, #tpu.memory_space<hbm>>
      tpu.wait_dma2 semaphore(%arg16 : memref<!tpu.dma_semaphore, #tpu.memory_space<semaphore_mem>>) src(%dma_wait3A_1594 : memref<1024xi32, #tpu.memory_space<hbm>>) dst(%dma_wait3A_1591 : memref<1024xi32, #tpu.memory_space<vmem>>)
      %add3A_1595 = arith.constant 15 : i32
      %add3A_1596 = arith.addi %add3A_1234, %add3A_1595 : i32
      %dma_wait3A_1597 = arith.constant 15360 : i32
      %dma_wait3A_1598 = tpu.memref_slice %arg8[%dma_wait3A_1597] : memref<16384xi32, #tpu.memory_space<vmem>> -> memref<1024xi32, #tpu.memory_space<vmem>>
      %dma_wait3A_1599 = arith.constant 0 : i32
      %dma_wait3A_1600 = tpu.memref_slice %arg3[%add3A_1596, %dma_wait3A_1599] : memref<8192x1024xi32, #tpu.memory_space<hbm>> -> memref<1x1024xi32, #tpu.memory_space<hbm>>
      %dma_wait3A_1601 = tpu.memref_squeeze %dma_wait3A_1600 : memref<1x1024xi32, #tpu.memory_space<hbm>> -> memref<1024xi32, #tpu.memory_space<hbm>>
      %dma_wait3A_1602 = arith.constant 15360 : i32
      %dma_wait3A_1603 = tpu.memref_slice %arg8[%dma_wait3A_1602] : memref<16384xi32, #tpu.memory_space<vmem>> -> memref<1024xi32, #tpu.memory_space<vmem>>
      %dma_wait3A_1604 = arith.constant 0 : i32
      %dma_wait3A_1605 = tpu.memref_slice %arg3[%add3A_1596, %dma_wait3A_1604] : memref<8192x1024xi32, #tpu.memory_space<hbm>> -> memref<1x1024xi32, #tpu.memory_space<hbm>>
      %dma_wait3A_1606 = tpu.memref_squeeze %dma_wait3A_1605 : memref<1x1024xi32, #tpu.memory_space<hbm>> -> memref<1024xi32, #tpu.memory_space<hbm>>
      tpu.wait_dma2 semaphore(%arg16 : memref<!tpu.dma_semaphore, #tpu.memory_space<semaphore_mem>>) src(%dma_wait3A_1606 : memref<1024xi32, #tpu.memory_space<hbm>>) dst(%dma_wait3A_1603 : memref<1024xi32, #tpu.memory_space<vmem>>)
      %add3A_1607 = arith.constant 15 : i32
      %add3A_1608 = arith.addi %add3A_1234, %add3A_1607 : i32
      %dma_wait3A_1609 = arith.constant 15360 : i32
      %dma_wait3A_1610 = tpu.memref_slice %arg10[%dma_wait3A_1609] : memref<16384xi32, #tpu.memory_space<vmem>> -> memref<1024xi32, #tpu.memory_space<vmem>>
      %dma_wait3A_1611 = arith.constant 0 : i32
      %dma_wait3A_1612 = tpu.memref_slice %arg4[%add3A_1608, %dma_wait3A_1611] : memref<8192x1024xi32, #tpu.memory_space<hbm>> -> memref<1x1024xi32, #tpu.memory_space<hbm>>
      %dma_wait3A_1613 = tpu.memref_squeeze %dma_wait3A_1612 : memref<1x1024xi32, #tpu.memory_space<hbm>> -> memref<1024xi32, #tpu.memory_space<hbm>>
      %dma_wait3A_1614 = arith.constant 15360 : i32
      %dma_wait3A_1615 = tpu.memref_slice %arg10[%dma_wait3A_1614] : memref<16384xi32, #tpu.memory_space<vmem>> -> memref<1024xi32, #tpu.memory_space<vmem>>
      %dma_wait3A_1616 = arith.constant 0 : i32
      %dma_wait3A_1617 = tpu.memref_slice %arg4[%add3A_1608, %dma_wait3A_1616] : memref<8192x1024xi32, #tpu.memory_space<hbm>> -> memref<1x1024xi32, #tpu.memory_space<hbm>>
      %dma_wait3A_1618 = tpu.memref_squeeze %dma_wait3A_1617 : memref<1x1024xi32, #tpu.memory_space<hbm>> -> memref<1024xi32, #tpu.memory_space<hbm>>
      tpu.wait_dma2 semaphore(%arg16 : memref<!tpu.dma_semaphore, #tpu.memory_space<semaphore_mem>>) src(%dma_wait3A_1618 : memref<1024xi32, #tpu.memory_space<hbm>>) dst(%dma_wait3A_1615 : memref<1024xi32, #tpu.memory_space<vmem>>)
      %dma_wait3A_1619 = arith.constant 0 : i32
      %dma_wait3A_1620 = tpu.memref_slice %arg2[%add3A_1234, %dma_wait3A_1619] : memref<8192x128xf32, #tpu.memory_space<hbm>> -> memref<16x128xf32, #tpu.memory_space<hbm>>
      %dma_wait3A_1621 = arith.constant 0 : i32
      %dma_wait3A_1622 = tpu.memref_slice %arg2[%add3A_1234, %dma_wait3A_1621] : memref<8192x128xf32, #tpu.memory_space<hbm>> -> memref<16x128xf32, #tpu.memory_space<hbm>>
      tpu.wait_dma2 semaphore(%arg18 : memref<!tpu.dma_semaphore, #tpu.memory_space<semaphore_mem>>) src(%dma_wait3A_1622 : memref<16x128xf32, #tpu.memory_space<hbm>>) dst(%arg13 : memref<16x128xf32, #tpu.memory_space<vmem>>)
      %parallel_loop3A_1623 = arith.constant 0 : i32
      %parallel_loop3A_1624 = arith.constant 1008 : i32
      %parallel_loop3A_1625 = arith.constant 1 : i32
      scf.for %parallel_loop3A_1647 = %parallel_loop3A_1623 to %parallel_loop3A_1624 step %parallel_loop3A_1625  : i32 {
        %parallel_loop3A_1648 = vector.broadcast %parallel_loop3A_1647 : i32 to vector<16xi32>
        %parallel_loop3A_1649 = arith.addi %mul3A_6, %parallel_loop3A_1648 : vector<16xi32>
        %parallel_loop3A_1650 = tpu.vector_load_idx %arg8[%parallel_loop3A_1649] : memref<16384xi32, #tpu.memory_space<vmem>>[vector<16xi32>], vector<16xi32>,
        %parallel_loop3A_1651 = tpu.vector_load_idx %arg10[%parallel_loop3A_1649] : memref<16384xi32, #tpu.memory_space<vmem>>[vector<16xi32>], vector<16xi32>,
        %parallel_loop3A_1652 = arith.constant 8 : i32
        %parallel_loop3A_1653 = vector.broadcast %parallel_loop3A_1652 : i32 to vector<16xi32>
        %parallel_loop3A_1654 = arith.shli %parallel_loop3A_1650, %parallel_loop3A_1653 : vector<16xi32>
        %parallel_loop3A_1655 = arith.constant 4 : i32
        %parallel_loop3A_1656 = vector.broadcast %parallel_loop3A_1655 : i32 to vector<16xi32>
        %parallel_loop3A_1657 = arith.shli %parallel_loop3A_1651, %parallel_loop3A_1656 : vector<16xi32>
        %parallel_loop3A_1658 = arith.addi %parallel_loop3A_1654, %parallel_loop3A_1657 : vector<16xi32>
        %parallel_loop3A_1659 = arith.addi %parallel_loop3A_1658, %iota3A : vector<16xi32>
        tpu.vector_store_idx %arg11[%parallel_loop3A_1659], %get3A_1 {add = true} : memref<2048xf32, #tpu.memory_space<vmem>>[vector<16xi32>], vector<16xf32>,
      } {sc.loop_unroll_factor = 8 : i64, sc.parallel_access}
      %parallel_loop3A_1626 = arith.constant 1008 : i32
      %parallel_loop3A_1627 = arith.constant 1024 : i32
      %parallel_loop3A_1628 = arith.constant 1 : i32
      scf.for %parallel_loop3A_1647 = %parallel_loop3A_1626 to %parallel_loop3A_1627 step %parallel_loop3A_1628  : i32 {
        %parallel_loop3A_1648 = vector.broadcast %parallel_loop3A_1647 : i32 to vector<16xi32>
        %parallel_loop3A_1649 = arith.addi %mul3A_6, %parallel_loop3A_1648 : vector<16xi32>
        %parallel_loop3A_1650 = vector.broadcast %parallel_loop3A_1647 : i32 to vector<16xi32>
        %parallel_loop3A_1651 = arith.addi %iota3A, %parallel_loop3A_1650 : vector<16xi32>
        %parallel_loop3A_1652 = arith.constant 1024 : i32
        %parallel_loop3A_1653 = vector.broadcast %parallel_loop3A_1652 : i32 to vector<16xi32>
        %parallel_loop3A_1654 = arith.cmpi sge, %parallel_loop3A_1651, %parallel_loop3A_1653 : vector<16xi32>
        %parallel_loop3A_1655 = arith.constant 1024 : i32
        %parallel_loop3A_1656 = arith.constant 0 : i32
        %parallel_loop3A_1657 = vector.broadcast %parallel_loop3A_1655 : i32 to vector<16xi32>
        %parallel_loop3A_1658 = vector.broadcast %parallel_loop3A_1656 : i32 to vector<16xi32>
        %parallel_loop3A_1659 = arith.select %parallel_loop3A_1654, %parallel_loop3A_1657, %parallel_loop3A_1658 : vector<16xi1>, vector<16xi32>
        %parallel_loop3A_1660 = arith.subi %parallel_loop3A_1649, %parallel_loop3A_1659 : vector<16xi32>
        %parallel_loop3A_1661 = tpu.vector_load_idx %arg8[%parallel_loop3A_1660] : memref<16384xi32, #tpu.memory_space<vmem>>[vector<16xi32>], vector<16xi32>,
        %parallel_loop3A_1662 = tpu.vector_load_idx %arg10[%parallel_loop3A_1660] : memref<16384xi32, #tpu.memory_space<vmem>>[vector<16xi32>], vector<16xi32>,
        %parallel_loop3A_1663 = arith.constant 8 : i32
        %parallel_loop3A_1664 = vector.broadcast %parallel_loop3A_1663 : i32 to vector<16xi32>
        %parallel_loop3A_1665 = arith.shli %parallel_loop3A_1661, %parallel_loop3A_1664 : vector<16xi32>
        %parallel_loop3A_1666 = arith.constant 4 : i32
        %parallel_loop3A_1667 = vector.broadcast %parallel_loop3A_1666 : i32 to vector<16xi32>
        %parallel_loop3A_1668 = arith.shli %parallel_loop3A_1662, %parallel_loop3A_1667 : vector<16xi32>
        %parallel_loop3A_1669 = arith.addi %parallel_loop3A_1665, %parallel_loop3A_1668 : vector<16xi32>
        %parallel_loop3A_1670 = arith.addi %parallel_loop3A_1669, %iota3A : vector<16xi32>
        tpu.vector_store_idx %arg11[%parallel_loop3A_1670], %get3A_1 {add = true} : memref<2048xf32, #tpu.memory_space<vmem>>[vector<16xi32>], vector<16xf32>,
      } {sc.loop_unroll_factor = 1 : i64, sc.parallel_access}
      %parallel_loop3A_1629 = arith.constant 0 : i32
      %parallel_loop3A_1630 = arith.constant 128 : i32
      %parallel_loop3A_1631 = arith.constant 1 : i32
      scf.for %parallel_loop3A_1647 = %parallel_loop3A_1629 to %parallel_loop3A_1630 step %parallel_loop3A_1631  : i32 {
        %parallel_loop3A_1648 = arith.constant 112 : i32
        %parallel_loop3A_1649 = arith.andi %parallel_loop3A_1647, %parallel_loop3A_1648 : i32
        %parallel_loop3A_1650 = arith.constant 15 : i32
        %parallel_loop3A_1651 = arith.andi %parallel_loop3A_1647, %parallel_loop3A_1650 : i32
        %parallel_loop3A_1652 = vector.broadcast %parallel_loop3A_1651 : i32 to vector<16xi32>
        %parallel_loop3A_1653 = arith.addi %iota3A, %parallel_loop3A_1652 : vector<16xi32>
        %parallel_loop3A_1654 = arith.constant 15 : i32
        %parallel_loop3A_1655 = vector.broadcast %parallel_loop3A_1654 : i32 to vector<16xi32>
        %parallel_loop3A_1656 = arith.andi %parallel_loop3A_1653, %parallel_loop3A_1655 : vector<16xi32>
        %parallel_loop3A_1657 = vector.broadcast %parallel_loop3A_1649 : i32 to vector<16xi32>
        %parallel_loop3A_1658 = arith.addi %parallel_loop3A_1656, %parallel_loop3A_1657 : vector<16xi32>
        %parallel_loop3A_1659 = arith.constant 4 : i32
        %parallel_loop3A_1660 = vector.broadcast %parallel_loop3A_1659 : i32 to vector<16xi32>
        %parallel_loop3A_1661 = arith.shli %parallel_loop3A_1658, %parallel_loop3A_1660 : vector<16xi32>
        %parallel_loop3A_1662 = arith.addi %parallel_loop3A_1661, %iota3A : vector<16xi32>
        %parallel_loop3A_1663 = tpu.vector_load_idx %arg11[%parallel_loop3A_1662] : memref<2048xf32, #tpu.memory_space<vmem>>[vector<16xi32>], vector<16xf32>,
        tpu.vector_store_idx %arg13[%iota3A, %parallel_loop3A_1658], %parallel_loop3A_1663 {add = true} : memref<16x128xf32, #tpu.memory_space<vmem>>[vector<16xi32>, vector<16xi32>], vector<16xf32>,
      } {sc.loop_unroll_factor = 1 : i64, sc.parallel_access}
      %parallel_loop3A_1632 = arith.constant 0 : i32
      %parallel_loop3A_1633 = arith.constant 128 : i32
      %parallel_loop3A_1634 = arith.constant 1 : i32
      scf.for %parallel_loop3A_1647 = %parallel_loop3A_1632 to %parallel_loop3A_1633 step %parallel_loop3A_1634  : i32 {
        %parallel_loop3A_1648 = arith.constant 16 : i32
        %parallel_loop3A_1649 = arith.muli %parallel_loop3A_1647, %parallel_loop3A_1648 : i32
        %parallel_loop3A_1650 = tpu.assume_multiple %parallel_loop3A_1649, 16 : i32
        %parallel_loop3A_1651 = arith.index_cast %parallel_loop3A_1650 : i32 to index
        %parallel_loop3A_1652 = tpu.vector_load %arg11[%parallel_loop3A_1651] {strides = array<i32>} : memref<2048xf32, #tpu.memory_space<vmem>>, vector<16xf32>,
        tpu.vector_store %arg11[%parallel_loop3A_1651], %broadcast_in_dim3A_7 {strides = array<i32>} : memref<2048xf32, #tpu.memory_space<vmem>>, vector<16xf32>,
      } {sc.loop_unroll_factor = 1 : i64, sc.parallel_access}
      %lt3A_1635 = arith.constant 7 : i32
      %lt3A_1636 = arith.cmpi slt, %scan3A_417, %lt3A_1635 : i32
      %convert_element_type3A_1637 = arith.extui %lt3A_1636 : i1 to i32
      %cond3A_1638 = arith.constant 0 : i32
      %cond3A_1639 = arith.cmpi ne, %convert_element_type3A_1637, %cond3A_1638 : i32
      scf.if %cond3A_1639 {
        %dma_wait3A_1647 = arith.constant 0 : i32
        %dma_wait3A_1648 = arith.constant 0 : i32
        %dma_wait3A_1649 = tpu.memref_slice %arg2[%dma_wait3A_1647, %dma_wait3A_1648] : memref<8192x128xf32, #tpu.memory_space<hbm>> -> memref<16x128xf32, #tpu.memory_space<hbm>>
        %dma_wait3A_1650 = arith.constant 0 : i32
        %dma_wait3A_1651 = arith.constant 0 : i32
        %dma_wait3A_1652 = tpu.memref_slice %arg2[%dma_wait3A_1650, %dma_wait3A_1651] : memref<8192x128xf32, #tpu.memory_space<hbm>> -> memref<16x128xf32, #tpu.memory_space<hbm>>
        tpu.wait_dma2 semaphore(%arg19 : memref<!tpu.dma_semaphore, #tpu.memory_space<semaphore_mem>>) src(%dma_wait3A_1652 : memref<16x128xf32, #tpu.memory_space<hbm>>) dst(%arg12 : memref<16x128xf32, #tpu.memory_space<vmem>>)
        %add3A_1653 = arith.constant 2 : i32
        %add3A_1654 = arith.addi %mul3A_419, %add3A_1653 : i32
        %mul3A_1655 = arith.constant 16 : i32
        %mul3A_1656 = arith.muli %add3A_1654, %mul3A_1655 : i32
        %add3A_1657 = arith.addi %mul3A_3, %mul3A_1656 : i32
        %dma_start3A_1658 = arith.constant 0 : i32
        %dma_start3A_1659 = tpu.memref_slice %arg2[%add3A_1657, %dma_start3A_1658] : memref<8192x128xf32, #tpu.memory_space<hbm>> -> memref<16x128xf32, #tpu.memory_space<hbm>>
        %dma_start3A_1660 = arith.constant 0 : i32
        %dma_start3A_1661 = tpu.memref_slice %arg2[%add3A_1657, %dma_start3A_1660] : memref<8192x128xf32, #tpu.memory_space<hbm>> -> memref<16x128xf32, #tpu.memory_space<hbm>>
        tpu.enqueue_dma source(%dma_start3A_1661 : memref<16x128xf32, #tpu.memory_space<hbm>>) target(%arg12 : memref<16x128xf32, #tpu.memory_space<vmem>>) target_semaphore(%arg17 : memref<!tpu.dma_semaphore, #tpu.memory_space<semaphore_mem>>)
      } else {
      }
      %mul3A_1640 = arith.constant 16 : i32
      %mul3A_1641 = arith.muli %add3A_421, %mul3A_1640 : i32
      %add3A_1642 = arith.addi %mul3A_3, %mul3A_1641 : i32
      %dma_start3A_1643 = arith.constant 0 : i32
      %dma_start3A_1644 = tpu.memref_slice %arg6[%add3A_1642, %dma_start3A_1643] : memref<8192x128xf32, #tpu.memory_space<hbm>> -> memref<16x128xf32, #tpu.memory_space<hbm>>
      %dma_start3A_1645 = arith.constant 0 : i32
      %dma_start3A_1646 = tpu.memref_slice %arg6[%add3A_1642, %dma_start3A_1645] : memref<8192x128xf32, #tpu.memory_space<hbm>> -> memref<16x128xf32, #tpu.memory_space<hbm>>
      tpu.enqueue_dma source(%arg13 : memref<16x128xf32, #tpu.memory_space<vmem>>) target(%dma_start3A_1646 : memref<16x128xf32, #tpu.memory_space<hbm>>) target_semaphore(%arg20 : memref<!tpu.dma_semaphore, #tpu.memory_space<semaphore_mem>>)
    }
    %scan3A_405 = arith.constant 8 : i32
    %dma_wait3A = arith.constant 0 : i32
    %dma_wait3A_406 = arith.constant 0 : i32
    %dma_wait3A_407 = tpu.memref_slice %arg2[%dma_wait3A, %dma_wait3A_406] : memref<8192x128xf32, #tpu.memory_space<hbm>> -> memref<16x128xf32, #tpu.memory_space<hbm>>
    %dma_wait3A_408 = arith.constant 0 : i32
    %dma_wait3A_409 = arith.constant 0 : i32
    %dma_wait3A_410 = tpu.memref_slice %arg2[%dma_wait3A_408, %dma_wait3A_409] : memref<8192x128xf32, #tpu.memory_space<hbm>> -> memref<16x128xf32, #tpu.memory_space<hbm>>
    tpu.wait_dma2 semaphore(%arg19 : memref<!tpu.dma_semaphore, #tpu.memory_space<semaphore_mem>>) src(%dma_wait3A_410 : memref<16x128xf32, #tpu.memory_space<hbm>>) dst(%arg12 : memref<16x128xf32, #tpu.memory_space<vmem>>)
    %dma_wait3A_411 = arith.constant 0 : i32
    %dma_wait3A_412 = arith.constant 0 : i32
    %dma_wait3A_413 = tpu.memref_slice %arg2[%dma_wait3A_411, %dma_wait3A_412] : memref<8192x128xf32, #tpu.memory_space<hbm>> -> memref<16x128xf32, #tpu.memory_space<hbm>>
    %dma_wait3A_414 = arith.constant 0 : i32
    %dma_wait3A_415 = arith.constant 0 : i32
    %dma_wait3A_416 = tpu.memref_slice %arg2[%dma_wait3A_414, %dma_wait3A_415] : memref<8192x128xf32, #tpu.memory_space<hbm>> -> memref<16x128xf32, #tpu.memory_space<hbm>>
    tpu.wait_dma2 semaphore(%arg20 : memref<!tpu.dma_semaphore, #tpu.memory_space<semaphore_mem>>) src(%dma_wait3A_416 : memref<16x128xf32, #tpu.memory_space<hbm>>) dst(%arg13 : memref<16x128xf32, #tpu.memory_space<vmem>>)
    return
  }
}

</mosaic_0001>

<sc_bundles>
// kernel: kernel.3.cloned.1.call-start
scs
__scs_entry_jumppad:
0x0: {  	(pc) =	sbr.rel $0x88, $3  }
0x1: {  	(tag) =	ssettag $0x0;
	lr =	simm.s32 $0x1  }
0x2: {  	[smem:$0x3F9D] =	sst lr;
	_ =	strace $0xD0000000  }
0x3: {  	_ = 	snop  }
0x4: {  	_ = 	snop  }
0x5: {  	_ = 	snop  }
0x6: {  	_ = 	snop  }
0x7: {  	_ = 	snop  }
__scs_overlays_trampoline_lowered:
0x8: {  	[smem:$0x3FAC] =	sst s0  }
0x9: {  	[smem:$0x3FAD] =	sst s1  }
0xa: {  	[smem:$0x3FAE] =	sst s2  }
0xb: {  	[smem:$0x3FAF] =	sst s3  }
0xc: {  	[smem:$0x3FB0] =	sst s4  }
0xd: {  	[smem:$0x3FB1] =	sst s5  }
0xe: {  	[smem:$0x3FB2] =	sst s6  }
0xf: {  	[smem:$0x3FB3] =	sst s7  }
0x10: {  	[smem:$0x3FB4] =	sst s8  }
0x11: {  	[smem:$0x3FB5] =	sst s9;
	s0 =	simm.s32 @!p0 $0x0  }
0x12: {  	s1 =	sld [smem:$0x3F9B];
	s0 =	simm.s32 @p0 $0x1  }
0x13: {  	[smem:$0x3FB6] =	sst s0;
	s0 =	simm.s32 @!p1 $0x0  }
0x14: {  	s2 =	sld [smem:$0x3F9A];
	s0 =	simm.s32 @p1 $0x1  }
0x15: {  	[smem:$0x3FB7] =	sst s0;
	s0 =	simm.s32 @!p2 $0x0  }
0x16: {  	s3 =	sld [smem:$0x3FDB];
	s0 =	simm.s32 @p2 $0x1  }
0x17: {  	s4 =	simm.s32 $0x1BF5;
	[smem:$0x3FB9] =	sst s0  }
0x18: {  	s0 =	sld [smem:$0x3F9C];
	_ =	swait.ge [sflag:s4], $0x0  }
0x19: {  	s7 =	sld [smem:$0x3F9D]  }
0x1a: {  	s8 =	sadd.s32 $0xFFFFE003, lr  }
0x1b: {  	s9 =	sadd.s32 $0xFFFFFEF7, lr;
	s5 =	simm.s32 $0xFFFFFFFF;
	p2 =	slt.u32 s8, $0xFFFFF086  }
0x1c: {  	p1 =	slt.u32 s9, $0xF7A;
	s5 =	simm.s32 @!p2 $0x0  }
0x1d: {  	s5 =	simm.s32 @p1 $0x1;
	p0 =	seq.s32 s7, s2  }
0x1e: {  	s7 =	smul.u32 @!p0 $0xF7A, s2;
	p2 =	seq.s32 @!p0 s5, $0x0  }
0x1f: {  	s9 =	smul.u32 $0xF7A, s1;
	s8 =	simm.s32 @!p0 $0x1BF5;
	p2 =	por !p2, p0  }
0x20: {  	[sflag:s8] =	ssyncset.s32 @!p0 $0xFFFFF086;
	s6 =	sadd.s32 @!p0 s3, s7;
	s7 =	simm.s32 @!p0 $0x108  }
0x21: {  	s3 =	sadd.s32 s3, s9;
	s6 =	sadd.s32 @!p0 $0x88, s6;
	s7 =	simm.s32 @p2 $0x1082  }
0x22: {  	[simem:s7], [sflag:s8] =	dma.local @!p0 [hbm:s6], $0xF7A  }
0x23: {  	s9 =	sor.u32 $0xD0000000, s2;
	s6 =	simm.s32 $0x108;
	_ =	swait.ge @!p0 [sflag:s8], $0x0  }
0x24: {  	s3 =	sadd.s32 $0x88, s3;
	s6 =	simm.s32 @!p1 $0x1082;
	[sflag:s4] =	ssyncset.s32 $0xFFFFF086  }
0x25: {  	[simem:s6], [sflag:s4] =	dma.local [hbm:s3], $0xF7A  }
0x26: {  	[smem:$0x3F9D] =	sst s1;
	(tag) =	ssettag s2;
	_ =	strace s9  }
0x27: {  	s1 =	sld [smem:$0x3FAD]  }
0x28: {  	s2 =	sld [smem:$0x3FAE]  }
0x29: {  	s4 =	sld [smem:$0x3FB0]  }
0x2a: {  	p0 =	seq.s32 s5, $0x0;
	s5 =	sld [smem:$0x3FB1]  }
0x2b: {  	s6 =	sld [smem:$0x3FB2]  }
0x2c: {  	s7 =	sld [smem:$0x3FB3]  }
0x2d: {  	s3 =	simm.s32 $0x108;
	s8 =	sld [smem:$0x3FB4]  }
0x2e: {  	s3 =	simm.s32 @!p0 $0x1082;
	s9 =	sld [smem:$0x3FB5]  }
0x2f: {  	lr =	sadd.s32 s0, s3;
	s0 =	sld [smem:$0x3FAC]  }
0x30: {  	s3 =	sld [smem:$0x3FAF]  }
0x31: {  	[smem:$0x3FB8] =	sst s10  }
0x32: {  	s10 =	sld [smem:$0x3FB6];
	_ =	sdelay $0x3  }
0x33: {  	p0 =	seq.s32 s10, $0x1;
	s10 =	sld [smem:$0x3FB8];
	_ =	sdelay $0x3  }
0x34: {  	[smem:$0x3FB8] =	sst s10  }
0x35: {  	s10 =	sld [smem:$0x3FB7];
	_ =	sdelay $0x3  }
0x36: {  	p1 =	seq.s32 s10, $0x1;
	s10 =	sld [smem:$0x3FB8];
	_ =	sdelay $0x3  }
0x37: {  	[smem:$0x3FB8] =	sst s10  }
0x38: {  	s10 =	sld [smem:$0x3FB9]  }
0x39: {  	_ = 	snop;
	(pc) =	sbr.ind lr, $3  }
0x3a: {  	_ = 	snop  }
0x3b: {  	_ = 	snop  }
0x3c: {  	p2 =	seq.s32 s10, $0x1;
	s10 =	sld [smem:$0x3FB8]  }
0x3d: {  	_ =	shalt  }
0x3e: {  	_ =	shalt  }
0x3f: {  	_ =	shalt  }
0x40: {  	_ =	shalt  }
0x41: {  	_ =	shalt  }
0x42: {  	_ =	shalt  }
0x43: {  	_ =	shalt  }
0x44: {  	_ =	shalt  }
0x45: {  	_ =	shalt  }
0x46: {  	_ =	shalt  }
0x47: {  	_ =	shalt  }
0x48: {  	_ =	shalt  }
0x49: {  	_ =	shalt  }
0x4a: {  	_ =	shalt  }
0x4b: {  	_ =	shalt  }
0x4c: {  	_ =	shalt  }
0x4d: {  	_ =	shalt  }
0x4e: {  	_ =	shalt  }
0x4f: {  	_ =	shalt  }
0x50: {  	_ =	shalt  }
0x51: {  	_ =	shalt  }
0x52: {  	_ =	shalt  }
0x53: {  	_ =	shalt  }
0x54: {  	_ =	shalt  }
0x55: {  	_ =	shalt  }
0x56: {  	_ =	shalt  }
0x57: {  	_ =	shalt  }
0x58: {  	_ =	shalt  }
0x59: {  	_ =	shalt  }
0x5a: {  	_ =	shalt  }
0x5b: {  	_ =	shalt  }
0x5c: {  	_ =	shalt  }
0x5d: {  	_ =	shalt  }
0x5e: {  	_ =	shalt  }
0x5f: {  	_ =	shalt  }
0x60: {  	_ =	shalt  }
0x61: {  	_ =	shalt  }
0x62: {  	_ =	shalt  }
0x63: {  	_ =	shalt  }
0x64: {  	_ =	shalt  }
0x65: {  	_ =	shalt  }
0x66: {  	_ =	shalt  }
0x67: {  	_ =	shalt  }
0x68: {  	_ =	shalt  }
0x69: {  	_ =	shalt  }
0x6a: {  	_ =	shalt  }
0x6b: {  	_ =	shalt  }
0x6c: {  	_ =	shalt  }
0x6d: {  	_ =	shalt  }
0x6e: {  	_ =	shalt  }
0x6f: {  	_ =	shalt  }
0x70: {  	_ =	shalt  }
0x71: {  	_ =	shalt  }
0x72: {  	_ =	shalt  }
0x73: {  	_ =	shalt  }
0x74: {  	_ =	shalt  }
0x75: {  	_ =	shalt  }
0x76: {  	_ =	shalt  }
0x77: {  	_ =	shalt  }
0x78: {  	_ =	shalt  }
0x79: {  	_ =	shalt  }
0x7a: {  	_ =	shalt  }
0x7b: {  	_ =	shalt  }
0x7c: {  	_ =	shalt  }
0x7d: {  	_ =	shalt  }
0x7e: {  	_ =	shalt  }
0x7f: {  	_ =	shalt  }
0x80: {  	_ =	shalt  }
0x81: {  	_ =	shalt  }
0x82: {  	_ =	shalt  }
0x83: {  	_ =	shalt  }
0x84: {  	_ =	shalt  }
0x85: {  	_ =	shalt  }
0x86: {  	_ =	shalt  }
0x87: {  	_ =	shalt  }
.Lfunc_end0:
.L_simem_size_0:
called_computation_lowered:
.L_overlay_start_0:
0x88: {  	s2 =	sld [smem:$0x3FD9]  }
0x89: {  	s3 =	sld [smem:$0x3FFE];
	_ =	sdelay $0x1  }
0x8a: {  	s1 =	srdreg.scid  }
0x8b: {  	s0 =	sand.u32 $0x1, s1  }
0x8c: {  	s17 =	sshll.u32 s0, $0xA;
	s2 =	sadd.s32 s3, s2  }
0x8d: {  	s2 =	sadd.s32 s2, s17  }
0x8e: {  	[smem:$0x3FC4] =	sst s2  }
0x8f: {  	_ = 	snop  }
0x90: {  	s2 =	sld [smem:$0x3FC9]  }
0x91: {  	s18 =	sld [smem:$0x3FC8]  }
0x92: {  	s4 =	sld [smem:$0x3FC7]  }
0x93: {  	s5 =	sld [smem:$0x3FD0];
	(tm) =	ssettm $0x1  }
0x94: {  	s6 =	sld [smem:$0x3FFB];
	_ =	sdelay $0x3  }
0x95: {  	_ =	strace s6  }
0x96: {  	s6 =	sld [smem:$0x3FFC];
	_ =	sdelay $0x3  }
0x97: {  	_ =	strace s6  }
0x98: {  	s6 =	sld [smem:$0x3FFD];
	_ =	sdelay $0x3  }
0x99: {  	_ =	strace s6  }
0x9a: {  	_ =	strace $0x8FFFFFFF  }
0x9b: {  	s19 =	sld [smem:$0x3FDB];
	_ =	sdelay $0x1  }
0x9c: {  	s7 =	simm.s32 $_scs_section_size  }
0x9d: {  	s8 =	simm.s32 $_size__tile_overlayer_lowered;
	s9 =	simm.s32 $_tile_overlayer_lowered  }
0x9e: {  	s22 =	simm.s32 $0x1BFF;
	s21 =	sshll.u32 s9, $0x1;
	s6 =	sadd.s32 s7, s19  }
0x9f: {  	s10 =	simm.s32 $0x0;
	s20 =	sshll.u32 s8, $0x1;
	s8 =	sadd.s32 s21, s6  }
0xa0: {  	[timem:s10], [sflag:s22] =	dma.local [hbm:s8], s20  }
0xa1: {  	_ =	swait.ge [sflag:s22], s20  }
0xa2: {  	s7 =	ssub.s32 $0x0, s20;
	[sflag:s22] =	ssyncset.done $0x0  }
0xa3: {  	[sflag:s22] =	ssyncadd.s32 s7;
	_ =	sdelay $0x1  }
0xa4: {  	s23 =	simm.s32 $0x1B8B  }
0xa5: {  	_ =	swait.ge [sflag:s23], $0x1  }
0xa6: {  	[sflag:s23] =	ssyncset.done $0x0  }
0xa7: {  	s25 =	simm.s32 $0x1B8E;
	s24 =	sld [smem:$0x3FFE];
	[sflag:s23] =	ssyncadd.s32 $0xFFFFFFFF  }
0xa8: {  	s26 =	simm.s32 $execute0_lowered;
	[smem:$0x3FD2] =	sst s25  }
0xa9: {  	s8 =	sshll.u32 s26, $0x1;
	_ =	strace $0x80000046;
	[dreg:$0x1] =	wrdreg $0xFFFFFFFF  }
0xaa: {  	s28 =	simm.s32 $_size_execute0_lowered;
	s6 =	sadd.s32 s6, s8;
	[dreg:$0x0] =	wrdreg $0x0  }
0xab: {  	s8 =	sshll.u32 s28, $0x1;
	[dreg:$0x2] =	wrdreg s6  }
0xac: {  	[dreg:$0x3] =	wrdreg s8  }
0xad: {  	[dreg:$0x4] =	wrdreg $0xC0  }
0xae: {  	_ =	task [dreg:s10], $0x5FFFF  }
0xaf: {  	[dreg:$0x1] =	wrdreg $0xFFFFFFFF  }
0xb0: {  	[dreg:$0x0] =	wrdreg $0x60  }
0xb1: {  	[dreg:$0x2] =	wrdreg s2  }
0xb2: {  	[dreg:$0x3] =	wrdreg s18  }
0xb3: {  	[dreg:$0x4] =	wrdreg s4  }
0xb4: {  	[dreg:$0x5] =	wrdreg s24  }
0xb5: {  	[dreg:$0x6] =	wrdreg s5  }
0xb6: {  	[dreg:$0x7] =	wrdreg $0x9  }
0xb7: {  	_ =	task.clear_ibuf [dreg:s10], $0x8FFFF;
	_ =	strace $0x90000046  }
0xb8: {  	s29 =	simm.s32 $0x9;
	_ =	strace $0x80000048  }
0xb9: {  	_ =	swait.ge [sflag:s29], $0x1  }
0xba: {  	[sflag:s29] =	ssyncadd.s32 $0xFFFFFFFF  }
0xbb: {  	_ =	strace $0x90000048  }
0xbc: {  	_ =	sfence  }
0xbd: {  	s30 =	sld [smem:$0x0];
	_ =	sdelay $0x2  }
0xbe: {  	s31 =	sshll.u32 s1, $0xD;
	s1 =	sshrl.u32 s1, $0x2  }
0xbf: {  	s3 =	sand.u32 $0x4000, s31;
	s1 =	sadd.s32 s1, s30  }
0xc0: {  	s0 =	sor.u32 s3, s0;
	s1 =	sshll.u32 s1, $0x11  }
0xc1: {  	s0 =	sor.u32 s1, s0  }
0xc2: {  	s0 =	sadd.s32 $0x8F2B, s0  }
0xc3: {  	[sflag:s0] =	ssyncadd.remote.s32 $0x1  }
0xc4: {  	_ =	sfence.sel $0xFFFF  }
0xc5: {  	[dreg:$0x0] =	wrdreg $0xFFFFFFFF;
	(pc) =	sbr.abs _section_cstart, $3  }
0xc6: {  	[dreg:$0x1] =	wrdreg $0xFFFFFFFF  }
0xc7: {  	_ =	task.clear_ibuf [dreg:s10], $0x2FFFF;
	_ =	strace $0x9FFFFFFF  }
0xc8: {  	(tm) =	ssettm $0x7FFFFFFF  }
0xc9: {  	_ =	shalt  }
tec
execute0_lowered:
.L_overlay_start_1:
0x0: {  	(tag) =	ssettag $0x1  }
0x1: {  	s1 =	rddreg [dreg:$0x0]  }
0x2: {  	s2 =	rddreg [dreg:$0x1]  }
0x3: {  	s3 =	rddreg [dreg:$0x2]  }
0x4: {  	s0 =	rddreg [dreg:$0x3]  }
0x5: {  	s4 =	srdreg.scid;
	s5 =	stileid.u32  }
0x6: {  	s6 =	simm.s32 $0x0;
	s4 =	sand.u32 $0x1, s4;
	s5 =	sshll.u32 s5, $0x1  }
0x7: {  	[smem:$0x7FF] =	sst s6;
	s5 =	sor.u32 s4, s5  }
0x8: {  	s9 =	rddreg [dreg:$0x4];
	_ =	strace $0x80000047;
	s7 =	sshll.u32 s5, $0x4  }
0x9: {  	s4 =	ssub.s32 $0x2, s4;
	s8 =	sshll.u32 s5, $0xF;
	s0 =	sadd.s32 s7, s0  }
0xa: {  	s25 =	sshrl.u32 s4, $0x1;
	s26 =	sor.u32 $0x10, s8;
	s0 =	sadd.s32 $0x400, s0  }
0xb: {  	s11 =	sor.u32 $0x20, s8;
	s10 =	sadd.s32 s2, s26;
	[dreg:$0x6] =	wrdreg s0  }
0xc: {  	s13 =	sor.u32 $0x30, s8;
	s12 =	sadd.s32 s2, s11;
	[dreg:$0x7] =	wrdreg s10  }
0xd: {  	s15 =	sor.u32 $0x40, s8;
	s14 =	sadd.s32 s2, s13;
	[dreg:$0x9] =	wrdreg s12  }
0xe: {  	s17 =	sor.u32 $0x50, s8;
	s16 =	sadd.s32 s2, s15;
	[dreg:$0xb] =	wrdreg s14  }
0xf: {  	s19 =	sor.u32 $0x60, s8;
	s18 =	sadd.s32 s2, s17;
	[dreg:$0xd] =	wrdreg s16  }
0x10: {  	s21 =	sor.u32 $0x70, s8;
	s20 =	sadd.s32 s2, s19;
	[dreg:$0xf] =	wrdreg s18  }
0x11: {  	s23 =	sor.u32 $0x400, s8;
	s22 =	sadd.s32 s2, s21;
	[dreg:$0x11] =	wrdreg s20  }
0x12: {  	s4 =	ssub.s32 s4, s25;
	s24 =	sadd.s32 s2, s23;
	[dreg:$0x13] =	wrdreg s22  }
0x13: {  	s4 =	smax.u32 s4, $0x1;
	[dreg:$0x15] =	wrdreg s24  }
0x14: {  	s25 =	sor.u32 $0x410, s8;
	s0 =	sadd.s32 s3, s26;
	[smem:$0x7FD] =	sst s4  }
0x15: {  	s28 =	simm.s32 $0x1;
	s26 =	sadd.s32 s2, s25;
	[dreg:$0x8] =	wrdreg s0  }
0x16: {  	s29 =	simm.s32 $0x3;
	s18 =	sadd.s32 s2, s8;
	[dreg:$0x17] =	wrdreg s26  }
0x17: {  	s10 =	sor.u32 $0x420, s8;
	s0 =	sadd.s32 s3, s11;
	[smem:$0x7F6] =	sst s18  }
0x18: {  	s20 =	sor.u32 $0x460, s8;
	s11 =	sadd.s32 s2, s10;
	[dreg:$0xa] =	wrdreg s0  }
0x19: {  	s30 =	simm.s32 $0x10000;
	s22 =	sadd.s32 s2, s20;
	[dreg:$0x19] =	wrdreg s11  }
0x1a: {  	s12 =	sor.u32 $0x430, s8;
	s0 =	sadd.s32 s3, s13;
	[smem:$0x7F8] =	sst s22  }
0x1b: {  	s31 =	simm.s32 $0x11000;
	s13 =	sadd.s32 s2, s12;
	[dreg:$0xc] =	wrdreg s0  }
0x1c: {  	s14 =	sor.u32 $0x440, s8;
	s0 =	sadd.s32 s3, s15;
	[dreg:$0x1b] =	wrdreg s13  }
0x1d: {  	s7 =	simm.s32 $0x4000;
	s15 =	sadd.s32 s2, s14;
	[dreg:$0xe] =	wrdreg s0  }
0x1e: {  	s16 =	sor.u32 $0x450, s8;
	s0 =	sadd.s32 s3, s17;
	[dreg:$0x1d] =	wrdreg s15  }
0x1f: {  	s4 =	simm.s32 $0x10800;
	s17 =	sadd.s32 s2, s16;
	[dreg:$0x10] =	wrdreg s0  }
0x20: {  	s22 =	simm.s32 $0x8000;
	s0 =	sadd.s32 s3, s19;
	[dreg:$0x1f] =	wrdreg s17  }
0x21: {  	s11 =	simm.s32 $0x0;
	s19 =	sadd.s32 s3, s8;
	[dreg:$0x12] =	wrdreg s0  }
0x22: {  	s0 =	sadd.s32 s3, s21;
	[smem:$0x7F7] =	sst s19;
	s21 =	sor.u32 $0x470, s8  }
0x23: {  	s8 =	simm.s32 $0xC000;
	[dreg:$0x14] =	wrdreg s0;
	s0 =	sadd.s32 s3, s23  }
0x24: {  	s23 =	sadd.s32 s2, s21;
	s24 =	sadd.s32 s3, s21;
	[dreg:$0x16] =	wrdreg s0  }
0x25: {  	s21 =	simm.s32 $0x400;
	s0 =	sadd.s32 s3, s25;
	[smem:$0x7FA] =	sst s23  }
0x26: {  	[smem:$0x7FB] =	sst s24;
	s25 =	sshll.u32 s5, $0x8;
	s5 =	sshll.u32 s5, $0xC  }
0x27: {  	[dreg:$0x18] =	wrdreg s0;
	s0 =	sadd.s32 s3, s10;
	s26 =	sadd.s32 s1, s5  }
0x28: {  	s15 =	sadd.s32 s9, s5;
	s17 =	sor.u32 $0x20, s25;
	[dreg:$0x1a] =	wrdreg s0  }
.Ltmp0:
0x29: {  	s0 =	sadd.s32 s3, s12;
	[smem:$0x7FC] =	sst s26;
	(pc) =	sbr.rel .LBB2_1-.Ltmp0, $4  }
0x2a: {  	v0 =	vlaneseq.u32;
	s18 =	sor.u32 $0x10, s25;
	[dreg:$0x1c] =	wrdreg s0;
	s0 =	sadd.s32 s3, s14  }
0x2b: {  	v3 =	vmul.u32 $0xFFFFFFFF, v0;
	s5 =	simm.s32 $0x4;
	[dreg:$0x1e] =	wrdreg s0;
	s0 =	sadd.s32 s3, s16  }
0x2c: {  	v1 =	vimm.f32 $0.0e+00;
	v5 =	vmul.u32 $0x80, v0;
	s26 =	simm.s32 $0xFC00;
	[smem:$0x7F5] =	sst s0;
	s0 =	sadd.s32 s3, s20  }
0x2d: {  	v4 =	vimm.s32 $0xFFFFFC00;
	v2 =	vmul.u32 $0x401, v0;
	v3 =	vadd.s32 $0x400, v3;
	s20 =	simm.s32 $0x80;
	[smem:$0x7F9] =	sst s0;
	s0 =	simm.s32 $0x2  }
.LBB2_27:
0x2e: {  	s9 =	simm.s32 $0x5  }
0x2f: {  	_ =	swait.ge [sflag:s9], $0x800  }
0x30: {  	[sflag:s9] =	ssyncset.done $0x0  }
0x31: {  	s10 =	simm.s32 $0x6;
	[sflag:s9] =	ssyncadd.s32 $0xFFFFF800  }
0x32: {  	_ =	swait.ge [sflag:s10], $0x800  }
0x33: {  	s11 =	sld [smem:$0x7F4]  }
0x34: {  	s25 =	sld [smem:$0x7FD];
	_ =	sdelay $0x1  }
0x35: {  	s11 =	sadd.s32 $0x1, s11  }
0x36: {  	p0 =	sne.s32 s11, s25  }
.Ltmp1:
0x37: {  	_ = 	snop;
	(pc) =	sbr.rel @!p0 .LBB2_28-.Ltmp1, $3  }
0x38: {  	_ =	sdelay $0x1  }
0x39: {  	[sflag:s10] =	ssyncset.done $0x0  }
0x3a: {  	[sflag:s10] =	ssyncadd.s32 $0xFFFFF800  }
.LBB2_1:
0x3b: {  	[smem:$0x7F4] =	sst s11  }
0x3c: {  	s9 =	rddreg [dreg:$0x6];
	s10 =	simm.s32 $0x11800;
	s25 =	simm.s32 $0x7  }
0x3d: {  	[tilespmem:s10], [sflag:$0x7] =	stream.linear.gather [hbm4b:s9+s6], $0x80, $0x38;
	[tilespmem:$0x11880] =	vst v63  }
0x3e: {  	_ =	swait.ge [sflag:s25], $0x80  }
0x3f: {  	[sflag:s25] =	ssyncset.done $0x0  }
0x40: {  	[sflag:s25] =	ssyncadd.s32 $0xFFFFFF80  }
0x41: {  	v6 =	vld [tilespmem:$0x11800];
	_ =	sdelay $0x3  }
0x42: {  	s9 =	simm.s32 $0x40;
	s10 =	simm.s32 $0x0  }
.LBB2_2:
0x43: {  	p0 =	sne.s32 s9, $0x1FC0;
	[tilespmem:s10+$0x10000] =	vst v1;
	s10 =	smov.u32 s9;
	s9 =	sadd.s32 $0x40, s9  }
.Ltmp2:
0x44: {  	(pc) =	sbr.rel @p0 .LBB2_2-.Ltmp2, $2  }
0x45: {  	_ =	sdelay $0x2  }
0x46: {  	s10 =	sshra.s32 s10, $0x2  }
0x47: {  	[tilespmem:s10+$0x10000] =	vst v1  }
0x48: {  	s10 =	sld [smem:$0x7F6];
	_ =	sdelay $0x1  }
0x49: {  	s9 =	simm.s32 $0x0;
	s23 =	sld [smem:$0x7F7]  }
0x4a: {  	[tilespmem:s9], [sflag:$0x1] =	stream.strided.gather [hbm4b:s10+s20], $0x400, s21, s20, $0x38;
	[tilespmem:$0x11880] =	vst v63  }
0x4b: {  	s24 =	rddreg [dreg:$0x7]  }
0x4c: {  	[tilespmem:s22], [sflag:$0x1] =	stream.strided.gather [hbm4b:s23+s20], $0x400, s21, s20, $0x38;
	[tilespmem:$0x11880] =	vst v63  }
0x4d: {  	s25 =	rddreg [dreg:$0x8]  }
0x4e: {  	[tilespmem:s21], [sflag:$0x1] =	stream.strided.gather [hbm4b:s24+s20], $0x400, s21, s20, $0x38;
	[tilespmem:$0x11880] =	vst v63  }
0x4f: {  	s11 =	simm.s32 $0x8400;
	s12 =	rddreg [dreg:$0x9]  }
0x50: {  	[tilespmem:s11], [sflag:$0x1] =	stream.strided.gather [hbm4b:s25+s20], $0x400, s21, s20, $0x38;
	[tilespmem:$0x11880] =	vst v63  }
0x51: {  	s13 =	simm.s32 $0x800;
	s14 =	rddreg [dreg:$0xa]  }
0x52: {  	[tilespmem:s13], [sflag:$0x1] =	stream.strided.gather [hbm4b:s12+s20], $0x400, s21, s20, $0x38;
	[tilespmem:$0x11880] =	vst v63  }
0x53: {  	s16 =	simm.s32 $0x8800;
	s19 =	rddreg [dreg:$0xb]  }
0x54: {  	[tilespmem:s16], [sflag:$0x1] =	stream.strided.gather [hbm4b:s14+s20], $0x400, s21, s20, $0x38;
	[tilespmem:$0x11880] =	vst v63  }
0x55: {  	s23 =	simm.s32 $0xC00;
	s24 =	rddreg [dreg:$0xc]  }
0x56: {  	[tilespmem:s23], [sflag:$0x1] =	stream.strided.gather [hbm4b:s19+s20], $0x400, s21, s20, $0x38;
	[tilespmem:$0x11880] =	vst v63  }
0x57: {  	s25 =	simm.s32 $0x8C00;
	s12 =	rddreg [dreg:$0xd]  }
0x58: {  	[tilespmem:s25], [sflag:$0x1] =	stream.strided.gather [hbm4b:s24+s20], $0x400, s21, s20, $0x38;
	[tilespmem:$0x11880] =	vst v63  }
0x59: {  	s13 =	simm.s32 $0x1000;
	s14 =	rddreg [dreg:$0xe]  }
0x5a: {  	[tilespmem:s13], [sflag:$0x1] =	stream.strided.gather [hbm4b:s12+s20], $0x400, s21, s20, $0x38;
	[tilespmem:$0x11880] =	vst v63  }
0x5b: {  	s16 =	simm.s32 $0x9000;
	s19 =	rddreg [dreg:$0xf]  }
0x5c: {  	[tilespmem:s16], [sflag:$0x1] =	stream.strided.gather [hbm4b:s14+s20], $0x400, s21, s20, $0x38;
	[tilespmem:$0x11880] =	vst v63  }
0x5d: {  	s23 =	simm.s32 $0x1400;
	s24 =	rddreg [dreg:$0x10]  }
0x5e: {  	[tilespmem:s23], [sflag:$0x1] =	stream.strided.gather [hbm4b:s19+s20], $0x400, s21, s20, $0x38;
	[tilespmem:$0x11880] =	vst v63  }
0x5f: {  	s25 =	simm.s32 $0x9400;
	s12 =	rddreg [dreg:$0x11]  }
0x60: {  	[tilespmem:s25], [sflag:$0x1] =	stream.strided.gather [hbm4b:s24+s20], $0x400, s21, s20, $0x38;
	[tilespmem:$0x11880] =	vst v63  }
0x61: {  	s13 =	simm.s32 $0x1800;
	s14 =	rddreg [dreg:$0x12]  }
0x62: {  	[tilespmem:s13], [sflag:$0x1] =	stream.strided.gather [hbm4b:s12+s20], $0x400, s21, s20, $0x38;
	[tilespmem:$0x11880] =	vst v63  }
0x63: {  	s16 =	simm.s32 $0x9800;
	s19 =	rddreg [dreg:$0x13]  }
0x64: {  	[tilespmem:s16], [sflag:$0x1] =	stream.strided.gather [hbm4b:s14+s20], $0x400, s21, s20, $0x38;
	[tilespmem:$0x11880] =	vst v63  }
0x65: {  	s23 =	simm.s32 $0x1C00;
	s24 =	rddreg [dreg:$0x14]  }
0x66: {  	[tilespmem:s23], [sflag:$0x1] =	stream.strided.gather [hbm4b:s19+s20], $0x400, s21, s20, $0x38;
	[tilespmem:$0x11880] =	vst v63  }
0x67: {  	s25 =	simm.s32 $0x9C00;
	s12 =	rddreg [dreg:$0x15]  }
0x68: {  	[tilespmem:s25], [sflag:$0x1] =	stream.strided.gather [hbm4b:s24+s20], $0x400, s21, s20, $0x38;
	[tilespmem:$0x11880] =	vst v63  }
0x69: {  	s13 =	simm.s32 $0x2000;
	s14 =	rddreg [dreg:$0x16]  }
0x6a: {  	[tilespmem:s13], [sflag:$0x1] =	stream.strided.gather [hbm4b:s12+s20], $0x400, s21, s20, $0x38;
	[tilespmem:$0x11880] =	vst v63  }
0x6b: {  	s16 =	simm.s32 $0xA000;
	s19 =	rddreg [dreg:$0x17]  }
0x6c: {  	[tilespmem:s16], [sflag:$0x1] =	stream.strided.gather [hbm4b:s14+s20], $0x400, s21, s20, $0x38;
	[tilespmem:$0x11880] =	vst v63  }
0x6d: {  	s23 =	simm.s32 $0x2400;
	s24 =	rddreg [dreg:$0x18]  }
0x6e: {  	[tilespmem:s23], [sflag:$0x1] =	stream.strided.gather [hbm4b:s19+s20], $0x400, s21, s20, $0x38;
	[tilespmem:$0x11880] =	vst v63  }
0x6f: {  	s25 =	simm.s32 $0xA400;
	s12 =	rddreg [dreg:$0x19]  }
0x70: {  	[tilespmem:s25], [sflag:$0x1] =	stream.strided.gather [hbm4b:s24+s20], $0x400, s21, s20, $0x38;
	[tilespmem:$0x11880] =	vst v63  }
0x71: {  	s13 =	simm.s32 $0x2800;
	s14 =	rddreg [dreg:$0x1a]  }
0x72: {  	[tilespmem:s13], [sflag:$0x1] =	stream.strided.gather [hbm4b:s12+s20], $0x400, s21, s20, $0x38;
	[tilespmem:$0x11880] =	vst v63  }
0x73: {  	s16 =	simm.s32 $0xA800;
	s19 =	rddreg [dreg:$0x1b]  }
0x74: {  	[tilespmem:s16], [sflag:$0x1] =	stream.strided.gather [hbm4b:s14+s20], $0x400, s21, s20, $0x38;
	[tilespmem:$0x11880] =	vst v63  }
0x75: {  	s23 =	simm.s32 $0x2C00;
	s24 =	rddreg [dreg:$0x1c]  }
0x76: {  	[tilespmem:s23], [sflag:$0x1] =	stream.strided.gather [hbm4b:s19+s20], $0x400, s21, s20, $0x38;
	[tilespmem:$0x11880] =	vst v63  }
0x77: {  	s25 =	simm.s32 $0xAC00;
	s12 =	rddreg [dreg:$0x1d]  }
0x78: {  	[tilespmem:s25], [sflag:$0x1] =	stream.strided.gather [hbm4b:s24+s20], $0x400, s21, s20, $0x38;
	[tilespmem:$0x11880] =	vst v63  }
0x79: {  	s13 =	simm.s32 $0x3000;
	s14 =	rddreg [dreg:$0x1e]  }
0x7a: {  	[tilespmem:s13], [sflag:$0x1] =	stream.strided.gather [hbm4b:s12+s20], $0x400, s21, s20, $0x38;
	[tilespmem:$0x11880] =	vst v63  }
0x7b: {  	s16 =	simm.s32 $0xB000;
	s19 =	rddreg [dreg:$0x1f]  }
0x7c: {  	[tilespmem:s16], [sflag:$0x1] =	stream.strided.gather [hbm4b:s14+s20], $0x400, s21, s20, $0x38;
	[tilespmem:$0x11880] =	vst v63  }
0x7d: {  	s23 =	simm.s32 $0x3400;
	s24 =	sld [smem:$0x7F5]  }
0x7e: {  	[tilespmem:s23], [sflag:$0x1] =	stream.strided.gather [hbm4b:s19+s20], $0x400, s21, s20, $0x38;
	[tilespmem:$0x11880] =	vst v63  }
0x7f: {  	s11 =	sld [smem:$0x7F8];
	s25 =	simm.s32 $0xB400  }
0x80: {  	[tilespmem:s25], [sflag:$0x1] =	stream.strided.gather [hbm4b:s24+s20], $0x400, s21, s20, $0x38;
	[tilespmem:$0x11880] =	vst v63  }
0x81: {  	s12 =	simm.s32 $0x3800;
	s13 =	sld [smem:$0x7F9]  }
0x82: {  	[tilespmem:s12], [sflag:$0x1] =	stream.strided.gather [hbm4b:s11+s20], $0x400, s21, s20, $0x38;
	[tilespmem:$0x11880] =	vst v63  }
0x83: {  	s14 =	simm.s32 $0xB800;
	s16 =	sld [smem:$0x7FA]  }
0x84: {  	[tilespmem:s14], [sflag:$0x1] =	stream.strided.gather [hbm4b:s13+s20], $0x400, s21, s20, $0x38;
	[tilespmem:$0x11880] =	vst v63  }
0x85: {  	s19 =	simm.s32 $0x3C00;
	s23 =	sld [smem:$0x7FB]  }
0x86: {  	[tilespmem:s19], [sflag:$0x1] =	stream.strided.gather [hbm4b:s16+s20], $0x400, s21, s20, $0x38;
	[tilespmem:$0x11880] =	vst v63  }
0x87: {  	s24 =	simm.s32 $0xBC00;
	s25 =	sld [smem:$0x7FC]  }
0x88: {  	[tilespmem:s24], [sflag:$0x1] =	stream.strided.gather [hbm4b:s23+s20], $0x400, s21, s20, $0x38;
	[tilespmem:$0x11880] =	vst v63  }
0x89: {  	s10 =	simm.s32 $0x0  }
0x8a: {  	[tilespmem:s4], [sflag:$0x3] =	stream.linear.gather [hbm4b:s25+s9], $0x800, $0x38;
	[tilespmem:$0x11880] =	vst v63  }
.LBB2_4:
0x8b: {  	s11 =	sshll.u32 s10, $0x5  }
0x8c: {  	s12 =	sor.u32 s18, s11  }
0x8d: {  	s13 =	sshll.u32 s12, $0x7  }
0x8e: {  	s13 =	sand.u32 $0x1FFFF800, s13  }
0x8f: {  	s14 =	sadd.s32 s2, s13  }
0x90: {  	[tilespmem:s7], [sflag:$0x2] =	stream.strided.gather [hbm4b:s14+s20], $0x400, s21, s20, $0x38;
	[tilespmem:$0x11880] =	vst v63  }
0x91: {  	s19 =	sadd.s32 s3, s13;
	s23 =	sor.u32 $0x10, s13  }
0x92: {  	[tilespmem:s8], [sflag:$0x2] =	stream.strided.gather [hbm4b:s19+s20], $0x400, s21, s20, $0x38;
	[tilespmem:$0x11880] =	vst v63  }
0x93: {  	s16 =	sadd.s32 s2, s23;
	s19 =	simm.s32 $0x4400  }
0x94: {  	[tilespmem:s19], [sflag:$0x2] =	stream.strided.gather [hbm4b:s16+s20], $0x400, s21, s20, $0x38;
	[tilespmem:$0x11880] =	vst v63  }
0x95: {  	s24 =	simm.s32 $0xC400;
	s25 =	sor.u32 $0x20, s13;
	s14 =	sadd.s32 s3, s23  }
0x96: {  	[tilespmem:s24], [sflag:$0x2] =	stream.strided.gather [hbm4b:s14+s20], $0x400, s21, s20, $0x38;
	[tilespmem:$0x11880] =	vst v63  }
0x97: {  	s23 =	simm.s32 $0x4800;
	s19 =	sadd.s32 s2, s25  }
0x98: {  	[tilespmem:s23], [sflag:$0x2] =	stream.strided.gather [hbm4b:s19+s20], $0x400, s21, s20, $0x38;
	[tilespmem:$0x11880] =	vst v63  }
0x99: {  	s14 =	sadd.s32 s3, s25;
	s24 =	simm.s32 $0xC800;
	s25 =	sor.u32 $0x30, s13  }
0x9a: {  	[tilespmem:s24], [sflag:$0x2] =	stream.strided.gather [hbm4b:s14+s20], $0x400, s21, s20, $0x38;
	[tilespmem:$0x11880] =	vst v63  }
0x9b: {  	s19 =	sadd.s32 s2, s25;
	s23 =	simm.s32 $0x4C00  }
0x9c: {  	[tilespmem:s23], [sflag:$0x2] =	stream.strided.gather [hbm4b:s19+s20], $0x400, s21, s20, $0x38;
	[tilespmem:$0x11880] =	vst v63  }
0x9d: {  	s14 =	sadd.s32 s3, s25;
	s24 =	simm.s32 $0xCC00;
	s25 =	sor.u32 $0x40, s13  }
0x9e: {  	[tilespmem:s24], [sflag:$0x2] =	stream.strided.gather [hbm4b:s14+s20], $0x400, s21, s20, $0x38;
	[tilespmem:$0x11880] =	vst v63  }
0x9f: {  	s19 =	sadd.s32 s2, s25;
	s23 =	simm.s32 $0x5000  }
0xa0: {  	[tilespmem:s23], [sflag:$0x2] =	stream.strided.gather [hbm4b:s19+s20], $0x400, s21, s20, $0x38;
	[tilespmem:$0x11880] =	vst v63  }
0xa1: {  	s14 =	sadd.s32 s3, s25;
	s24 =	simm.s32 $0xD000;
	s25 =	sor.u32 $0x50, s13  }
0xa2: {  	[tilespmem:s24], [sflag:$0x2] =	stream.strided.gather [hbm4b:s14+s20], $0x400, s21, s20, $0x38;
	[tilespmem:$0x11880] =	vst v63  }
0xa3: {  	s19 =	sadd.s32 s2, s25;
	s23 =	simm.s32 $0x5400  }
0xa4: {  	[tilespmem:s23], [sflag:$0x2] =	stream.strided.gather [hbm4b:s19+s20], $0x400, s21, s20, $0x38;
	[tilespmem:$0x11880] =	vst v63  }
0xa5: {  	s14 =	sadd.s32 s3, s25;
	s24 =	simm.s32 $0xD400;
	s25 =	sor.u32 $0x60, s13  }
0xa6: {  	[tilespmem:s24], [sflag:$0x2] =	stream.strided.gather [hbm4b:s14+s20], $0x400, s21, s20, $0x38;
	[tilespmem:$0x11880] =	vst v63  }
0xa7: {  	s19 =	sadd.s32 s2, s25;
	s23 =	simm.s32 $0x5800  }
0xa8: {  	[tilespmem:s23], [sflag:$0x2] =	stream.strided.gather [hbm4b:s19+s20], $0x400, s21, s20, $0x38;
	[tilespmem:$0x11880] =	vst v63  }
0xa9: {  	s14 =	sadd.s32 s3, s25;
	s24 =	simm.s32 $0xD800;
	s25 =	sor.u32 $0x70, s13  }
0xaa: {  	[tilespmem:s24], [sflag:$0x2] =	stream.strided.gather [hbm4b:s14+s20], $0x400, s21, s20, $0x38;
	[tilespmem:$0x11880] =	vst v63  }
0xab: {  	s19 =	sadd.s32 s2, s25;
	s23 =	simm.s32 $0x5C00  }
0xac: {  	[tilespmem:s23], [sflag:$0x2] =	stream.strided.gather [hbm4b:s19+s20], $0x400, s21, s20, $0x38;
	[tilespmem:$0x11880] =	vst v63  }
0xad: {  	s14 =	sadd.s32 s3, s25;
	s24 =	simm.s32 $0xDC00;
	s25 =	sor.u32 $0x400, s13  }
0xae: {  	[tilespmem:s24], [sflag:$0x2] =	stream.strided.gather [hbm4b:s14+s20], $0x400, s21, s20, $0x38;
	[tilespmem:$0x11880] =	vst v63  }
0xaf: {  	s19 =	sadd.s32 s2, s25;
	s23 =	simm.s32 $0x6000  }
0xb0: {  	[tilespmem:s23], [sflag:$0x2] =	stream.strided.gather [hbm4b:s19+s20], $0x400, s21, s20, $0x38;
	[tilespmem:$0x11880] =	vst v63  }
0xb1: {  	s14 =	sadd.s32 s3, s25;
	s24 =	simm.s32 $0xE000;
	s25 =	sor.u32 $0x410, s13  }
0xb2: {  	[tilespmem:s24], [sflag:$0x2] =	stream.strided.gather [hbm4b:s14+s20], $0x400, s21, s20, $0x38;
	[tilespmem:$0x11880] =	vst v63  }
0xb3: {  	s19 =	sadd.s32 s2, s25;
	s23 =	simm.s32 $0x6400  }
0xb4: {  	[tilespmem:s23], [sflag:$0x2] =	stream.strided.gather [hbm4b:s19+s20], $0x400, s21, s20, $0x38;
	[tilespmem:$0x11880] =	vst v63  }
0xb5: {  	s14 =	sadd.s32 s3, s25;
	s24 =	simm.s32 $0xE400;
	s25 =	sor.u32 $0x420, s13  }
0xb6: {  	[tilespmem:s24], [sflag:$0x2] =	stream.strided.gather [hbm4b:s14+s20], $0x400, s21, s20, $0x38;
	[tilespmem:$0x11880] =	vst v63  }
0xb7: {  	s19 =	sadd.s32 s2, s25;
	s23 =	simm.s32 $0x6800  }
0xb8: {  	[tilespmem:s23], [sflag:$0x2] =	stream.strided.gather [hbm4b:s19+s20], $0x400, s21, s20, $0x38;
	[tilespmem:$0x11880] =	vst v63  }
0xb9: {  	s14 =	sadd.s32 s3, s25;
	s24 =	simm.s32 $0xE800;
	s25 =	sor.u32 $0x430, s13  }
0xba: {  	[tilespmem:s24], [sflag:$0x2] =	stream.strided.gather [hbm4b:s14+s20], $0x400, s21, s20, $0x38;
	[tilespmem:$0x11880] =	vst v63  }
0xbb: {  	s19 =	sadd.s32 s2, s25;
	s23 =	simm.s32 $0x6C00  }
0xbc: {  	[tilespmem:s23], [sflag:$0x2] =	stream.strided.gather [hbm4b:s19+s20], $0x400, s21, s20, $0x38;
	[tilespmem:$0x11880] =	vst v63  }
0xbd: {  	s14 =	sadd.s32 s3, s25;
	s24 =	simm.s32 $0xEC00;
	s25 =	sor.u32 $0x440, s13  }
0xbe: {  	[tilespmem:s24], [sflag:$0x2] =	stream.strided.gather [hbm4b:s14+s20], $0x400, s21, s20, $0x38;
	[tilespmem:$0x11880] =	vst v63  }
0xbf: {  	s19 =	sadd.s32 s2, s25;
	s23 =	simm.s32 $0x7000  }
0xc0: {  	[tilespmem:s23], [sflag:$0x2] =	stream.strided.gather [hbm4b:s19+s20], $0x400, s21, s20, $0x38;
	[tilespmem:$0x11880] =	vst v63  }
0xc1: {  	s14 =	sadd.s32 s3, s25;
	s24 =	simm.s32 $0xF000;
	s25 =	sor.u32 $0x450, s13  }
0xc2: {  	[tilespmem:s24], [sflag:$0x2] =	stream.strided.gather [hbm4b:s14+s20], $0x400, s21, s20, $0x38;
	[tilespmem:$0x11880] =	vst v63  }
0xc3: {  	s19 =	sadd.s32 s2, s25;
	s23 =	simm.s32 $0x7400  }
0xc4: {  	[tilespmem:s23], [sflag:$0x2] =	stream.strided.gather [hbm4b:s19+s20], $0x400, s21, s20, $0x38;
	[tilespmem:$0x11880] =	vst v63  }
0xc5: {  	s14 =	sadd.s32 s3, s25;
	s24 =	simm.s32 $0xF400;
	s25 =	sor.u32 $0x460, s13  }
0xc6: {  	[tilespmem:s24], [sflag:$0x2] =	stream.strided.gather [hbm4b:s14+s20], $0x400, s21, s20, $0x38;
	[tilespmem:$0x11880] =	vst v63  }
0xc7: {  	s23 =	sadd.s32 s2, s25;
	s24 =	simm.s32 $0x7800  }
0xc8: {  	[tilespmem:s24], [sflag:$0x2] =	stream.strided.gather [hbm4b:s23+s20], $0x400, s21, s20, $0x38;
	[tilespmem:$0x11880] =	vst v63  }
0xc9: {  	s13 =	sor.u32 $0x470, s13;
	s14 =	sadd.s32 s3, s25;
	s25 =	simm.s32 $0xF800  }
0xca: {  	[tilespmem:s25], [sflag:$0x2] =	stream.strided.gather [hbm4b:s14+s20], $0x400, s21, s20, $0x38;
	[tilespmem:$0x11880] =	vst v63  }
0xcb: {  	s16 =	sadd.s32 s2, s13;
	s19 =	simm.s32 $0x7C00  }
0xcc: {  	[tilespmem:s19], [sflag:$0x2] =	stream.strided.gather [hbm4b:s16+s20], $0x400, s21, s20, $0x38;
	[tilespmem:$0x11880] =	vst v63  }
0xcd: {  	s13 =	sadd.s32 s3, s13  }
0xce: {  	[tilespmem:s26], [sflag:$0x2] =	stream.strided.gather [hbm4b:s13+s20], $0x400, s21, s20, $0x38;
	[tilespmem:$0x11880] =	vst v63  }
0xcf: {  	_ =	swait.ge [sflag:s28], $0x400  }
0xd0: {  	[sflag:s28] =	ssyncset.done $0x0  }
0xd1: {  	[sflag:s28] =	ssyncadd.s32 $0xFFFFFC00  }
0xd2: {  	_ =	swait.ge [sflag:s28], $0x400  }
0xd3: {  	[sflag:s28] =	ssyncset.done $0x0  }
0xd4: {  	[sflag:s28] =	ssyncadd.s32 $0xFFFFFC00  }
0xd5: {  	_ =	swait.ge [sflag:s28], $0x400  }
0xd6: {  	[sflag:s28] =	ssyncset.done $0x0  }
0xd7: {  	[sflag:s28] =	ssyncadd.s32 $0xFFFFFC00  }
0xd8: {  	_ =	swait.ge [sflag:s28], $0x400  }
0xd9: {  	[sflag:s28] =	ssyncset.done $0x0  }
0xda: {  	[sflag:s28] =	ssyncadd.s32 $0xFFFFFC00  }
0xdb: {  	_ =	swait.ge [sflag:s28], $0x400  }
0xdc: {  	[sflag:s28] =	ssyncset.done $0x0  }
0xdd: {  	[sflag:s28] =	ssyncadd.s32 $0xFFFFFC00  }
0xde: {  	_ =	swait.ge [sflag:s28], $0x400  }
0xdf: {  	[sflag:s28] =	ssyncset.done $0x0  }
0xe0: {  	[sflag:s28] =	ssyncadd.s32 $0xFFFFFC00  }
0xe1: {  	_ =	swait.ge [sflag:s28], $0x400  }
0xe2: {  	[sflag:s28] =	ssyncset.done $0x0  }
0xe3: {  	[sflag:s28] =	ssyncadd.s32 $0xFFFFFC00  }
0xe4: {  	_ =	swait.ge [sflag:s28], $0x400  }
0xe5: {  	[sflag:s28] =	ssyncset.done $0x0  }
0xe6: {  	[sflag:s28] =	ssyncadd.s32 $0xFFFFFC00  }
0xe7: {  	_ =	swait.ge [sflag:s28], $0x400  }
0xe8: {  	[sflag:s28] =	ssyncset.done $0x0  }
0xe9: {  	[sflag:s28] =	ssyncadd.s32 $0xFFFFFC00  }
0xea: {  	_ =	swait.ge [sflag:s28], $0x400  }
0xeb: {  	[sflag:s28] =	ssyncset.done $0x0  }
0xec: {  	[sflag:s28] =	ssyncadd.s32 $0xFFFFFC00  }
0xed: {  	_ =	swait.ge [sflag:s28], $0x400  }
0xee: {  	[sflag:s28] =	ssyncset.done $0x0  }
0xef: {  	[sflag:s28] =	ssyncadd.s32 $0xFFFFFC00  }
0xf0: {  	_ =	swait.ge [sflag:s28], $0x400  }
0xf1: {  	[sflag:s28] =	ssyncset.done $0x0  }
0xf2: {  	[sflag:s28] =	ssyncadd.s32 $0xFFFFFC00  }
0xf3: {  	_ =	swait.ge [sflag:s28], $0x400  }
0xf4: {  	[sflag:s28] =	ssyncset.done $0x0  }
0xf5: {  	[sflag:s28] =	ssyncadd.s32 $0xFFFFFC00  }
0xf6: {  	_ =	swait.ge [sflag:s28], $0x400  }
0xf7: {  	[sflag:s28] =	ssyncset.done $0x0  }
0xf8: {  	[sflag:s28] =	ssyncadd.s32 $0xFFFFFC00  }
0xf9: {  	_ =	swait.ge [sflag:s28], $0x400  }
0xfa: {  	[sflag:s28] =	ssyncset.done $0x0  }
0xfb: {  	[sflag:s28] =	ssyncadd.s32 $0xFFFFFC00  }
0xfc: {  	_ =	swait.ge [sflag:s28], $0x400  }
0xfd: {  	[sflag:s28] =	ssyncset.done $0x0  }
0xfe: {  	[sflag:s28] =	ssyncadd.s32 $0xFFFFFC00  }
0xff: {  	_ =	swait.ge [sflag:s28], $0x400  }
0x100: {  	[sflag:s28] =	ssyncset.done $0x0  }
0x101: {  	[sflag:s28] =	ssyncadd.s32 $0xFFFFFC00  }
0x102: {  	_ =	swait.ge [sflag:s28], $0x400  }
0x103: {  	[sflag:s28] =	ssyncset.done $0x0  }
0x104: {  	[sflag:s28] =	ssyncadd.s32 $0xFFFFFC00  }
0x105: {  	_ =	swait.ge [sflag:s28], $0x400  }
0x106: {  	[sflag:s28] =	ssyncset.done $0x0  }
0x107: {  	[sflag:s28] =	ssyncadd.s32 $0xFFFFFC00  }
0x108: {  	_ =	swait.ge [sflag:s28], $0x400  }
0x109: {  	[sflag:s28] =	ssyncset.done $0x0  }
0x10a: {  	[sflag:s28] =	ssyncadd.s32 $0xFFFFFC00  }
0x10b: {  	_ =	swait.ge [sflag:s28], $0x400  }
0x10c: {  	[sflag:s28] =	ssyncset.done $0x0  }
0x10d: {  	[sflag:s28] =	ssyncadd.s32 $0xFFFFFC00  }
0x10e: {  	_ =	swait.ge [sflag:s28], $0x400  }
0x10f: {  	[sflag:s28] =	ssyncset.done $0x0  }
0x110: {  	[sflag:s28] =	ssyncadd.s32 $0xFFFFFC00  }
0x111: {  	_ =	swait.ge [sflag:s28], $0x400  }
0x112: {  	[sflag:s28] =	ssyncset.done $0x0  }
0x113: {  	[sflag:s28] =	ssyncadd.s32 $0xFFFFFC00  }
0x114: {  	_ =	swait.ge [sflag:s28], $0x400  }
0x115: {  	[sflag:s28] =	ssyncset.done $0x0  }
0x116: {  	[sflag:s28] =	ssyncadd.s32 $0xFFFFFC00  }
0x117: {  	_ =	swait.ge [sflag:s28], $0x400  }
0x118: {  	[sflag:s28] =	ssyncset.done $0x0  }
0x119: {  	[sflag:s28] =	ssyncadd.s32 $0xFFFFFC00  }
0x11a: {  	_ =	swait.ge [sflag:s28], $0x400  }
0x11b: {  	[sflag:s28] =	ssyncset.done $0x0  }
0x11c: {  	[sflag:s28] =	ssyncadd.s32 $0xFFFFFC00  }
0x11d: {  	_ =	swait.ge [sflag:s28], $0x400  }
0x11e: {  	[sflag:s28] =	ssyncset.done $0x0  }
0x11f: {  	[sflag:s28] =	ssyncadd.s32 $0xFFFFFC00  }
0x120: {  	_ =	swait.ge [sflag:s28], $0x400  }
0x121: {  	[sflag:s28] =	ssyncset.done $0x0  }
0x122: {  	[sflag:s28] =	ssyncadd.s32 $0xFFFFFC00  }
0x123: {  	_ =	swait.ge [sflag:s28], $0x400  }
0x124: {  	[sflag:s28] =	ssyncset.done $0x0  }
0x125: {  	[sflag:s28] =	ssyncadd.s32 $0xFFFFFC00  }
0x126: {  	_ =	swait.ge [sflag:s28], $0x400  }
0x127: {  	[sflag:s28] =	ssyncset.done $0x0  }
0x128: {  	[sflag:s28] =	ssyncadd.s32 $0xFFFFFC00  }
0x129: {  	_ =	swait.ge [sflag:s28], $0x400  }
0x12a: {  	[sflag:s28] =	ssyncset.done $0x0  }
0x12b: {  	[sflag:s28] =	ssyncadd.s32 $0xFFFFFC00  }
0x12c: {  	s23 =	simm.s32 $0x1;
	_ =	swait.ge [sflag:s28], $0x400  }
0x12d: {  	v7 =	vadd.s32 s23, v2;
	[sflag:s28] =	ssyncset.done $0x0  }
0x12e: {  	s24 =	simm.s32 $0x2;
	[sflag:s28] =	ssyncadd.s32 $0xFFFFFC00  }
0x12f: {  	v8 =	vadd.s32 s24, v2;
	s25 =	simm.s32 $0x4;
	_ =	swait.ge [sflag:s29], $0x800  }
0x130: {  	v9 =	vadd.s32 s25, v2;
	[sflag:s29] =	ssyncset.done $0x0  }
0x131: {  	[sflag:s29] =	ssyncadd.s32 $0xFFFFF800  }
0x132: {  	s16 =	simm.s32 $0x3;
	v10 =	vld.idx.msk [tilespmem:v7+s6+$0x0], $0xffff  }
0x133: {  	v12 =	vadd.s32 s16, v2;
	v7 =	vld.idx.msk [tilespmem:v7+s22+$0x0], $0xffff  }
0x134: {  	v13 =	vld.idx.msk [tilespmem:v8+s6+$0x0], $0xffff  }
0x135: {  	v15 =	vld.idx.msk [tilespmem:v9+s22+$0x0], $0xffff  }
0x136: {  	v9 =	vld.idx.msk [tilespmem:v9+s6+$0x0], $0xffff  }
0x137: {  	v8 =	vld.idx.msk [tilespmem:v8+s22+$0x0], $0xffff  }
0x138: {  	s14 =	simm.s32 $0x5;
	v19 =	vld.idx.msk [tilespmem:v12+s22+$0x0], $0xffff  }
0x139: {  	v11 =	vadd.s32 s14, v2;
	s19 =	simm.s32 $0x7;
	v12 =	vld.idx.msk [tilespmem:v12+s6+$0x0], $0xffff  }
0x13a: {  	s23 =	simm.s32 $0x6;
	v14 =	vadd.s32 s19, v2  }
0x13b: {  	v16 =	vadd.s32 s9, v2;
	v18 =	vadd.s32 s23, v2;
	s16 =	simm.s32 $0xD  }
0x13c: {  	v23 =	vadd.s32 s16, v2;
	v10 =	vshll.u32 v10, $0x8;
	v7 =	vshll.u32 v7, $0x4  }
0x13d: {  	v13 =	vshll.u32 v13, $0x8;
	v15 =	vshll.u32 v15, $0x4;
	v9 =	vshll.u32 v9, $0x8  }
0x13e: {  	v17 =	vld.idx.msk [tilespmem:v11+s6+$0x0], $0xffff;
	v8 =	vshll.u32 v8, $0x4;
	v19 =	vshll.u32 v19, $0x4;
	v12 =	vshll.u32 v12, $0x8  }
0x13f: {  	v20 =	vld.idx.msk [tilespmem:v14+s22+$0x0], $0xffff;
	v10 =	vadd.s32 v10, v7;
	v7 =	vor.u32 v0, v7;
	v21 =	vor.u32 v0, v15  }
0x140: {  	s14 =	simm.s32 $0xC;
	v14 =	vld.idx.msk [tilespmem:v14+s6+$0x0], $0xffff;
	v9 =	vadd.s32 v9, v15;
	v22 =	vor.u32 v0, v19;
	v19 =	vadd.s32 v12, v19  }
0x141: {  	v11 =	vld.idx.msk [tilespmem:v11+s22+$0x0], $0xffff;
	v12 =	vadd.s32 s14, v2;
	v10 =	vand.u32 $0xFFFFFF80, v10;
	v7 =	vand.u32 $0x7F, v7  }
0x142: {  	v15 =	vand.u32 $0x7F, v21;
	v9 =	vand.u32 $0xFFFFFF80, v9;
	v7 =	vor.u32 v7, v10;
	v10 =	vld.idx.msk [tilespmem:v16+s6+$0x0], $0xffff  }
0x143: {  	v13 =	vadd.s32 v13, v8;
	v8 =	vor.u32 v0, v8;
	v9 =	vor.u32 v15, v9;
	v15 =	vld.idx.msk [tilespmem:v18+s6+$0x0], $0xffff  }
0x144: {  	s23 =	simm.s32 $0x8;
	v13 =	vand.u32 $0xFFFFFF80, v13;
	v8 =	vand.u32 $0x7F, v8;
	v18 =	vld.idx.msk [tilespmem:v18+s22+$0x0], $0xffff  }
0x145: {  	s24 =	simm.s32 $0x9;
	v24 =	vadd.s32 s23, v2;
	v8 =	vor.u32 v8, v13;
	v13 =	vld.idx.msk [tilespmem:v16+s22+$0x0], $0xffff  }
0x146: {  	s25 =	simm.s32 $0xA;
	v29 =	vld.idx.msk [tilespmem:v23+s6+$0x0], $0xffff;
	v17 =	vshll.u32 v17, $0x8;
	v11 =	vshll.u32 v11, $0x4;
	v21 =	vadd.s32 s24, v2  }
0x147: {  	v22 =	vand.u32 $0x7F, v22;
	s24 =	simm.s32 $0xB;
	v16 =	vshll.u32 v20, $0x4;
	v20 =	vadd.s32 s25, v2;
	s25 =	simm.s32 $0xE;
	v63 =	vld.idx.msk [tilespmem:v12+s6+$0x0], $0xffff  }
0x148: {  	s19 =	simm.s32 $0xF;
	v25 =	vadd.s32 s24, v2;
	v26 =	vadd.s32 s25, v2;
	[tilespmem:v7+s30+$0x0] =	vst.idx.add.f32.msk $0xffff, v6;
	v7 =	vshll.u32 v14, $0x8  }
0x149: {  	v14 =	vadd.s32 s19, v2;
	[tilespmem:v9+s30+$0x0] =	vst.idx.add.f32.msk $0xffff, v6;
	v9 =	vshll.u32 v15, $0x8;
	v18 =	vshll.u32 v18, $0x4  }
0x14a: {  	v10 =	vshll.u32 v10, $0x8;
	[tilespmem:v8+s30+$0x0] =	vst.idx.add.f32.msk $0xffff, v6;
	v8 =	vor.u32 v0, v16;
	v13 =	vshll.u32 v13, $0x4  }
0x14b: {  	v15 =	vld.idx.msk [tilespmem:v21+s6+$0x0], $0xffff;
	v7 =	vadd.s32 v7, v16;
	v27 =	vor.u32 v0, v13;
	v8 =	vand.u32 $0x7F, v8  }
0x14c: {  	v21 =	vld.idx.msk [tilespmem:v21+s22+$0x0], $0xffff;
	v10 =	vadd.s32 v10, v13;
	v28 =	vor.u32 v0, v18;
	v9 =	vadd.s32 v9, v18  }
0x14d: {  	v16 =	vld.idx.msk [tilespmem:v20+s6+$0x0], $0xffff;
	v7 =	vand.u32 $0xFFFFFF80, v7;
	v13 =	vand.u32 $0x7F, v27;
	v10 =	vand.u32 $0xFFFFFF80, v10  }
0x14e: {  	v20 =	vld.idx.msk [tilespmem:v20+s22+$0x0], $0xffff;
	v9 =	vand.u32 $0xFFFFFF80, v9;
	v8 =	vor.u32 v8, v7;
	v7 =	vand.u32 $0x7F, v28  }
0x14f: {  	v27 =	vld.idx.msk [tilespmem:v12+s22+$0x0], $0xffff;
	v10 =	vor.u32 v13, v10;
	v13 =	vadd.s32 v17, v11;
	v11 =	vor.u32 v0, v11  }
0x150: {  	v18 =	vld.idx.msk [tilespmem:v25+s22+$0x0], $0xffff;
	v13 =	vand.u32 $0xFFFFFF80, v13;
	v11 =	vand.u32 $0x7F, v11;
	v7 =	vor.u32 v7, v9  }
0x151: {  	v25 =	vld.idx.msk [tilespmem:v25+s6+$0x0], $0xffff;
	v9 =	vand.u32 $0xFFFFFF80, v19;
	v12 =	vor.u32 v11, v13;
	v11 =	vshll.u32 v15, $0x8  }
0x152: {  	v15 =	vshll.u32 v21, $0x4;
	v30 =	vld.idx.msk [tilespmem:v14+s22+$0x0], $0xffff;
	v13 =	vor.u32 v22, v9;
	v17 =	vshll.u32 v16, $0x8  }
0x153: {  	v31 =	vld.idx.msk [tilespmem:v14+s6+$0x0], $0xffff;
	v11 =	vadd.s32 v11, v15;
	v9 =	vor.u32 v0, v15;
	v19 =	vshll.u32 v20, $0x4  }
0x154: {  	v16 =	vld.idx.msk [tilespmem:v24+s6+$0x0], $0xffff;
	v27 =	vshll.u32 v27, $0x4;
	v11 =	vand.u32 $0xFFFFFF80, v11;
	v9 =	vand.u32 $0x7F, v9  }
0x155: {  	v15 =	vld.idx.msk [tilespmem:v23+s22+$0x0], $0xffff;
	v21 =	vadd.s32 v17, v19;
	v20 =	vor.u32 v0, v27;
	v14 =	vor.u32 v9, v11  }
0x156: {  	v17 =	vld.idx.msk [tilespmem:v24+s22+$0x0], $0xffff;
	v9 =	vshll.u32 v29, $0x8;
	v11 =	vshll.u32 v18, $0x4;
	v18 =	vshll.u32 v63, $0x8  }
0x157: {  	[tilespmem:v8+s30+$0x0] =	vst.idx.add.f32.msk $0xffff, v6;
	v8 =	vshll.u32 v25, $0x8;
	v24 =	vand.u32 $0x7F, v20;
	v18 =	vadd.s32 v18, v27  }
0x158: {  	v22 =	vor.u32 v0, v11;
	v20 =	vld.idx.msk [tilespmem:v26+s6+$0x0], $0xffff;
	v11 =	vadd.s32 v8, v11;
	v25 =	vand.u32 $0xFFFFFF80, v18  }
0x159: {  	s13 =	simm.s32 $0x3F0;
	s14 =	simm.s32 $0x10;
	v18 =	vshll.u32 v30, $0x4;
	v8 =	vand.u32 $0x7F, v22;
	v22 =	vld.idx.msk [tilespmem:v26+s22+$0x0], $0xffff;
	v23 =	vshll.u32 v31, $0x8  }
.LBB2_5:
0x15a: {  	s16 =	sadd.s32 $0x1, s14  }
0x15b: {  	s19 =	sadd.s32 $0x2, s14;
	s23 =	sadd.s32 $0x3, s14;
	v19 =	vor.u32 v0, v19;
	v21 =	vand.u32 $0xFFFFFF80, v21;
	v24 =	vor.u32 v24, v25;
	[tilespmem:v10+s30+$0x0] =	vst.idx.add.f32.msk $0xffff, v6;
	s24 =	smov.u32 s14  }
0x15c: {  	s25 =	sadd.s32 $0x6, s14;
	v10 =	vadd.s32 s16, v2;
	v25 =	vadd.s32 s19, v2;
	s16 =	sadd.s32 $0x4, s14;
	s19 =	sadd.s32 $0x5, s14;
	v19 =	vand.u32 $0x7F, v19;
	[tilespmem:v12+s30+$0x0] =	vst.idx.add.f32.msk $0xffff, v6  }
0x15d: {  	p0 =	slt.u32 s14, $0x3E8;
	s14 =	sadd.s32 $0x8, s14;
	v12 =	vadd.s32 s16, v2;
	v26 =	vadd.s32 s19, v2;
	s16 =	sadd.s32 $0x7, s24;
	v19 =	vor.u32 v19, v21;
	[tilespmem:v13+s30+$0x0] =	vst.idx.add.f32.msk $0xffff, v6  }
0x15e: {  	v21 =	vadd.s32 s16, v2;
	[tilespmem:v7+s30+$0x0] =	vst.idx.add.f32.msk $0xffff, v6  }
0x15f: {  	v13 =	vadd.s32 v23, v18;
	v7 =	vshll.u32 v20, $0x8;
	[tilespmem:v14+s30+$0x0] =	vst.idx.add.f32.msk $0xffff, v6  }
0x160: {  	v20 =	vadd.s32 s24, v2;
	v14 =	vadd.s32 s23, v2;
	v22 =	vshll.u32 v22, $0x4;
	[tilespmem:v24+s30+$0x0] =	vst.idx.add.f32.msk $0xffff, v6  }
0x161: {  	v16 =	vshll.u32 v16, $0x8;
	v18 =	vor.u32 v0, v18;
	v13 =	vand.u32 $0xFFFFFF80, v13;
	v23 =	vld.idx.msk [tilespmem:v10+s6+$0x0], $0xffff  }
0x162: {  	v27 =	vadd.s32 s25, v2;
	v17 =	vshll.u32 v17, $0x4;
	[tilespmem:v19+s30+$0x0] =	vst.idx.add.f32.msk $0xffff, v6  }
0x163: {  	v15 =	vshll.u32 v15, $0x4;
	v18 =	vand.u32 $0x7F, v18;
	v24 =	vor.u32 v0, v17;
	v19 =	vld.idx.msk [tilespmem:v25+s6+$0x0], $0xffff  }
0x164: {  	v28 =	vld.idx.msk [tilespmem:v10+s22+$0x0], $0xffff;
	v10 =	vadd.s32 v16, v17;
	v16 =	vand.u32 $0x7F, v24;
	v17 =	vor.u32 v0, v22  }
0x165: {  	v18 =	vor.u32 v18, v13;
	v24 =	vld.idx.msk [tilespmem:v12+s22+$0x0], $0xffff;
	v10 =	vand.u32 $0xFFFFFF80, v10;
	v17 =	vand.u32 $0x7F, v17  }
0x166: {  	v29 =	vld.idx.msk [tilespmem:v26+s6+$0x0], $0xffff;
	v10 =	vor.u32 v16, v10  }
0x167: {  	v9 =	vadd.s32 v9, v15;
	v13 =	vor.u32 v0, v15;
	v7 =	vadd.s32 v7, v22;
	v25 =	vld.idx.msk [tilespmem:v25+s22+$0x0], $0xffff  }
0x168: {  	v9 =	vand.u32 $0xFFFFFF80, v9;
	v13 =	vand.u32 $0x7F, v13;
	v7 =	vand.u32 $0xFFFFFF80, v7;
	v22 =	vld.idx.msk [tilespmem:v14+s22+$0x0], $0xffff  }
0x169: {  	v7 =	vor.u32 v17, v7;
	v15 =	vshll.u32 v19, $0x8;
	v30 =	vld.idx.msk [tilespmem:v12+s6+$0x0], $0xffff;
	v12 =	vor.u32 v13, v9  }
0x16a: {  	v11 =	vand.u32 $0xFFFFFF80, v11;
	v9 =	vshll.u32 v23, $0x8;
	v16 =	vshll.u32 v28, $0x4;
	v23 =	vld.idx.msk [tilespmem:v21+s22+$0x0], $0xffff  }
0x16b: {  	v13 =	vor.u32 v8, v11;
	v9 =	vadd.s32 v9, v16;
	v31 =	vshll.u32 v24, $0x4;
	v28 =	vld.idx.msk [tilespmem:v14+s6+$0x0], $0xffff  }
0x16c: {  	v8 =	vor.u32 v0, v16;
	v9 =	vand.u32 $0xFFFFFF80, v9;
	v11 =	vor.u32 v0, v31;
	v32 =	vld.idx.msk [tilespmem:v21+s6+$0x0], $0xffff  }
0x16d: {  	v8 =	vand.u32 $0x7F, v8;
	v19 =	vshll.u32 v25, $0x4;
	v16 =	vld.idx.msk [tilespmem:v20+s6+$0x0], $0xffff  }
.Ltmp3:
0x16e: {  	v14 =	vor.u32 v8, v9;
	v9 =	vshll.u32 v29, $0x8;
	v21 =	vadd.s32 v15, v19;
	v15 =	vld.idx.msk [tilespmem:v26+s22+$0x0], $0xffff;
	(pc) =	sbr.rel @p0 .LBB2_5-.Ltmp3, $4  }
0x16f: {  	v24 =	vand.u32 $0x7F, v11;
	v8 =	vshll.u32 v22, $0x4;
	v17 =	vld.idx.msk [tilespmem:v20+s22+$0x0], $0xffff;
	v20 =	vshll.u32 v30, $0x8  }
0x170: {  	v22 =	vor.u32 v0, v8;
	v11 =	vadd.s32 v20, v31;
	[tilespmem:v18+s30+$0x0] =	vst.idx.add.f32.msk $0xffff, v6  }
0x171: {  	v26 =	vshll.u32 v28, $0x8;
	v18 =	vshll.u32 v23, $0x4;
	v25 =	vand.u32 $0xFFFFFF80, v11;
	v20 =	vld.idx.msk [tilespmem:v27+s6+$0x0], $0xffff  }
0x172: {  	v11 =	vadd.s32 v26, v8;
	v8 =	vand.u32 $0x7F, v22;
	v23 =	vshll.u32 v32, $0x8;
	v22 =	vld.idx.msk [tilespmem:v27+s22+$0x0], $0xffff  }
0x173: {  	_ =	sdelay $0x1  }
0x174: {  	v19 =	vor.u32 v0, v19  }
0x175: {  	v21 =	vand.u32 $0xFFFFFF80, v21;
	v24 =	vor.u32 v24, v25;
	v59 =	vadd.s32 v23, v18  }
0x176: {  	v16 =	vshll.u32 v16, $0x8;
	v60 =	vor.u32 v0, v18;
	[tilespmem:v10+s30+$0x0] =	vst.idx.add.f32.msk $0xffff, v6;
	v10 =	vshll.u32 v15, $0x4  }
0x177: {  	v19 =	vand.u32 $0x7F, v19;
	v17 =	vshll.u32 v17, $0x4;
	v15 =	vand.u32 $0x7F, v60  }
0x178: {  	v9 =	vadd.s32 v9, v10;
	v10 =	vor.u32 v0, v10;
	v19 =	vor.u32 v19, v21  }
0x179: {  	v21 =	vand.u32 $0xFFFFFF80, v59;
	v61 =	vor.u32 v0, v17;
	v16 =	vadd.s32 v16, v17  }
0x17a: {  	[tilespmem:v7+s30+$0x0] =	vst.idx.add.f32.msk $0xffff, v6;
	v7 =	vand.u32 $0xFFFFFF80, v9;
	v9 =	vand.u32 $0x7F, v10;
	v10 =	vmov s13  }
0x17b: {  	[tilespmem:v12+s30+$0x0] =	vst.idx.add.f32.msk $0xffff, v6;
	v20 =	vshll.u32 v20, $0x8;
	v12 =	vand.u32 $0x7F, v61;
	v16 =	vand.u32 $0xFFFFFF80, v16  }
0x17c: {  	[tilespmem:v13+s30+$0x0] =	vst.idx.add.f32.msk $0xffff, v6;
	v15 =	vor.u32 v15, v21;
	v7 =	vor.u32 v9, v7;
	v9 =	vand.u32 $0xFFFFFF80, v11  }
0x17d: {  	[tilespmem:v14+s30+$0x0] =	vst.idx.add.f32.msk $0xffff, v6;
	vm0 =	vlt.u32 v10, v3;
	v22 =	vshll.u32 v22, $0x4;
	v12 =	vor.u32 v12, v16  }
0x17e: {  	v8 =	vor.u32 v8, v9;
	v62 =	vor.u32 v0, v22;
	v63 =	vadd.s32 v20, v22  }
0x17f: {  	v9 =	vsel vm0, $0x0, v4;
	[tilespmem:v24+s30+$0x0] =	vst.idx.add.f32.msk $0xffff, v6;
	v13 =	vand.u32 $0x7F, v62;
	v10 =	vand.u32 $0xFFFFFF80, v63  }
0x180: {  	v9 =	vadd.s32 s13, v9;
	[tilespmem:v19+s30+$0x0] =	vst.idx.add.f32.msk $0xffff, v6;
	v10 =	vor.u32 v13, v10  }
0x181: {  	s14 =	simm.s32 $0x3F1;
	v9 =	vadd.s32 v2, v9;
	[tilespmem:v15+s30+$0x0] =	vst.idx.add.f32.msk $0xffff, v6  }
0x182: {  	v11 =	vmov s14;
	[tilespmem:v7+s30+$0x0] =	vst.idx.add.f32.msk $0xffff, v6  }
0x183: {  	vm13 =	vlt.u32 v11, v3;
	[tilespmem:v12+s30+$0x0] =	vst.idx.add.f32.msk $0xffff, v6  }
0x184: {  	v7 =	vsel vm13, $0x0, v4;
	[tilespmem:v8+s30+$0x0] =	vst.idx.add.f32.msk $0xffff, v6  }
0x185: {  	s13 =	simm.s32 $0x0;
	v7 =	vadd.s32 s14, v7;
	[tilespmem:v10+s30+$0x0] =	vst.idx.add.f32.msk $0xffff, v6  }
0x186: {  	v7 =	vadd.s32 v2, v7;
	v8 =	vld.idx.msk [tilespmem:v9+s13+$0x0], $0xffff  }
0x187: {  	s24 =	simm.s32 $0x3F2;
	v9 =	vld.idx.msk [tilespmem:v9+s22+$0x0], $0xffff  }
0x188: {  	v10 =	vmov s24  }
0x189: {  	vm14 =	vlt.u32 v10, v3  }
0x18a: {  	v10 =	vsel vm14, $0x0, v4  }
0x18b: {  	v10 =	vadd.s32 s24, v10;
	v11 =	vld.idx.msk [tilespmem:v7+s13+$0x0], $0xffff  }
0x18c: {  	v12 =	vadd.s32 v2, v10;
	v10 =	vld.idx.msk [tilespmem:v7+s22+$0x0], $0xffff;
	v7 =	vshll.u32 v8, $0x8;
	v8 =	vshll.u32 v9, $0x4  }
0x18d: {  	s25 =	simm.s32 $0x3F3;
	v7 =	vadd.s32 v7, v8;
	v8 =	vor.u32 v0, v8  }
0x18e: {  	v9 =	vmov s25;
	v7 =	vand.u32 $0xFFFFFF80, v7;
	v8 =	vand.u32 $0x7F, v8  }
0x18f: {  	vm15 =	vlt.u32 v9, v3;
	v7 =	vor.u32 v8, v7  }
0x190: {  	v8 =	vsel vm15, $0x0, v4  }
0x191: {  	v9 =	vadd.s32 s25, v8  }
0x192: {  	v11 =	vshll.u32 v11, $0x8;
	v13 =	vshll.u32 v10, $0x4;
	v8 =	vld.idx.msk [tilespmem:v12+s13+$0x0], $0xffff;
	v10 =	vadd.s32 v2, v9  }
0x193: {  	s14 =	simm.s32 $0x3F4;
	v11 =	vadd.s32 v11, v13;
	v9 =	vld.idx.msk [tilespmem:v12+s22+$0x0], $0xffff;
	v12 =	vor.u32 v0, v13  }
.LBB2_7:
0x194: {  	v13 =	vmov s14;
	v11 =	vand.u32 $0xFFFFFF80, v11;
	v12 =	vand.u32 $0x7F, v12;
	[tilespmem:v7+s30+$0x0] =	vst.idx.add.f32.msk $0xffff, v6;
	s16 =	smov.u32 s14;
	p0 =	sne.s32 s14, $0x3FF  }
.Ltmp4:
0x195: {  	s14 =	sadd.s32 $0x1, s14;
	vm0 =	vlt.u32 v13, v3;
	v7 =	vor.u32 v12, v11;
	(pc) =	sbr.rel @p0 .LBB2_7-.Ltmp4, $4  }
0x196: {  	v11 =	vsel vm0, $0x0, v4  }
0x197: {  	v11 =	vadd.s32 s16, v11;
	v12 =	vmov v8;
	v8 =	vld.idx.msk [tilespmem:v10+s13+$0x0], $0xffff  }
0x198: {  	v13 =	vshll.u32 v9, $0x4;
	v12 =	vshll.u32 v12, $0x8;
	v9 =	vld.idx.msk [tilespmem:v10+s22+$0x0], $0xffff;
	v10 =	vadd.s32 v2, v11  }
0x199: {  	v11 =	vadd.s32 v12, v13;
	v12 =	vor.u32 v0, v13  }
0x19a: {  	_ =	sdelay $0x2  }
0x19b: {  	s13 =	simm.s32 $0x0  }
0x19c: {  	v13 =	vld.idx.msk [tilespmem:v10+s13+$0x0], $0xffff  }
0x19d: {  	v10 =	vld.idx.msk [tilespmem:v10+s22+$0x0], $0xffff;
	_ =	sdelay $0x1  }
0x19e: {  	v11 =	vand.u32 $0xFFFFFF80, v11  }
0x19f: {  	v12 =	vand.u32 $0x7F, v12;
	v8 =	vshll.u32 v8, $0x8;
	v9 =	vshll.u32 v9, $0x4  }
0x1a0: {  	v11 =	vor.u32 v12, v11;
	v8 =	vadd.s32 v8, v9;
	v9 =	vor.u32 v0, v9  }
0x1a1: {  	v8 =	vand.u32 $0xFFFFFF80, v8;
	v62 =	vshll.u32 v13, $0x8;
	v10 =	vshll.u32 v10, $0x4  }
0x1a2: {  	v9 =	vand.u32 $0x7F, v9;
	v12 =	vadd.s32 v62, v10;
	v10 =	vor.u32 v0, v10  }
0x1a3: {  	v8 =	vor.u32 v9, v8;
	v9 =	vand.u32 $0xFFFFFF80, v12;
	v10 =	vand.u32 $0x7F, v10  }
0x1a4: {  	p1 =	por $0x1, $0x1;
	v9 =	vor.u32 v10, v9;
	v10 =	vadd.s32 s13, v0  }
.Ltmp5:
0x1a5: {  	s13 =	sand.u32 $0x70, s13;
	v63 =	vand.u32 $0xF, v10;
	(pc) =	sbr.rel @!p1 .LBB2_9-.Ltmp5, $4  }
0x1a6: {  	[tilespmem:v7+s30+$0x0] =	vst.idx.add.f32.msk $0xffff, v6;
	v10 =	vshll.u32 v10, $0x4;
	v7 =	vor.u32 s13, v63  }
0x1a7: {  	[tilespmem:v11+s30+$0x0] =	vst.idx.add.f32.msk $0xffff, v6;
	v10 =	vor.u32 v0, v10;
	v11 =	vshll.u32 v7, $0x4  }
0x1a8: {  	[tilespmem:v8+s30+$0x0] =	vst.idx.add.f32.msk $0xffff, v6;
	v8 =	vand.u32 $0x7F, v10;
	v10 =	vand.u32 $0x780, v11  }
0x1a9: {  	p0 =	por $0x0, $0x0;
	s13 =	simm.s32 $0x1;
	[tilespmem:v9+s30+$0x0] =	vst.idx.add.f32.msk $0xffff, v6;
	v8 =	vor.u32 v8, v10  }
0x1aa: {  	v9 =	vadd.s32 s13, v0;
	p1 =	por $0x1, $0x1  }
.Ltmp6:
0x1ab: {  	s25 =	sand.u32 $0x70, s13;
	v10 =	vand.u32 $0xF, v9;
	(pc) =	sbr.rel @!p1 .LBB2_11-.Ltmp6, $4  }
0x1ac: {  	v9 =	vshll.u32 v9, $0x4;
	v10 =	vor.u32 s25, v10  }
0x1ad: {  	v9 =	vor.u32 v0, v9;
	v11 =	vshll.u32 v10, $0x4  }
0x1ae: {  	v12 =	vand.u32 $0x7F, v9;
	v11 =	vand.u32 $0x780, v11  }
0x1af: {  	s13 =	simm.s32 $0x2;
	p0 =	por $0x1, $0x1;
	v9 =	vld.idx.msk [tilespmem:v8+s30+$0x0], $0xffff;
	v8 =	vor.u32 v12, v11  }
.LBB2_12:
0x1b0: {  	v11 =	vadd.s32 s13, v0;
	v12 =	vor.u32 v5, v7;
	v7 =	vmov v10;
	p1 =	sne.s32 s13, $0x7F  }
.Ltmp7:
0x1b1: {  	s14 =	sand.u32 $0x70, s13;
	s13 =	sadd.s32 $0x1, s13;
	v10 =	vand.u32 $0xF, v11;
	(pc) =	sbr.rel @p1 .LBB2_12-.Ltmp7, $4  }
0x1b2: {  	v11 =	vshll.u32 v11, $0x4;
	v10 =	vor.u32 s14, v10  }
0x1b3: {  	v11 =	vor.u32 v0, v11;
	v13 =	vshll.u32 v10, $0x4  }
0x1b4: {  	v11 =	vand.u32 $0x7F, v11;
	v14 =	vmov v9;
	v13 =	vand.u32 $0x780, v13;
	v9 =	vld.idx.msk [tilespmem:v8+s30+$0x0], $0xffff  }
0x1b5: {  	v8 =	vor.u32 v11, v13;
	[tilespmem:v12+s4+$0x0] =	vst.idx.add.f32.msk $0xffff, v14  }
0x1b6: {  	v11 =	vmov v7;
	v7 =	vmov v10  }
.LBB2_14:
0x1b7: {  	v10 =	vor.u32 @p0 v5, v11;
	_ =	sdelay $0x3  }
0x1b8: {  	v8 =	vld.idx.msk [tilespmem:v8+s30+$0x0], $0xffff  }
0x1b9: {  	v7 =	vor.u32 v5, v7;
	[tilespmem:v10+s4+$0x0] =	vst.idx.add.f32.msk @p0 $0xffff, v9;
	p0 =	por $0x1, $0x1  }
.Ltmp8:
0x1ba: {  	_ = 	snop;
	(pc) =	sbr.rel @!p0 .LBB2_16-.Ltmp8, $2  }
0x1bb: {  	_ =	sdelay $0x2  }
0x1bc: {  	s13 =	simm.s32 $0x40;
	s14 =	simm.s32 $0x0;
	[tilespmem:v7+s4+$0x0] =	vst.idx.add.f32.msk $0xffff, v8  }
.LBB2_15:
0x1bd: {  	p0 =	sne.s32 s13, $0x1FC0;
	[tilespmem:s14+$0x10000] =	vst v1;
	s14 =	smov.u32 s13;
	s13 =	sadd.s32 $0x40, s13  }
.Ltmp9:
0x1be: {  	(pc) =	sbr.rel @p0 .LBB2_15-.Ltmp9, $2  }
0x1bf: {  	_ =	sdelay $0x2  }
0x1c0: {  	s14 =	sshra.s32 s14, $0x2  }
.LBB2_16:
0x1c1: {  	p0 =	seq.s32 s10, $0x0  }
0x1c2: {  	[tilespmem:s14+$0x10000] =	vst v1;
	s13 =	simm.s32 @!p0 $0x6  }
0x1c3: {  	_ =	swait.ge @!p0 [sflag:s13], $0x800  }
0x1c4: {  	[sflag:s13] =	ssyncset.done @!p0 $0x0  }
0x1c5: {  	[sflag:s13] =	ssyncadd.s32 @!p0 $0xFFFFF800;
	p0 =	seq.s32 s10, $0x7  }
.Ltmp10:
0x1c6: {  	s12 =	sshll.u32 s12, $0x4;
	(pc) =	sbr.rel @p0 .LBB2_18-.Ltmp10, $4  }
0x1c7: {  	s25 =	sshll.u32 s10, $0x9;
	s24 =	sadd.s32 s1, s12  }
0x1c8: {  	[tilespmem:s31], [sflag:$0x4] =	stream.linear.gather [hbm4b:s24+s6], $0x800, $0x38;
	[tilespmem:$0x11880] =	vst v63  }
0x1c9: {  	s13 =	sadd.s32 s25, s15  }
0x1ca: {  	[hbm4b:s13+s6] =	stream.linear.scatter [tilespmem:s4], [sflag:$0x5], $0x800, $0x38;
	[tilespmem:$0x11880] =	vst v63  }
0x1cb: {  	s13 =	sadd.s32 s11, s17  }
0x1cc: {  	s13 =	sshll.u32 s13, $0x7  }
0x1cd: {  	s13 =	sand.u32 $0x1FFFF000, s13  }
0x1ce: {  	s14 =	sadd.s32 s2, s13  }
0x1cf: {  	[tilespmem:s6], [sflag:$0x1] =	stream.strided.gather [hbm4b:s14+s20], $0x400, s21, s20, $0x38;
	[tilespmem:$0x11880] =	vst v63  }
0x1d0: {  	s16 =	sadd.s32 s3, s13;
	s19 =	sor.u32 $0x10, s13  }
0x1d1: {  	[tilespmem:s22], [sflag:$0x1] =	stream.strided.gather [hbm4b:s16+s20], $0x400, s21, s20, $0x38;
	[tilespmem:$0x11880] =	vst v63  }
0x1d2: {  	s16 =	sadd.s32 s2, s19  }
0x1d3: {  	[tilespmem:s21], [sflag:$0x1] =	stream.strided.gather [hbm4b:s16+s20], $0x400, s21, s20, $0x38;
	[tilespmem:$0x11880] =	vst v63  }
0x1d4: {  	s23 =	simm.s32 $0x8400;
	s24 =	sor.u32 $0x20, s13;
	s14 =	sadd.s32 s3, s19  }
0x1d5: {  	[tilespmem:s23], [sflag:$0x1] =	stream.strided.gather [hbm4b:s14+s20], $0x400, s21, s20, $0x38;
	[tilespmem:$0x11880] =	vst v63  }
0x1d6: {  	s25 =	sadd.s32 s2, s24;
	s19 =	simm.s32 $0x800  }
0x1d7: {  	[tilespmem:s19], [sflag:$0x1] =	stream.strided.gather [hbm4b:s25+s20], $0x400, s21, s20, $0x38;
	[tilespmem:$0x11880] =	vst v63  }
0x1d8: {  	s14 =	sadd.s32 s3, s24;
	s23 =	sor.u32 $0x30, s13;
	s19 =	simm.s32 $0x8800  }
0x1d9: {  	[tilespmem:s19], [sflag:$0x1] =	stream.strided.gather [hbm4b:s14+s20], $0x400, s21, s20, $0x38;
	[tilespmem:$0x11880] =	vst v63  }
0x1da: {  	s24 =	sadd.s32 s2, s23;
	s25 =	simm.s32 $0xC00  }
0x1db: {  	[tilespmem:s25], [sflag:$0x1] =	stream.strided.gather [hbm4b:s24+s20], $0x400, s21, s20, $0x38;
	[tilespmem:$0x11880] =	vst v63  }
0x1dc: {  	s14 =	sadd.s32 s3, s23;
	s19 =	simm.s32 $0x8C00;
	s23 =	sor.u32 $0x40, s13  }
0x1dd: {  	[tilespmem:s19], [sflag:$0x1] =	stream.strided.gather [hbm4b:s14+s20], $0x400, s21, s20, $0x38;
	[tilespmem:$0x11880] =	vst v63  }
0x1de: {  	s24 =	sadd.s32 s2, s23;
	s25 =	simm.s32 $0x1000  }
0x1df: {  	[tilespmem:s25], [sflag:$0x1] =	stream.strided.gather [hbm4b:s24+s20], $0x400, s21, s20, $0x38;
	[tilespmem:$0x11880] =	vst v63  }
0x1e0: {  	s14 =	sadd.s32 s3, s23;
	s19 =	simm.s32 $0x9000;
	s23 =	sor.u32 $0x50, s13  }
0x1e1: {  	[tilespmem:s19], [sflag:$0x1] =	stream.strided.gather [hbm4b:s14+s20], $0x400, s21, s20, $0x38;
	[tilespmem:$0x11880] =	vst v63  }
0x1e2: {  	s24 =	sadd.s32 s2, s23;
	s25 =	simm.s32 $0x1400  }
0x1e3: {  	[tilespmem:s25], [sflag:$0x1] =	stream.strided.gather [hbm4b:s24+s20], $0x400, s21, s20, $0x38;
	[tilespmem:$0x11880] =	vst v63  }
0x1e4: {  	s14 =	sadd.s32 s3, s23;
	s19 =	simm.s32 $0x9400;
	s23 =	sor.u32 $0x60, s13  }
0x1e5: {  	[tilespmem:s19], [sflag:$0x1] =	stream.strided.gather [hbm4b:s14+s20], $0x400, s21, s20, $0x38;
	[tilespmem:$0x11880] =	vst v63  }
0x1e6: {  	s24 =	sadd.s32 s2, s23;
	s25 =	simm.s32 $0x1800  }
0x1e7: {  	[tilespmem:s25], [sflag:$0x1] =	stream.strided.gather [hbm4b:s24+s20], $0x400, s21, s20, $0x38;
	[tilespmem:$0x11880] =	vst v63  }
0x1e8: {  	s14 =	sadd.s32 s3, s23;
	s19 =	simm.s32 $0x9800;
	s23 =	sor.u32 $0x70, s13  }
0x1e9: {  	[tilespmem:s19], [sflag:$0x1] =	stream.strided.gather [hbm4b:s14+s20], $0x400, s21, s20, $0x38;
	[tilespmem:$0x11880] =	vst v63  }
0x1ea: {  	s24 =	sadd.s32 s2, s23;
	s25 =	simm.s32 $0x1C00  }
0x1eb: {  	[tilespmem:s25], [sflag:$0x1] =	stream.strided.gather [hbm4b:s24+s20], $0x400, s21, s20, $0x38;
	[tilespmem:$0x11880] =	vst v63  }
0x1ec: {  	s14 =	sadd.s32 s3, s23;
	s19 =	simm.s32 $0x9C00;
	s23 =	sor.u32 $0x400, s13  }
0x1ed: {  	[tilespmem:s19], [sflag:$0x1] =	stream.strided.gather [hbm4b:s14+s20], $0x400, s21, s20, $0x38;
	[tilespmem:$0x11880] =	vst v63  }
0x1ee: {  	s24 =	sadd.s32 s2, s23;
	s25 =	simm.s32 $0x2000  }
0x1ef: {  	[tilespmem:s25], [sflag:$0x1] =	stream.strided.gather [hbm4b:s24+s20], $0x400, s21, s20, $0x38;
	[tilespmem:$0x11880] =	vst v63  }
0x1f0: {  	s14 =	sadd.s32 s3, s23;
	s19 =	simm.s32 $0xA000;
	s23 =	sor.u32 $0x410, s13  }
0x1f1: {  	[tilespmem:s19], [sflag:$0x1] =	stream.strided.gather [hbm4b:s14+s20], $0x400, s21, s20, $0x38;
	[tilespmem:$0x11880] =	vst v63  }
0x1f2: {  	s24 =	sadd.s32 s2, s23;
	s25 =	simm.s32 $0x2400  }
0x1f3: {  	[tilespmem:s25], [sflag:$0x1] =	stream.strided.gather [hbm4b:s24+s20], $0x400, s21, s20, $0x38;
	[tilespmem:$0x11880] =	vst v63  }
0x1f4: {  	s14 =	sadd.s32 s3, s23;
	s19 =	simm.s32 $0xA400;
	s23 =	sor.u32 $0x420, s13  }
0x1f5: {  	[tilespmem:s19], [sflag:$0x1] =	stream.strided.gather [hbm4b:s14+s20], $0x400, s21, s20, $0x38;
	[tilespmem:$0x11880] =	vst v63  }
0x1f6: {  	s24 =	sadd.s32 s2, s23;
	s25 =	simm.s32 $0x2800  }
0x1f7: {  	[tilespmem:s25], [sflag:$0x1] =	stream.strided.gather [hbm4b:s24+s20], $0x400, s21, s20, $0x38;
	[tilespmem:$0x11880] =	vst v63  }
0x1f8: {  	s14 =	sadd.s32 s3, s23;
	s19 =	simm.s32 $0xA800;
	s23 =	sor.u32 $0x430, s13  }
0x1f9: {  	[tilespmem:s19], [sflag:$0x1] =	stream.strided.gather [hbm4b:s14+s20], $0x400, s21, s20, $0x38;
	[tilespmem:$0x11880] =	vst v63  }
0x1fa: {  	s24 =	sadd.s32 s2, s23;
	s25 =	simm.s32 $0x2C00  }
0x1fb: {  	[tilespmem:s25], [sflag:$0x1] =	stream.strided.gather [hbm4b:s24+s20], $0x400, s21, s20, $0x38;
	[tilespmem:$0x11880] =	vst v63  }
0x1fc: {  	s14 =	sadd.s32 s3, s23;
	s19 =	simm.s32 $0xAC00;
	s23 =	sor.u32 $0x440, s13  }
0x1fd: {  	[tilespmem:s19], [sflag:$0x1] =	stream.strided.gather [hbm4b:s14+s20], $0x400, s21, s20, $0x38;
	[tilespmem:$0x11880] =	vst v63  }
0x1fe: {  	s24 =	sadd.s32 s2, s23;
	s25 =	simm.s32 $0x3000  }
0x1ff: {  	[tilespmem:s25], [sflag:$0x1] =	stream.strided.gather [hbm4b:s24+s20], $0x400, s21, s20, $0x38;
	[tilespmem:$0x11880] =	vst v63  }
0x200: {  	s14 =	sadd.s32 s3, s23;
	s19 =	simm.s32 $0xB000;
	s23 =	sor.u32 $0x450, s13  }
0x201: {  	[tilespmem:s19], [sflag:$0x1] =	stream.strided.gather [hbm4b:s14+s20], $0x400, s21, s20, $0x38;
	[tilespmem:$0x11880] =	vst v63  }
0x202: {  	s24 =	sadd.s32 s2, s23;
	s25 =	simm.s32 $0x3400  }
0x203: {  	[tilespmem:s25], [sflag:$0x1] =	stream.strided.gather [hbm4b:s24+s20], $0x400, s21, s20, $0x38;
	[tilespmem:$0x11880] =	vst v63  }
0x204: {  	s14 =	sadd.s32 s3, s23;
	s19 =	simm.s32 $0xB400;
	s23 =	sor.u32 $0x460, s13  }
0x205: {  	[tilespmem:s19], [sflag:$0x1] =	stream.strided.gather [hbm4b:s14+s20], $0x400, s21, s20, $0x38;
	[tilespmem:$0x11880] =	vst v63  }
0x206: {  	s24 =	sadd.s32 s2, s23;
	s25 =	simm.s32 $0x3800  }
0x207: {  	[tilespmem:s25], [sflag:$0x1] =	stream.strided.gather [hbm4b:s24+s20], $0x400, s21, s20, $0x38;
	[tilespmem:$0x11880] =	vst v63  }
0x208: {  	s13 =	sor.u32 $0x470, s13;
	s14 =	sadd.s32 s3, s23;
	s19 =	simm.s32 $0xB800  }
0x209: {  	[tilespmem:s19], [sflag:$0x1] =	stream.strided.gather [hbm4b:s14+s20], $0x400, s21, s20, $0x38;
	[tilespmem:$0x11880] =	vst v63  }
0x20a: {  	s23 =	sadd.s32 s2, s13;
	s24 =	simm.s32 $0x3C00  }
0x20b: {  	[tilespmem:s24], [sflag:$0x1] =	stream.strided.gather [hbm4b:s23+s20], $0x400, s21, s20, $0x38;
	[tilespmem:$0x11880] =	vst v63  }
0x20c: {  	s13 =	sadd.s32 s3, s13;
	s25 =	simm.s32 $0xBC00  }
0x20d: {  	[tilespmem:s25], [sflag:$0x1] =	stream.strided.gather [hbm4b:s13+s20], $0x400, s21, s20, $0x38;
	[tilespmem:$0x11880] =	vst v63  }
.LBB2_18:
0x20e: {  	_ =	swait.ge [sflag:s0], $0x400  }
0x20f: {  	[sflag:s0] =	ssyncset.done $0x0  }
0x210: {  	[sflag:s0] =	ssyncadd.s32 $0xFFFFFC00  }
0x211: {  	_ =	swait.ge [sflag:s0], $0x400  }
0x212: {  	[sflag:s0] =	ssyncset.done $0x0  }
0x213: {  	[sflag:s0] =	ssyncadd.s32 $0xFFFFFC00  }
0x214: {  	_ =	swait.ge [sflag:s0], $0x400  }
0x215: {  	[sflag:s0] =	ssyncset.done $0x0  }
0x216: {  	[sflag:s0] =	ssyncadd.s32 $0xFFFFFC00  }
0x217: {  	_ =	swait.ge [sflag:s0], $0x400  }
0x218: {  	[sflag:s0] =	ssyncset.done $0x0  }
0x219: {  	[sflag:s0] =	ssyncadd.s32 $0xFFFFFC00  }
0x21a: {  	_ =	swait.ge [sflag:s0], $0x400  }
0x21b: {  	[sflag:s0] =	ssyncset.done $0x0  }
0x21c: {  	[sflag:s0] =	ssyncadd.s32 $0xFFFFFC00  }
0x21d: {  	_ =	swait.ge [sflag:s0], $0x400  }
0x21e: {  	[sflag:s0] =	ssyncset.done $0x0  }
0x21f: {  	[sflag:s0] =	ssyncadd.s32 $0xFFFFFC00  }
0x220: {  	_ =	swait.ge [sflag:s0], $0x400  }
0x221: {  	[sflag:s0] =	ssyncset.done $0x0  }
0x222: {  	[sflag:s0] =	ssyncadd.s32 $0xFFFFFC00  }
0x223: {  	_ =	swait.ge [sflag:s0], $0x400  }
0x224: {  	[sflag:s0] =	ssyncset.done $0x0  }
0x225: {  	[sflag:s0] =	ssyncadd.s32 $0xFFFFFC00  }
0x226: {  	_ =	swait.ge [sflag:s0], $0x400  }
0x227: {  	[sflag:s0] =	ssyncset.done $0x0  }
0x228: {  	[sflag:s0] =	ssyncadd.s32 $0xFFFFFC00  }
0x229: {  	_ =	swait.ge [sflag:s0], $0x400  }
0x22a: {  	[sflag:s0] =	ssyncset.done $0x0  }
0x22b: {  	[sflag:s0] =	ssyncadd.s32 $0xFFFFFC00  }
0x22c: {  	_ =	swait.ge [sflag:s0], $0x400  }
0x22d: {  	[sflag:s0] =	ssyncset.done $0x0  }
0x22e: {  	[sflag:s0] =	ssyncadd.s32 $0xFFFFFC00  }
0x22f: {  	_ =	swait.ge [sflag:s0], $0x400  }
0x230: {  	[sflag:s0] =	ssyncset.done $0x0  }
0x231: {  	[sflag:s0] =	ssyncadd.s32 $0xFFFFFC00  }
0x232: {  	_ =	swait.ge [sflag:s0], $0x400  }
0x233: {  	[sflag:s0] =	ssyncset.done $0x0  }
0x234: {  	[sflag:s0] =	ssyncadd.s32 $0xFFFFFC00  }
0x235: {  	_ =	swait.ge [sflag:s0], $0x400  }
0x236: {  	[sflag:s0] =	ssyncset.done $0x0  }
0x237: {  	[sflag:s0] =	ssyncadd.s32 $0xFFFFFC00  }
0x238: {  	_ =	swait.ge [sflag:s0], $0x400  }
0x239: {  	[sflag:s0] =	ssyncset.done $0x0  }
0x23a: {  	[sflag:s0] =	ssyncadd.s32 $0xFFFFFC00  }
0x23b: {  	_ =	swait.ge [sflag:s0], $0x400  }
0x23c: {  	[sflag:s0] =	ssyncset.done $0x0  }
0x23d: {  	[sflag:s0] =	ssyncadd.s32 $0xFFFFFC00  }
0x23e: {  	_ =	swait.ge [sflag:s0], $0x400  }
0x23f: {  	[sflag:s0] =	ssyncset.done $0x0  }
0x240: {  	[sflag:s0] =	ssyncadd.s32 $0xFFFFFC00  }
0x241: {  	_ =	swait.ge [sflag:s0], $0x400  }
0x242: {  	[sflag:s0] =	ssyncset.done $0x0  }
0x243: {  	[sflag:s0] =	ssyncadd.s32 $0xFFFFFC00  }
0x244: {  	_ =	swait.ge [sflag:s0], $0x400  }
0x245: {  	[sflag:s0] =	ssyncset.done $0x0  }
0x246: {  	[sflag:s0] =	ssyncadd.s32 $0xFFFFFC00  }
0x247: {  	_ =	swait.ge [sflag:s0], $0x400  }
0x248: {  	[sflag:s0] =	ssyncset.done $0x0  }
0x249: {  	[sflag:s0] =	ssyncadd.s32 $0xFFFFFC00  }
0x24a: {  	_ =	swait.ge [sflag:s0], $0x400  }
0x24b: {  	[sflag:s0] =	ssyncset.done $0x0  }
0x24c: {  	[sflag:s0] =	ssyncadd.s32 $0xFFFFFC00  }
0x24d: {  	_ =	swait.ge [sflag:s0], $0x400  }
0x24e: {  	[sflag:s0] =	ssyncset.done $0x0  }
0x24f: {  	[sflag:s0] =	ssyncadd.s32 $0xFFFFFC00  }
0x250: {  	_ =	swait.ge [sflag:s0], $0x400  }
0x251: {  	[sflag:s0] =	ssyncset.done $0x0  }
0x252: {  	[sflag:s0] =	ssyncadd.s32 $0xFFFFFC00  }
0x253: {  	_ =	swait.ge [sflag:s0], $0x400  }
0x254: {  	[sflag:s0] =	ssyncset.done $0x0  }
0x255: {  	[sflag:s0] =	ssyncadd.s32 $0xFFFFFC00  }
0x256: {  	_ =	swait.ge [sflag:s0], $0x400  }
0x257: {  	[sflag:s0] =	ssyncset.done $0x0  }
0x258: {  	[sflag:s0] =	ssyncadd.s32 $0xFFFFFC00  }
0x259: {  	_ =	swait.ge [sflag:s0], $0x400  }
0x25a: {  	[sflag:s0] =	ssyncset.done $0x0  }
0x25b: {  	[sflag:s0] =	ssyncadd.s32 $0xFFFFFC00  }
0x25c: {  	_ =	swait.ge [sflag:s0], $0x400  }
0x25d: {  	[sflag:s0] =	ssyncset.done $0x0  }
0x25e: {  	[sflag:s0] =	ssyncadd.s32 $0xFFFFFC00  }
0x25f: {  	_ =	swait.ge [sflag:s0], $0x400  }
0x260: {  	[sflag:s0] =	ssyncset.done $0x0  }
0x261: {  	[sflag:s0] =	ssyncadd.s32 $0xFFFFFC00  }
0x262: {  	_ =	swait.ge [sflag:s0], $0x400  }
0x263: {  	[sflag:s0] =	ssyncset.done $0x0  }
0x264: {  	[sflag:s0] =	ssyncadd.s32 $0xFFFFFC00  }
0x265: {  	_ =	swait.ge [sflag:s0], $0x400  }
0x266: {  	[sflag:s0] =	ssyncset.done $0x0  }
0x267: {  	[sflag:s0] =	ssyncadd.s32 $0xFFFFFC00  }
0x268: {  	_ =	swait.ge [sflag:s0], $0x400  }
0x269: {  	[sflag:s0] =	ssyncset.done $0x0  }
0x26a: {  	[sflag:s0] =	ssyncadd.s32 $0xFFFFFC00  }
0x26b: {  	s13 =	simm.s32 $0x1;
	_ =	swait.ge [sflag:s0], $0x400  }
0x26c: {  	v7 =	vadd.s32 s13, v2;
	[sflag:s0] =	ssyncset.done $0x0  }
0x26d: {  	s23 =	simm.s32 $0x2;
	[sflag:s0] =	ssyncadd.s32 $0xFFFFFC00  }
0x26e: {  	s24 =	simm.s32 $0x4;
	v8 =	vadd.s32 s23, v2;
	_ =	swait.ge [sflag:s5], $0x800  }
0x26f: {  	v9 =	vadd.s32 s24, v2;
	[sflag:s5] =	ssyncset.done $0x0  }
0x270: {  	[sflag:s5] =	ssyncadd.s32 $0xFFFFF800  }
0x271: {  	s25 =	simm.s32 $0x5;
	v10 =	vld.idx.msk [tilespmem:v7+s7+$0x0], $0xffff  }
0x272: {  	s14 =	simm.s32 $0x3;
	v11 =	vadd.s32 s25, v2;
	v7 =	vld.idx.msk [tilespmem:v7+s8+$0x0], $0xffff  }
0x273: {  	v12 =	vadd.s32 s14, v2;
	v13 =	vld.idx.msk [tilespmem:v8+s7+$0x0], $0xffff  }
0x274: {  	v15 =	vld.idx.msk [tilespmem:v9+s8+$0x0], $0xffff  }
0x275: {  	v9 =	vld.idx.msk [tilespmem:v9+s7+$0x0], $0xffff  }
0x276: {  	s16 =	simm.s32 $0x7;
	v8 =	vld.idx.msk [tilespmem:v8+s8+$0x0], $0xffff  }
0x277: {  	v14 =	vadd.s32 s16, v2;
	v17 =	vld.idx.msk [tilespmem:v11+s7+$0x0], $0xffff  }
0x278: {  	s19 =	simm.s32 $0x0;
	v19 =	vld.idx.msk [tilespmem:v12+s8+$0x0], $0xffff  }
0x279: {  	s23 =	simm.s32 $0x6;
	v16 =	vadd.s32 s19, v2;
	s19 =	simm.s32 $0x8  }
0x27a: {  	v18 =	vadd.s32 s23, v2;
	s23 =	simm.s32 $0xD;
	v24 =	vadd.s32 s19, v2  }
0x27b: {  	v23 =	vadd.s32 s23, v2;
	v10 =	vshll.u32 v10, $0x8;
	v7 =	vshll.u32 v7, $0x4  }
0x27c: {  	v20 =	vld.idx.msk [tilespmem:v14+s8+$0x0], $0xffff;
	v13 =	vshll.u32 v13, $0x8;
	v15 =	vshll.u32 v15, $0x4;
	v9 =	vshll.u32 v9, $0x8  }
0x27d: {  	v12 =	vld.idx.msk [tilespmem:v12+s7+$0x0], $0xffff;
	v8 =	vshll.u32 v8, $0x4;
	v19 =	vshll.u32 v19, $0x4;
	v17 =	vshll.u32 v17, $0x8  }
0x27e: {  	v11 =	vld.idx.msk [tilespmem:v11+s8+$0x0], $0xffff;
	v10 =	vadd.s32 v10, v7;
	v7 =	vor.u32 v0, v7;
	v21 =	vor.u32 v0, v15  }
0x27f: {  	v14 =	vld.idx.msk [tilespmem:v14+s7+$0x0], $0xffff;
	v9 =	vadd.s32 v9, v15;
	v10 =	vand.u32 $0xFFFFFF80, v10;
	v7 =	vand.u32 $0x7F, v7  }
0x280: {  	v29 =	vld.idx.msk [tilespmem:v23+s7+$0x0], $0xffff;
	v15 =	vand.u32 $0x7F, v21;
	v9 =	vand.u32 $0xFFFFFF80, v9;
	v7 =	vor.u32 v7, v10  }
0x281: {  	s24 =	simm.s32 $0x9;
	v13 =	vadd.s32 v13, v8;
	v8 =	vor.u32 v0, v8;
	v9 =	vor.u32 v15, v9;
	v15 =	vld.idx.msk [tilespmem:v18+s7+$0x0], $0xffff  }
0x282: {  	v13 =	vand.u32 $0xFFFFFF80, v13;
	v21 =	vadd.s32 s24, v2;
	v8 =	vand.u32 $0x7F, v8;
	v18 =	vld.idx.msk [tilespmem:v18+s8+$0x0], $0xffff  }
0x283: {  	s25 =	simm.s32 $0xA;
	v12 =	vshll.u32 v12, $0x8;
	v11 =	vshll.u32 v11, $0x4;
	v8 =	vor.u32 v8, v13;
	v13 =	vld.idx.msk [tilespmem:v16+s8+$0x0], $0xffff  }
0x284: {  	s16 =	simm.s32 $0xF;
	v22 =	vor.u32 v0, v19;
	v10 =	vld.idx.msk [tilespmem:v16+s7+$0x0], $0xffff;
	v16 =	vshll.u32 v20, $0x4;
	v20 =	vadd.s32 s25, v2  }
0x285: {  	v19 =	vadd.s32 v12, v19;
	v12 =	vshll.u32 v14, $0x8;
	v14 =	vadd.s32 s16, v2;
	s24 =	simm.s32 $0xB;
	[tilespmem:v7+s30+$0x0] =	vst.idx.add.f32.msk $0xffff, v6  }
0x286: {  	v22 =	vand.u32 $0x7F, v22;
	v25 =	vadd.s32 s24, v2;
	s25 =	simm.s32 $0xE;
	v12 =	vadd.s32 v12, v16;
	[tilespmem:v9+s30+$0x0] =	vst.idx.add.f32.msk $0xffff, v6  }
0x287: {  	s14 =	simm.s32 $0xC;
	v26 =	vadd.s32 s25, v2;
	v12 =	vand.u32 $0xFFFFFF80, v12;
	v9 =	vshll.u32 v15, $0x8;
	v15 =	vld.idx.msk [tilespmem:v21+s7+$0x0], $0xffff  }
0x288: {  	v7 =	vadd.s32 s14, v2;
	v18 =	vshll.u32 v18, $0x4;
	[tilespmem:v8+s30+$0x0] =	vst.idx.add.f32.msk $0xffff, v6;
	v13 =	vshll.u32 v13, $0x4  }
0x289: {  	v10 =	vshll.u32 v10, $0x8;
	v8 =	vor.u32 v0, v16;
	v16 =	vld.idx.msk [tilespmem:v20+s7+$0x0], $0xffff;
	v27 =	vor.u32 v0, v13  }
0x28a: {  	v21 =	vld.idx.msk [tilespmem:v21+s8+$0x0], $0xffff;
	v8 =	vand.u32 $0x7F, v8;
	v10 =	vadd.s32 v10, v13;
	v28 =	vor.u32 v0, v18  }
0x28b: {  	v20 =	vld.idx.msk [tilespmem:v20+s8+$0x0], $0xffff;
	v9 =	vadd.s32 v9, v18;
	v13 =	vand.u32 $0x7F, v27;
	v10 =	vand.u32 $0xFFFFFF80, v10  }
0x28c: {  	v63 =	vld.idx.msk [tilespmem:v14+s7+$0x0], $0xffff;
	v8 =	vor.u32 v8, v12;
	v12 =	vadd.s32 v17, v11;
	v11 =	vor.u32 v0, v11  }
0x28d: {  	v18 =	vld.idx.msk [tilespmem:v25+s8+$0x0], $0xffff;
	v28 =	vand.u32 $0x7F, v28;
	v12 =	vand.u32 $0xFFFFFF80, v12;
	v11 =	vand.u32 $0x7F, v11  }
0x28e: {  	v25 =	vld.idx.msk [tilespmem:v25+s7+$0x0], $0xffff;
	v9 =	vand.u32 $0xFFFFFF80, v9;
	v10 =	vor.u32 v13, v10;
	v12 =	vor.u32 v11, v12  }
0x28f: {  	v27 =	vld.idx.msk [tilespmem:v7+s8+$0x0], $0xffff;
	v17 =	vshll.u32 v16, $0x8;
	v11 =	vshll.u32 v15, $0x8;
	v15 =	vshll.u32 v21, $0x4  }
0x290: {  	v30 =	vld.idx.msk [tilespmem:v7+s7+$0x0], $0xffff;
	v7 =	vor.u32 v28, v9;
	v9 =	vand.u32 $0xFFFFFF80, v19;
	v19 =	vshll.u32 v20, $0x4  }
0x291: {  	v31 =	vld.idx.msk [tilespmem:v14+s8+$0x0], $0xffff;
	v11 =	vadd.s32 v11, v15;
	v13 =	vor.u32 v22, v9;
	v9 =	vor.u32 v0, v15  }
0x292: {  	v16 =	vld.idx.msk [tilespmem:v24+s7+$0x0], $0xffff;
	v21 =	vadd.s32 v17, v19;
	v11 =	vand.u32 $0xFFFFFF80, v11;
	v9 =	vand.u32 $0x7F, v9  }
0x293: {  	v15 =	vld.idx.msk [tilespmem:v23+s8+$0x0], $0xffff;
	v23 =	vshll.u32 v63, $0x8;
	v14 =	vor.u32 v9, v11;
	v11 =	vshll.u32 v18, $0x4  }
0x294: {  	[tilespmem:v8+s30+$0x0] =	vst.idx.add.f32.msk $0xffff, v6;
	v8 =	vshll.u32 v25, $0x8;
	v9 =	vshll.u32 v29, $0x8;
	v22 =	vor.u32 v0, v11  }
0x295: {  	v17 =	vld.idx.msk [tilespmem:v24+s8+$0x0], $0xffff;
	v11 =	vadd.s32 v8, v11;
	v27 =	vshll.u32 v27, $0x4;
	v18 =	vshll.u32 v30, $0x8  }
0x296: {  	v8 =	vand.u32 $0x7F, v22;
	v22 =	vld.idx.msk [tilespmem:v26+s8+$0x0], $0xffff;
	v20 =	vor.u32 v0, v27;
	v18 =	vadd.s32 v18, v27  }
0x297: {  	s13 =	simm.s32 $0x10;
	v24 =	vand.u32 $0x7F, v20;
	v25 =	vand.u32 $0xFFFFFF80, v18;
	v20 =	vld.idx.msk [tilespmem:v26+s7+$0x0], $0xffff;
	v18 =	vshll.u32 v31, $0x4  }
.LBB2_19:
0x298: {  	s14 =	sadd.s32 $0x1, s13  }
0x299: {  	s16 =	sadd.s32 $0x2, s13;
	s19 =	sadd.s32 $0x3, s13;
	v19 =	vor.u32 v0, v19;
	v21 =	vand.u32 $0xFFFFFF80, v21;
	v24 =	vor.u32 v24, v25;
	[tilespmem:v10+s30+$0x0] =	vst.idx.add.f32.msk $0xffff, v6;
	s23 =	smov.u32 s13  }
0x29a: {  	s24 =	sadd.s32 $0x6, s13;
	v10 =	vadd.s32 s14, v2;
	v25 =	vadd.s32 s16, v2;
	s14 =	sadd.s32 $0x4, s13;
	s16 =	sadd.s32 $0x5, s13;
	v19 =	vand.u32 $0x7F, v19;
	[tilespmem:v12+s30+$0x0] =	vst.idx.add.f32.msk $0xffff, v6  }
0x29b: {  	p1 =	slt.u32 s13, $0x3E8;
	s13 =	sadd.s32 $0x8, s13;
	v12 =	vadd.s32 s14, v2;
	v26 =	vadd.s32 s16, v2;
	s14 =	sadd.s32 $0x7, s23;
	v19 =	vor.u32 v19, v21;
	[tilespmem:v13+s30+$0x0] =	vst.idx.add.f32.msk $0xffff, v6  }
0x29c: {  	v21 =	vadd.s32 s14, v2;
	[tilespmem:v7+s30+$0x0] =	vst.idx.add.f32.msk $0xffff, v6  }
0x29d: {  	v13 =	vadd.s32 v23, v18;
	v7 =	vshll.u32 v20, $0x8;
	[tilespmem:v14+s30+$0x0] =	vst.idx.add.f32.msk $0xffff, v6  }
0x29e: {  	v20 =	vadd.s32 s23, v2;
	v14 =	vadd.s32 s19, v2;
	v22 =	vshll.u32 v22, $0x4;
	[tilespmem:v24+s30+$0x0] =	vst.idx.add.f32.msk $0xffff, v6  }
0x29f: {  	v16 =	vshll.u32 v16, $0x8;
	v18 =	vor.u32 v0, v18;
	v13 =	vand.u32 $0xFFFFFF80, v13;
	v23 =	vld.idx.msk [tilespmem:v10+s7+$0x0], $0xffff  }
0x2a0: {  	v27 =	vadd.s32 s24, v2;
	v17 =	vshll.u32 v17, $0x4;
	[tilespmem:v19+s30+$0x0] =	vst.idx.add.f32.msk $0xffff, v6  }
0x2a1: {  	v15 =	vshll.u32 v15, $0x4;
	v18 =	vand.u32 $0x7F, v18;
	v24 =	vor.u32 v0, v17;
	v19 =	vld.idx.msk [tilespmem:v25+s7+$0x0], $0xffff  }
0x2a2: {  	v28 =	vld.idx.msk [tilespmem:v10+s8+$0x0], $0xffff;
	v10 =	vadd.s32 v16, v17;
	v16 =	vand.u32 $0x7F, v24;
	v17 =	vor.u32 v0, v22  }
0x2a3: {  	v18 =	vor.u32 v18, v13;
	v24 =	vld.idx.msk [tilespmem:v12+s8+$0x0], $0xffff;
	v10 =	vand.u32 $0xFFFFFF80, v10;
	v17 =	vand.u32 $0x7F, v17  }
0x2a4: {  	v29 =	vld.idx.msk [tilespmem:v26+s7+$0x0], $0xffff;
	v10 =	vor.u32 v16, v10  }
0x2a5: {  	v9 =	vadd.s32 v9, v15;
	v13 =	vor.u32 v0, v15;
	v7 =	vadd.s32 v7, v22;
	v25 =	vld.idx.msk [tilespmem:v25+s8+$0x0], $0xffff  }
0x2a6: {  	v9 =	vand.u32 $0xFFFFFF80, v9;
	v13 =	vand.u32 $0x7F, v13;
	v7 =	vand.u32 $0xFFFFFF80, v7;
	v22 =	vld.idx.msk [tilespmem:v14+s8+$0x0], $0xffff  }
0x2a7: {  	v7 =	vor.u32 v17, v7;
	v15 =	vshll.u32 v19, $0x8;
	v30 =	vld.idx.msk [tilespmem:v12+s7+$0x0], $0xffff;
	v12 =	vor.u32 v13, v9  }
0x2a8: {  	v11 =	vand.u32 $0xFFFFFF80, v11;
	v9 =	vshll.u32 v23, $0x8;
	v16 =	vshll.u32 v28, $0x4;
	v23 =	vld.idx.msk [tilespmem:v21+s8+$0x0], $0xffff  }
0x2a9: {  	v13 =	vor.u32 v8, v11;
	v9 =	vadd.s32 v9, v16;
	v31 =	vshll.u32 v24, $0x4;
	v28 =	vld.idx.msk [tilespmem:v14+s7+$0x0], $0xffff  }
0x2aa: {  	v8 =	vor.u32 v0, v16;
	v9 =	vand.u32 $0xFFFFFF80, v9;
	v11 =	vor.u32 v0, v31;
	v32 =	vld.idx.msk [tilespmem:v21+s7+$0x0], $0xffff  }
0x2ab: {  	v8 =	vand.u32 $0x7F, v8;
	v19 =	vshll.u32 v25, $0x4;
	v16 =	vld.idx.msk [tilespmem:v20+s7+$0x0], $0xffff  }
.Ltmp11:
0x2ac: {  	v14 =	vor.u32 v8, v9;
	v9 =	vshll.u32 v29, $0x8;
	v21 =	vadd.s32 v15, v19;
	v15 =	vld.idx.msk [tilespmem:v26+s8+$0x0], $0xffff;
	(pc) =	sbr.rel @p1 .LBB2_19-.Ltmp11, $4  }
0x2ad: {  	v24 =	vand.u32 $0x7F, v11;
	v8 =	vshll.u32 v22, $0x4;
	v17 =	vld.idx.msk [tilespmem:v20+s8+$0x0], $0xffff;
	v20 =	vshll.u32 v30, $0x8  }
0x2ae: {  	v22 =	vor.u32 v0, v8;
	v11 =	vadd.s32 v20, v31;
	[tilespmem:v18+s30+$0x0] =	vst.idx.add.f32.msk $0xffff, v6  }
0x2af: {  	v26 =	vshll.u32 v28, $0x8;
	v18 =	vshll.u32 v23, $0x4;
	v25 =	vand.u32 $0xFFFFFF80, v11;
	v20 =	vld.idx.msk [tilespmem:v27+s7+$0x0], $0xffff  }
0x2b0: {  	s14 =	simm.s32 $0x3F0;
	v11 =	vadd.s32 v26, v8;
	v8 =	vand.u32 $0x7F, v22;
	v23 =	vshll.u32 v32, $0x8;
	v22 =	vld.idx.msk [tilespmem:v27+s8+$0x0], $0xffff  }
0x2b1: {  	_ =	sdelay $0x1  }
0x2b2: {  	v19 =	vor.u32 v0, v19  }
0x2b3: {  	v21 =	vand.u32 $0xFFFFFF80, v21;
	v24 =	vor.u32 v24, v25;
	v59 =	vadd.s32 v23, v18  }
0x2b4: {  	v16 =	vshll.u32 v16, $0x8;
	v60 =	vor.u32 v0, v18;
	[tilespmem:v10+s30+$0x0] =	vst.idx.add.f32.msk $0xffff, v6;
	v10 =	vshll.u32 v15, $0x4  }
0x2b5: {  	v19 =	vand.u32 $0x7F, v19;
	v17 =	vshll.u32 v17, $0x4;
	v15 =	vand.u32 $0x7F, v60  }
0x2b6: {  	v9 =	vadd.s32 v9, v10;
	v10 =	vor.u32 v0, v10;
	v19 =	vor.u32 v19, v21  }
0x2b7: {  	v21 =	vand.u32 $0xFFFFFF80, v59;
	v61 =	vor.u32 v0, v17;
	v16 =	vadd.s32 v16, v17  }
0x2b8: {  	[tilespmem:v7+s30+$0x0] =	vst.idx.add.f32.msk $0xffff, v6;
	v7 =	vand.u32 $0xFFFFFF80, v9;
	v9 =	vand.u32 $0x7F, v10;
	v10 =	vmov s14  }
0x2b9: {  	[tilespmem:v12+s30+$0x0] =	vst.idx.add.f32.msk $0xffff, v6;
	v20 =	vshll.u32 v20, $0x8;
	v12 =	vand.u32 $0x7F, v61;
	v16 =	vand.u32 $0xFFFFFF80, v16  }
0x2ba: {  	[tilespmem:v13+s30+$0x0] =	vst.idx.add.f32.msk $0xffff, v6;
	v15 =	vor.u32 v15, v21;
	v7 =	vor.u32 v9, v7;
	v9 =	vand.u32 $0xFFFFFF80, v11  }
0x2bb: {  	[tilespmem:v14+s30+$0x0] =	vst.idx.add.f32.msk $0xffff, v6;
	vm0 =	vlt.u32 v10, v3;
	v22 =	vshll.u32 v22, $0x4;
	v12 =	vor.u32 v12, v16  }
0x2bc: {  	v8 =	vor.u32 v8, v9;
	v62 =	vor.u32 v0, v22;
	v63 =	vadd.s32 v20, v22  }
0x2bd: {  	v9 =	vsel vm0, $0x0, v4;
	[tilespmem:v24+s30+$0x0] =	vst.idx.add.f32.msk $0xffff, v6;
	v13 =	vand.u32 $0x7F, v62;
	v10 =	vand.u32 $0xFFFFFF80, v63  }
0x2be: {  	v9 =	vadd.s32 s14, v9;
	[tilespmem:v19+s30+$0x0] =	vst.idx.add.f32.msk $0xffff, v6;
	v10 =	vor.u32 v13, v10  }
0x2bf: {  	s13 =	simm.s32 $0x3F1;
	v9 =	vadd.s32 v2, v9;
	[tilespmem:v15+s30+$0x0] =	vst.idx.add.f32.msk $0xffff, v6  }
0x2c0: {  	v11 =	vmov s13;
	[tilespmem:v7+s30+$0x0] =	vst.idx.add.f32.msk $0xffff, v6  }
0x2c1: {  	vm13 =	vlt.u32 v11, v3;
	[tilespmem:v12+s30+$0x0] =	vst.idx.add.f32.msk $0xffff, v6  }
0x2c2: {  	v7 =	vsel vm13, $0x0, v4;
	[tilespmem:v8+s30+$0x0] =	vst.idx.add.f32.msk $0xffff, v6  }
0x2c3: {  	v7 =	vadd.s32 s13, v7;
	[tilespmem:v10+s30+$0x0] =	vst.idx.add.f32.msk $0xffff, v6  }
0x2c4: {  	v7 =	vadd.s32 v2, v7;
	v8 =	vld.idx.msk [tilespmem:v9+s7+$0x0], $0xffff  }
0x2c5: {  	s24 =	simm.s32 $0x3F2;
	v9 =	vld.idx.msk [tilespmem:v9+s8+$0x0], $0xffff  }
0x2c6: {  	v10 =	vmov s24  }
0x2c7: {  	vm14 =	vlt.u32 v10, v3  }
0x2c8: {  	v10 =	vsel vm14, $0x0, v4  }
0x2c9: {  	v10 =	vadd.s32 s24, v10;
	v11 =	vld.idx.msk [tilespmem:v7+s7+$0x0], $0xffff  }
0x2ca: {  	v12 =	vadd.s32 v2, v10;
	v10 =	vld.idx.msk [tilespmem:v7+s8+$0x0], $0xffff;
	v7 =	vshll.u32 v8, $0x8;
	v8 =	vshll.u32 v9, $0x4  }
0x2cb: {  	s25 =	simm.s32 $0x3F3;
	v7 =	vadd.s32 v7, v8;
	v8 =	vor.u32 v0, v8  }
0x2cc: {  	v9 =	vmov s25;
	v7 =	vand.u32 $0xFFFFFF80, v7;
	v8 =	vand.u32 $0x7F, v8  }
0x2cd: {  	vm15 =	vlt.u32 v9, v3;
	v7 =	vor.u32 v8, v7  }
0x2ce: {  	v8 =	vsel vm15, $0x0, v4  }
0x2cf: {  	v9 =	vadd.s32 s25, v8  }
0x2d0: {  	v11 =	vshll.u32 v11, $0x8;
	v13 =	vshll.u32 v10, $0x4;
	v8 =	vld.idx.msk [tilespmem:v12+s7+$0x0], $0xffff;
	v10 =	vadd.s32 v2, v9  }
0x2d1: {  	s13 =	simm.s32 $0x3F4;
	v9 =	vld.idx.msk [tilespmem:v12+s8+$0x0], $0xffff;
	v12 =	vadd.s32 v11, v13;
	v11 =	vor.u32 v0, v13  }
.LBB2_21:
0x2d2: {  	v13 =	vmov s13;
	v12 =	vand.u32 $0xFFFFFF80, v12;
	v11 =	vand.u32 $0x7F, v11;
	[tilespmem:v7+s30+$0x0] =	vst.idx.add.f32.msk $0xffff, v6;
	s14 =	smov.u32 s13;
	p1 =	sne.s32 s13, $0x3FF  }
.Ltmp12:
0x2d3: {  	s13 =	sadd.s32 $0x1, s13;
	vm0 =	vlt.u32 v13, v3;
	v7 =	vor.u32 v11, v12;
	(pc) =	sbr.rel @p1 .LBB2_21-.Ltmp12, $4  }
0x2d4: {  	v11 =	vsel vm0, $0x0, v4  }
0x2d5: {  	v11 =	vadd.s32 s14, v11;
	v12 =	vmov v8;
	v8 =	vld.idx.msk [tilespmem:v10+s7+$0x0], $0xffff  }
0x2d6: {  	v13 =	vshll.u32 v9, $0x4;
	v12 =	vshll.u32 v12, $0x8;
	v9 =	vld.idx.msk [tilespmem:v10+s8+$0x0], $0xffff;
	v10 =	vadd.s32 v2, v11  }
0x2d7: {  	v11 =	vor.u32 v0, v13;
	v12 =	vadd.s32 v12, v13  }
0x2d8: {  	_ =	sdelay $0x3  }
0x2d9: {  	v13 =	vld.idx.msk [tilespmem:v10+s7+$0x0], $0xffff  }
0x2da: {  	v10 =	vld.idx.msk [tilespmem:v10+s8+$0x0], $0xffff  }
0x2db: {  	v12 =	vand.u32 $0xFFFFFF80, v12  }
0x2dc: {  	v11 =	vand.u32 $0x7F, v11;
	v8 =	vshll.u32 v8, $0x8;
	v9 =	vshll.u32 v9, $0x4  }
0x2dd: {  	s13 =	simm.s32 $0x0;
	v11 =	vor.u32 v11, v12;
	v8 =	vadd.s32 v8, v9;
	v9 =	vor.u32 v0, v9  }
0x2de: {  	v61 =	vadd.s32 s13, v0;
	v8 =	vand.u32 $0xFFFFFF80, v8;
	v9 =	vand.u32 $0x7F, v9  }
0x2df: {  	v10 =	vshll.u32 v10, $0x4;
	v9 =	vor.u32 v9, v8;
	v8 =	vshll.u32 v13, $0x8  }
0x2e0: {  	s13 =	sand.u32 $0x70, s13;
	v62 =	vand.u32 $0xF, v61;
	v12 =	vshll.u32 v61, $0x4;
	v8 =	vadd.s32 v8, v10  }
0x2e1: {  	v10 =	vor.u32 v0, v10;
	v14 =	vand.u32 $0xFFFFFF80, v8;
	v8 =	vor.u32 s13, v62  }
0x2e2: {  	v12 =	vor.u32 v0, v12;
	v10 =	vand.u32 $0x7F, v10;
	v13 =	vshll.u32 v8, $0x4  }
0x2e3: {  	s25 =	simm.s32 $0x1;
	v12 =	vand.u32 $0x7F, v12;
	v10 =	vor.u32 v10, v14;
	v13 =	vand.u32 $0x780, v13  }
0x2e4: {  	v63 =	vadd.s32 s25, v0;
	v12 =	vor.u32 v12, v13  }
0x2e5: {  	[tilespmem:v7+s30+$0x0] =	vst.idx.add.f32.msk $0xffff, v6;
	v7 =	vand.u32 $0xF, v63;
	s13 =	sand.u32 $0x70, s25  }
0x2e6: {  	[tilespmem:v11+s30+$0x0] =	vst.idx.add.f32.msk $0xffff, v6;
	v11 =	vshll.u32 v63, $0x4;
	v7 =	vor.u32 s13, v7  }
0x2e7: {  	[tilespmem:v9+s30+$0x0] =	vst.idx.add.f32.msk $0xffff, v6;
	v9 =	vor.u32 v0, v11;
	v11 =	vshll.u32 v7, $0x4  }
0x2e8: {  	v11 =	vand.u32 $0x780, v11;
	[tilespmem:v10+s30+$0x0] =	vst.idx.add.f32.msk $0xffff, v6;
	v10 =	vand.u32 $0x7F, v9  }
0x2e9: {  	s13 =	simm.s32 $0x2;
	v10 =	vor.u32 v10, v11;
	v9 =	vld.idx.msk [tilespmem:v12+s30+$0x0], $0xffff  }
.LBB2_23:
0x2ea: {  	v11 =	vadd.s32 s13, v0;
	v12 =	vor.u32 v5, v8;
	v8 =	vmov v7;
	p1 =	sne.s32 s13, $0x7F  }
.Ltmp13:
0x2eb: {  	s14 =	sand.u32 $0x70, s13;
	s13 =	sadd.s32 $0x1, s13;
	v7 =	vand.u32 $0xF, v11;
	(pc) =	sbr.rel @p1 .LBB2_23-.Ltmp13, $4  }
0x2ec: {  	v11 =	vshll.u32 v11, $0x4;
	v7 =	vor.u32 s14, v7  }
0x2ed: {  	v11 =	vor.u32 v0, v11;
	v13 =	vshll.u32 v7, $0x4  }
0x2ee: {  	v11 =	vand.u32 $0x7F, v11;
	v14 =	vmov v9;
	v13 =	vand.u32 $0x780, v13;
	v9 =	vld.idx.msk [tilespmem:v10+s30+$0x0], $0xffff  }
0x2ef: {  	v10 =	vor.u32 v11, v13;
	[tilespmem:v12+s31+$0x0] =	vst.idx.add.f32.msk $0xffff, v14  }
0x2f0: {  	_ =	sdelay $0x2  }
0x2f1: {  	v8 =	vor.u32 v5, v8  }
0x2f2: {  	v10 =	vld.idx.msk [tilespmem:v10+s30+$0x0], $0xffff;
	v7 =	vor.u32 v5, v7;
	_ =	sdelay $0x3  }
0x2f3: {  	[tilespmem:v8+s31+$0x0] =	vst.idx.add.f32.msk $0xffff, v9  }
0x2f4: {  	s13 =	simm.s32 $0x40;
	s14 =	simm.s32 $0x0;
	[tilespmem:v7+s31+$0x0] =	vst.idx.add.f32.msk $0xffff, v10  }
.LBB2_25:
0x2f5: {  	p1 =	sne.s32 s13, $0x1FC0;
	[tilespmem:s14+$0x10000] =	vst v1;
	s14 =	smov.u32 s13;
	s13 =	sadd.s32 $0x40, s13  }
.Ltmp14:
0x2f6: {  	(pc) =	sbr.rel @p1 .LBB2_25-.Ltmp14, $2  }
0x2f7: {  	_ =	sdelay $0x2  }
0x2f8: {  	s14 =	sshra.s32 s14, $0x2  }
0x2f9: {  	[tilespmem:s14+$0x10000] =	vst v1;
	s13 =	simm.s32 @!p0 $0x5  }
0x2fa: {  	s11 =	sadd.s32 @!p0 s11, s17;
	s14 =	simm.s32 @!p0 $0x10800;
	_ =	swait.ge @!p0 [sflag:s13], $0x800  }
0x2fb: {  	s10 =	sadd.s32 $0x1, s10;
	s11 =	sshll.u32 @!p0 s11, $0x4;
	[sflag:s13] =	ssyncset.done @!p0 $0x0  }
0x2fc: {  	s11 =	sadd.s32 @!p0 s1, s11;
	[sflag:s13] =	ssyncadd.s32 @!p0 $0xFFFFF800;
	s13 =	simm.s32 @!p0 $0x0  }
0x2fd: {  	[tilespmem:s14], [sflag:$0x3] =	stream.linear.gather @!p0 [hbm4b:s11+s13], $0x800, $0x38;
	[tilespmem:$0x11880] =	vst v63  }
0x2fe: {  	p0 =	sne.s32 s10, $0x8  }
.Ltmp15:
0x2ff: {  	_ = 	snop;
	(pc) =	sbr.rel @p0 .LBB2_4-.Ltmp15, $4  }
.Ltmp16:
0x300: {  	_ = 	snop;
	(pc) =	sbr.rel @!p0 .LBB2_27-.Ltmp16, $4  }
0x301: {  	s25 =	rddreg [dreg:$0x4]  }
0x302: {  	s11 =	sadd.s32 s25, s12  }
0x303: {  	[hbm4b:s11+s6] =	stream.linear.scatter [tilespmem:s31], [sflag:$0x6], $0x800, $0x38;
	[tilespmem:$0x11880] =	vst v63  }
0x304: {  	_ = 	snop  }
.LBB2_9:
.Ltmp17:
0x305: {  	(pc) =	sbr.rel .LBB2_14-.Ltmp17, $2  }
0x306: {  	_ =	sdelay $0x2  }
0x307: {  	_ = 	snop  }
.LBB2_11:
.Ltmp18:
0x308: {  	(pc) =	sbr.rel .LBB2_14-.Ltmp18, $2  }
0x309: {  	_ =	sdelay $0x2  }
0x30a: {  	v11 =	vmov v7;
	v7 =	vmov v10  }
.LBB2_28:
0x30b: {  	_ =	sfence.sel $0x180000  }
0x30c: {  	[bflag:$0x0] =	sbarrier.arrive $0xFFFF  }
0x30d: {  	_ =	strace $0x90000047  }
0x30e: {  	s0 =	stileid.u32;
	[bflag:$0x2] =	sbarrier.arrive $0xFFFF  }
0x30f: {  	p0 =	sne.s32 s0, $0x0;
	s0 =	rddreg [dreg:$0x5]  }
0x310: {  	s0 =	sadd.s32 @!p0 $0x100000, s0  }
0x311: {  	[sflag:s0] =	ssyncadd.tile.s32 @!p0 $0x1;
	_ =	shalt  }
.Lfunc_end2:
_tile_overlayer_lowered:
.L_overlay_start_2:
0x312: {  	(tag) =	ssettag $0x2  }
0x313: {  	s0 =	rddreg [dreg:$0x0];
	s2 =	stileid.u32  }
0x314: {  	s1 =	rddreg [dreg:$0x1];
	p0 =	sne.s32 s2, $0x0  }
0x315: {  	s3 =	rddreg [dreg:$0x2];
	[bflag:$0x3] =	sbarrier.arrive $0xFFFF;
	s2 =	simm.s32 @!p0 $0x1C07  }
0x316: {  	[timem:s3], [sflag:s2] =	dma.local @!p0 [hbm:s0], s1  }
0x317: {  	s0 =	simm.s32 @!p0 $0x7  }
0x318: {  	_ =	swait.ge @!p0 [sflag:s0], s1  }
0x319: {  	s1 =	ssub.s32 @!p0 $0x0, s1;
	[sflag:s0] =	ssyncset.done @!p0 $0x0  }
0x31a: {  	[sflag:s0] =	ssyncadd.s32 @!p0 s1  }
0x31b: {  	[bflag:$0x3] =	sbarrier.arrive $0xFFFF  }
0x31c: {  	_ =	shalt  }

</sc_bundles>
